<compile_context>
chip_gen: v7x
topology: tpu7x:2x2x1
jax: 0.10.2.dev20260603
libtpu: 0.0.44.dev20260713+nightly
codegen_flags: <defaults>
</compile_context>

<pallas_src>
import jax
import jax.numpy as jnp
from jax import lax
from jax.experimental import pallas as pl
from jax.experimental.pallas import tpu as pltpu
from jax.experimental.pallas import tpu_sc as plsc

N = 10000
C = 256
H = 8
D = 32
KV = 27
P = 160000

NCORE = 2
NSUB = 16
LANES = 16
HC = C // NCORE
HPC = H // NCORE
PPT = P // NSUB
PPTP = 10240
CB = 32
NCHUNK = PPTP // CB
SB = 16
NSB = NCHUNK // SB
NGRP = CB // LANES
NP = 10112
RPT = NP // NSUB
RBLK = 1000
NRB = N // RBLK
EPS = 1e-12



def _proj_body(x_ref, wq_ref, bq_ref, wk_ref, bk_ref, wv_ref, bv_ref,
               pos_ref, m_ref, nq_ref, kv_ref, npos_ref):
    i = pl.program_id(1)
    xb = x_ref[...]
    m = m_ref[...]

    def norm(a):
        s = jnp.dot(a * a, m, preferred_element_type=jnp.float32)
        return a / jnp.maximum(jnp.sqrt(s), EPS)

    bq = bq_ref[...].reshape(1, HC)
    bk = bk_ref[...].reshape(1, HC)
    bv = bv_ref[...].reshape(1, HC)
    q = jnp.dot(xb, wq_ref[...], preferred_element_type=jnp.float32) + bq
    k = jnp.dot(xb, wk_ref[...], preferred_element_type=jnp.float32) + bk
    v = jnp.dot(xb, wv_ref[...], preferred_element_type=jnp.float32) + bv
    nq_ref[...] = norm(q).reshape(1, RBLK, HC)
    kv_ref[0, :, :HC] = norm(k)
    kv_ref[0, :, HC:] = v

    @pl.when(i == 0)
    def _():
        p = pos_ref[...]
        npos_ref[...] = norm(p).reshape(1, KV, HC)


def _proj(x, wq, bq2, wk, bk2, wv, bv2, pos, m):
    f32 = jnp.float32
    return pl.pallas_call(
        _proj_body,
        grid=(NCORE, NRB),
        in_specs=[
            pl.BlockSpec((RBLK, C), lambda hh, i: (i, 0)),
            pl.BlockSpec((C, HC), lambda hh, i: (0, hh)),
            pl.BlockSpec((1, 1, HC), lambda hh, i: (hh, 0, 0)),
            pl.BlockSpec((C, HC), lambda hh, i: (0, hh)),
            pl.BlockSpec((1, 1, HC), lambda hh, i: (hh, 0, 0)),
            pl.BlockSpec((C, HC), lambda hh, i: (0, hh)),
            pl.BlockSpec((1, 1, HC), lambda hh, i: (hh, 0, 0)),
            pl.BlockSpec((KV, HC), lambda hh, i: (0, hh)),
            pl.BlockSpec((HC, HC), lambda hh, i: (0, 0)),
        ],
        out_specs=[
            pl.BlockSpec((1, RBLK, HC), lambda hh, i: (hh, i, 0)),
            pl.BlockSpec((1, RBLK, 2 * HC), lambda hh, i: (hh, i, 0)),
            pl.BlockSpec((1, KV, HC), lambda hh, i: (hh, 0, 0)),
        ],
        out_shape=[
            jax.ShapeDtypeStruct((NCORE, N, HC), f32),
            jax.ShapeDtypeStruct((NCORE, N, 2 * HC), f32),
            jax.ShapeDtypeStruct((NCORE, KV, HC), f32),
        ],
    )(x, wq, bq2, wk, bk2, wv, bv2, pos, m)



def _sc_body(nq_hbm, kv_hbm, npos_hbm, idx_hbm, zz_hbm, o_hbm,
             qrA, qrB, kvA, kvB, ct, nposv, idxb,
             acc, gsA, gsB, ss):
    hh = lax.axis_index("c")
    s = lax.axis_index("s")
    nq_t = nq_hbm.at[hh]
    kv_t = kv_hbm.at[hh]
    pltpu.sync_copy(npos_hbm.at[hh], nposv)
    pltpu.sync_copy(zz_hbm.at[pl.ds(s * RPT, RPT)],
                    acc.at[pl.ds(s * RPT, RPT)])
    plsc.subcore_barrier()

    iota = lax.iota(jnp.int32, LANES)

    def issue_gather(j, qr, kv, gs):
        pltpu.async_copy(nq_t.at[idxb.at[1, j]], qr, gs)
        pltpu.async_copy(kv_t.at[idxb.at[0, j]], kv, gs)

    def wait_gather(j, qr, kv, gs):
        pltpu.make_async_copy(nq_t.at[idxb.at[1, j]], qr, gs).wait()
        pltpu.make_async_copy(kv_t.at[idxb.at[0, j]], kv, gs).wait()

    def wait_scatter(ct, ss):
        pltpu.make_async_copy(zz_hbm.at[pl.ds(0, CB)], ct, ss).wait()

    def compute(j, qr, kv, ct):
        def group(g, c2):
            pvec = iota + g * LANES
            kvec = idxb[3, j, pl.ds(pl.multiple_of(g * LANES, LANES), LANES)]

            def head(h, c3):
                base = h * D
                accv = jnp.zeros((LANES,), jnp.float32)
                for cc in range(D):
                    col = ((iota + cc) & (D - 1)) + base
                    vq = plsc.load_gather(qr, [pvec, col])
                    vk = plsc.load_gather(kv, [pvec, col])
                    vp = plsc.load_gather(nposv, [kvec, col])
                    accv = accv + vq * (vk + vp)
                for cc in range(D):
                    col2 = ((iota + cc) & (D - 1)) + base
                    colv = col2 + HC
                    vv = plsc.load_gather(kv, [pvec, colv])
                    plsc.store_scatter(ct, [pvec, col2], accv * vv)
                return c3

            lax.fori_loop(0, HPC, head, 0)
            return c2

        lax.fori_loop(0, NGRP, group, 0)

    bufs = ((qrA, kvA, gsA), (qrB, kvB, gsB))

    def super_body(sb, carry):
        pltpu.sync_copy(idx_hbm.at[s, sb], idxb)

        @pl.when(sb > 0)
        def _():
            wait_scatter(ct, ss)

        issue_gather(0, qrA, kvA, gsA)

        def inner(j2, c):
            for b in range(2):
                qr, kv, gs = bufs[b]
                oqr, okv, ogs = bufs[1 - b]
                j = j2 * 2 + b
                wait_gather(j, qr, kv, gs)
                if b == 0:
                    issue_gather(j + 1, oqr, okv, ogs)
                else:
                    @pl.when(j2 < SB // 2 - 1)
                    def _():
                        issue_gather(j + 1, oqr, okv, ogs)

                if b == 1:
                    wait_scatter(ct, ss)
                else:
                    @pl.when(j2 >= 1)
                    def _():
                        wait_scatter(ct, ss)

                compute(j, qr, kv, ct)
                pltpu.async_copy(ct, acc.at[idxb.at[2, j]], ss, add=True)
            return c

        lax.fori_loop(0, SB // 2, inner, 0)
        return carry

    lax.fori_loop(0, NSB, super_body, 0)
    wait_scatter(ct, ss)
    plsc.subcore_barrier()
    pltpu.sync_copy(acc.at[pl.ds(s * RPT, RPT)],
                    o_hbm.at[hh, pl.ds(s * RPT, RPT)])


def _attn(nq3, kv3, npos3, idx5, zz):
    f32 = jnp.float32
    fn = pl.kernel(
        _sc_body,
        out_type=jax.ShapeDtypeStruct((NCORE, NP, HC), f32),
        mesh=plsc.VectorSubcoreMesh(core_axis_name="c", subcore_axis_name="s"),
        compiler_params=pltpu.CompilerParams(needs_layout_passes=False),
        scratch_types=[
            pltpu.VMEM((CB, HC), f32),
            pltpu.VMEM((CB, HC), f32),
            pltpu.VMEM((CB, 2 * HC), f32),
            pltpu.VMEM((CB, 2 * HC), f32),
            pltpu.VMEM((CB, HC), f32),
            pltpu.VMEM((KV, HC), f32),
            pltpu.VMEM((4, SB, CB), jnp.int32),
            pltpu.VMEM_SHARED((NP, HC), f32),
            pltpu.SemaphoreType.DMA,
            pltpu.SemaphoreType.DMA,
            pltpu.SemaphoreType.DMA,
        ],
    )
    return fn(nq3, kv3, npos3, idx5, zz)



def _out_body(o0_ref, o1_ref, wo_ref, bo_ref, x_ref, y_ref):
    oc = jnp.concatenate([o0_ref[...].reshape(RBLK, HC),
                          o1_ref[...].reshape(RBLK, HC)], axis=1)
    y_ref[...] = (jnp.dot(oc, wo_ref[...], preferred_element_type=jnp.float32)
                  + bo_ref[...] + x_ref[...])


def _outproj(out2, wo, bo2, x):
    return pl.pallas_call(
        _out_body,
        grid=(NRB,),
        in_specs=[
            pl.BlockSpec((1, RBLK, HC), lambda i: (0, i, 0)),
            pl.BlockSpec((1, RBLK, HC), lambda i: (1, i, 0)),
            pl.BlockSpec((C, C), lambda i: (0, 0)),
            pl.BlockSpec((1, C), lambda i: (0, 0)),
            pl.BlockSpec((RBLK, C), lambda i: (i, 0)),
        ],
        out_specs=pl.BlockSpec((RBLK, C), lambda i: (i, 0)),
        out_shape=jax.ShapeDtypeStruct((N, C), jnp.float32),
    )(out2, out2, wo, bo2, x)



def kernel(x, kq_indices, kernel_idx, Wq, bq, Wk, bk, Wv, bv, Wo, bo, pos_enc):
    f32 = jnp.float32
    npad = PPTP - PPT
    in_t = kq_indices[0].reshape(NSUB, PPT)
    out_t = kq_indices[1].reshape(NSUB, PPT)
    kid_t = kernel_idx.reshape(NSUB, PPT)
    zpad = jnp.zeros((NSUB, npad), jnp.int32)
    in4 = jnp.concatenate([in_t, zpad], axis=1).reshape(NSUB, NSB, SB, CB)
    og4 = jnp.concatenate([out_t, zpad], axis=1).reshape(NSUB, NSB, SB, CB)
    os4 = jnp.concatenate([out_t, jnp.full((NSUB, npad), N, jnp.int32)],
                          axis=1).reshape(NSUB, NSB, SB, CB)
    kidx4 = jnp.concatenate([kid_t, zpad], axis=1).reshape(NSUB, NSB, SB, CB)
    idx5 = jnp.stack([in4, og4, os4, kidx4], axis=2)
    pos = pos_enc.reshape(KV, C)
    m = jnp.kron(jnp.eye(HPC, dtype=f32), jnp.ones((D, D), f32))
    nq2, kv2, npos2 = _proj(x, Wq, bq.reshape(NCORE, 1, HC), Wk,
                            bk.reshape(NCORE, 1, HC), Wv,
                            bv.reshape(NCORE, 1, HC), pos, m)
    zz = jnp.zeros((NP, HC), f32)
    out2 = _attn(nq2, kv2, npos2, idx5, zz)
    return _outproj(out2, Wo, bo.reshape(1, C), x)

# --- scband reference (transcript-rebuilt; emitter-appended) ---
"""Pipeline reference for scband-sparse-transformer-19971597926621 (READ-ONLY COPY).

The authoritative reference and input builder live on the scoring server;
editing this copy changes nothing except your own understanding.
"""

import jax, jax.numpy as jnp
import numpy as np

N = 10000      # number of sparse voxels/points
C = 256        # in/out channels
H = 8          # num heads
D = C // H     # attn channels per head
KV = 27        # kernel volume = kernel_size^3 = 3^3
P = 160000     # number of (key, query) pairs from the kernel map


def _l2norm(a, eps=1e-12):
    n = jnp.sqrt(jnp.sum(a * a, axis=-1, keepdims=True))
    return a / jnp.maximum(n, eps)


def setup_inputs(seed: int = 0) -> dict:
    key = jax.random.key(seed)
    ks = jax.random.split(key, 12)
    x = jax.random.normal(ks[0], (N, C), dtype=jnp.float32)
    kq_indices = jax.random.randint(ks[1], (2, P), 0, N, dtype=jnp.int32)
    kernel_idx = jax.random.randint(ks[2], (P,), 0, KV, dtype=jnp.int32)
    s = 1.0 / np.sqrt(C)
    Wq = jax.random.normal(ks[3], (C, C), dtype=jnp.float32) * s
    bq = jnp.zeros((C,), dtype=jnp.float32)
    Wk = jax.random.normal(ks[4], (C, C), dtype=jnp.float32) * s
    bk = jnp.zeros((C,), dtype=jnp.float32)
    Wv = jax.random.normal(ks[5], (C, C), dtype=jnp.float32) * s
    bv = jnp.zeros((C,), dtype=jnp.float32)
    Wo = jax.random.normal(ks[6], (C, C), dtype=jnp.float32) * s
    bo = jnp.zeros((C,), dtype=jnp.float32)
    pos_enc = jax.random.normal(ks[7], (KV, H, D), dtype=jnp.float32)  # inter_pos_enc ~ N(0,1)
    return {
        "x": x,
        "kq_indices": kq_indices,
        "kernel_idx": kernel_idx,
        "Wq": Wq, "bq": bq,
        "Wk": Wk, "bk": bk,
        "Wv": Wv, "bv": bv,
        "Wo": Wo, "bo": bo,
        "pos_enc": pos_enc,
    }


def reference(x, kq_indices, kernel_idx, Wq, bq, Wk, bk, Wv, bv, Wo, bo, pos_enc):
    # Linear projections (MinkowskiLinear == per-point nn.Linear on features)
    n = x.shape[0]
    q = (x @ Wq + bq).reshape(n, H, D)
    k = (x @ Wk + bk).reshape(n, H, D)
    v = (x @ Wv + bv).reshape(n, H, D)
    # Cosine-style attention: L2-normalize q, k and positional encodings
    nq = _l2norm(q)
    nk = _l2norm(k)
    npos = _l2norm(pos_enc)
    in_idx = kq_indices[0]   # key/value (input) point index per pair
    out_idx = kq_indices[1]  # query (output) point index per pair
    # ops.atten_weights_transfor: attn[p,h] = <nq[out], nk[in] + npos[kernel_idx]>
    attn = jnp.sum(nq[out_idx] * (nk[in_idx] + npos[kernel_idx]), axis=-1)  # [P, H]
    # ops.scalar_attention_cuda: out[out_idx] += attn[p] * v[in_idx] (scatter-add)
    contrib = attn[:, :, None] * v[in_idx]  # [P, H, D]
    out = jnp.zeros((n, H, D), dtype=x.dtype).at[out_idx].add(contrib)
    # output projection + residual (SparseTensor addition of input features)
    out_F = out.reshape(n, C) @ Wo + bo
    return out_F + x

if __name__ == "__main__":
    import jax
    _d = setup_inputs()
    print(jax.jit(kernel)(*tuple(_d.values())))

</pallas_src>

<mosaic_0001>
#map = affine_map<(d0, d1) -> (0, 0, 0)>
#map1 = affine_map<(d0, d1) -> (0, 0, 0, 0, 0)>
#map2 = affine_map<(d0, d1) -> (0, 0)>
module attributes {stable_mosaic.version = 14 : i64} {
  func.func @_sc_body(%arg0: i32, %arg1: i32, %arg2: memref<2x10000x128xf32, #tpu.memory_space<hbm>>, %arg3: memref<2x10000x256xf32, #tpu.memory_space<hbm>>, %arg4: memref<2x27x128xf32, #tpu.memory_space<hbm>>, %arg5: memref<16x20x4x16x32xi32, #tpu.memory_space<hbm>>, %arg6: memref<10112x128xf32, #tpu.memory_space<hbm>>, %arg7: memref<2x10112x128xf32, #tpu.memory_space<hbm>>, %arg8: memref<32x128xf32, #tpu.memory_space<vmem>>, %arg9: memref<32x128xf32, #tpu.memory_space<vmem>>, %arg10: memref<32x256xf32, #tpu.memory_space<vmem>>, %arg11: memref<32x256xf32, #tpu.memory_space<vmem>>, %arg12: memref<32x128xf32, #tpu.memory_space<vmem>>, %arg13: memref<27x128xf32, #tpu.memory_space<vmem>>, %arg14: memref<4x16x32xi32, #tpu.memory_space<vmem>>, %arg15: memref<10112x128xf32, #tpu.memory_space<vmem_shared>>, %arg16: memref<!tpu.dma_semaphore, #tpu.memory_space<semaphore_mem>>, %arg17: memref<!tpu.dma_semaphore, #tpu.memory_space<semaphore_mem>>, %arg18: memref<!tpu.dma_semaphore, #tpu.memory_space<semaphore_mem>>) attributes {dimension_semantics = [#tpu.dimension_semantics<core_parallel>, #tpu.dimension_semantics<subcore_parallel>], iteration_bounds = array<i64: 2, 16>, scalar_prefetch = 0 : i64, scratch_operands = 11 : i64, tpu.core_type = #tpu.core_type<sc_vector_subcore>, window_params = [{transform_indices = #map}, {transform_indices = #map}, {transform_indices = #map}, {transform_indices = #map1}, {transform_indices = #map2}, {transform_indices = #map}]} {
    "tpu.region"() ({
      %run_scoped3A = tpu.sem_alloc : memref<!tpu.dma_semaphore, #tpu.memory_space<semaphore_mem>>
      %dma_start3A = arith.constant 0 : i32
      %dma_start3A_18 = arith.constant 0 : i32
      %dma_start3A_19 = tpu.memref_slice %arg4[%arg0, %dma_start3A, %dma_start3A_18] : memref<2x27x128xf32, #tpu.memory_space<hbm>> -> memref<1x27x128xf32, #tpu.memory_space<hbm>>
      %dma_start3A_20 = tpu.memref_squeeze %dma_start3A_19 : memref<1x27x128xf32, #tpu.memory_space<hbm>> -> memref<27x128xf32, #tpu.memory_space<hbm>>
      %dma_start3A_21 = arith.constant 0 : i32
      %dma_start3A_22 = arith.constant 0 : i32
      %dma_start3A_23 = tpu.memref_slice %arg4[%arg0, %dma_start3A_21, %dma_start3A_22] : memref<2x27x128xf32, #tpu.memory_space<hbm>> -> memref<1x27x128xf32, #tpu.memory_space<hbm>>
      %dma_start3A_24 = tpu.memref_squeeze %dma_start3A_23 : memref<1x27x128xf32, #tpu.memory_space<hbm>> -> memref<27x128xf32, #tpu.memory_space<hbm>>
      tpu.enqueue_dma source(%dma_start3A_24 : memref<27x128xf32, #tpu.memory_space<hbm>>) target(%arg13 : memref<27x128xf32, #tpu.memory_space<vmem>>) target_semaphore(%run_scoped3A : memref<!tpu.dma_semaphore, #tpu.memory_space<semaphore_mem>>)
      %dma_wait3A_25 = arith.constant 0 : i32
      %dma_wait3A_26 = arith.constant 0 : i32
      %dma_wait3A_27 = tpu.memref_slice %arg4[%arg0, %dma_wait3A_25, %dma_wait3A_26] : memref<2x27x128xf32, #tpu.memory_space<hbm>> -> memref<1x27x128xf32, #tpu.memory_space<hbm>>
      %dma_wait3A_28 = tpu.memref_squeeze %dma_wait3A_27 : memref<1x27x128xf32, #tpu.memory_space<hbm>> -> memref<27x128xf32, #tpu.memory_space<hbm>>
      %dma_wait3A_29 = arith.constant 0 : i32
      %dma_wait3A_30 = arith.constant 0 : i32
      %dma_wait3A_31 = tpu.memref_slice %arg4[%arg0, %dma_wait3A_29, %dma_wait3A_30] : memref<2x27x128xf32, #tpu.memory_space<hbm>> -> memref<1x27x128xf32, #tpu.memory_space<hbm>>
      %dma_wait3A_32 = tpu.memref_squeeze %dma_wait3A_31 : memref<1x27x128xf32, #tpu.memory_space<hbm>> -> memref<27x128xf32, #tpu.memory_space<hbm>>
      tpu.wait_dma2 semaphore(%run_scoped3A : memref<!tpu.dma_semaphore, #tpu.memory_space<semaphore_mem>>) src(%dma_wait3A_32 : memref<27x128xf32, #tpu.memory_space<hbm>>) dst(%arg13 : memref<27x128xf32, #tpu.memory_space<vmem>>)
      tpu.yield
    }) : () -> ()
    %mul3A = arith.constant 632 : i32
    %mul3A_0 = arith.muli %arg1, %mul3A : i32
    %mul3A_1 = arith.constant 632 : i32
    %mul3A_2 = arith.muli %arg1, %mul3A_1 : i32
    "tpu.region"() ({
      %run_scoped3A = tpu.sem_alloc : memref<!tpu.dma_semaphore, #tpu.memory_space<semaphore_mem>>
      %dma_start3A = arith.constant 0 : i32
      %dma_start3A_18 = tpu.memref_slice %arg15[%mul3A_2, %dma_start3A] : memref<10112x128xf32, #tpu.memory_space<vmem_shared>> -> memref<632x128xf32, #tpu.memory_space<vmem_shared>>
      %dma_start3A_19 = arith.constant 0 : i32
      %dma_start3A_20 = tpu.memref_slice %arg6[%mul3A_0, %dma_start3A_19] : memref<10112x128xf32, #tpu.memory_space<hbm>> -> memref<632x128xf32, #tpu.memory_space<hbm>>
      tpu.enqueue_dma source(%dma_start3A_20 : memref<632x128xf32, #tpu.memory_space<hbm>>) target(%dma_start3A_18 : memref<632x128xf32, #tpu.memory_space<vmem_shared>>) target_semaphore(%run_scoped3A : memref<!tpu.dma_semaphore, #tpu.memory_space<semaphore_mem>>)
      %dma_wait3A_21 = arith.constant 0 : i32
      %dma_wait3A_22 = tpu.memref_slice %arg15[%mul3A_2, %dma_wait3A_21] : memref<10112x128xf32, #tpu.memory_space<vmem_shared>> -> memref<632x128xf32, #tpu.memory_space<vmem_shared>>
      %dma_wait3A_23 = arith.constant 0 : i32
      %dma_wait3A_24 = tpu.memref_slice %arg6[%mul3A_0, %dma_wait3A_23] : memref<10112x128xf32, #tpu.memory_space<hbm>> -> memref<632x128xf32, #tpu.memory_space<hbm>>
      tpu.wait_dma2 semaphore(%run_scoped3A : memref<!tpu.dma_semaphore, #tpu.memory_space<semaphore_mem>>) src(%dma_wait3A_24 : memref<632x128xf32, #tpu.memory_space<hbm>>) dst(%dma_wait3A_22 : memref<632x128xf32, #tpu.memory_space<vmem_shared>>)
      tpu.yield
    }) : () -> ()
    %barrier3A = arith.constant 0 : index
    tpu.barrier barrier_id(%barrier3A)
    %iota3A = tpu.iota {dimensions = array<i32: 0>} : vector<16xi32>
    %scan3A = arith.constant 0 : i32
    %scan3A_3 = arith.constant 0 : i32
    %scan3A_4 = arith.constant 20 : i32
    %scan3A_5 = arith.addi %scan3A_3, %scan3A_4 : i32
    %scan3A_6 = arith.constant 1 : i32
    scf.for %scan3A_18 = %scan3A_3 to %scan3A_5 step %scan3A_6  : i32 {
      "tpu.region"() ({
        %run_scoped3A = tpu.sem_alloc : memref<!tpu.dma_semaphore, #tpu.memory_space<semaphore_mem>>
        %dma_start3A_50 = arith.constant 0 : i32
        %dma_start3A_51 = arith.constant 0 : i32
        %dma_start3A_52 = arith.constant 0 : i32
        %dma_start3A_53 = tpu.memref_slice %arg5[%arg1, %scan3A_18, %dma_start3A_50, %dma_start3A_51, %dma_start3A_52] : memref<16x20x4x16x32xi32, #tpu.memory_space<hbm>> -> memref<1x1x4x16x32xi32, #tpu.memory_space<hbm>>
        %dma_start3A_54 = tpu.memref_squeeze %dma_start3A_53 : memref<1x1x4x16x32xi32, #tpu.memory_space<hbm>> -> memref<4x16x32xi32, #tpu.memory_space<hbm>>
        %dma_start3A_55 = arith.constant 0 : i32
        %dma_start3A_56 = arith.constant 0 : i32
        %dma_start3A_57 = arith.constant 0 : i32
        %dma_start3A_58 = tpu.memref_slice %arg5[%arg1, %scan3A_18, %dma_start3A_55, %dma_start3A_56, %dma_start3A_57] : memref<16x20x4x16x32xi32, #tpu.memory_space<hbm>> -> memref<1x1x4x16x32xi32, #tpu.memory_space<hbm>>
        %dma_start3A_59 = tpu.memref_squeeze %dma_start3A_58 : memref<1x1x4x16x32xi32, #tpu.memory_space<hbm>> -> memref<4x16x32xi32, #tpu.memory_space<hbm>>
        tpu.enqueue_dma source(%dma_start3A_59 : memref<4x16x32xi32, #tpu.memory_space<hbm>>) target(%arg14 : memref<4x16x32xi32, #tpu.memory_space<vmem>>) target_semaphore(%run_scoped3A : memref<!tpu.dma_semaphore, #tpu.memory_space<semaphore_mem>>)
        %dma_wait3A_60 = arith.constant 0 : i32
        %dma_wait3A_61 = arith.constant 0 : i32
        %dma_wait3A_62 = arith.constant 0 : i32
        %dma_wait3A_63 = tpu.memref_slice %arg5[%arg1, %scan3A_18, %dma_wait3A_60, %dma_wait3A_61, %dma_wait3A_62] : memref<16x20x4x16x32xi32, #tpu.memory_space<hbm>> -> memref<1x1x4x16x32xi32, #tpu.memory_space<hbm>>
        %dma_wait3A_64 = tpu.memref_squeeze %dma_wait3A_63 : memref<1x1x4x16x32xi32, #tpu.memory_space<hbm>> -> memref<4x16x32xi32, #tpu.memory_space<hbm>>
        %dma_wait3A_65 = arith.constant 0 : i32
        %dma_wait3A_66 = arith.constant 0 : i32
        %dma_wait3A_67 = arith.constant 0 : i32
        %dma_wait3A_68 = tpu.memref_slice %arg5[%arg1, %scan3A_18, %dma_wait3A_65, %dma_wait3A_66, %dma_wait3A_67] : memref<16x20x4x16x32xi32, #tpu.memory_space<hbm>> -> memref<1x1x4x16x32xi32, #tpu.memory_space<hbm>>
        %dma_wait3A_69 = tpu.memref_squeeze %dma_wait3A_68 : memref<1x1x4x16x32xi32, #tpu.memory_space<hbm>> -> memref<4x16x32xi32, #tpu.memory_space<hbm>>
        tpu.wait_dma2 semaphore(%run_scoped3A : memref<!tpu.dma_semaphore, #tpu.memory_space<semaphore_mem>>) src(%dma_wait3A_69 : memref<4x16x32xi32, #tpu.memory_space<hbm>>) dst(%arg14 : memref<4x16x32xi32, #tpu.memory_space<vmem>>)
        tpu.yield
      }) : () -> ()
      %gt3A = arith.constant 0 : i32
      %gt3A_19 = arith.cmpi sgt, %scan3A_18, %gt3A : i32
      %convert_element_type3A = arith.extui %gt3A_19 : i1 to i32
      %cond3A = arith.constant 0 : i32
      %cond3A_20 = arith.cmpi ne, %convert_element_type3A, %cond3A : i32
      scf.if %cond3A_20 {
        %dma_wait3A_50 = arith.constant 0 : i32
        %dma_wait3A_51 = arith.constant 0 : i32
        %dma_wait3A_52 = tpu.memref_slice %arg6[%dma_wait3A_50, %dma_wait3A_51] : memref<10112x128xf32, #tpu.memory_space<hbm>> -> memref<32x128xf32, #tpu.memory_space<hbm>>
        %dma_wait3A_53 = arith.constant 0 : i32
        %dma_wait3A_54 = arith.constant 0 : i32
        %dma_wait3A_55 = tpu.memref_slice %arg6[%dma_wait3A_53, %dma_wait3A_54] : memref<10112x128xf32, #tpu.memory_space<hbm>> -> memref<32x128xf32, #tpu.memory_space<hbm>>
        tpu.wait_dma2 semaphore(%arg18 : memref<!tpu.dma_semaphore, #tpu.memory_space<semaphore_mem>>) src(%dma_wait3A_55 : memref<32x128xf32, #tpu.memory_space<hbm>>) dst(%arg12 : memref<32x128xf32, #tpu.memory_space<vmem>>)
      } else {
      }
      %dma_start3A = arith.constant 1 : i32
      %dma_start3A_21 = arith.constant 0 : i32
      %dma_start3A_22 = arith.constant 0 : i32
      %dma_start3A_23 = tpu.memref_slice %arg14[%dma_start3A, %dma_start3A_21, %dma_start3A_22] : memref<4x16x32xi32, #tpu.memory_space<vmem>> -> memref<1x1x32xi32, #tpu.memory_space<vmem>>
      %dma_start3A_24 = tpu.memref_squeeze %dma_start3A_23 : memref<1x1x32xi32, #tpu.memory_space<vmem>> -> memref<32xi32, #tpu.memory_space<vmem>>
      %dma_start3A_25 = arith.constant 0 : i32
      %dma_start3A_26 = arith.constant 0 : i32
      %dma_start3A_27 = tpu.memref_slice %arg2[%arg0, %dma_start3A_25, %dma_start3A_26] : memref<2x10000x128xf32, #tpu.memory_space<hbm>> -> memref<1x10000x128xf32, #tpu.memory_space<hbm>>
      %dma_start3A_28 = tpu.memref_squeeze %dma_start3A_27 : memref<1x10000x128xf32, #tpu.memory_space<hbm>> -> memref<10000x128xf32, #tpu.memory_space<hbm>>
      %dma_start3A_29 = arith.constant 0 : i32
      %dma_start3A_30 = arith.constant 0 : i32
      %dma_start3A_31 = tpu.memref_slice %dma_start3A_28[%dma_start3A_29, %dma_start3A_30] : memref<10000x128xf32, #tpu.memory_space<hbm>> -> memref<10000x128xf32, #tpu.memory_space<hbm>>
      tpu.enqueue_indirect_dma source(%dma_start3A_31 : memref<10000x128xf32, #tpu.memory_space<hbm>>) target(%arg8 : memref<32x128xf32, #tpu.memory_space<vmem>>) offsets(%dma_start3A_24 : memref<32xi32, #tpu.memory_space<vmem>>) semaphore(%arg16 : memref<!tpu.dma_semaphore, #tpu.memory_space<semaphore_mem>>)
      %dma_start3A_32 = arith.constant 0 : i32
      %dma_start3A_33 = arith.constant 0 : i32
      %dma_start3A_34 = arith.constant 0 : i32
      %dma_start3A_35 = tpu.memref_slice %arg14[%dma_start3A_32, %dma_start3A_33, %dma_start3A_34] : memref<4x16x32xi32, #tpu.memory_space<vmem>> -> memref<1x1x32xi32, #tpu.memory_space<vmem>>
      %dma_start3A_36 = tpu.memref_squeeze %dma_start3A_35 : memref<1x1x32xi32, #tpu.memory_space<vmem>> -> memref<32xi32, #tpu.memory_space<vmem>>
      %dma_start3A_37 = arith.constant 0 : i32
      %dma_start3A_38 = arith.constant 0 : i32
      %dma_start3A_39 = tpu.memref_slice %arg3[%arg0, %dma_start3A_37, %dma_start3A_38] : memref<2x10000x256xf32, #tpu.memory_space<hbm>> -> memref<1x10000x256xf32, #tpu.memory_space<hbm>>
      %dma_start3A_40 = tpu.memref_squeeze %dma_start3A_39 : memref<1x10000x256xf32, #tpu.memory_space<hbm>> -> memref<10000x256xf32, #tpu.memory_space<hbm>>
      %dma_start3A_41 = arith.constant 0 : i32
      %dma_start3A_42 = arith.constant 0 : i32
      %dma_start3A_43 = tpu.memref_slice %dma_start3A_40[%dma_start3A_41, %dma_start3A_42] : memref<10000x256xf32, #tpu.memory_space<hbm>> -> memref<10000x256xf32, #tpu.memory_space<hbm>>
      tpu.enqueue_indirect_dma source(%dma_start3A_43 : memref<10000x256xf32, #tpu.memory_space<hbm>>) target(%arg10 : memref<32x256xf32, #tpu.memory_space<vmem>>) offsets(%dma_start3A_36 : memref<32xi32, #tpu.memory_space<vmem>>) semaphore(%arg16 : memref<!tpu.dma_semaphore, #tpu.memory_space<semaphore_mem>>)
      %scan3A_44 = arith.constant 0 : i32
      %scan3A_45 = arith.constant 0 : i32
      %scan3A_46 = arith.constant 8 : i32
      %scan3A_47 = arith.addi %scan3A_45, %scan3A_46 : i32
      %scan3A_48 = arith.constant 1 : i32
      scf.for %scan3A_50 = %scan3A_45 to %scan3A_47 step %scan3A_48  : i32 {
        %mul3A_51 = arith.constant 2 : i32
        %mul3A_52 = arith.muli %scan3A_50, %mul3A_51 : i32
        %add3A = arith.constant 0 : i32
        %add3A_53 = arith.addi %mul3A_52, %add3A : i32
        %dma_wait3A_54 = arith.constant 1 : i32
        %dma_wait3A_55 = arith.constant 0 : i32
        %dma_wait3A_56 = tpu.memref_slice %arg14[%dma_wait3A_54, %add3A_53, %dma_wait3A_55] : memref<4x16x32xi32, #tpu.memory_space<vmem>> -> memref<1x1x32xi32, #tpu.memory_space<vmem>>
        %dma_wait3A_57 = tpu.memref_squeeze %dma_wait3A_56 : memref<1x1x32xi32, #tpu.memory_space<vmem>> -> memref<32xi32, #tpu.memory_space<vmem>>
        %dma_wait3A_58 = arith.constant 0 : i32
        %dma_wait3A_59 = arith.constant 0 : i32
        %dma_wait3A_60 = tpu.memref_slice %arg2[%arg0, %dma_wait3A_58, %dma_wait3A_59] : memref<2x10000x128xf32, #tpu.memory_space<hbm>> -> memref<1x10000x128xf32, #tpu.memory_space<hbm>>
        %dma_wait3A_61 = tpu.memref_squeeze %dma_wait3A_60 : memref<1x10000x128xf32, #tpu.memory_space<hbm>> -> memref<10000x128xf32, #tpu.memory_space<hbm>>
        %dma_wait3A_62 = arith.constant 0 : i32
        %dma_wait3A_63 = arith.constant 0 : i32
        %dma_wait3A_64 = tpu.memref_slice %dma_wait3A_61[%dma_wait3A_62, %dma_wait3A_63] : memref<10000x128xf32, #tpu.memory_space<hbm>> -> memref<10000x128xf32, #tpu.memory_space<hbm>>
        tpu.wait_indirect_dma semaphore(%arg16 : memref<!tpu.dma_semaphore, #tpu.memory_space<semaphore_mem>>) src(%dma_wait3A_64 : memref<10000x128xf32, #tpu.memory_space<hbm>>) dst(%arg8 : memref<32x128xf32, #tpu.memory_space<vmem>>)
        %dma_wait3A_65 = arith.constant 0 : i32
        %dma_wait3A_66 = arith.constant 0 : i32
        %dma_wait3A_67 = tpu.memref_slice %arg14[%dma_wait3A_65, %add3A_53, %dma_wait3A_66] : memref<4x16x32xi32, #tpu.memory_space<vmem>> -> memref<1x1x32xi32, #tpu.memory_space<vmem>>
        %dma_wait3A_68 = tpu.memref_squeeze %dma_wait3A_67 : memref<1x1x32xi32, #tpu.memory_space<vmem>> -> memref<32xi32, #tpu.memory_space<vmem>>
        %dma_wait3A_69 = arith.constant 0 : i32
        %dma_wait3A_70 = arith.constant 0 : i32
        %dma_wait3A_71 = tpu.memref_slice %arg3[%arg0, %dma_wait3A_69, %dma_wait3A_70] : memref<2x10000x256xf32, #tpu.memory_space<hbm>> -> memref<1x10000x256xf32, #tpu.memory_space<hbm>>
        %dma_wait3A_72 = tpu.memref_squeeze %dma_wait3A_71 : memref<1x10000x256xf32, #tpu.memory_space<hbm>> -> memref<10000x256xf32, #tpu.memory_space<hbm>>
        %dma_wait3A_73 = arith.constant 0 : i32
        %dma_wait3A_74 = arith.constant 0 : i32
        %dma_wait3A_75 = tpu.memref_slice %dma_wait3A_72[%dma_wait3A_73, %dma_wait3A_74] : memref<10000x256xf32, #tpu.memory_space<hbm>> -> memref<10000x256xf32, #tpu.memory_space<hbm>>
        tpu.wait_indirect_dma semaphore(%arg16 : memref<!tpu.dma_semaphore, #tpu.memory_space<semaphore_mem>>) src(%dma_wait3A_75 : memref<10000x256xf32, #tpu.memory_space<hbm>>) dst(%arg10 : memref<32x256xf32, #tpu.memory_space<vmem>>)
        %add3A_76 = arith.constant 1 : i32
        %add3A_77 = arith.addi %add3A_53, %add3A_76 : i32
        %dma_start3A_78 = arith.constant 1 : i32
        %dma_start3A_79 = arith.constant 0 : i32
        %dma_start3A_80 = tpu.memref_slice %arg14[%dma_start3A_78, %add3A_77, %dma_start3A_79] : memref<4x16x32xi32, #tpu.memory_space<vmem>> -> memref<1x1x32xi32, #tpu.memory_space<vmem>>
        %dma_start3A_81 = tpu.memref_squeeze %dma_start3A_80 : memref<1x1x32xi32, #tpu.memory_space<vmem>> -> memref<32xi32, #tpu.memory_space<vmem>>
        %dma_start3A_82 = arith.constant 0 : i32
        %dma_start3A_83 = arith.constant 0 : i32
        %dma_start3A_84 = tpu.memref_slice %arg2[%arg0, %dma_start3A_82, %dma_start3A_83] : memref<2x10000x128xf32, #tpu.memory_space<hbm>> -> memref<1x10000x128xf32, #tpu.memory_space<hbm>>
        %dma_start3A_85 = tpu.memref_squeeze %dma_start3A_84 : memref<1x10000x128xf32, #tpu.memory_space<hbm>> -> memref<10000x128xf32, #tpu.memory_space<hbm>>
        %dma_start3A_86 = arith.constant 0 : i32
        %dma_start3A_87 = arith.constant 0 : i32
        %dma_start3A_88 = tpu.memref_slice %dma_start3A_85[%dma_start3A_86, %dma_start3A_87] : memref<10000x128xf32, #tpu.memory_space<hbm>> -> memref<10000x128xf32, #tpu.memory_space<hbm>>
        tpu.enqueue_indirect_dma source(%dma_start3A_88 : memref<10000x128xf32, #tpu.memory_space<hbm>>) target(%arg9 : memref<32x128xf32, #tpu.memory_space<vmem>>) offsets(%dma_start3A_81 : memref<32xi32, #tpu.memory_space<vmem>>) semaphore(%arg17 : memref<!tpu.dma_semaphore, #tpu.memory_space<semaphore_mem>>)
        %dma_start3A_89 = arith.constant 0 : i32
        %dma_start3A_90 = arith.constant 0 : i32
        %dma_start3A_91 = tpu.memref_slice %arg14[%dma_start3A_89, %add3A_77, %dma_start3A_90] : memref<4x16x32xi32, #tpu.memory_space<vmem>> -> memref<1x1x32xi32, #tpu.memory_space<vmem>>
        %dma_start3A_92 = tpu.memref_squeeze %dma_start3A_91 : memref<1x1x32xi32, #tpu.memory_space<vmem>> -> memref<32xi32, #tpu.memory_space<vmem>>
        %dma_start3A_93 = arith.constant 0 : i32
        %dma_start3A_94 = arith.constant 0 : i32
        %dma_start3A_95 = tpu.memref_slice %arg3[%arg0, %dma_start3A_93, %dma_start3A_94] : memref<2x10000x256xf32, #tpu.memory_space<hbm>> -> memref<1x10000x256xf32, #tpu.memory_space<hbm>>
        %dma_start3A_96 = tpu.memref_squeeze %dma_start3A_95 : memref<1x10000x256xf32, #tpu.memory_space<hbm>> -> memref<10000x256xf32, #tpu.memory_space<hbm>>
        %dma_start3A_97 = arith.constant 0 : i32
        %dma_start3A_98 = arith.constant 0 : i32
        %dma_start3A_99 = tpu.memref_slice %dma_start3A_96[%dma_start3A_97, %dma_start3A_98] : memref<10000x256xf32, #tpu.memory_space<hbm>> -> memref<10000x256xf32, #tpu.memory_space<hbm>>
        tpu.enqueue_indirect_dma source(%dma_start3A_99 : memref<10000x256xf32, #tpu.memory_space<hbm>>) target(%arg11 : memref<32x256xf32, #tpu.memory_space<vmem>>) offsets(%dma_start3A_92 : memref<32xi32, #tpu.memory_space<vmem>>) semaphore(%arg17 : memref<!tpu.dma_semaphore, #tpu.memory_space<semaphore_mem>>)
        %ge3A = arith.constant 1 : i32
        %ge3A_100 = arith.cmpi sge, %scan3A_50, %ge3A : i32
        %convert_element_type3A_101 = arith.extui %ge3A_100 : i1 to i32
        %cond3A_102 = arith.constant 0 : i32
        %cond3A_103 = arith.cmpi ne, %convert_element_type3A_101, %cond3A_102 : i32
        scf.if %cond3A_103 {
          %dma_wait3A_166 = arith.constant 0 : i32
          %dma_wait3A_167 = arith.constant 0 : i32
          %dma_wait3A_168 = tpu.memref_slice %arg6[%dma_wait3A_166, %dma_wait3A_167] : memref<10112x128xf32, #tpu.memory_space<hbm>> -> memref<32x128xf32, #tpu.memory_space<hbm>>
          %dma_wait3A_169 = arith.constant 0 : i32
          %dma_wait3A_170 = arith.constant 0 : i32
          %dma_wait3A_171 = tpu.memref_slice %arg6[%dma_wait3A_169, %dma_wait3A_170] : memref<10112x128xf32, #tpu.memory_space<hbm>> -> memref<32x128xf32, #tpu.memory_space<hbm>>
          tpu.wait_dma2 semaphore(%arg18 : memref<!tpu.dma_semaphore, #tpu.memory_space<semaphore_mem>>) src(%dma_wait3A_171 : memref<32x128xf32, #tpu.memory_space<hbm>>) dst(%arg12 : memref<32x128xf32, #tpu.memory_space<vmem>>)
        } else {
        }
        %scan3A_104 = arith.constant 0 : i32
        %scan3A_105 = arith.constant 0 : i32
        %scan3A_106 = arith.constant 2 : i32
        %scan3A_107 = arith.addi %scan3A_105, %scan3A_106 : i32
        %scan3A_108 = arith.constant 1 : i32
        scf.for %scan3A_166 = %scan3A_105 to %scan3A_107 step %scan3A_108  : i32 {
          %mul3A_167 = arith.constant 16 : i32
          %mul3A_168 = arith.muli %scan3A_166, %mul3A_167 : i32
          %add3A_169 = vector.broadcast %mul3A_168 : i32 to vector<16xi32>
          %add3A_170 = arith.addi %iota3A, %add3A_169 : vector<16xi32>
          %mul3A_171 = arith.constant 16 : i32
          %mul3A_172 = arith.muli %scan3A_166, %mul3A_171 : i32
          %multiple_of3A = tpu.assume_multiple %mul3A_172, 16 : i32
          %get3A = arith.constant 3 : i32
          %get3A_173 = arith.index_cast %get3A : i32 to index
          %get3A_174 = arith.index_cast %add3A_53 : i32 to index
          %get3A_175 = arith.index_cast %multiple_of3A : i32 to index
          %get3A_176 = tpu.vector_load %arg14[%get3A_173, %get3A_174, %get3A_175] {strides = array<i32>} : memref<4x16x32xi32, #tpu.memory_space<vmem>>, vector<16xi32>,
          %scan3A_177 = arith.constant 0 : i32
          %scan3A_178 = arith.constant 0 : i32
          %scan3A_179 = arith.constant 4 : i32
          %scan3A_180 = arith.addi %scan3A_178, %scan3A_179 : i32
          %scan3A_181 = arith.constant 1 : i32
          scf.for %scan3A_183 = %scan3A_178 to %scan3A_180 step %scan3A_181  : i32 {
            %mul3A_184 = arith.constant 32 : i32
            %mul3A_185 = arith.muli %scan3A_183, %mul3A_184 : i32
            %broadcast_in_dim3A = arith.constant 0.000000e+00 : f32
            %broadcast_in_dim3A_186 = vector.broadcast %broadcast_in_dim3A : f32 to vector<16xf32>
            %add3A_187 = arith.constant 0 : i32
            %add3A_188 = vector.broadcast %add3A_187 : i32 to vector<16xi32>
            %add3A_189 = arith.addi %iota3A, %add3A_188 : vector<16xi32>
            %and3A = arith.constant 31 : i32
            %and3A_190 = vector.broadcast %and3A : i32 to vector<16xi32>
            %and3A_191 = arith.andi %add3A_189, %and3A_190 : vector<16xi32>
            %add3A_192 = vector.broadcast %mul3A_185 : i32 to vector<16xi32>
            %add3A_193 = arith.addi %and3A_191, %add3A_192 : vector<16xi32>
            %gather3A = tpu.vector_load_idx %arg8[%add3A_170, %add3A_193] : memref<32x128xf32, #tpu.memory_space<vmem>>[vector<16xi32>, vector<16xi32>], vector<16xf32>,
            %gather3A_194 = tpu.vector_load_idx %arg10[%add3A_170, %add3A_193] : memref<32x256xf32, #tpu.memory_space<vmem>>[vector<16xi32>, vector<16xi32>], vector<16xf32>,
            %gather3A_195 = tpu.vector_load_idx %arg13[%get3A_176, %add3A_193] : memref<27x128xf32, #tpu.memory_space<vmem>>[vector<16xi32>, vector<16xi32>], vector<16xf32>,
            %add3A_196 = arith.addf %gather3A_194, %gather3A_195 : vector<16xf32>
            %mul3A_197 = arith.mulf %gather3A, %add3A_196 : vector<16xf32>
            %add3A_198 = arith.addf %broadcast_in_dim3A_186, %mul3A_197 : vector<16xf32>
            %add3A_199 = arith.constant 1 : i32
            %add3A_200 = vector.broadcast %add3A_199 : i32 to vector<16xi32>
            %add3A_201 = arith.addi %iota3A, %add3A_200 : vector<16xi32>
            %and3A_202 = arith.constant 31 : i32
            %and3A_203 = vector.broadcast %and3A_202 : i32 to vector<16xi32>
            %and3A_204 = arith.andi %add3A_201, %and3A_203 : vector<16xi32>
            %add3A_205 = vector.broadcast %mul3A_185 : i32 to vector<16xi32>
            %add3A_206 = arith.addi %and3A_204, %add3A_205 : vector<16xi32>
            %gather3A_207 = tpu.vector_load_idx %arg8[%add3A_170, %add3A_206] : memref<32x128xf32, #tpu.memory_space<vmem>>[vector<16xi32>, vector<16xi32>], vector<16xf32>,
            %gather3A_208 = tpu.vector_load_idx %arg10[%add3A_170, %add3A_206] : memref<32x256xf32, #tpu.memory_space<vmem>>[vector<16xi32>, vector<16xi32>], vector<16xf32>,
            %gather3A_209 = tpu.vector_load_idx %arg13[%get3A_176, %add3A_206] : memref<27x128xf32, #tpu.memory_space<vmem>>[vector<16xi32>, vector<16xi32>], vector<16xf32>,
            %add3A_210 = arith.addf %gather3A_208, %gather3A_209 : vector<16xf32>
            %mul3A_211 = arith.mulf %gather3A_207, %add3A_210 : vector<16xf32>
            %add3A_212 = arith.addf %add3A_198, %mul3A_211 : vector<16xf32>
            %add3A_213 = arith.constant 2 : i32
            %add3A_214 = vector.broadcast %add3A_213 : i32 to vector<16xi32>
            %add3A_215 = arith.addi %iota3A, %add3A_214 : vector<16xi32>
            %and3A_216 = arith.constant 31 : i32
            %and3A_217 = vector.broadcast %and3A_216 : i32 to vector<16xi32>
            %and3A_218 = arith.andi %add3A_215, %and3A_217 : vector<16xi32>
            %add3A_219 = vector.broadcast %mul3A_185 : i32 to vector<16xi32>
            %add3A_220 = arith.addi %and3A_218, %add3A_219 : vector<16xi32>
            %gather3A_221 = tpu.vector_load_idx %arg8[%add3A_170, %add3A_220] : memref<32x128xf32, #tpu.memory_space<vmem>>[vector<16xi32>, vector<16xi32>], vector<16xf32>,
            %gather3A_222 = tpu.vector_load_idx %arg10[%add3A_170, %add3A_220] : memref<32x256xf32, #tpu.memory_space<vmem>>[vector<16xi32>, vector<16xi32>], vector<16xf32>,
            %gather3A_223 = tpu.vector_load_idx %arg13[%get3A_176, %add3A_220] : memref<27x128xf32, #tpu.memory_space<vmem>>[vector<16xi32>, vector<16xi32>], vector<16xf32>,
            %add3A_224 = arith.addf %gather3A_222, %gather3A_223 : vector<16xf32>
            %mul3A_225 = arith.mulf %gather3A_221, %add3A_224 : vector<16xf32>
            %add3A_226 = arith.addf %add3A_212, %mul3A_225 : vector<16xf32>
            %add3A_227 = arith.constant 3 : i32
            %add3A_228 = vector.broadcast %add3A_227 : i32 to vector<16xi32>
            %add3A_229 = arith.addi %iota3A, %add3A_228 : vector<16xi32>
            %and3A_230 = arith.constant 31 : i32
            %and3A_231 = vector.broadcast %and3A_230 : i32 to vector<16xi32>
            %and3A_232 = arith.andi %add3A_229, %and3A_231 : vector<16xi32>
            %add3A_233 = vector.broadcast %mul3A_185 : i32 to vector<16xi32>
            %add3A_234 = arith.addi %and3A_232, %add3A_233 : vector<16xi32>
            %gather3A_235 = tpu.vector_load_idx %arg8[%add3A_170, %add3A_234] : memref<32x128xf32, #tpu.memory_space<vmem>>[vector<16xi32>, vector<16xi32>], vector<16xf32>,
            %gather3A_236 = tpu.vector_load_idx %arg10[%add3A_170, %add3A_234] : memref<32x256xf32, #tpu.memory_space<vmem>>[vector<16xi32>, vector<16xi32>], vector<16xf32>,
            %gather3A_237 = tpu.vector_load_idx %arg13[%get3A_176, %add3A_234] : memref<27x128xf32, #tpu.memory_space<vmem>>[vector<16xi32>, vector<16xi32>], vector<16xf32>,
            %add3A_238 = arith.addf %gather3A_236, %gather3A_237 : vector<16xf32>
            %mul3A_239 = arith.mulf %gather3A_235, %add3A_238 : vector<16xf32>
            %add3A_240 = arith.addf %add3A_226, %mul3A_239 : vector<16xf32>
            %add3A_241 = arith.constant 4 : i32
            %add3A_242 = vector.broadcast %add3A_241 : i32 to vector<16xi32>
            %add3A_243 = arith.addi %iota3A, %add3A_242 : vector<16xi32>
            %and3A_244 = arith.constant 31 : i32
            %and3A_245 = vector.broadcast %and3A_244 : i32 to vector<16xi32>
            %and3A_246 = arith.andi %add3A_243, %and3A_245 : vector<16xi32>
            %add3A_247 = vector.broadcast %mul3A_185 : i32 to vector<16xi32>
            %add3A_248 = arith.addi %and3A_246, %add3A_247 : vector<16xi32>
            %gather3A_249 = tpu.vector_load_idx %arg8[%add3A_170, %add3A_248] : memref<32x128xf32, #tpu.memory_space<vmem>>[vector<16xi32>, vector<16xi32>], vector<16xf32>,
            %gather3A_250 = tpu.vector_load_idx %arg10[%add3A_170, %add3A_248] : memref<32x256xf32, #tpu.memory_space<vmem>>[vector<16xi32>, vector<16xi32>], vector<16xf32>,
            %gather3A_251 = tpu.vector_load_idx %arg13[%get3A_176, %add3A_248] : memref<27x128xf32, #tpu.memory_space<vmem>>[vector<16xi32>, vector<16xi32>], vector<16xf32>,
            %add3A_252 = arith.addf %gather3A_250, %gather3A_251 : vector<16xf32>
            %mul3A_253 = arith.mulf %gather3A_249, %add3A_252 : vector<16xf32>
            %add3A_254 = arith.addf %add3A_240, %mul3A_253 : vector<16xf32>
            %add3A_255 = arith.constant 5 : i32
            %add3A_256 = vector.broadcast %add3A_255 : i32 to vector<16xi32>
            %add3A_257 = arith.addi %iota3A, %add3A_256 : vector<16xi32>
            %and3A_258 = arith.constant 31 : i32
            %and3A_259 = vector.broadcast %and3A_258 : i32 to vector<16xi32>
            %and3A_260 = arith.andi %add3A_257, %and3A_259 : vector<16xi32>
            %add3A_261 = vector.broadcast %mul3A_185 : i32 to vector<16xi32>
            %add3A_262 = arith.addi %and3A_260, %add3A_261 : vector<16xi32>
            %gather3A_263 = tpu.vector_load_idx %arg8[%add3A_170, %add3A_262] : memref<32x128xf32, #tpu.memory_space<vmem>>[vector<16xi32>, vector<16xi32>], vector<16xf32>,
            %gather3A_264 = tpu.vector_load_idx %arg10[%add3A_170, %add3A_262] : memref<32x256xf32, #tpu.memory_space<vmem>>[vector<16xi32>, vector<16xi32>], vector<16xf32>,
            %gather3A_265 = tpu.vector_load_idx %arg13[%get3A_176, %add3A_262] : memref<27x128xf32, #tpu.memory_space<vmem>>[vector<16xi32>, vector<16xi32>], vector<16xf32>,
            %add3A_266 = arith.addf %gather3A_264, %gather3A_265 : vector<16xf32>
            %mul3A_267 = arith.mulf %gather3A_263, %add3A_266 : vector<16xf32>
            %add3A_268 = arith.addf %add3A_254, %mul3A_267 : vector<16xf32>
            %add3A_269 = arith.constant 6 : i32
            %add3A_270 = vector.broadcast %add3A_269 : i32 to vector<16xi32>
            %add3A_271 = arith.addi %iota3A, %add3A_270 : vector<16xi32>
            %and3A_272 = arith.constant 31 : i32
            %and3A_273 = vector.broadcast %and3A_272 : i32 to vector<16xi32>
            %and3A_274 = arith.andi %add3A_271, %and3A_273 : vector<16xi32>
            %add3A_275 = vector.broadcast %mul3A_185 : i32 to vector<16xi32>
            %add3A_276 = arith.addi %and3A_274, %add3A_275 : vector<16xi32>
            %gather3A_277 = tpu.vector_load_idx %arg8[%add3A_170, %add3A_276] : memref<32x128xf32, #tpu.memory_space<vmem>>[vector<16xi32>, vector<16xi32>], vector<16xf32>,
            %gather3A_278 = tpu.vector_load_idx %arg10[%add3A_170, %add3A_276] : memref<32x256xf32, #tpu.memory_space<vmem>>[vector<16xi32>, vector<16xi32>], vector<16xf32>,
            %gather3A_279 = tpu.vector_load_idx %arg13[%get3A_176, %add3A_276] : memref<27x128xf32, #tpu.memory_space<vmem>>[vector<16xi32>, vector<16xi32>], vector<16xf32>,
            %add3A_280 = arith.addf %gather3A_278, %gather3A_279 : vector<16xf32>
            %mul3A_281 = arith.mulf %gather3A_277, %add3A_280 : vector<16xf32>
            %add3A_282 = arith.addf %add3A_268, %mul3A_281 : vector<16xf32>
            %add3A_283 = arith.constant 7 : i32
            %add3A_284 = vector.broadcast %add3A_283 : i32 to vector<16xi32>
            %add3A_285 = arith.addi %iota3A, %add3A_284 : vector<16xi32>
            %and3A_286 = arith.constant 31 : i32
            %and3A_287 = vector.broadcast %and3A_286 : i32 to vector<16xi32>
            %and3A_288 = arith.andi %add3A_285, %and3A_287 : vector<16xi32>
            %add3A_289 = vector.broadcast %mul3A_185 : i32 to vector<16xi32>
            %add3A_290 = arith.addi %and3A_288, %add3A_289 : vector<16xi32>
            %gather3A_291 = tpu.vector_load_idx %arg8[%add3A_170, %add3A_290] : memref<32x128xf32, #tpu.memory_space<vmem>>[vector<16xi32>, vector<16xi32>], vector<16xf32>,
            %gather3A_292 = tpu.vector_load_idx %arg10[%add3A_170, %add3A_290] : memref<32x256xf32, #tpu.memory_space<vmem>>[vector<16xi32>, vector<16xi32>], vector<16xf32>,
            %gather3A_293 = tpu.vector_load_idx %arg13[%get3A_176, %add3A_290] : memref<27x128xf32, #tpu.memory_space<vmem>>[vector<16xi32>, vector<16xi32>], vector<16xf32>,
            %add3A_294 = arith.addf %gather3A_292, %gather3A_293 : vector<16xf32>
            %mul3A_295 = arith.mulf %gather3A_291, %add3A_294 : vector<16xf32>
            %add3A_296 = arith.addf %add3A_282, %mul3A_295 : vector<16xf32>
            %add3A_297 = arith.constant 8 : i32
            %add3A_298 = vector.broadcast %add3A_297 : i32 to vector<16xi32>
            %add3A_299 = arith.addi %iota3A, %add3A_298 : vector<16xi32>
            %and3A_300 = arith.constant 31 : i32
            %and3A_301 = vector.broadcast %and3A_300 : i32 to vector<16xi32>
            %and3A_302 = arith.andi %add3A_299, %and3A_301 : vector<16xi32>
            %add3A_303 = vector.broadcast %mul3A_185 : i32 to vector<16xi32>
            %add3A_304 = arith.addi %and3A_302, %add3A_303 : vector<16xi32>
            %gather3A_305 = tpu.vector_load_idx %arg8[%add3A_170, %add3A_304] : memref<32x128xf32, #tpu.memory_space<vmem>>[vector<16xi32>, vector<16xi32>], vector<16xf32>,
            %gather3A_306 = tpu.vector_load_idx %arg10[%add3A_170, %add3A_304] : memref<32x256xf32, #tpu.memory_space<vmem>>[vector<16xi32>, vector<16xi32>], vector<16xf32>,
            %gather3A_307 = tpu.vector_load_idx %arg13[%get3A_176, %add3A_304] : memref<27x128xf32, #tpu.memory_space<vmem>>[vector<16xi32>, vector<16xi32>], vector<16xf32>,
            %add3A_308 = arith.addf %gather3A_306, %gather3A_307 : vector<16xf32>
            %mul3A_309 = arith.mulf %gather3A_305, %add3A_308 : vector<16xf32>
            %add3A_310 = arith.addf %add3A_296, %mul3A_309 : vector<16xf32>
            %add3A_311 = arith.constant 9 : i32
            %add3A_312 = vector.broadcast %add3A_311 : i32 to vector<16xi32>
            %add3A_313 = arith.addi %iota3A, %add3A_312 : vector<16xi32>
            %and3A_314 = arith.constant 31 : i32
            %and3A_315 = vector.broadcast %and3A_314 : i32 to vector<16xi32>
            %and3A_316 = arith.andi %add3A_313, %and3A_315 : vector<16xi32>
            %add3A_317 = vector.broadcast %mul3A_185 : i32 to vector<16xi32>
            %add3A_318 = arith.addi %and3A_316, %add3A_317 : vector<16xi32>
            %gather3A_319 = tpu.vector_load_idx %arg8[%add3A_170, %add3A_318] : memref<32x128xf32, #tpu.memory_space<vmem>>[vector<16xi32>, vector<16xi32>], vector<16xf32>,
            %gather3A_320 = tpu.vector_load_idx %arg10[%add3A_170, %add3A_318] : memref<32x256xf32, #tpu.memory_space<vmem>>[vector<16xi32>, vector<16xi32>], vector<16xf32>,
            %gather3A_321 = tpu.vector_load_idx %arg13[%get3A_176, %add3A_318] : memref<27x128xf32, #tpu.memory_space<vmem>>[vector<16xi32>, vector<16xi32>], vector<16xf32>,
            %add3A_322 = arith.addf %gather3A_320, %gather3A_321 : vector<16xf32>
            %mul3A_323 = arith.mulf %gather3A_319, %add3A_322 : vector<16xf32>
            %add3A_324 = arith.addf %add3A_310, %mul3A_323 : vector<16xf32>
            %add3A_325 = arith.constant 10 : i32
            %add3A_326 = vector.broadcast %add3A_325 : i32 to vector<16xi32>
            %add3A_327 = arith.addi %iota3A, %add3A_326 : vector<16xi32>
            %and3A_328 = arith.constant 31 : i32
            %and3A_329 = vector.broadcast %and3A_328 : i32 to vector<16xi32>
            %and3A_330 = arith.andi %add3A_327, %and3A_329 : vector<16xi32>
            %add3A_331 = vector.broadcast %mul3A_185 : i32 to vector<16xi32>
            %add3A_332 = arith.addi %and3A_330, %add3A_331 : vector<16xi32>
            %gather3A_333 = tpu.vector_load_idx %arg8[%add3A_170, %add3A_332] : memref<32x128xf32, #tpu.memory_space<vmem>>[vector<16xi32>, vector<16xi32>], vector<16xf32>,
            %gather3A_334 = tpu.vector_load_idx %arg10[%add3A_170, %add3A_332] : memref<32x256xf32, #tpu.memory_space<vmem>>[vector<16xi32>, vector<16xi32>], vector<16xf32>,
            %gather3A_335 = tpu.vector_load_idx %arg13[%get3A_176, %add3A_332] : memref<27x128xf32, #tpu.memory_space<vmem>>[vector<16xi32>, vector<16xi32>], vector<16xf32>,
            %add3A_336 = arith.addf %gather3A_334, %gather3A_335 : vector<16xf32>
            %mul3A_337 = arith.mulf %gather3A_333, %add3A_336 : vector<16xf32>
            %add3A_338 = arith.addf %add3A_324, %mul3A_337 : vector<16xf32>
            %add3A_339 = arith.constant 11 : i32
            %add3A_340 = vector.broadcast %add3A_339 : i32 to vector<16xi32>
            %add3A_341 = arith.addi %iota3A, %add3A_340 : vector<16xi32>
            %and3A_342 = arith.constant 31 : i32
            %and3A_343 = vector.broadcast %and3A_342 : i32 to vector<16xi32>
            %and3A_344 = arith.andi %add3A_341, %and3A_343 : vector<16xi32>
            %add3A_345 = vector.broadcast %mul3A_185 : i32 to vector<16xi32>
            %add3A_346 = arith.addi %and3A_344, %add3A_345 : vector<16xi32>
            %gather3A_347 = tpu.vector_load_idx %arg8[%add3A_170, %add3A_346] : memref<32x128xf32, #tpu.memory_space<vmem>>[vector<16xi32>, vector<16xi32>], vector<16xf32>,
            %gather3A_348 = tpu.vector_load_idx %arg10[%add3A_170, %add3A_346] : memref<32x256xf32, #tpu.memory_space<vmem>>[vector<16xi32>, vector<16xi32>], vector<16xf32>,
            %gather3A_349 = tpu.vector_load_idx %arg13[%get3A_176, %add3A_346] : memref<27x128xf32, #tpu.memory_space<vmem>>[vector<16xi32>, vector<16xi32>], vector<16xf32>,
            %add3A_350 = arith.addf %gather3A_348, %gather3A_349 : vector<16xf32>
            %mul3A_351 = arith.mulf %gather3A_347, %add3A_350 : vector<16xf32>
            %add3A_352 = arith.addf %add3A_338, %mul3A_351 : vector<16xf32>
            %add3A_353 = arith.constant 12 : i32
            %add3A_354 = vector.broadcast %add3A_353 : i32 to vector<16xi32>
            %add3A_355 = arith.addi %iota3A, %add3A_354 : vector<16xi32>
            %and3A_356 = arith.constant 31 : i32
            %and3A_357 = vector.broadcast %and3A_356 : i32 to vector<16xi32>
            %and3A_358 = arith.andi %add3A_355, %and3A_357 : vector<16xi32>
            %add3A_359 = vector.broadcast %mul3A_185 : i32 to vector<16xi32>
            %add3A_360 = arith.addi %and3A_358, %add3A_359 : vector<16xi32>
            %gather3A_361 = tpu.vector_load_idx %arg8[%add3A_170, %add3A_360] : memref<32x128xf32, #tpu.memory_space<vmem>>[vector<16xi32>, vector<16xi32>], vector<16xf32>,
            %gather3A_362 = tpu.vector_load_idx %arg10[%add3A_170, %add3A_360] : memref<32x256xf32, #tpu.memory_space<vmem>>[vector<16xi32>, vector<16xi32>], vector<16xf32>,
            %gather3A_363 = tpu.vector_load_idx %arg13[%get3A_176, %add3A_360] : memref<27x128xf32, #tpu.memory_space<vmem>>[vector<16xi32>, vector<16xi32>], vector<16xf32>,
            %add3A_364 = arith.addf %gather3A_362, %gather3A_363 : vector<16xf32>
            %mul3A_365 = arith.mulf %gather3A_361, %add3A_364 : vector<16xf32>
            %add3A_366 = arith.addf %add3A_352, %mul3A_365 : vector<16xf32>
            %add3A_367 = arith.constant 13 : i32
            %add3A_368 = vector.broadcast %add3A_367 : i32 to vector<16xi32>
            %add3A_369 = arith.addi %iota3A, %add3A_368 : vector<16xi32>
            %and3A_370 = arith.constant 31 : i32
            %and3A_371 = vector.broadcast %and3A_370 : i32 to vector<16xi32>
            %and3A_372 = arith.andi %add3A_369, %and3A_371 : vector<16xi32>
            %add3A_373 = vector.broadcast %mul3A_185 : i32 to vector<16xi32>
            %add3A_374 = arith.addi %and3A_372, %add3A_373 : vector<16xi32>
            %gather3A_375 = tpu.vector_load_idx %arg8[%add3A_170, %add3A_374] : memref<32x128xf32, #tpu.memory_space<vmem>>[vector<16xi32>, vector<16xi32>], vector<16xf32>,
            %gather3A_376 = tpu.vector_load_idx %arg10[%add3A_170, %add3A_374] : memref<32x256xf32, #tpu.memory_space<vmem>>[vector<16xi32>, vector<16xi32>], vector<16xf32>,
            %gather3A_377 = tpu.vector_load_idx %arg13[%get3A_176, %add3A_374] : memref<27x128xf32, #tpu.memory_space<vmem>>[vector<16xi32>, vector<16xi32>], vector<16xf32>,
            %add3A_378 = arith.addf %gather3A_376, %gather3A_377 : vector<16xf32>
            %mul3A_379 = arith.mulf %gather3A_375, %add3A_378 : vector<16xf32>
            %add3A_380 = arith.addf %add3A_366, %mul3A_379 : vector<16xf32>
            %add3A_381 = arith.constant 14 : i32
            %add3A_382 = vector.broadcast %add3A_381 : i32 to vector<16xi32>
            %add3A_383 = arith.addi %iota3A, %add3A_382 : vector<16xi32>
            %and3A_384 = arith.constant 31 : i32
            %and3A_385 = vector.broadcast %and3A_384 : i32 to vector<16xi32>
            %and3A_386 = arith.andi %add3A_383, %and3A_385 : vector<16xi32>
            %add3A_387 = vector.broadcast %mul3A_185 : i32 to vector<16xi32>
            %add3A_388 = arith.addi %and3A_386, %add3A_387 : vector<16xi32>
            %gather3A_389 = tpu.vector_load_idx %arg8[%add3A_170, %add3A_388] : memref<32x128xf32, #tpu.memory_space<vmem>>[vector<16xi32>, vector<16xi32>], vector<16xf32>,
            %gather3A_390 = tpu.vector_load_idx %arg10[%add3A_170, %add3A_388] : memref<32x256xf32, #tpu.memory_space<vmem>>[vector<16xi32>, vector<16xi32>], vector<16xf32>,
            %gather3A_391 = tpu.vector_load_idx %arg13[%get3A_176, %add3A_388] : memref<27x128xf32, #tpu.memory_space<vmem>>[vector<16xi32>, vector<16xi32>], vector<16xf32>,
            %add3A_392 = arith.addf %gather3A_390, %gather3A_391 : vector<16xf32>
            %mul3A_393 = arith.mulf %gather3A_389, %add3A_392 : vector<16xf32>
            %add3A_394 = arith.addf %add3A_380, %mul3A_393 : vector<16xf32>
            %add3A_395 = arith.constant 15 : i32
            %add3A_396 = vector.broadcast %add3A_395 : i32 to vector<16xi32>
            %add3A_397 = arith.addi %iota3A, %add3A_396 : vector<16xi32>
            %and3A_398 = arith.constant 31 : i32
            %and3A_399 = vector.broadcast %and3A_398 : i32 to vector<16xi32>
            %and3A_400 = arith.andi %add3A_397, %and3A_399 : vector<16xi32>
            %add3A_401 = vector.broadcast %mul3A_185 : i32 to vector<16xi32>
            %add3A_402 = arith.addi %and3A_400, %add3A_401 : vector<16xi32>
            %gather3A_403 = tpu.vector_load_idx %arg8[%add3A_170, %add3A_402] : memref<32x128xf32, #tpu.memory_space<vmem>>[vector<16xi32>, vector<16xi32>], vector<16xf32>,
            %gather3A_404 = tpu.vector_load_idx %arg10[%add3A_170, %add3A_402] : memref<32x256xf32, #tpu.memory_space<vmem>>[vector<16xi32>, vector<16xi32>], vector<16xf32>,
            %gather3A_405 = tpu.vector_load_idx %arg13[%get3A_176, %add3A_402] : memref<27x128xf32, #tpu.memory_space<vmem>>[vector<16xi32>, vector<16xi32>], vector<16xf32>,
            %add3A_406 = arith.addf %gather3A_404, %gather3A_405 : vector<16xf32>
            %mul3A_407 = arith.mulf %gather3A_403, %add3A_406 : vector<16xf32>
            %add3A_408 = arith.addf %add3A_394, %mul3A_407 : vector<16xf32>
            %add3A_409 = arith.constant 16 : i32
            %add3A_410 = vector.broadcast %add3A_409 : i32 to vector<16xi32>
            %add3A_411 = arith.addi %iota3A, %add3A_410 : vector<16xi32>
            %and3A_412 = arith.constant 31 : i32
            %and3A_413 = vector.broadcast %and3A_412 : i32 to vector<16xi32>
            %and3A_414 = arith.andi %add3A_411, %and3A_413 : vector<16xi32>
            %add3A_415 = vector.broadcast %mul3A_185 : i32 to vector<16xi32>
            %add3A_416 = arith.addi %and3A_414, %add3A_415 : vector<16xi32>
            %gather3A_417 = tpu.vector_load_idx %arg8[%add3A_170, %add3A_416] : memref<32x128xf32, #tpu.memory_space<vmem>>[vector<16xi32>, vector<16xi32>], vector<16xf32>,
            %gather3A_418 = tpu.vector_load_idx %arg10[%add3A_170, %add3A_416] : memref<32x256xf32, #tpu.memory_space<vmem>>[vector<16xi32>, vector<16xi32>], vector<16xf32>,
            %gather3A_419 = tpu.vector_load_idx %arg13[%get3A_176, %add3A_416] : memref<27x128xf32, #tpu.memory_space<vmem>>[vector<16xi32>, vector<16xi32>], vector<16xf32>,
            %add3A_420 = arith.addf %gather3A_418, %gather3A_419 : vector<16xf32>
            %mul3A_421 = arith.mulf %gather3A_417, %add3A_420 : vector<16xf32>
            %add3A_422 = arith.addf %add3A_408, %mul3A_421 : vector<16xf32>
            %add3A_423 = arith.constant 17 : i32
            %add3A_424 = vector.broadcast %add3A_423 : i32 to vector<16xi32>
            %add3A_425 = arith.addi %iota3A, %add3A_424 : vector<16xi32>
            %and3A_426 = arith.constant 31 : i32
            %and3A_427 = vector.broadcast %and3A_426 : i32 to vector<16xi32>
            %and3A_428 = arith.andi %add3A_425, %and3A_427 : vector<16xi32>
            %add3A_429 = vector.broadcast %mul3A_185 : i32 to vector<16xi32>
            %add3A_430 = arith.addi %and3A_428, %add3A_429 : vector<16xi32>
            %gather3A_431 = tpu.vector_load_idx %arg8[%add3A_170, %add3A_430] : memref<32x128xf32, #tpu.memory_space<vmem>>[vector<16xi32>, vector<16xi32>], vector<16xf32>,
            %gather3A_432 = tpu.vector_load_idx %arg10[%add3A_170, %add3A_430] : memref<32x256xf32, #tpu.memory_space<vmem>>[vector<16xi32>, vector<16xi32>], vector<16xf32>,
            %gather3A_433 = tpu.vector_load_idx %arg13[%get3A_176, %add3A_430] : memref<27x128xf32, #tpu.memory_space<vmem>>[vector<16xi32>, vector<16xi32>], vector<16xf32>,
            %add3A_434 = arith.addf %gather3A_432, %gather3A_433 : vector<16xf32>
            %mul3A_435 = arith.mulf %gather3A_431, %add3A_434 : vector<16xf32>
            %add3A_436 = arith.addf %add3A_422, %mul3A_435 : vector<16xf32>
            %add3A_437 = arith.constant 18 : i32
            %add3A_438 = vector.broadcast %add3A_437 : i32 to vector<16xi32>
            %add3A_439 = arith.addi %iota3A, %add3A_438 : vector<16xi32>
            %and3A_440 = arith.constant 31 : i32
            %and3A_441 = vector.broadcast %and3A_440 : i32 to vector<16xi32>
            %and3A_442 = arith.andi %add3A_439, %and3A_441 : vector<16xi32>
            %add3A_443 = vector.broadcast %mul3A_185 : i32 to vector<16xi32>
            %add3A_444 = arith.addi %and3A_442, %add3A_443 : vector<16xi32>
            %gather3A_445 = tpu.vector_load_idx %arg8[%add3A_170, %add3A_444] : memref<32x128xf32, #tpu.memory_space<vmem>>[vector<16xi32>, vector<16xi32>], vector<16xf32>,
            %gather3A_446 = tpu.vector_load_idx %arg10[%add3A_170, %add3A_444] : memref<32x256xf32, #tpu.memory_space<vmem>>[vector<16xi32>, vector<16xi32>], vector<16xf32>,
            %gather3A_447 = tpu.vector_load_idx %arg13[%get3A_176, %add3A_444] : memref<27x128xf32, #tpu.memory_space<vmem>>[vector<16xi32>, vector<16xi32>], vector<16xf32>,
            %add3A_448 = arith.addf %gather3A_446, %gather3A_447 : vector<16xf32>
            %mul3A_449 = arith.mulf %gather3A_445, %add3A_448 : vector<16xf32>
            %add3A_450 = arith.addf %add3A_436, %mul3A_449 : vector<16xf32>
            %add3A_451 = arith.constant 19 : i32
            %add3A_452 = vector.broadcast %add3A_451 : i32 to vector<16xi32>
            %add3A_453 = arith.addi %iota3A, %add3A_452 : vector<16xi32>
            %and3A_454 = arith.constant 31 : i32
            %and3A_455 = vector.broadcast %and3A_454 : i32 to vector<16xi32>
            %and3A_456 = arith.andi %add3A_453, %and3A_455 : vector<16xi32>
            %add3A_457 = vector.broadcast %mul3A_185 : i32 to vector<16xi32>
            %add3A_458 = arith.addi %and3A_456, %add3A_457 : vector<16xi32>
            %gather3A_459 = tpu.vector_load_idx %arg8[%add3A_170, %add3A_458] : memref<32x128xf32, #tpu.memory_space<vmem>>[vector<16xi32>, vector<16xi32>], vector<16xf32>,
            %gather3A_460 = tpu.vector_load_idx %arg10[%add3A_170, %add3A_458] : memref<32x256xf32, #tpu.memory_space<vmem>>[vector<16xi32>, vector<16xi32>], vector<16xf32>,
            %gather3A_461 = tpu.vector_load_idx %arg13[%get3A_176, %add3A_458] : memref<27x128xf32, #tpu.memory_space<vmem>>[vector<16xi32>, vector<16xi32>], vector<16xf32>,
            %add3A_462 = arith.addf %gather3A_460, %gather3A_461 : vector<16xf32>
            %mul3A_463 = arith.mulf %gather3A_459, %add3A_462 : vector<16xf32>
            %add3A_464 = arith.addf %add3A_450, %mul3A_463 : vector<16xf32>
            %add3A_465 = arith.constant 20 : i32
            %add3A_466 = vector.broadcast %add3A_465 : i32 to vector<16xi32>
            %add3A_467 = arith.addi %iota3A, %add3A_466 : vector<16xi32>
            %and3A_468 = arith.constant 31 : i32
            %and3A_469 = vector.broadcast %and3A_468 : i32 to vector<16xi32>
            %and3A_470 = arith.andi %add3A_467, %and3A_469 : vector<16xi32>
            %add3A_471 = vector.broadcast %mul3A_185 : i32 to vector<16xi32>
            %add3A_472 = arith.addi %and3A_470, %add3A_471 : vector<16xi32>
            %gather3A_473 = tpu.vector_load_idx %arg8[%add3A_170, %add3A_472] : memref<32x128xf32, #tpu.memory_space<vmem>>[vector<16xi32>, vector<16xi32>], vector<16xf32>,
            %gather3A_474 = tpu.vector_load_idx %arg10[%add3A_170, %add3A_472] : memref<32x256xf32, #tpu.memory_space<vmem>>[vector<16xi32>, vector<16xi32>], vector<16xf32>,
            %gather3A_475 = tpu.vector_load_idx %arg13[%get3A_176, %add3A_472] : memref<27x128xf32, #tpu.memory_space<vmem>>[vector<16xi32>, vector<16xi32>], vector<16xf32>,
            %add3A_476 = arith.addf %gather3A_474, %gather3A_475 : vector<16xf32>
            %mul3A_477 = arith.mulf %gather3A_473, %add3A_476 : vector<16xf32>
            %add3A_478 = arith.addf %add3A_464, %mul3A_477 : vector<16xf32>
            %add3A_479 = arith.constant 21 : i32
            %add3A_480 = vector.broadcast %add3A_479 : i32 to vector<16xi32>
            %add3A_481 = arith.addi %iota3A, %add3A_480 : vector<16xi32>
            %and3A_482 = arith.constant 31 : i32
            %and3A_483 = vector.broadcast %and3A_482 : i32 to vector<16xi32>
            %and3A_484 = arith.andi %add3A_481, %and3A_483 : vector<16xi32>
            %add3A_485 = vector.broadcast %mul3A_185 : i32 to vector<16xi32>
            %add3A_486 = arith.addi %and3A_484, %add3A_485 : vector<16xi32>
            %gather3A_487 = tpu.vector_load_idx %arg8[%add3A_170, %add3A_486] : memref<32x128xf32, #tpu.memory_space<vmem>>[vector<16xi32>, vector<16xi32>], vector<16xf32>,
            %gather3A_488 = tpu.vector_load_idx %arg10[%add3A_170, %add3A_486] : memref<32x256xf32, #tpu.memory_space<vmem>>[vector<16xi32>, vector<16xi32>], vector<16xf32>,
            %gather3A_489 = tpu.vector_load_idx %arg13[%get3A_176, %add3A_486] : memref<27x128xf32, #tpu.memory_space<vmem>>[vector<16xi32>, vector<16xi32>], vector<16xf32>,
            %add3A_490 = arith.addf %gather3A_488, %gather3A_489 : vector<16xf32>
            %mul3A_491 = arith.mulf %gather3A_487, %add3A_490 : vector<16xf32>
            %add3A_492 = arith.addf %add3A_478, %mul3A_491 : vector<16xf32>
            %add3A_493 = arith.constant 22 : i32
            %add3A_494 = vector.broadcast %add3A_493 : i32 to vector<16xi32>
            %add3A_495 = arith.addi %iota3A, %add3A_494 : vector<16xi32>
            %and3A_496 = arith.constant 31 : i32
            %and3A_497 = vector.broadcast %and3A_496 : i32 to vector<16xi32>
            %and3A_498 = arith.andi %add3A_495, %and3A_497 : vector<16xi32>
            %add3A_499 = vector.broadcast %mul3A_185 : i32 to vector<16xi32>
            %add3A_500 = arith.addi %and3A_498, %add3A_499 : vector<16xi32>
            %gather3A_501 = tpu.vector_load_idx %arg8[%add3A_170, %add3A_500] : memref<32x128xf32, #tpu.memory_space<vmem>>[vector<16xi32>, vector<16xi32>], vector<16xf32>,
            %gather3A_502 = tpu.vector_load_idx %arg10[%add3A_170, %add3A_500] : memref<32x256xf32, #tpu.memory_space<vmem>>[vector<16xi32>, vector<16xi32>], vector<16xf32>,
            %gather3A_503 = tpu.vector_load_idx %arg13[%get3A_176, %add3A_500] : memref<27x128xf32, #tpu.memory_space<vmem>>[vector<16xi32>, vector<16xi32>], vector<16xf32>,
            %add3A_504 = arith.addf %gather3A_502, %gather3A_503 : vector<16xf32>
            %mul3A_505 = arith.mulf %gather3A_501, %add3A_504 : vector<16xf32>
            %add3A_506 = arith.addf %add3A_492, %mul3A_505 : vector<16xf32>
            %add3A_507 = arith.constant 23 : i32
            %add3A_508 = vector.broadcast %add3A_507 : i32 to vector<16xi32>
            %add3A_509 = arith.addi %iota3A, %add3A_508 : vector<16xi32>
            %and3A_510 = arith.constant 31 : i32
            %and3A_511 = vector.broadcast %and3A_510 : i32 to vector<16xi32>
            %and3A_512 = arith.andi %add3A_509, %and3A_511 : vector<16xi32>
            %add3A_513 = vector.broadcast %mul3A_185 : i32 to vector<16xi32>
            %add3A_514 = arith.addi %and3A_512, %add3A_513 : vector<16xi32>
            %gather3A_515 = tpu.vector_load_idx %arg8[%add3A_170, %add3A_514] : memref<32x128xf32, #tpu.memory_space<vmem>>[vector<16xi32>, vector<16xi32>], vector<16xf32>,
            %gather3A_516 = tpu.vector_load_idx %arg10[%add3A_170, %add3A_514] : memref<32x256xf32, #tpu.memory_space<vmem>>[vector<16xi32>, vector<16xi32>], vector<16xf32>,
            %gather3A_517 = tpu.vector_load_idx %arg13[%get3A_176, %add3A_514] : memref<27x128xf32, #tpu.memory_space<vmem>>[vector<16xi32>, vector<16xi32>], vector<16xf32>,
            %add3A_518 = arith.addf %gather3A_516, %gather3A_517 : vector<16xf32>
            %mul3A_519 = arith.mulf %gather3A_515, %add3A_518 : vector<16xf32>
            %add3A_520 = arith.addf %add3A_506, %mul3A_519 : vector<16xf32>
            %add3A_521 = arith.constant 24 : i32
            %add3A_522 = vector.broadcast %add3A_521 : i32 to vector<16xi32>
            %add3A_523 = arith.addi %iota3A, %add3A_522 : vector<16xi32>
            %and3A_524 = arith.constant 31 : i32
            %and3A_525 = vector.broadcast %and3A_524 : i32 to vector<16xi32>
            %and3A_526 = arith.andi %add3A_523, %and3A_525 : vector<16xi32>
            %add3A_527 = vector.broadcast %mul3A_185 : i32 to vector<16xi32>
            %add3A_528 = arith.addi %and3A_526, %add3A_527 : vector<16xi32>
            %gather3A_529 = tpu.vector_load_idx %arg8[%add3A_170, %add3A_528] : memref<32x128xf32, #tpu.memory_space<vmem>>[vector<16xi32>, vector<16xi32>], vector<16xf32>,
            %gather3A_530 = tpu.vector_load_idx %arg10[%add3A_170, %add3A_528] : memref<32x256xf32, #tpu.memory_space<vmem>>[vector<16xi32>, vector<16xi32>], vector<16xf32>,
            %gather3A_531 = tpu.vector_load_idx %arg13[%get3A_176, %add3A_528] : memref<27x128xf32, #tpu.memory_space<vmem>>[vector<16xi32>, vector<16xi32>], vector<16xf32>,
            %add3A_532 = arith.addf %gather3A_530, %gather3A_531 : vector<16xf32>
            %mul3A_533 = arith.mulf %gather3A_529, %add3A_532 : vector<16xf32>
            %add3A_534 = arith.addf %add3A_520, %mul3A_533 : vector<16xf32>
            %add3A_535 = arith.constant 25 : i32
            %add3A_536 = vector.broadcast %add3A_535 : i32 to vector<16xi32>
            %add3A_537 = arith.addi %iota3A, %add3A_536 : vector<16xi32>
            %and3A_538 = arith.constant 31 : i32
            %and3A_539 = vector.broadcast %and3A_538 : i32 to vector<16xi32>
            %and3A_540 = arith.andi %add3A_537, %and3A_539 : vector<16xi32>
            %add3A_541 = vector.broadcast %mul3A_185 : i32 to vector<16xi32>
            %add3A_542 = arith.addi %and3A_540, %add3A_541 : vector<16xi32>
            %gather3A_543 = tpu.vector_load_idx %arg8[%add3A_170, %add3A_542] : memref<32x128xf32, #tpu.memory_space<vmem>>[vector<16xi32>, vector<16xi32>], vector<16xf32>,
            %gather3A_544 = tpu.vector_load_idx %arg10[%add3A_170, %add3A_542] : memref<32x256xf32, #tpu.memory_space<vmem>>[vector<16xi32>, vector<16xi32>], vector<16xf32>,
            %gather3A_545 = tpu.vector_load_idx %arg13[%get3A_176, %add3A_542] : memref<27x128xf32, #tpu.memory_space<vmem>>[vector<16xi32>, vector<16xi32>], vector<16xf32>,
            %add3A_546 = arith.addf %gather3A_544, %gather3A_545 : vector<16xf32>
            %mul3A_547 = arith.mulf %gather3A_543, %add3A_546 : vector<16xf32>
            %add3A_548 = arith.addf %add3A_534, %mul3A_547 : vector<16xf32>
            %add3A_549 = arith.constant 26 : i32
            %add3A_550 = vector.broadcast %add3A_549 : i32 to vector<16xi32>
            %add3A_551 = arith.addi %iota3A, %add3A_550 : vector<16xi32>
            %and3A_552 = arith.constant 31 : i32
            %and3A_553 = vector.broadcast %and3A_552 : i32 to vector<16xi32>
            %and3A_554 = arith.andi %add3A_551, %and3A_553 : vector<16xi32>
            %add3A_555 = vector.broadcast %mul3A_185 : i32 to vector<16xi32>
            %add3A_556 = arith.addi %and3A_554, %add3A_555 : vector<16xi32>
            %gather3A_557 = tpu.vector_load_idx %arg8[%add3A_170, %add3A_556] : memref<32x128xf32, #tpu.memory_space<vmem>>[vector<16xi32>, vector<16xi32>], vector<16xf32>,
            %gather3A_558 = tpu.vector_load_idx %arg10[%add3A_170, %add3A_556] : memref<32x256xf32, #tpu.memory_space<vmem>>[vector<16xi32>, vector<16xi32>], vector<16xf32>,
            %gather3A_559 = tpu.vector_load_idx %arg13[%get3A_176, %add3A_556] : memref<27x128xf32, #tpu.memory_space<vmem>>[vector<16xi32>, vector<16xi32>], vector<16xf32>,
            %add3A_560 = arith.addf %gather3A_558, %gather3A_559 : vector<16xf32>
            %mul3A_561 = arith.mulf %gather3A_557, %add3A_560 : vector<16xf32>
            %add3A_562 = arith.addf %add3A_548, %mul3A_561 : vector<16xf32>
            %add3A_563 = arith.constant 27 : i32
            %add3A_564 = vector.broadcast %add3A_563 : i32 to vector<16xi32>
            %add3A_565 = arith.addi %iota3A, %add3A_564 : vector<16xi32>
            %and3A_566 = arith.constant 31 : i32
            %and3A_567 = vector.broadcast %and3A_566 : i32 to vector<16xi32>
            %and3A_568 = arith.andi %add3A_565, %and3A_567 : vector<16xi32>
            %add3A_569 = vector.broadcast %mul3A_185 : i32 to vector<16xi32>
            %add3A_570 = arith.addi %and3A_568, %add3A_569 : vector<16xi32>
            %gather3A_571 = tpu.vector_load_idx %arg8[%add3A_170, %add3A_570] : memref<32x128xf32, #tpu.memory_space<vmem>>[vector<16xi32>, vector<16xi32>], vector<16xf32>,
            %gather3A_572 = tpu.vector_load_idx %arg10[%add3A_170, %add3A_570] : memref<32x256xf32, #tpu.memory_space<vmem>>[vector<16xi32>, vector<16xi32>], vector<16xf32>,
            %gather3A_573 = tpu.vector_load_idx %arg13[%get3A_176, %add3A_570] : memref<27x128xf32, #tpu.memory_space<vmem>>[vector<16xi32>, vector<16xi32>], vector<16xf32>,
            %add3A_574 = arith.addf %gather3A_572, %gather3A_573 : vector<16xf32>
            %mul3A_575 = arith.mulf %gather3A_571, %add3A_574 : vector<16xf32>
            %add3A_576 = arith.addf %add3A_562, %mul3A_575 : vector<16xf32>
            %add3A_577 = arith.constant 28 : i32
            %add3A_578 = vector.broadcast %add3A_577 : i32 to vector<16xi32>
            %add3A_579 = arith.addi %iota3A, %add3A_578 : vector<16xi32>
            %and3A_580 = arith.constant 31 : i32
            %and3A_581 = vector.broadcast %and3A_580 : i32 to vector<16xi32>
            %and3A_582 = arith.andi %add3A_579, %and3A_581 : vector<16xi32>
            %add3A_583 = vector.broadcast %mul3A_185 : i32 to vector<16xi32>
            %add3A_584 = arith.addi %and3A_582, %add3A_583 : vector<16xi32>
            %gather3A_585 = tpu.vector_load_idx %arg8[%add3A_170, %add3A_584] : memref<32x128xf32, #tpu.memory_space<vmem>>[vector<16xi32>, vector<16xi32>], vector<16xf32>,
            %gather3A_586 = tpu.vector_load_idx %arg10[%add3A_170, %add3A_584] : memref<32x256xf32, #tpu.memory_space<vmem>>[vector<16xi32>, vector<16xi32>], vector<16xf32>,
            %gather3A_587 = tpu.vector_load_idx %arg13[%get3A_176, %add3A_584] : memref<27x128xf32, #tpu.memory_space<vmem>>[vector<16xi32>, vector<16xi32>], vector<16xf32>,
            %add3A_588 = arith.addf %gather3A_586, %gather3A_587 : vector<16xf32>
            %mul3A_589 = arith.mulf %gather3A_585, %add3A_588 : vector<16xf32>
            %add3A_590 = arith.addf %add3A_576, %mul3A_589 : vector<16xf32>
            %add3A_591 = arith.constant 29 : i32
            %add3A_592 = vector.broadcast %add3A_591 : i32 to vector<16xi32>
            %add3A_593 = arith.addi %iota3A, %add3A_592 : vector<16xi32>
            %and3A_594 = arith.constant 31 : i32
            %and3A_595 = vector.broadcast %and3A_594 : i32 to vector<16xi32>
            %and3A_596 = arith.andi %add3A_593, %and3A_595 : vector<16xi32>
            %add3A_597 = vector.broadcast %mul3A_185 : i32 to vector<16xi32>
            %add3A_598 = arith.addi %and3A_596, %add3A_597 : vector<16xi32>
            %gather3A_599 = tpu.vector_load_idx %arg8[%add3A_170, %add3A_598] : memref<32x128xf32, #tpu.memory_space<vmem>>[vector<16xi32>, vector<16xi32>], vector<16xf32>,
            %gather3A_600 = tpu.vector_load_idx %arg10[%add3A_170, %add3A_598] : memref<32x256xf32, #tpu.memory_space<vmem>>[vector<16xi32>, vector<16xi32>], vector<16xf32>,
            %gather3A_601 = tpu.vector_load_idx %arg13[%get3A_176, %add3A_598] : memref<27x128xf32, #tpu.memory_space<vmem>>[vector<16xi32>, vector<16xi32>], vector<16xf32>,
            %add3A_602 = arith.addf %gather3A_600, %gather3A_601 : vector<16xf32>
            %mul3A_603 = arith.mulf %gather3A_599, %add3A_602 : vector<16xf32>
            %add3A_604 = arith.addf %add3A_590, %mul3A_603 : vector<16xf32>
            %add3A_605 = arith.constant 30 : i32
            %add3A_606 = vector.broadcast %add3A_605 : i32 to vector<16xi32>
            %add3A_607 = arith.addi %iota3A, %add3A_606 : vector<16xi32>
            %and3A_608 = arith.constant 31 : i32
            %and3A_609 = vector.broadcast %and3A_608 : i32 to vector<16xi32>
            %and3A_610 = arith.andi %add3A_607, %and3A_609 : vector<16xi32>
            %add3A_611 = vector.broadcast %mul3A_185 : i32 to vector<16xi32>
            %add3A_612 = arith.addi %and3A_610, %add3A_611 : vector<16xi32>
            %gather3A_613 = tpu.vector_load_idx %arg8[%add3A_170, %add3A_612] : memref<32x128xf32, #tpu.memory_space<vmem>>[vector<16xi32>, vector<16xi32>], vector<16xf32>,
            %gather3A_614 = tpu.vector_load_idx %arg10[%add3A_170, %add3A_612] : memref<32x256xf32, #tpu.memory_space<vmem>>[vector<16xi32>, vector<16xi32>], vector<16xf32>,
            %gather3A_615 = tpu.vector_load_idx %arg13[%get3A_176, %add3A_612] : memref<27x128xf32, #tpu.memory_space<vmem>>[vector<16xi32>, vector<16xi32>], vector<16xf32>,
            %add3A_616 = arith.addf %gather3A_614, %gather3A_615 : vector<16xf32>
            %mul3A_617 = arith.mulf %gather3A_613, %add3A_616 : vector<16xf32>
            %add3A_618 = arith.addf %add3A_604, %mul3A_617 : vector<16xf32>
            %add3A_619 = arith.constant 31 : i32
            %add3A_620 = vector.broadcast %add3A_619 : i32 to vector<16xi32>
            %add3A_621 = arith.addi %iota3A, %add3A_620 : vector<16xi32>
            %and3A_622 = arith.constant 31 : i32
            %and3A_623 = vector.broadcast %and3A_622 : i32 to vector<16xi32>
            %and3A_624 = arith.andi %add3A_621, %and3A_623 : vector<16xi32>
            %add3A_625 = vector.broadcast %mul3A_185 : i32 to vector<16xi32>
            %add3A_626 = arith.addi %and3A_624, %add3A_625 : vector<16xi32>
            %gather3A_627 = tpu.vector_load_idx %arg8[%add3A_170, %add3A_626] : memref<32x128xf32, #tpu.memory_space<vmem>>[vector<16xi32>, vector<16xi32>], vector<16xf32>,
            %gather3A_628 = tpu.vector_load_idx %arg10[%add3A_170, %add3A_626] : memref<32x256xf32, #tpu.memory_space<vmem>>[vector<16xi32>, vector<16xi32>], vector<16xf32>,
            %gather3A_629 = tpu.vector_load_idx %arg13[%get3A_176, %add3A_626] : memref<27x128xf32, #tpu.memory_space<vmem>>[vector<16xi32>, vector<16xi32>], vector<16xf32>,
            %add3A_630 = arith.addf %gather3A_628, %gather3A_629 : vector<16xf32>
            %mul3A_631 = arith.mulf %gather3A_627, %add3A_630 : vector<16xf32>
            %add3A_632 = arith.addf %add3A_618, %mul3A_631 : vector<16xf32>
            %add3A_633 = arith.constant 0 : i32
            %add3A_634 = vector.broadcast %add3A_633 : i32 to vector<16xi32>
            %add3A_635 = arith.addi %iota3A, %add3A_634 : vector<16xi32>
            %and3A_636 = arith.constant 31 : i32
            %and3A_637 = vector.broadcast %and3A_636 : i32 to vector<16xi32>
            %and3A_638 = arith.andi %add3A_635, %and3A_637 : vector<16xi32>
            %add3A_639 = vector.broadcast %mul3A_185 : i32 to vector<16xi32>
            %add3A_640 = arith.addi %and3A_638, %add3A_639 : vector<16xi32>
            %add3A_641 = arith.constant 128 : i32
            %add3A_642 = vector.broadcast %add3A_641 : i32 to vector<16xi32>
            %add3A_643 = arith.addi %add3A_640, %add3A_642 : vector<16xi32>
            %gather3A_644 = tpu.vector_load_idx %arg10[%add3A_170, %add3A_643] : memref<32x256xf32, #tpu.memory_space<vmem>>[vector<16xi32>, vector<16xi32>], vector<16xf32>,
            %mul3A_645 = arith.mulf %add3A_632, %gather3A_644 : vector<16xf32>
            tpu.vector_store_idx %arg12[%add3A_170, %add3A_640], %mul3A_645 : memref<32x128xf32, #tpu.memory_space<vmem>>[vector<16xi32>, vector<16xi32>], vector<16xf32>,
            %add3A_646 = arith.constant 1 : i32
            %add3A_647 = vector.broadcast %add3A_646 : i32 to vector<16xi32>
            %add3A_648 = arith.addi %iota3A, %add3A_647 : vector<16xi32>
            %and3A_649 = arith.constant 31 : i32
            %and3A_650 = vector.broadcast %and3A_649 : i32 to vector<16xi32>
            %and3A_651 = arith.andi %add3A_648, %and3A_650 : vector<16xi32>
            %add3A_652 = vector.broadcast %mul3A_185 : i32 to vector<16xi32>
            %add3A_653 = arith.addi %and3A_651, %add3A_652 : vector<16xi32>
            %add3A_654 = arith.constant 128 : i32
            %add3A_655 = vector.broadcast %add3A_654 : i32 to vector<16xi32>
            %add3A_656 = arith.addi %add3A_653, %add3A_655 : vector<16xi32>
            %gather3A_657 = tpu.vector_load_idx %arg10[%add3A_170, %add3A_656] : memref<32x256xf32, #tpu.memory_space<vmem>>[vector<16xi32>, vector<16xi32>], vector<16xf32>,
            %mul3A_658 = arith.mulf %add3A_632, %gather3A_657 : vector<16xf32>
            tpu.vector_store_idx %arg12[%add3A_170, %add3A_653], %mul3A_658 : memref<32x128xf32, #tpu.memory_space<vmem>>[vector<16xi32>, vector<16xi32>], vector<16xf32>,
            %add3A_659 = arith.constant 2 : i32
            %add3A_660 = vector.broadcast %add3A_659 : i32 to vector<16xi32>
            %add3A_661 = arith.addi %iota3A, %add3A_660 : vector<16xi32>
            %and3A_662 = arith.constant 31 : i32
            %and3A_663 = vector.broadcast %and3A_662 : i32 to vector<16xi32>
            %and3A_664 = arith.andi %add3A_661, %and3A_663 : vector<16xi32>
            %add3A_665 = vector.broadcast %mul3A_185 : i32 to vector<16xi32>
            %add3A_666 = arith.addi %and3A_664, %add3A_665 : vector<16xi32>
            %add3A_667 = arith.constant 128 : i32
            %add3A_668 = vector.broadcast %add3A_667 : i32 to vector<16xi32>
            %add3A_669 = arith.addi %add3A_666, %add3A_668 : vector<16xi32>
            %gather3A_670 = tpu.vector_load_idx %arg10[%add3A_170, %add3A_669] : memref<32x256xf32, #tpu.memory_space<vmem>>[vector<16xi32>, vector<16xi32>], vector<16xf32>,
            %mul3A_671 = arith.mulf %add3A_632, %gather3A_670 : vector<16xf32>
            tpu.vector_store_idx %arg12[%add3A_170, %add3A_666], %mul3A_671 : memref<32x128xf32, #tpu.memory_space<vmem>>[vector<16xi32>, vector<16xi32>], vector<16xf32>,
            %add3A_672 = arith.constant 3 : i32
            %add3A_673 = vector.broadcast %add3A_672 : i32 to vector<16xi32>
            %add3A_674 = arith.addi %iota3A, %add3A_673 : vector<16xi32>
            %and3A_675 = arith.constant 31 : i32
            %and3A_676 = vector.broadcast %and3A_675 : i32 to vector<16xi32>
            %and3A_677 = arith.andi %add3A_674, %and3A_676 : vector<16xi32>
            %add3A_678 = vector.broadcast %mul3A_185 : i32 to vector<16xi32>
            %add3A_679 = arith.addi %and3A_677, %add3A_678 : vector<16xi32>
            %add3A_680 = arith.constant 128 : i32
            %add3A_681 = vector.broadcast %add3A_680 : i32 to vector<16xi32>
            %add3A_682 = arith.addi %add3A_679, %add3A_681 : vector<16xi32>
            %gather3A_683 = tpu.vector_load_idx %arg10[%add3A_170, %add3A_682] : memref<32x256xf32, #tpu.memory_space<vmem>>[vector<16xi32>, vector<16xi32>], vector<16xf32>,
            %mul3A_684 = arith.mulf %add3A_632, %gather3A_683 : vector<16xf32>
            tpu.vector_store_idx %arg12[%add3A_170, %add3A_679], %mul3A_684 : memref<32x128xf32, #tpu.memory_space<vmem>>[vector<16xi32>, vector<16xi32>], vector<16xf32>,
            %add3A_685 = arith.constant 4 : i32
            %add3A_686 = vector.broadcast %add3A_685 : i32 to vector<16xi32>
            %add3A_687 = arith.addi %iota3A, %add3A_686 : vector<16xi32>
            %and3A_688 = arith.constant 31 : i32
            %and3A_689 = vector.broadcast %and3A_688 : i32 to vector<16xi32>
            %and3A_690 = arith.andi %add3A_687, %and3A_689 : vector<16xi32>
            %add3A_691 = vector.broadcast %mul3A_185 : i32 to vector<16xi32>
            %add3A_692 = arith.addi %and3A_690, %add3A_691 : vector<16xi32>
            %add3A_693 = arith.constant 128 : i32
            %add3A_694 = vector.broadcast %add3A_693 : i32 to vector<16xi32>
            %add3A_695 = arith.addi %add3A_692, %add3A_694 : vector<16xi32>
            %gather3A_696 = tpu.vector_load_idx %arg10[%add3A_170, %add3A_695] : memref<32x256xf32, #tpu.memory_space<vmem>>[vector<16xi32>, vector<16xi32>], vector<16xf32>,
            %mul3A_697 = arith.mulf %add3A_632, %gather3A_696 : vector<16xf32>
            tpu.vector_store_idx %arg12[%add3A_170, %add3A_692], %mul3A_697 : memref<32x128xf32, #tpu.memory_space<vmem>>[vector<16xi32>, vector<16xi32>], vector<16xf32>,
            %add3A_698 = arith.constant 5 : i32
            %add3A_699 = vector.broadcast %add3A_698 : i32 to vector<16xi32>
            %add3A_700 = arith.addi %iota3A, %add3A_699 : vector<16xi32>
            %and3A_701 = arith.constant 31 : i32
            %and3A_702 = vector.broadcast %and3A_701 : i32 to vector<16xi32>
            %and3A_703 = arith.andi %add3A_700, %and3A_702 : vector<16xi32>
            %add3A_704 = vector.broadcast %mul3A_185 : i32 to vector<16xi32>
            %add3A_705 = arith.addi %and3A_703, %add3A_704 : vector<16xi32>
            %add3A_706 = arith.constant 128 : i32
            %add3A_707 = vector.broadcast %add3A_706 : i32 to vector<16xi32>
            %add3A_708 = arith.addi %add3A_705, %add3A_707 : vector<16xi32>
            %gather3A_709 = tpu.vector_load_idx %arg10[%add3A_170, %add3A_708] : memref<32x256xf32, #tpu.memory_space<vmem>>[vector<16xi32>, vector<16xi32>], vector<16xf32>,
            %mul3A_710 = arith.mulf %add3A_632, %gather3A_709 : vector<16xf32>
            tpu.vector_store_idx %arg12[%add3A_170, %add3A_705], %mul3A_710 : memref<32x128xf32, #tpu.memory_space<vmem>>[vector<16xi32>, vector<16xi32>], vector<16xf32>,
            %add3A_711 = arith.constant 6 : i32
            %add3A_712 = vector.broadcast %add3A_711 : i32 to vector<16xi32>
            %add3A_713 = arith.addi %iota3A, %add3A_712 : vector<16xi32>
            %and3A_714 = arith.constant 31 : i32
            %and3A_715 = vector.broadcast %and3A_714 : i32 to vector<16xi32>
            %and3A_716 = arith.andi %add3A_713, %and3A_715 : vector<16xi32>
            %add3A_717 = vector.broadcast %mul3A_185 : i32 to vector<16xi32>
            %add3A_718 = arith.addi %and3A_716, %add3A_717 : vector<16xi32>
            %add3A_719 = arith.constant 128 : i32
            %add3A_720 = vector.broadcast %add3A_719 : i32 to vector<16xi32>
            %add3A_721 = arith.addi %add3A_718, %add3A_720 : vector<16xi32>
            %gather3A_722 = tpu.vector_load_idx %arg10[%add3A_170, %add3A_721] : memref<32x256xf32, #tpu.memory_space<vmem>>[vector<16xi32>, vector<16xi32>], vector<16xf32>,
            %mul3A_723 = arith.mulf %add3A_632, %gather3A_722 : vector<16xf32>
            tpu.vector_store_idx %arg12[%add3A_170, %add3A_718], %mul3A_723 : memref<32x128xf32, #tpu.memory_space<vmem>>[vector<16xi32>, vector<16xi32>], vector<16xf32>,
            %add3A_724 = arith.constant 7 : i32
            %add3A_725 = vector.broadcast %add3A_724 : i32 to vector<16xi32>
            %add3A_726 = arith.addi %iota3A, %add3A_725 : vector<16xi32>
            %and3A_727 = arith.constant 31 : i32
            %and3A_728 = vector.broadcast %and3A_727 : i32 to vector<16xi32>
            %and3A_729 = arith.andi %add3A_726, %and3A_728 : vector<16xi32>
            %add3A_730 = vector.broadcast %mul3A_185 : i32 to vector<16xi32>
            %add3A_731 = arith.addi %and3A_729, %add3A_730 : vector<16xi32>
            %add3A_732 = arith.constant 128 : i32
            %add3A_733 = vector.broadcast %add3A_732 : i32 to vector<16xi32>
            %add3A_734 = arith.addi %add3A_731, %add3A_733 : vector<16xi32>
            %gather3A_735 = tpu.vector_load_idx %arg10[%add3A_170, %add3A_734] : memref<32x256xf32, #tpu.memory_space<vmem>>[vector<16xi32>, vector<16xi32>], vector<16xf32>,
            %mul3A_736 = arith.mulf %add3A_632, %gather3A_735 : vector<16xf32>
            tpu.vector_store_idx %arg12[%add3A_170, %add3A_731], %mul3A_736 : memref<32x128xf32, #tpu.memory_space<vmem>>[vector<16xi32>, vector<16xi32>], vector<16xf32>,
            %add3A_737 = arith.constant 8 : i32
            %add3A_738 = vector.broadcast %add3A_737 : i32 to vector<16xi32>
            %add3A_739 = arith.addi %iota3A, %add3A_738 : vector<16xi32>
            %and3A_740 = arith.constant 31 : i32
            %and3A_741 = vector.broadcast %and3A_740 : i32 to vector<16xi32>
            %and3A_742 = arith.andi %add3A_739, %and3A_741 : vector<16xi32>
            %add3A_743 = vector.broadcast %mul3A_185 : i32 to vector<16xi32>
            %add3A_744 = arith.addi %and3A_742, %add3A_743 : vector<16xi32>
            %add3A_745 = arith.constant 128 : i32
            %add3A_746 = vector.broadcast %add3A_745 : i32 to vector<16xi32>
            %add3A_747 = arith.addi %add3A_744, %add3A_746 : vector<16xi32>
            %gather3A_748 = tpu.vector_load_idx %arg10[%add3A_170, %add3A_747] : memref<32x256xf32, #tpu.memory_space<vmem>>[vector<16xi32>, vector<16xi32>], vector<16xf32>,
            %mul3A_749 = arith.mulf %add3A_632, %gather3A_748 : vector<16xf32>
            tpu.vector_store_idx %arg12[%add3A_170, %add3A_744], %mul3A_749 : memref<32x128xf32, #tpu.memory_space<vmem>>[vector<16xi32>, vector<16xi32>], vector<16xf32>,
            %add3A_750 = arith.constant 9 : i32
            %add3A_751 = vector.broadcast %add3A_750 : i32 to vector<16xi32>
            %add3A_752 = arith.addi %iota3A, %add3A_751 : vector<16xi32>
            %and3A_753 = arith.constant 31 : i32
            %and3A_754 = vector.broadcast %and3A_753 : i32 to vector<16xi32>
            %and3A_755 = arith.andi %add3A_752, %and3A_754 : vector<16xi32>
            %add3A_756 = vector.broadcast %mul3A_185 : i32 to vector<16xi32>
            %add3A_757 = arith.addi %and3A_755, %add3A_756 : vector<16xi32>
            %add3A_758 = arith.constant 128 : i32
            %add3A_759 = vector.broadcast %add3A_758 : i32 to vector<16xi32>
            %add3A_760 = arith.addi %add3A_757, %add3A_759 : vector<16xi32>
            %gather3A_761 = tpu.vector_load_idx %arg10[%add3A_170, %add3A_760] : memref<32x256xf32, #tpu.memory_space<vmem>>[vector<16xi32>, vector<16xi32>], vector<16xf32>,
            %mul3A_762 = arith.mulf %add3A_632, %gather3A_761 : vector<16xf32>
            tpu.vector_store_idx %arg12[%add3A_170, %add3A_757], %mul3A_762 : memref<32x128xf32, #tpu.memory_space<vmem>>[vector<16xi32>, vector<16xi32>], vector<16xf32>,
            %add3A_763 = arith.constant 10 : i32
            %add3A_764 = vector.broadcast %add3A_763 : i32 to vector<16xi32>
            %add3A_765 = arith.addi %iota3A, %add3A_764 : vector<16xi32>
            %and3A_766 = arith.constant 31 : i32
            %and3A_767 = vector.broadcast %and3A_766 : i32 to vector<16xi32>
            %and3A_768 = arith.andi %add3A_765, %and3A_767 : vector<16xi32>
            %add3A_769 = vector.broadcast %mul3A_185 : i32 to vector<16xi32>
            %add3A_770 = arith.addi %and3A_768, %add3A_769 : vector<16xi32>
            %add3A_771 = arith.constant 128 : i32
            %add3A_772 = vector.broadcast %add3A_771 : i32 to vector<16xi32>
            %add3A_773 = arith.addi %add3A_770, %add3A_772 : vector<16xi32>
            %gather3A_774 = tpu.vector_load_idx %arg10[%add3A_170, %add3A_773] : memref<32x256xf32, #tpu.memory_space<vmem>>[vector<16xi32>, vector<16xi32>], vector<16xf32>,
            %mul3A_775 = arith.mulf %add3A_632, %gather3A_774 : vector<16xf32>
            tpu.vector_store_idx %arg12[%add3A_170, %add3A_770], %mul3A_775 : memref<32x128xf32, #tpu.memory_space<vmem>>[vector<16xi32>, vector<16xi32>], vector<16xf32>,
            %add3A_776 = arith.constant 11 : i32
            %add3A_777 = vector.broadcast %add3A_776 : i32 to vector<16xi32>
            %add3A_778 = arith.addi %iota3A, %add3A_777 : vector<16xi32>
            %and3A_779 = arith.constant 31 : i32
            %and3A_780 = vector.broadcast %and3A_779 : i32 to vector<16xi32>
            %and3A_781 = arith.andi %add3A_778, %and3A_780 : vector<16xi32>
            %add3A_782 = vector.broadcast %mul3A_185 : i32 to vector<16xi32>
            %add3A_783 = arith.addi %and3A_781, %add3A_782 : vector<16xi32>
            %add3A_784 = arith.constant 128 : i32
            %add3A_785 = vector.broadcast %add3A_784 : i32 to vector<16xi32>
            %add3A_786 = arith.addi %add3A_783, %add3A_785 : vector<16xi32>
            %gather3A_787 = tpu.vector_load_idx %arg10[%add3A_170, %add3A_786] : memref<32x256xf32, #tpu.memory_space<vmem>>[vector<16xi32>, vector<16xi32>], vector<16xf32>,
            %mul3A_788 = arith.mulf %add3A_632, %gather3A_787 : vector<16xf32>
            tpu.vector_store_idx %arg12[%add3A_170, %add3A_783], %mul3A_788 : memref<32x128xf32, #tpu.memory_space<vmem>>[vector<16xi32>, vector<16xi32>], vector<16xf32>,
            %add3A_789 = arith.constant 12 : i32
            %add3A_790 = vector.broadcast %add3A_789 : i32 to vector<16xi32>
            %add3A_791 = arith.addi %iota3A, %add3A_790 : vector<16xi32>
            %and3A_792 = arith.constant 31 : i32
            %and3A_793 = vector.broadcast %and3A_792 : i32 to vector<16xi32>
            %and3A_794 = arith.andi %add3A_791, %and3A_793 : vector<16xi32>
            %add3A_795 = vector.broadcast %mul3A_185 : i32 to vector<16xi32>
            %add3A_796 = arith.addi %and3A_794, %add3A_795 : vector<16xi32>
            %add3A_797 = arith.constant 128 : i32
            %add3A_798 = vector.broadcast %add3A_797 : i32 to vector<16xi32>
            %add3A_799 = arith.addi %add3A_796, %add3A_798 : vector<16xi32>
            %gather3A_800 = tpu.vector_load_idx %arg10[%add3A_170, %add3A_799] : memref<32x256xf32, #tpu.memory_space<vmem>>[vector<16xi32>, vector<16xi32>], vector<16xf32>,
            %mul3A_801 = arith.mulf %add3A_632, %gather3A_800 : vector<16xf32>
            tpu.vector_store_idx %arg12[%add3A_170, %add3A_796], %mul3A_801 : memref<32x128xf32, #tpu.memory_space<vmem>>[vector<16xi32>, vector<16xi32>], vector<16xf32>,
            %add3A_802 = arith.constant 13 : i32
            %add3A_803 = vector.broadcast %add3A_802 : i32 to vector<16xi32>
            %add3A_804 = arith.addi %iota3A, %add3A_803 : vector<16xi32>
            %and3A_805 = arith.constant 31 : i32
            %and3A_806 = vector.broadcast %and3A_805 : i32 to vector<16xi32>
            %and3A_807 = arith.andi %add3A_804, %and3A_806 : vector<16xi32>
            %add3A_808 = vector.broadcast %mul3A_185 : i32 to vector<16xi32>
            %add3A_809 = arith.addi %and3A_807, %add3A_808 : vector<16xi32>
            %add3A_810 = arith.constant 128 : i32
            %add3A_811 = vector.broadcast %add3A_810 : i32 to vector<16xi32>
            %add3A_812 = arith.addi %add3A_809, %add3A_811 : vector<16xi32>
            %gather3A_813 = tpu.vector_load_idx %arg10[%add3A_170, %add3A_812] : memref<32x256xf32, #tpu.memory_space<vmem>>[vector<16xi32>, vector<16xi32>], vector<16xf32>,
            %mul3A_814 = arith.mulf %add3A_632, %gather3A_813 : vector<16xf32>
            tpu.vector_store_idx %arg12[%add3A_170, %add3A_809], %mul3A_814 : memref<32x128xf32, #tpu.memory_space<vmem>>[vector<16xi32>, vector<16xi32>], vector<16xf32>,
            %add3A_815 = arith.constant 14 : i32
            %add3A_816 = vector.broadcast %add3A_815 : i32 to vector<16xi32>
            %add3A_817 = arith.addi %iota3A, %add3A_816 : vector<16xi32>
            %and3A_818 = arith.constant 31 : i32
            %and3A_819 = vector.broadcast %and3A_818 : i32 to vector<16xi32>
            %and3A_820 = arith.andi %add3A_817, %and3A_819 : vector<16xi32>
            %add3A_821 = vector.broadcast %mul3A_185 : i32 to vector<16xi32>
            %add3A_822 = arith.addi %and3A_820, %add3A_821 : vector<16xi32>
            %add3A_823 = arith.constant 128 : i32
            %add3A_824 = vector.broadcast %add3A_823 : i32 to vector<16xi32>
            %add3A_825 = arith.addi %add3A_822, %add3A_824 : vector<16xi32>
            %gather3A_826 = tpu.vector_load_idx %arg10[%add3A_170, %add3A_825] : memref<32x256xf32, #tpu.memory_space<vmem>>[vector<16xi32>, vector<16xi32>], vector<16xf32>,
            %mul3A_827 = arith.mulf %add3A_632, %gather3A_826 : vector<16xf32>
            tpu.vector_store_idx %arg12[%add3A_170, %add3A_822], %mul3A_827 : memref<32x128xf32, #tpu.memory_space<vmem>>[vector<16xi32>, vector<16xi32>], vector<16xf32>,
            %add3A_828 = arith.constant 15 : i32
            %add3A_829 = vector.broadcast %add3A_828 : i32 to vector<16xi32>
            %add3A_830 = arith.addi %iota3A, %add3A_829 : vector<16xi32>
            %and3A_831 = arith.constant 31 : i32
            %and3A_832 = vector.broadcast %and3A_831 : i32 to vector<16xi32>
            %and3A_833 = arith.andi %add3A_830, %and3A_832 : vector<16xi32>
            %add3A_834 = vector.broadcast %mul3A_185 : i32 to vector<16xi32>
            %add3A_835 = arith.addi %and3A_833, %add3A_834 : vector<16xi32>
            %add3A_836 = arith.constant 128 : i32
            %add3A_837 = vector.broadcast %add3A_836 : i32 to vector<16xi32>
            %add3A_838 = arith.addi %add3A_835, %add3A_837 : vector<16xi32>
            %gather3A_839 = tpu.vector_load_idx %arg10[%add3A_170, %add3A_838] : memref<32x256xf32, #tpu.memory_space<vmem>>[vector<16xi32>, vector<16xi32>], vector<16xf32>,
            %mul3A_840 = arith.mulf %add3A_632, %gather3A_839 : vector<16xf32>
            tpu.vector_store_idx %arg12[%add3A_170, %add3A_835], %mul3A_840 : memref<32x128xf32, #tpu.memory_space<vmem>>[vector<16xi32>, vector<16xi32>], vector<16xf32>,
            %add3A_841 = arith.constant 16 : i32
            %add3A_842 = vector.broadcast %add3A_841 : i32 to vector<16xi32>
            %add3A_843 = arith.addi %iota3A, %add3A_842 : vector<16xi32>
            %and3A_844 = arith.constant 31 : i32
            %and3A_845 = vector.broadcast %and3A_844 : i32 to vector<16xi32>
            %and3A_846 = arith.andi %add3A_843, %and3A_845 : vector<16xi32>
            %add3A_847 = vector.broadcast %mul3A_185 : i32 to vector<16xi32>
            %add3A_848 = arith.addi %and3A_846, %add3A_847 : vector<16xi32>
            %add3A_849 = arith.constant 128 : i32
            %add3A_850 = vector.broadcast %add3A_849 : i32 to vector<16xi32>
            %add3A_851 = arith.addi %add3A_848, %add3A_850 : vector<16xi32>
            %gather3A_852 = tpu.vector_load_idx %arg10[%add3A_170, %add3A_851] : memref<32x256xf32, #tpu.memory_space<vmem>>[vector<16xi32>, vector<16xi32>], vector<16xf32>,
            %mul3A_853 = arith.mulf %add3A_632, %gather3A_852 : vector<16xf32>
            tpu.vector_store_idx %arg12[%add3A_170, %add3A_848], %mul3A_853 : memref<32x128xf32, #tpu.memory_space<vmem>>[vector<16xi32>, vector<16xi32>], vector<16xf32>,
            %add3A_854 = arith.constant 17 : i32
            %add3A_855 = vector.broadcast %add3A_854 : i32 to vector<16xi32>
            %add3A_856 = arith.addi %iota3A, %add3A_855 : vector<16xi32>
            %and3A_857 = arith.constant 31 : i32
            %and3A_858 = vector.broadcast %and3A_857 : i32 to vector<16xi32>
            %and3A_859 = arith.andi %add3A_856, %and3A_858 : vector<16xi32>
            %add3A_860 = vector.broadcast %mul3A_185 : i32 to vector<16xi32>
            %add3A_861 = arith.addi %and3A_859, %add3A_860 : vector<16xi32>
            %add3A_862 = arith.constant 128 : i32
            %add3A_863 = vector.broadcast %add3A_862 : i32 to vector<16xi32>
            %add3A_864 = arith.addi %add3A_861, %add3A_863 : vector<16xi32>
            %gather3A_865 = tpu.vector_load_idx %arg10[%add3A_170, %add3A_864] : memref<32x256xf32, #tpu.memory_space<vmem>>[vector<16xi32>, vector<16xi32>], vector<16xf32>,
            %mul3A_866 = arith.mulf %add3A_632, %gather3A_865 : vector<16xf32>
            tpu.vector_store_idx %arg12[%add3A_170, %add3A_861], %mul3A_866 : memref<32x128xf32, #tpu.memory_space<vmem>>[vector<16xi32>, vector<16xi32>], vector<16xf32>,
            %add3A_867 = arith.constant 18 : i32
            %add3A_868 = vector.broadcast %add3A_867 : i32 to vector<16xi32>
            %add3A_869 = arith.addi %iota3A, %add3A_868 : vector<16xi32>
            %and3A_870 = arith.constant 31 : i32
            %and3A_871 = vector.broadcast %and3A_870 : i32 to vector<16xi32>
            %and3A_872 = arith.andi %add3A_869, %and3A_871 : vector<16xi32>
            %add3A_873 = vector.broadcast %mul3A_185 : i32 to vector<16xi32>
            %add3A_874 = arith.addi %and3A_872, %add3A_873 : vector<16xi32>
            %add3A_875 = arith.constant 128 : i32
            %add3A_876 = vector.broadcast %add3A_875 : i32 to vector<16xi32>
            %add3A_877 = arith.addi %add3A_874, %add3A_876 : vector<16xi32>
            %gather3A_878 = tpu.vector_load_idx %arg10[%add3A_170, %add3A_877] : memref<32x256xf32, #tpu.memory_space<vmem>>[vector<16xi32>, vector<16xi32>], vector<16xf32>,
            %mul3A_879 = arith.mulf %add3A_632, %gather3A_878 : vector<16xf32>
            tpu.vector_store_idx %arg12[%add3A_170, %add3A_874], %mul3A_879 : memref<32x128xf32, #tpu.memory_space<vmem>>[vector<16xi32>, vector<16xi32>], vector<16xf32>,
            %add3A_880 = arith.constant 19 : i32
            %add3A_881 = vector.broadcast %add3A_880 : i32 to vector<16xi32>
            %add3A_882 = arith.addi %iota3A, %add3A_881 : vector<16xi32>
            %and3A_883 = arith.constant 31 : i32
            %and3A_884 = vector.broadcast %and3A_883 : i32 to vector<16xi32>
            %and3A_885 = arith.andi %add3A_882, %and3A_884 : vector<16xi32>
            %add3A_886 = vector.broadcast %mul3A_185 : i32 to vector<16xi32>
            %add3A_887 = arith.addi %and3A_885, %add3A_886 : vector<16xi32>
            %add3A_888 = arith.constant 128 : i32
            %add3A_889 = vector.broadcast %add3A_888 : i32 to vector<16xi32>
            %add3A_890 = arith.addi %add3A_887, %add3A_889 : vector<16xi32>
            %gather3A_891 = tpu.vector_load_idx %arg10[%add3A_170, %add3A_890] : memref<32x256xf32, #tpu.memory_space<vmem>>[vector<16xi32>, vector<16xi32>], vector<16xf32>,
            %mul3A_892 = arith.mulf %add3A_632, %gather3A_891 : vector<16xf32>
            tpu.vector_store_idx %arg12[%add3A_170, %add3A_887], %mul3A_892 : memref<32x128xf32, #tpu.memory_space<vmem>>[vector<16xi32>, vector<16xi32>], vector<16xf32>,
            %add3A_893 = arith.constant 20 : i32
            %add3A_894 = vector.broadcast %add3A_893 : i32 to vector<16xi32>
            %add3A_895 = arith.addi %iota3A, %add3A_894 : vector<16xi32>
            %and3A_896 = arith.constant 31 : i32
            %and3A_897 = vector.broadcast %and3A_896 : i32 to vector<16xi32>
            %and3A_898 = arith.andi %add3A_895, %and3A_897 : vector<16xi32>
            %add3A_899 = vector.broadcast %mul3A_185 : i32 to vector<16xi32>
            %add3A_900 = arith.addi %and3A_898, %add3A_899 : vector<16xi32>
            %add3A_901 = arith.constant 128 : i32
            %add3A_902 = vector.broadcast %add3A_901 : i32 to vector<16xi32>
            %add3A_903 = arith.addi %add3A_900, %add3A_902 : vector<16xi32>
            %gather3A_904 = tpu.vector_load_idx %arg10[%add3A_170, %add3A_903] : memref<32x256xf32, #tpu.memory_space<vmem>>[vector<16xi32>, vector<16xi32>], vector<16xf32>,
            %mul3A_905 = arith.mulf %add3A_632, %gather3A_904 : vector<16xf32>
            tpu.vector_store_idx %arg12[%add3A_170, %add3A_900], %mul3A_905 : memref<32x128xf32, #tpu.memory_space<vmem>>[vector<16xi32>, vector<16xi32>], vector<16xf32>,
            %add3A_906 = arith.constant 21 : i32
            %add3A_907 = vector.broadcast %add3A_906 : i32 to vector<16xi32>
            %add3A_908 = arith.addi %iota3A, %add3A_907 : vector<16xi32>
            %and3A_909 = arith.constant 31 : i32
            %and3A_910 = vector.broadcast %and3A_909 : i32 to vector<16xi32>
            %and3A_911 = arith.andi %add3A_908, %and3A_910 : vector<16xi32>
            %add3A_912 = vector.broadcast %mul3A_185 : i32 to vector<16xi32>
            %add3A_913 = arith.addi %and3A_911, %add3A_912 : vector<16xi32>
            %add3A_914 = arith.constant 128 : i32
            %add3A_915 = vector.broadcast %add3A_914 : i32 to vector<16xi32>
            %add3A_916 = arith.addi %add3A_913, %add3A_915 : vector<16xi32>
            %gather3A_917 = tpu.vector_load_idx %arg10[%add3A_170, %add3A_916] : memref<32x256xf32, #tpu.memory_space<vmem>>[vector<16xi32>, vector<16xi32>], vector<16xf32>,
            %mul3A_918 = arith.mulf %add3A_632, %gather3A_917 : vector<16xf32>
            tpu.vector_store_idx %arg12[%add3A_170, %add3A_913], %mul3A_918 : memref<32x128xf32, #tpu.memory_space<vmem>>[vector<16xi32>, vector<16xi32>], vector<16xf32>,
            %add3A_919 = arith.constant 22 : i32
            %add3A_920 = vector.broadcast %add3A_919 : i32 to vector<16xi32>
            %add3A_921 = arith.addi %iota3A, %add3A_920 : vector<16xi32>
            %and3A_922 = arith.constant 31 : i32
            %and3A_923 = vector.broadcast %and3A_922 : i32 to vector<16xi32>
            %and3A_924 = arith.andi %add3A_921, %and3A_923 : vector<16xi32>
            %add3A_925 = vector.broadcast %mul3A_185 : i32 to vector<16xi32>
            %add3A_926 = arith.addi %and3A_924, %add3A_925 : vector<16xi32>
            %add3A_927 = arith.constant 128 : i32
            %add3A_928 = vector.broadcast %add3A_927 : i32 to vector<16xi32>
            %add3A_929 = arith.addi %add3A_926, %add3A_928 : vector<16xi32>
            %gather3A_930 = tpu.vector_load_idx %arg10[%add3A_170, %add3A_929] : memref<32x256xf32, #tpu.memory_space<vmem>>[vector<16xi32>, vector<16xi32>], vector<16xf32>,
            %mul3A_931 = arith.mulf %add3A_632, %gather3A_930 : vector<16xf32>
            tpu.vector_store_idx %arg12[%add3A_170, %add3A_926], %mul3A_931 : memref<32x128xf32, #tpu.memory_space<vmem>>[vector<16xi32>, vector<16xi32>], vector<16xf32>,
            %add3A_932 = arith.constant 23 : i32
            %add3A_933 = vector.broadcast %add3A_932 : i32 to vector<16xi32>
            %add3A_934 = arith.addi %iota3A, %add3A_933 : vector<16xi32>
            %and3A_935 = arith.constant 31 : i32
            %and3A_936 = vector.broadcast %and3A_935 : i32 to vector<16xi32>
            %and3A_937 = arith.andi %add3A_934, %and3A_936 : vector<16xi32>
            %add3A_938 = vector.broadcast %mul3A_185 : i32 to vector<16xi32>
            %add3A_939 = arith.addi %and3A_937, %add3A_938 : vector<16xi32>
            %add3A_940 = arith.constant 128 : i32
            %add3A_941 = vector.broadcast %add3A_940 : i32 to vector<16xi32>
            %add3A_942 = arith.addi %add3A_939, %add3A_941 : vector<16xi32>
            %gather3A_943 = tpu.vector_load_idx %arg10[%add3A_170, %add3A_942] : memref<32x256xf32, #tpu.memory_space<vmem>>[vector<16xi32>, vector<16xi32>], vector<16xf32>,
            %mul3A_944 = arith.mulf %add3A_632, %gather3A_943 : vector<16xf32>
            tpu.vector_store_idx %arg12[%add3A_170, %add3A_939], %mul3A_944 : memref<32x128xf32, #tpu.memory_space<vmem>>[vector<16xi32>, vector<16xi32>], vector<16xf32>,
            %add3A_945 = arith.constant 24 : i32
            %add3A_946 = vector.broadcast %add3A_945 : i32 to vector<16xi32>
            %add3A_947 = arith.addi %iota3A, %add3A_946 : vector<16xi32>
            %and3A_948 = arith.constant 31 : i32
            %and3A_949 = vector.broadcast %and3A_948 : i32 to vector<16xi32>
            %and3A_950 = arith.andi %add3A_947, %and3A_949 : vector<16xi32>
            %add3A_951 = vector.broadcast %mul3A_185 : i32 to vector<16xi32>
            %add3A_952 = arith.addi %and3A_950, %add3A_951 : vector<16xi32>
            %add3A_953 = arith.constant 128 : i32
            %add3A_954 = vector.broadcast %add3A_953 : i32 to vector<16xi32>
            %add3A_955 = arith.addi %add3A_952, %add3A_954 : vector<16xi32>
            %gather3A_956 = tpu.vector_load_idx %arg10[%add3A_170, %add3A_955] : memref<32x256xf32, #tpu.memory_space<vmem>>[vector<16xi32>, vector<16xi32>], vector<16xf32>,
            %mul3A_957 = arith.mulf %add3A_632, %gather3A_956 : vector<16xf32>
            tpu.vector_store_idx %arg12[%add3A_170, %add3A_952], %mul3A_957 : memref<32x128xf32, #tpu.memory_space<vmem>>[vector<16xi32>, vector<16xi32>], vector<16xf32>,
            %add3A_958 = arith.constant 25 : i32
            %add3A_959 = vector.broadcast %add3A_958 : i32 to vector<16xi32>
            %add3A_960 = arith.addi %iota3A, %add3A_959 : vector<16xi32>
            %and3A_961 = arith.constant 31 : i32
            %and3A_962 = vector.broadcast %and3A_961 : i32 to vector<16xi32>
            %and3A_963 = arith.andi %add3A_960, %and3A_962 : vector<16xi32>
            %add3A_964 = vector.broadcast %mul3A_185 : i32 to vector<16xi32>
            %add3A_965 = arith.addi %and3A_963, %add3A_964 : vector<16xi32>
            %add3A_966 = arith.constant 128 : i32
            %add3A_967 = vector.broadcast %add3A_966 : i32 to vector<16xi32>
            %add3A_968 = arith.addi %add3A_965, %add3A_967 : vector<16xi32>
            %gather3A_969 = tpu.vector_load_idx %arg10[%add3A_170, %add3A_968] : memref<32x256xf32, #tpu.memory_space<vmem>>[vector<16xi32>, vector<16xi32>], vector<16xf32>,
            %mul3A_970 = arith.mulf %add3A_632, %gather3A_969 : vector<16xf32>
            tpu.vector_store_idx %arg12[%add3A_170, %add3A_965], %mul3A_970 : memref<32x128xf32, #tpu.memory_space<vmem>>[vector<16xi32>, vector<16xi32>], vector<16xf32>,
            %add3A_971 = arith.constant 26 : i32
            %add3A_972 = vector.broadcast %add3A_971 : i32 to vector<16xi32>
            %add3A_973 = arith.addi %iota3A, %add3A_972 : vector<16xi32>
            %and3A_974 = arith.constant 31 : i32
            %and3A_975 = vector.broadcast %and3A_974 : i32 to vector<16xi32>
            %and3A_976 = arith.andi %add3A_973, %and3A_975 : vector<16xi32>
            %add3A_977 = vector.broadcast %mul3A_185 : i32 to vector<16xi32>
            %add3A_978 = arith.addi %and3A_976, %add3A_977 : vector<16xi32>
            %add3A_979 = arith.constant 128 : i32
            %add3A_980 = vector.broadcast %add3A_979 : i32 to vector<16xi32>
            %add3A_981 = arith.addi %add3A_978, %add3A_980 : vector<16xi32>
            %gather3A_982 = tpu.vector_load_idx %arg10[%add3A_170, %add3A_981] : memref<32x256xf32, #tpu.memory_space<vmem>>[vector<16xi32>, vector<16xi32>], vector<16xf32>,
            %mul3A_983 = arith.mulf %add3A_632, %gather3A_982 : vector<16xf32>
            tpu.vector_store_idx %arg12[%add3A_170, %add3A_978], %mul3A_983 : memref<32x128xf32, #tpu.memory_space<vmem>>[vector<16xi32>, vector<16xi32>], vector<16xf32>,
            %add3A_984 = arith.constant 27 : i32
            %add3A_985 = vector.broadcast %add3A_984 : i32 to vector<16xi32>
            %add3A_986 = arith.addi %iota3A, %add3A_985 : vector<16xi32>
            %and3A_987 = arith.constant 31 : i32
            %and3A_988 = vector.broadcast %and3A_987 : i32 to vector<16xi32>
            %and3A_989 = arith.andi %add3A_986, %and3A_988 : vector<16xi32>
            %add3A_990 = vector.broadcast %mul3A_185 : i32 to vector<16xi32>
            %add3A_991 = arith.addi %and3A_989, %add3A_990 : vector<16xi32>
            %add3A_992 = arith.constant 128 : i32
            %add3A_993 = vector.broadcast %add3A_992 : i32 to vector<16xi32>
            %add3A_994 = arith.addi %add3A_991, %add3A_993 : vector<16xi32>
            %gather3A_995 = tpu.vector_load_idx %arg10[%add3A_170, %add3A_994] : memref<32x256xf32, #tpu.memory_space<vmem>>[vector<16xi32>, vector<16xi32>], vector<16xf32>,
            %mul3A_996 = arith.mulf %add3A_632, %gather3A_995 : vector<16xf32>
            tpu.vector_store_idx %arg12[%add3A_170, %add3A_991], %mul3A_996 : memref<32x128xf32, #tpu.memory_space<vmem>>[vector<16xi32>, vector<16xi32>], vector<16xf32>,
            %add3A_997 = arith.constant 28 : i32
            %add3A_998 = vector.broadcast %add3A_997 : i32 to vector<16xi32>
            %add3A_999 = arith.addi %iota3A, %add3A_998 : vector<16xi32>
            %and3A_1000 = arith.constant 31 : i32
            %and3A_1001 = vector.broadcast %and3A_1000 : i32 to vector<16xi32>
            %and3A_1002 = arith.andi %add3A_999, %and3A_1001 : vector<16xi32>
            %add3A_1003 = vector.broadcast %mul3A_185 : i32 to vector<16xi32>
            %add3A_1004 = arith.addi %and3A_1002, %add3A_1003 : vector<16xi32>
            %add3A_1005 = arith.constant 128 : i32
            %add3A_1006 = vector.broadcast %add3A_1005 : i32 to vector<16xi32>
            %add3A_1007 = arith.addi %add3A_1004, %add3A_1006 : vector<16xi32>
            %gather3A_1008 = tpu.vector_load_idx %arg10[%add3A_170, %add3A_1007] : memref<32x256xf32, #tpu.memory_space<vmem>>[vector<16xi32>, vector<16xi32>], vector<16xf32>,
            %mul3A_1009 = arith.mulf %add3A_632, %gather3A_1008 : vector<16xf32>
            tpu.vector_store_idx %arg12[%add3A_170, %add3A_1004], %mul3A_1009 : memref<32x128xf32, #tpu.memory_space<vmem>>[vector<16xi32>, vector<16xi32>], vector<16xf32>,
            %add3A_1010 = arith.constant 29 : i32
            %add3A_1011 = vector.broadcast %add3A_1010 : i32 to vector<16xi32>
            %add3A_1012 = arith.addi %iota3A, %add3A_1011 : vector<16xi32>
            %and3A_1013 = arith.constant 31 : i32
            %and3A_1014 = vector.broadcast %and3A_1013 : i32 to vector<16xi32>
            %and3A_1015 = arith.andi %add3A_1012, %and3A_1014 : vector<16xi32>
            %add3A_1016 = vector.broadcast %mul3A_185 : i32 to vector<16xi32>
            %add3A_1017 = arith.addi %and3A_1015, %add3A_1016 : vector<16xi32>
            %add3A_1018 = arith.constant 128 : i32
            %add3A_1019 = vector.broadcast %add3A_1018 : i32 to vector<16xi32>
            %add3A_1020 = arith.addi %add3A_1017, %add3A_1019 : vector<16xi32>
            %gather3A_1021 = tpu.vector_load_idx %arg10[%add3A_170, %add3A_1020] : memref<32x256xf32, #tpu.memory_space<vmem>>[vector<16xi32>, vector<16xi32>], vector<16xf32>,
            %mul3A_1022 = arith.mulf %add3A_632, %gather3A_1021 : vector<16xf32>
            tpu.vector_store_idx %arg12[%add3A_170, %add3A_1017], %mul3A_1022 : memref<32x128xf32, #tpu.memory_space<vmem>>[vector<16xi32>, vector<16xi32>], vector<16xf32>,
            %add3A_1023 = arith.constant 30 : i32
            %add3A_1024 = vector.broadcast %add3A_1023 : i32 to vector<16xi32>
            %add3A_1025 = arith.addi %iota3A, %add3A_1024 : vector<16xi32>
            %and3A_1026 = arith.constant 31 : i32
            %and3A_1027 = vector.broadcast %and3A_1026 : i32 to vector<16xi32>
            %and3A_1028 = arith.andi %add3A_1025, %and3A_1027 : vector<16xi32>
            %add3A_1029 = vector.broadcast %mul3A_185 : i32 to vector<16xi32>
            %add3A_1030 = arith.addi %and3A_1028, %add3A_1029 : vector<16xi32>
            %add3A_1031 = arith.constant 128 : i32
            %add3A_1032 = vector.broadcast %add3A_1031 : i32 to vector<16xi32>
            %add3A_1033 = arith.addi %add3A_1030, %add3A_1032 : vector<16xi32>
            %gather3A_1034 = tpu.vector_load_idx %arg10[%add3A_170, %add3A_1033] : memref<32x256xf32, #tpu.memory_space<vmem>>[vector<16xi32>, vector<16xi32>], vector<16xf32>,
            %mul3A_1035 = arith.mulf %add3A_632, %gather3A_1034 : vector<16xf32>
            tpu.vector_store_idx %arg12[%add3A_170, %add3A_1030], %mul3A_1035 : memref<32x128xf32, #tpu.memory_space<vmem>>[vector<16xi32>, vector<16xi32>], vector<16xf32>,
            %add3A_1036 = arith.constant 31 : i32
            %add3A_1037 = vector.broadcast %add3A_1036 : i32 to vector<16xi32>
            %add3A_1038 = arith.addi %iota3A, %add3A_1037 : vector<16xi32>
            %and3A_1039 = arith.constant 31 : i32
            %and3A_1040 = vector.broadcast %and3A_1039 : i32 to vector<16xi32>
            %and3A_1041 = arith.andi %add3A_1038, %and3A_1040 : vector<16xi32>
            %add3A_1042 = vector.broadcast %mul3A_185 : i32 to vector<16xi32>
            %add3A_1043 = arith.addi %and3A_1041, %add3A_1042 : vector<16xi32>
            %add3A_1044 = arith.constant 128 : i32
            %add3A_1045 = vector.broadcast %add3A_1044 : i32 to vector<16xi32>
            %add3A_1046 = arith.addi %add3A_1043, %add3A_1045 : vector<16xi32>
            %gather3A_1047 = tpu.vector_load_idx %arg10[%add3A_170, %add3A_1046] : memref<32x256xf32, #tpu.memory_space<vmem>>[vector<16xi32>, vector<16xi32>], vector<16xf32>,
            %mul3A_1048 = arith.mulf %add3A_632, %gather3A_1047 : vector<16xf32>
            tpu.vector_store_idx %arg12[%add3A_170, %add3A_1043], %mul3A_1048 : memref<32x128xf32, #tpu.memory_space<vmem>>[vector<16xi32>, vector<16xi32>], vector<16xf32>,
          }
          %scan3A_182 = arith.constant 4 : i32
        }
        %scan3A_109 = arith.constant 2 : i32
        %dma_start3A_110 = arith.constant 2 : i32
        %dma_start3A_111 = arith.constant 0 : i32
        %dma_start3A_112 = tpu.memref_slice %arg14[%dma_start3A_110, %add3A_53, %dma_start3A_111] : memref<4x16x32xi32, #tpu.memory_space<vmem>> -> memref<1x1x32xi32, #tpu.memory_space<vmem>>
        %dma_start3A_113 = tpu.memref_squeeze %dma_start3A_112 : memref<1x1x32xi32, #tpu.memory_space<vmem>> -> memref<32xi32, #tpu.memory_space<vmem>>
        %dma_start3A_114 = arith.constant 0 : i32
        %dma_start3A_115 = arith.constant 0 : i32
        %dma_start3A_116 = tpu.memref_slice %arg15[%dma_start3A_114, %dma_start3A_115] : memref<10112x128xf32, #tpu.memory_space<vmem_shared>> -> memref<10112x128xf32, #tpu.memory_space<vmem_shared>>
        tpu.enqueue_indirect_dma source(%arg12 : memref<32x128xf32, #tpu.memory_space<vmem>>) target(%dma_start3A_116 : memref<10112x128xf32, #tpu.memory_space<vmem_shared>>) offsets(%dma_start3A_113 : memref<32xi32, #tpu.memory_space<vmem>>) semaphore(%arg18 : memref<!tpu.dma_semaphore, #tpu.memory_space<semaphore_mem>>) {add = true}
        %mul3A_117 = arith.constant 2 : i32
        %mul3A_118 = arith.muli %scan3A_50, %mul3A_117 : i32
        %add3A_119 = arith.constant 1 : i32
        %add3A_120 = arith.addi %mul3A_118, %add3A_119 : i32
        %dma_wait3A_121 = arith.constant 1 : i32
        %dma_wait3A_122 = arith.constant 0 : i32
        %dma_wait3A_123 = tpu.memref_slice %arg14[%dma_wait3A_121, %add3A_120, %dma_wait3A_122] : memref<4x16x32xi32, #tpu.memory_space<vmem>> -> memref<1x1x32xi32, #tpu.memory_space<vmem>>
        %dma_wait3A_124 = tpu.memref_squeeze %dma_wait3A_123 : memref<1x1x32xi32, #tpu.memory_space<vmem>> -> memref<32xi32, #tpu.memory_space<vmem>>
        %dma_wait3A_125 = arith.constant 0 : i32
        %dma_wait3A_126 = arith.constant 0 : i32
        %dma_wait3A_127 = tpu.memref_slice %arg2[%arg0, %dma_wait3A_125, %dma_wait3A_126] : memref<2x10000x128xf32, #tpu.memory_space<hbm>> -> memref<1x10000x128xf32, #tpu.memory_space<hbm>>
        %dma_wait3A_128 = tpu.memref_squeeze %dma_wait3A_127 : memref<1x10000x128xf32, #tpu.memory_space<hbm>> -> memref<10000x128xf32, #tpu.memory_space<hbm>>
        %dma_wait3A_129 = arith.constant 0 : i32
        %dma_wait3A_130 = arith.constant 0 : i32
        %dma_wait3A_131 = tpu.memref_slice %dma_wait3A_128[%dma_wait3A_129, %dma_wait3A_130] : memref<10000x128xf32, #tpu.memory_space<hbm>> -> memref<10000x128xf32, #tpu.memory_space<hbm>>
        tpu.wait_indirect_dma semaphore(%arg17 : memref<!tpu.dma_semaphore, #tpu.memory_space<semaphore_mem>>) src(%dma_wait3A_131 : memref<10000x128xf32, #tpu.memory_space<hbm>>) dst(%arg9 : memref<32x128xf32, #tpu.memory_space<vmem>>)
        %dma_wait3A_132 = arith.constant 0 : i32
        %dma_wait3A_133 = arith.constant 0 : i32
        %dma_wait3A_134 = tpu.memref_slice %arg14[%dma_wait3A_132, %add3A_120, %dma_wait3A_133] : memref<4x16x32xi32, #tpu.memory_space<vmem>> -> memref<1x1x32xi32, #tpu.memory_space<vmem>>
        %dma_wait3A_135 = tpu.memref_squeeze %dma_wait3A_134 : memref<1x1x32xi32, #tpu.memory_space<vmem>> -> memref<32xi32, #tpu.memory_space<vmem>>
        %dma_wait3A_136 = arith.constant 0 : i32
        %dma_wait3A_137 = arith.constant 0 : i32
        %dma_wait3A_138 = tpu.memref_slice %arg3[%arg0, %dma_wait3A_136, %dma_wait3A_137] : memref<2x10000x256xf32, #tpu.memory_space<hbm>> -> memref<1x10000x256xf32, #tpu.memory_space<hbm>>
        %dma_wait3A_139 = tpu.memref_squeeze %dma_wait3A_138 : memref<1x10000x256xf32, #tpu.memory_space<hbm>> -> memref<10000x256xf32, #tpu.memory_space<hbm>>
        %dma_wait3A_140 = arith.constant 0 : i32
        %dma_wait3A_141 = arith.constant 0 : i32
        %dma_wait3A_142 = tpu.memref_slice %dma_wait3A_139[%dma_wait3A_140, %dma_wait3A_141] : memref<10000x256xf32, #tpu.memory_space<hbm>> -> memref<10000x256xf32, #tpu.memory_space<hbm>>
        tpu.wait_indirect_dma semaphore(%arg17 : memref<!tpu.dma_semaphore, #tpu.memory_space<semaphore_mem>>) src(%dma_wait3A_142 : memref<10000x256xf32, #tpu.memory_space<hbm>>) dst(%arg11 : memref<32x256xf32, #tpu.memory_space<vmem>>)
        %lt3A = arith.constant 7 : i32
        %lt3A_143 = arith.cmpi slt, %scan3A_50, %lt3A : i32
        %convert_element_type3A_144 = arith.extui %lt3A_143 : i1 to i32
        %cond3A_145 = arith.constant 0 : i32
        %cond3A_146 = arith.cmpi ne, %convert_element_type3A_144, %cond3A_145 : i32
        scf.if %cond3A_146 {
          %add3A_166 = arith.constant 1 : i32
          %add3A_167 = arith.addi %add3A_120, %add3A_166 : i32
          %dma_start3A_168 = arith.constant 1 : i32
          %dma_start3A_169 = arith.constant 0 : i32
          %dma_start3A_170 = tpu.memref_slice %arg14[%dma_start3A_168, %add3A_167, %dma_start3A_169] : memref<4x16x32xi32, #tpu.memory_space<vmem>> -> memref<1x1x32xi32, #tpu.memory_space<vmem>>
          %dma_start3A_171 = tpu.memref_squeeze %dma_start3A_170 : memref<1x1x32xi32, #tpu.memory_space<vmem>> -> memref<32xi32, #tpu.memory_space<vmem>>
          %dma_start3A_172 = arith.constant 0 : i32
          %dma_start3A_173 = arith.constant 0 : i32
          %dma_start3A_174 = tpu.memref_slice %arg2[%arg0, %dma_start3A_172, %dma_start3A_173] : memref<2x10000x128xf32, #tpu.memory_space<hbm>> -> memref<1x10000x128xf32, #tpu.memory_space<hbm>>
          %dma_start3A_175 = tpu.memref_squeeze %dma_start3A_174 : memref<1x10000x128xf32, #tpu.memory_space<hbm>> -> memref<10000x128xf32, #tpu.memory_space<hbm>>
          %dma_start3A_176 = arith.constant 0 : i32
          %dma_start3A_177 = arith.constant 0 : i32
          %dma_start3A_178 = tpu.memref_slice %dma_start3A_175[%dma_start3A_176, %dma_start3A_177] : memref<10000x128xf32, #tpu.memory_space<hbm>> -> memref<10000x128xf32, #tpu.memory_space<hbm>>
          tpu.enqueue_indirect_dma source(%dma_start3A_178 : memref<10000x128xf32, #tpu.memory_space<hbm>>) target(%arg8 : memref<32x128xf32, #tpu.memory_space<vmem>>) offsets(%dma_start3A_171 : memref<32xi32, #tpu.memory_space<vmem>>) semaphore(%arg16 : memref<!tpu.dma_semaphore, #tpu.memory_space<semaphore_mem>>)
          %dma_start3A_179 = arith.constant 0 : i32
          %dma_start3A_180 = arith.constant 0 : i32
          %dma_start3A_181 = tpu.memref_slice %arg14[%dma_start3A_179, %add3A_167, %dma_start3A_180] : memref<4x16x32xi32, #tpu.memory_space<vmem>> -> memref<1x1x32xi32, #tpu.memory_space<vmem>>
          %dma_start3A_182 = tpu.memref_squeeze %dma_start3A_181 : memref<1x1x32xi32, #tpu.memory_space<vmem>> -> memref<32xi32, #tpu.memory_space<vmem>>
          %dma_start3A_183 = arith.constant 0 : i32
          %dma_start3A_184 = arith.constant 0 : i32
          %dma_start3A_185 = tpu.memref_slice %arg3[%arg0, %dma_start3A_183, %dma_start3A_184] : memref<2x10000x256xf32, #tpu.memory_space<hbm>> -> memref<1x10000x256xf32, #tpu.memory_space<hbm>>
          %dma_start3A_186 = tpu.memref_squeeze %dma_start3A_185 : memref<1x10000x256xf32, #tpu.memory_space<hbm>> -> memref<10000x256xf32, #tpu.memory_space<hbm>>
          %dma_start3A_187 = arith.constant 0 : i32
          %dma_start3A_188 = arith.constant 0 : i32
          %dma_start3A_189 = tpu.memref_slice %dma_start3A_186[%dma_start3A_187, %dma_start3A_188] : memref<10000x256xf32, #tpu.memory_space<hbm>> -> memref<10000x256xf32, #tpu.memory_space<hbm>>
          tpu.enqueue_indirect_dma source(%dma_start3A_189 : memref<10000x256xf32, #tpu.memory_space<hbm>>) target(%arg10 : memref<32x256xf32, #tpu.memory_space<vmem>>) offsets(%dma_start3A_182 : memref<32xi32, #tpu.memory_space<vmem>>) semaphore(%arg16 : memref<!tpu.dma_semaphore, #tpu.memory_space<semaphore_mem>>)
        } else {
        }
        %dma_wait3A_147 = arith.constant 0 : i32
        %dma_wait3A_148 = arith.constant 0 : i32
        %dma_wait3A_149 = tpu.memref_slice %arg6[%dma_wait3A_147, %dma_wait3A_148] : memref<10112x128xf32, #tpu.memory_space<hbm>> -> memref<32x128xf32, #tpu.memory_space<hbm>>
        %dma_wait3A_150 = arith.constant 0 : i32
        %dma_wait3A_151 = arith.constant 0 : i32
        %dma_wait3A_152 = tpu.memref_slice %arg6[%dma_wait3A_150, %dma_wait3A_151] : memref<10112x128xf32, #tpu.memory_space<hbm>> -> memref<32x128xf32, #tpu.memory_space<hbm>>
        tpu.wait_dma2 semaphore(%arg18 : memref<!tpu.dma_semaphore, #tpu.memory_space<semaphore_mem>>) src(%dma_wait3A_152 : memref<32x128xf32, #tpu.memory_space<hbm>>) dst(%arg12 : memref<32x128xf32, #tpu.memory_space<vmem>>)
        %scan3A_153 = arith.constant 0 : i32
        %scan3A_154 = arith.constant 0 : i32
        %scan3A_155 = arith.constant 2 : i32
        %scan3A_156 = arith.addi %scan3A_154, %scan3A_155 : i32
        %scan3A_157 = arith.constant 1 : i32
        scf.for %scan3A_166 = %scan3A_154 to %scan3A_156 step %scan3A_157  : i32 {
          %mul3A_167 = arith.constant 16 : i32
          %mul3A_168 = arith.muli %scan3A_166, %mul3A_167 : i32
          %add3A_169 = vector.broadcast %mul3A_168 : i32 to vector<16xi32>
          %add3A_170 = arith.addi %iota3A, %add3A_169 : vector<16xi32>
          %mul3A_171 = arith.constant 16 : i32
          %mul3A_172 = arith.muli %scan3A_166, %mul3A_171 : i32
          %multiple_of3A = tpu.assume_multiple %mul3A_172, 16 : i32
          %get3A = arith.constant 3 : i32
          %get3A_173 = arith.index_cast %get3A : i32 to index
          %get3A_174 = arith.index_cast %add3A_120 : i32 to index
          %get3A_175 = arith.index_cast %multiple_of3A : i32 to index
          %get3A_176 = tpu.vector_load %arg14[%get3A_173, %get3A_174, %get3A_175] {strides = array<i32>} : memref<4x16x32xi32, #tpu.memory_space<vmem>>, vector<16xi32>,
          %scan3A_177 = arith.constant 0 : i32
          %scan3A_178 = arith.constant 0 : i32
          %scan3A_179 = arith.constant 4 : i32
          %scan3A_180 = arith.addi %scan3A_178, %scan3A_179 : i32
          %scan3A_181 = arith.constant 1 : i32
          scf.for %scan3A_183 = %scan3A_178 to %scan3A_180 step %scan3A_181  : i32 {
            %mul3A_184 = arith.constant 32 : i32
            %mul3A_185 = arith.muli %scan3A_183, %mul3A_184 : i32
            %broadcast_in_dim3A = arith.constant 0.000000e+00 : f32
            %broadcast_in_dim3A_186 = vector.broadcast %broadcast_in_dim3A : f32 to vector<16xf32>
            %add3A_187 = arith.constant 0 : i32
            %add3A_188 = vector.broadcast %add3A_187 : i32 to vector<16xi32>
            %add3A_189 = arith.addi %iota3A, %add3A_188 : vector<16xi32>
            %and3A = arith.constant 31 : i32
            %and3A_190 = vector.broadcast %and3A : i32 to vector<16xi32>
            %and3A_191 = arith.andi %add3A_189, %and3A_190 : vector<16xi32>
            %add3A_192 = vector.broadcast %mul3A_185 : i32 to vector<16xi32>
            %add3A_193 = arith.addi %and3A_191, %add3A_192 : vector<16xi32>
            %gather3A = tpu.vector_load_idx %arg9[%add3A_170, %add3A_193] : memref<32x128xf32, #tpu.memory_space<vmem>>[vector<16xi32>, vector<16xi32>], vector<16xf32>,
            %gather3A_194 = tpu.vector_load_idx %arg11[%add3A_170, %add3A_193] : memref<32x256xf32, #tpu.memory_space<vmem>>[vector<16xi32>, vector<16xi32>], vector<16xf32>,
            %gather3A_195 = tpu.vector_load_idx %arg13[%get3A_176, %add3A_193] : memref<27x128xf32, #tpu.memory_space<vmem>>[vector<16xi32>, vector<16xi32>], vector<16xf32>,
            %add3A_196 = arith.addf %gather3A_194, %gather3A_195 : vector<16xf32>
            %mul3A_197 = arith.mulf %gather3A, %add3A_196 : vector<16xf32>
            %add3A_198 = arith.addf %broadcast_in_dim3A_186, %mul3A_197 : vector<16xf32>
            %add3A_199 = arith.constant 1 : i32
            %add3A_200 = vector.broadcast %add3A_199 : i32 to vector<16xi32>
            %add3A_201 = arith.addi %iota3A, %add3A_200 : vector<16xi32>
            %and3A_202 = arith.constant 31 : i32
            %and3A_203 = vector.broadcast %and3A_202 : i32 to vector<16xi32>
            %and3A_204 = arith.andi %add3A_201, %and3A_203 : vector<16xi32>
            %add3A_205 = vector.broadcast %mul3A_185 : i32 to vector<16xi32>
            %add3A_206 = arith.addi %and3A_204, %add3A_205 : vector<16xi32>
            %gather3A_207 = tpu.vector_load_idx %arg9[%add3A_170, %add3A_206] : memref<32x128xf32, #tpu.memory_space<vmem>>[vector<16xi32>, vector<16xi32>], vector<16xf32>,
            %gather3A_208 = tpu.vector_load_idx %arg11[%add3A_170, %add3A_206] : memref<32x256xf32, #tpu.memory_space<vmem>>[vector<16xi32>, vector<16xi32>], vector<16xf32>,
            %gather3A_209 = tpu.vector_load_idx %arg13[%get3A_176, %add3A_206] : memref<27x128xf32, #tpu.memory_space<vmem>>[vector<16xi32>, vector<16xi32>], vector<16xf32>,
            %add3A_210 = arith.addf %gather3A_208, %gather3A_209 : vector<16xf32>
            %mul3A_211 = arith.mulf %gather3A_207, %add3A_210 : vector<16xf32>
            %add3A_212 = arith.addf %add3A_198, %mul3A_211 : vector<16xf32>
            %add3A_213 = arith.constant 2 : i32
            %add3A_214 = vector.broadcast %add3A_213 : i32 to vector<16xi32>
            %add3A_215 = arith.addi %iota3A, %add3A_214 : vector<16xi32>
            %and3A_216 = arith.constant 31 : i32
            %and3A_217 = vector.broadcast %and3A_216 : i32 to vector<16xi32>
            %and3A_218 = arith.andi %add3A_215, %and3A_217 : vector<16xi32>
            %add3A_219 = vector.broadcast %mul3A_185 : i32 to vector<16xi32>
            %add3A_220 = arith.addi %and3A_218, %add3A_219 : vector<16xi32>
            %gather3A_221 = tpu.vector_load_idx %arg9[%add3A_170, %add3A_220] : memref<32x128xf32, #tpu.memory_space<vmem>>[vector<16xi32>, vector<16xi32>], vector<16xf32>,
            %gather3A_222 = tpu.vector_load_idx %arg11[%add3A_170, %add3A_220] : memref<32x256xf32, #tpu.memory_space<vmem>>[vector<16xi32>, vector<16xi32>], vector<16xf32>,
            %gather3A_223 = tpu.vector_load_idx %arg13[%get3A_176, %add3A_220] : memref<27x128xf32, #tpu.memory_space<vmem>>[vector<16xi32>, vector<16xi32>], vector<16xf32>,
            %add3A_224 = arith.addf %gather3A_222, %gather3A_223 : vector<16xf32>
            %mul3A_225 = arith.mulf %gather3A_221, %add3A_224 : vector<16xf32>
            %add3A_226 = arith.addf %add3A_212, %mul3A_225 : vector<16xf32>
            %add3A_227 = arith.constant 3 : i32
            %add3A_228 = vector.broadcast %add3A_227 : i32 to vector<16xi32>
            %add3A_229 = arith.addi %iota3A, %add3A_228 : vector<16xi32>
            %and3A_230 = arith.constant 31 : i32
            %and3A_231 = vector.broadcast %and3A_230 : i32 to vector<16xi32>
            %and3A_232 = arith.andi %add3A_229, %and3A_231 : vector<16xi32>
            %add3A_233 = vector.broadcast %mul3A_185 : i32 to vector<16xi32>
            %add3A_234 = arith.addi %and3A_232, %add3A_233 : vector<16xi32>
            %gather3A_235 = tpu.vector_load_idx %arg9[%add3A_170, %add3A_234] : memref<32x128xf32, #tpu.memory_space<vmem>>[vector<16xi32>, vector<16xi32>], vector<16xf32>,
            %gather3A_236 = tpu.vector_load_idx %arg11[%add3A_170, %add3A_234] : memref<32x256xf32, #tpu.memory_space<vmem>>[vector<16xi32>, vector<16xi32>], vector<16xf32>,
            %gather3A_237 = tpu.vector_load_idx %arg13[%get3A_176, %add3A_234] : memref<27x128xf32, #tpu.memory_space<vmem>>[vector<16xi32>, vector<16xi32>], vector<16xf32>,
            %add3A_238 = arith.addf %gather3A_236, %gather3A_237 : vector<16xf32>
            %mul3A_239 = arith.mulf %gather3A_235, %add3A_238 : vector<16xf32>
            %add3A_240 = arith.addf %add3A_226, %mul3A_239 : vector<16xf32>
            %add3A_241 = arith.constant 4 : i32
            %add3A_242 = vector.broadcast %add3A_241 : i32 to vector<16xi32>
            %add3A_243 = arith.addi %iota3A, %add3A_242 : vector<16xi32>
            %and3A_244 = arith.constant 31 : i32
            %and3A_245 = vector.broadcast %and3A_244 : i32 to vector<16xi32>
            %and3A_246 = arith.andi %add3A_243, %and3A_245 : vector<16xi32>
            %add3A_247 = vector.broadcast %mul3A_185 : i32 to vector<16xi32>
            %add3A_248 = arith.addi %and3A_246, %add3A_247 : vector<16xi32>
            %gather3A_249 = tpu.vector_load_idx %arg9[%add3A_170, %add3A_248] : memref<32x128xf32, #tpu.memory_space<vmem>>[vector<16xi32>, vector<16xi32>], vector<16xf32>,
            %gather3A_250 = tpu.vector_load_idx %arg11[%add3A_170, %add3A_248] : memref<32x256xf32, #tpu.memory_space<vmem>>[vector<16xi32>, vector<16xi32>], vector<16xf32>,
            %gather3A_251 = tpu.vector_load_idx %arg13[%get3A_176, %add3A_248] : memref<27x128xf32, #tpu.memory_space<vmem>>[vector<16xi32>, vector<16xi32>], vector<16xf32>,
            %add3A_252 = arith.addf %gather3A_250, %gather3A_251 : vector<16xf32>
            %mul3A_253 = arith.mulf %gather3A_249, %add3A_252 : vector<16xf32>
            %add3A_254 = arith.addf %add3A_240, %mul3A_253 : vector<16xf32>
            %add3A_255 = arith.constant 5 : i32
            %add3A_256 = vector.broadcast %add3A_255 : i32 to vector<16xi32>
            %add3A_257 = arith.addi %iota3A, %add3A_256 : vector<16xi32>
            %and3A_258 = arith.constant 31 : i32
            %and3A_259 = vector.broadcast %and3A_258 : i32 to vector<16xi32>
            %and3A_260 = arith.andi %add3A_257, %and3A_259 : vector<16xi32>
            %add3A_261 = vector.broadcast %mul3A_185 : i32 to vector<16xi32>
            %add3A_262 = arith.addi %and3A_260, %add3A_261 : vector<16xi32>
            %gather3A_263 = tpu.vector_load_idx %arg9[%add3A_170, %add3A_262] : memref<32x128xf32, #tpu.memory_space<vmem>>[vector<16xi32>, vector<16xi32>], vector<16xf32>,
            %gather3A_264 = tpu.vector_load_idx %arg11[%add3A_170, %add3A_262] : memref<32x256xf32, #tpu.memory_space<vmem>>[vector<16xi32>, vector<16xi32>], vector<16xf32>,
            %gather3A_265 = tpu.vector_load_idx %arg13[%get3A_176, %add3A_262] : memref<27x128xf32, #tpu.memory_space<vmem>>[vector<16xi32>, vector<16xi32>], vector<16xf32>,
            %add3A_266 = arith.addf %gather3A_264, %gather3A_265 : vector<16xf32>
            %mul3A_267 = arith.mulf %gather3A_263, %add3A_266 : vector<16xf32>
            %add3A_268 = arith.addf %add3A_254, %mul3A_267 : vector<16xf32>
            %add3A_269 = arith.constant 6 : i32
            %add3A_270 = vector.broadcast %add3A_269 : i32 to vector<16xi32>
            %add3A_271 = arith.addi %iota3A, %add3A_270 : vector<16xi32>
            %and3A_272 = arith.constant 31 : i32
            %and3A_273 = vector.broadcast %and3A_272 : i32 to vector<16xi32>
            %and3A_274 = arith.andi %add3A_271, %and3A_273 : vector<16xi32>
            %add3A_275 = vector.broadcast %mul3A_185 : i32 to vector<16xi32>
            %add3A_276 = arith.addi %and3A_274, %add3A_275 : vector<16xi32>
            %gather3A_277 = tpu.vector_load_idx %arg9[%add3A_170, %add3A_276] : memref<32x128xf32, #tpu.memory_space<vmem>>[vector<16xi32>, vector<16xi32>], vector<16xf32>,
            %gather3A_278 = tpu.vector_load_idx %arg11[%add3A_170, %add3A_276] : memref<32x256xf32, #tpu.memory_space<vmem>>[vector<16xi32>, vector<16xi32>], vector<16xf32>,
            %gather3A_279 = tpu.vector_load_idx %arg13[%get3A_176, %add3A_276] : memref<27x128xf32, #tpu.memory_space<vmem>>[vector<16xi32>, vector<16xi32>], vector<16xf32>,
            %add3A_280 = arith.addf %gather3A_278, %gather3A_279 : vector<16xf32>
            %mul3A_281 = arith.mulf %gather3A_277, %add3A_280 : vector<16xf32>
            %add3A_282 = arith.addf %add3A_268, %mul3A_281 : vector<16xf32>
            %add3A_283 = arith.constant 7 : i32
            %add3A_284 = vector.broadcast %add3A_283 : i32 to vector<16xi32>
            %add3A_285 = arith.addi %iota3A, %add3A_284 : vector<16xi32>
            %and3A_286 = arith.constant 31 : i32
            %and3A_287 = vector.broadcast %and3A_286 : i32 to vector<16xi32>
            %and3A_288 = arith.andi %add3A_285, %and3A_287 : vector<16xi32>
            %add3A_289 = vector.broadcast %mul3A_185 : i32 to vector<16xi32>
            %add3A_290 = arith.addi %and3A_288, %add3A_289 : vector<16xi32>
            %gather3A_291 = tpu.vector_load_idx %arg9[%add3A_170, %add3A_290] : memref<32x128xf32, #tpu.memory_space<vmem>>[vector<16xi32>, vector<16xi32>], vector<16xf32>,
            %gather3A_292 = tpu.vector_load_idx %arg11[%add3A_170, %add3A_290] : memref<32x256xf32, #tpu.memory_space<vmem>>[vector<16xi32>, vector<16xi32>], vector<16xf32>,
            %gather3A_293 = tpu.vector_load_idx %arg13[%get3A_176, %add3A_290] : memref<27x128xf32, #tpu.memory_space<vmem>>[vector<16xi32>, vector<16xi32>], vector<16xf32>,
            %add3A_294 = arith.addf %gather3A_292, %gather3A_293 : vector<16xf32>
            %mul3A_295 = arith.mulf %gather3A_291, %add3A_294 : vector<16xf32>
            %add3A_296 = arith.addf %add3A_282, %mul3A_295 : vector<16xf32>
            %add3A_297 = arith.constant 8 : i32
            %add3A_298 = vector.broadcast %add3A_297 : i32 to vector<16xi32>
            %add3A_299 = arith.addi %iota3A, %add3A_298 : vector<16xi32>
            %and3A_300 = arith.constant 31 : i32
            %and3A_301 = vector.broadcast %and3A_300 : i32 to vector<16xi32>
            %and3A_302 = arith.andi %add3A_299, %and3A_301 : vector<16xi32>
            %add3A_303 = vector.broadcast %mul3A_185 : i32 to vector<16xi32>
            %add3A_304 = arith.addi %and3A_302, %add3A_303 : vector<16xi32>
            %gather3A_305 = tpu.vector_load_idx %arg9[%add3A_170, %add3A_304] : memref<32x128xf32, #tpu.memory_space<vmem>>[vector<16xi32>, vector<16xi32>], vector<16xf32>,
            %gather3A_306 = tpu.vector_load_idx %arg11[%add3A_170, %add3A_304] : memref<32x256xf32, #tpu.memory_space<vmem>>[vector<16xi32>, vector<16xi32>], vector<16xf32>,
            %gather3A_307 = tpu.vector_load_idx %arg13[%get3A_176, %add3A_304] : memref<27x128xf32, #tpu.memory_space<vmem>>[vector<16xi32>, vector<16xi32>], vector<16xf32>,
            %add3A_308 = arith.addf %gather3A_306, %gather3A_307 : vector<16xf32>
            %mul3A_309 = arith.mulf %gather3A_305, %add3A_308 : vector<16xf32>
            %add3A_310 = arith.addf %add3A_296, %mul3A_309 : vector<16xf32>
            %add3A_311 = arith.constant 9 : i32
            %add3A_312 = vector.broadcast %add3A_311 : i32 to vector<16xi32>
            %add3A_313 = arith.addi %iota3A, %add3A_312 : vector<16xi32>
            %and3A_314 = arith.constant 31 : i32
            %and3A_315 = vector.broadcast %and3A_314 : i32 to vector<16xi32>
            %and3A_316 = arith.andi %add3A_313, %and3A_315 : vector<16xi32>
            %add3A_317 = vector.broadcast %mul3A_185 : i32 to vector<16xi32>
            %add3A_318 = arith.addi %and3A_316, %add3A_317 : vector<16xi32>
            %gather3A_319 = tpu.vector_load_idx %arg9[%add3A_170, %add3A_318] : memref<32x128xf32, #tpu.memory_space<vmem>>[vector<16xi32>, vector<16xi32>], vector<16xf32>,
            %gather3A_320 = tpu.vector_load_idx %arg11[%add3A_170, %add3A_318] : memref<32x256xf32, #tpu.memory_space<vmem>>[vector<16xi32>, vector<16xi32>], vector<16xf32>,
            %gather3A_321 = tpu.vector_load_idx %arg13[%get3A_176, %add3A_318] : memref<27x128xf32, #tpu.memory_space<vmem>>[vector<16xi32>, vector<16xi32>], vector<16xf32>,
            %add3A_322 = arith.addf %gather3A_320, %gather3A_321 : vector<16xf32>
            %mul3A_323 = arith.mulf %gather3A_319, %add3A_322 : vector<16xf32>
            %add3A_324 = arith.addf %add3A_310, %mul3A_323 : vector<16xf32>
            %add3A_325 = arith.constant 10 : i32
            %add3A_326 = vector.broadcast %add3A_325 : i32 to vector<16xi32>
            %add3A_327 = arith.addi %iota3A, %add3A_326 : vector<16xi32>
            %and3A_328 = arith.constant 31 : i32
            %and3A_329 = vector.broadcast %and3A_328 : i32 to vector<16xi32>
            %and3A_330 = arith.andi %add3A_327, %and3A_329 : vector<16xi32>
            %add3A_331 = vector.broadcast %mul3A_185 : i32 to vector<16xi32>
            %add3A_332 = arith.addi %and3A_330, %add3A_331 : vector<16xi32>
            %gather3A_333 = tpu.vector_load_idx %arg9[%add3A_170, %add3A_332] : memref<32x128xf32, #tpu.memory_space<vmem>>[vector<16xi32>, vector<16xi32>], vector<16xf32>,
            %gather3A_334 = tpu.vector_load_idx %arg11[%add3A_170, %add3A_332] : memref<32x256xf32, #tpu.memory_space<vmem>>[vector<16xi32>, vector<16xi32>], vector<16xf32>,
            %gather3A_335 = tpu.vector_load_idx %arg13[%get3A_176, %add3A_332] : memref<27x128xf32, #tpu.memory_space<vmem>>[vector<16xi32>, vector<16xi32>], vector<16xf32>,
            %add3A_336 = arith.addf %gather3A_334, %gather3A_335 : vector<16xf32>
            %mul3A_337 = arith.mulf %gather3A_333, %add3A_336 : vector<16xf32>
            %add3A_338 = arith.addf %add3A_324, %mul3A_337 : vector<16xf32>
            %add3A_339 = arith.constant 11 : i32
            %add3A_340 = vector.broadcast %add3A_339 : i32 to vector<16xi32>
            %add3A_341 = arith.addi %iota3A, %add3A_340 : vector<16xi32>
            %and3A_342 = arith.constant 31 : i32
            %and3A_343 = vector.broadcast %and3A_342 : i32 to vector<16xi32>
            %and3A_344 = arith.andi %add3A_341, %and3A_343 : vector<16xi32>
            %add3A_345 = vector.broadcast %mul3A_185 : i32 to vector<16xi32>
            %add3A_346 = arith.addi %and3A_344, %add3A_345 : vector<16xi32>
            %gather3A_347 = tpu.vector_load_idx %arg9[%add3A_170, %add3A_346] : memref<32x128xf32, #tpu.memory_space<vmem>>[vector<16xi32>, vector<16xi32>], vector<16xf32>,
            %gather3A_348 = tpu.vector_load_idx %arg11[%add3A_170, %add3A_346] : memref<32x256xf32, #tpu.memory_space<vmem>>[vector<16xi32>, vector<16xi32>], vector<16xf32>,
            %gather3A_349 = tpu.vector_load_idx %arg13[%get3A_176, %add3A_346] : memref<27x128xf32, #tpu.memory_space<vmem>>[vector<16xi32>, vector<16xi32>], vector<16xf32>,
            %add3A_350 = arith.addf %gather3A_348, %gather3A_349 : vector<16xf32>
            %mul3A_351 = arith.mulf %gather3A_347, %add3A_350 : vector<16xf32>
            %add3A_352 = arith.addf %add3A_338, %mul3A_351 : vector<16xf32>
            %add3A_353 = arith.constant 12 : i32
            %add3A_354 = vector.broadcast %add3A_353 : i32 to vector<16xi32>
            %add3A_355 = arith.addi %iota3A, %add3A_354 : vector<16xi32>
            %and3A_356 = arith.constant 31 : i32
            %and3A_357 = vector.broadcast %and3A_356 : i32 to vector<16xi32>
            %and3A_358 = arith.andi %add3A_355, %and3A_357 : vector<16xi32>
            %add3A_359 = vector.broadcast %mul3A_185 : i32 to vector<16xi32>
            %add3A_360 = arith.addi %and3A_358, %add3A_359 : vector<16xi32>
            %gather3A_361 = tpu.vector_load_idx %arg9[%add3A_170, %add3A_360] : memref<32x128xf32, #tpu.memory_space<vmem>>[vector<16xi32>, vector<16xi32>], vector<16xf32>,
            %gather3A_362 = tpu.vector_load_idx %arg11[%add3A_170, %add3A_360] : memref<32x256xf32, #tpu.memory_space<vmem>>[vector<16xi32>, vector<16xi32>], vector<16xf32>,
            %gather3A_363 = tpu.vector_load_idx %arg13[%get3A_176, %add3A_360] : memref<27x128xf32, #tpu.memory_space<vmem>>[vector<16xi32>, vector<16xi32>], vector<16xf32>,
            %add3A_364 = arith.addf %gather3A_362, %gather3A_363 : vector<16xf32>
            %mul3A_365 = arith.mulf %gather3A_361, %add3A_364 : vector<16xf32>
            %add3A_366 = arith.addf %add3A_352, %mul3A_365 : vector<16xf32>
            %add3A_367 = arith.constant 13 : i32
            %add3A_368 = vector.broadcast %add3A_367 : i32 to vector<16xi32>
            %add3A_369 = arith.addi %iota3A, %add3A_368 : vector<16xi32>
            %and3A_370 = arith.constant 31 : i32
            %and3A_371 = vector.broadcast %and3A_370 : i32 to vector<16xi32>
            %and3A_372 = arith.andi %add3A_369, %and3A_371 : vector<16xi32>
            %add3A_373 = vector.broadcast %mul3A_185 : i32 to vector<16xi32>
            %add3A_374 = arith.addi %and3A_372, %add3A_373 : vector<16xi32>
            %gather3A_375 = tpu.vector_load_idx %arg9[%add3A_170, %add3A_374] : memref<32x128xf32, #tpu.memory_space<vmem>>[vector<16xi32>, vector<16xi32>], vector<16xf32>,
            %gather3A_376 = tpu.vector_load_idx %arg11[%add3A_170, %add3A_374] : memref<32x256xf32, #tpu.memory_space<vmem>>[vector<16xi32>, vector<16xi32>], vector<16xf32>,
            %gather3A_377 = tpu.vector_load_idx %arg13[%get3A_176, %add3A_374] : memref<27x128xf32, #tpu.memory_space<vmem>>[vector<16xi32>, vector<16xi32>], vector<16xf32>,
            %add3A_378 = arith.addf %gather3A_376, %gather3A_377 : vector<16xf32>
            %mul3A_379 = arith.mulf %gather3A_375, %add3A_378 : vector<16xf32>
            %add3A_380 = arith.addf %add3A_366, %mul3A_379 : vector<16xf32>
            %add3A_381 = arith.constant 14 : i32
            %add3A_382 = vector.broadcast %add3A_381 : i32 to vector<16xi32>
            %add3A_383 = arith.addi %iota3A, %add3A_382 : vector<16xi32>
            %and3A_384 = arith.constant 31 : i32
            %and3A_385 = vector.broadcast %and3A_384 : i32 to vector<16xi32>
            %and3A_386 = arith.andi %add3A_383, %and3A_385 : vector<16xi32>
            %add3A_387 = vector.broadcast %mul3A_185 : i32 to vector<16xi32>
            %add3A_388 = arith.addi %and3A_386, %add3A_387 : vector<16xi32>
            %gather3A_389 = tpu.vector_load_idx %arg9[%add3A_170, %add3A_388] : memref<32x128xf32, #tpu.memory_space<vmem>>[vector<16xi32>, vector<16xi32>], vector<16xf32>,
            %gather3A_390 = tpu.vector_load_idx %arg11[%add3A_170, %add3A_388] : memref<32x256xf32, #tpu.memory_space<vmem>>[vector<16xi32>, vector<16xi32>], vector<16xf32>,
            %gather3A_391 = tpu.vector_load_idx %arg13[%get3A_176, %add3A_388] : memref<27x128xf32, #tpu.memory_space<vmem>>[vector<16xi32>, vector<16xi32>], vector<16xf32>,
            %add3A_392 = arith.addf %gather3A_390, %gather3A_391 : vector<16xf32>
            %mul3A_393 = arith.mulf %gather3A_389, %add3A_392 : vector<16xf32>
            %add3A_394 = arith.addf %add3A_380, %mul3A_393 : vector<16xf32>
            %add3A_395 = arith.constant 15 : i32
            %add3A_396 = vector.broadcast %add3A_395 : i32 to vector<16xi32>
            %add3A_397 = arith.addi %iota3A, %add3A_396 : vector<16xi32>
            %and3A_398 = arith.constant 31 : i32
            %and3A_399 = vector.broadcast %and3A_398 : i32 to vector<16xi32>
            %and3A_400 = arith.andi %add3A_397, %and3A_399 : vector<16xi32>
            %add3A_401 = vector.broadcast %mul3A_185 : i32 to vector<16xi32>
            %add3A_402 = arith.addi %and3A_400, %add3A_401 : vector<16xi32>
            %gather3A_403 = tpu.vector_load_idx %arg9[%add3A_170, %add3A_402] : memref<32x128xf32, #tpu.memory_space<vmem>>[vector<16xi32>, vector<16xi32>], vector<16xf32>,
            %gather3A_404 = tpu.vector_load_idx %arg11[%add3A_170, %add3A_402] : memref<32x256xf32, #tpu.memory_space<vmem>>[vector<16xi32>, vector<16xi32>], vector<16xf32>,
            %gather3A_405 = tpu.vector_load_idx %arg13[%get3A_176, %add3A_402] : memref<27x128xf32, #tpu.memory_space<vmem>>[vector<16xi32>, vector<16xi32>], vector<16xf32>,
            %add3A_406 = arith.addf %gather3A_404, %gather3A_405 : vector<16xf32>
            %mul3A_407 = arith.mulf %gather3A_403, %add3A_406 : vector<16xf32>
            %add3A_408 = arith.addf %add3A_394, %mul3A_407 : vector<16xf32>
            %add3A_409 = arith.constant 16 : i32
            %add3A_410 = vector.broadcast %add3A_409 : i32 to vector<16xi32>
            %add3A_411 = arith.addi %iota3A, %add3A_410 : vector<16xi32>
            %and3A_412 = arith.constant 31 : i32
            %and3A_413 = vector.broadcast %and3A_412 : i32 to vector<16xi32>
            %and3A_414 = arith.andi %add3A_411, %and3A_413 : vector<16xi32>
            %add3A_415 = vector.broadcast %mul3A_185 : i32 to vector<16xi32>
            %add3A_416 = arith.addi %and3A_414, %add3A_415 : vector<16xi32>
            %gather3A_417 = tpu.vector_load_idx %arg9[%add3A_170, %add3A_416] : memref<32x128xf32, #tpu.memory_space<vmem>>[vector<16xi32>, vector<16xi32>], vector<16xf32>,
            %gather3A_418 = tpu.vector_load_idx %arg11[%add3A_170, %add3A_416] : memref<32x256xf32, #tpu.memory_space<vmem>>[vector<16xi32>, vector<16xi32>], vector<16xf32>,
            %gather3A_419 = tpu.vector_load_idx %arg13[%get3A_176, %add3A_416] : memref<27x128xf32, #tpu.memory_space<vmem>>[vector<16xi32>, vector<16xi32>], vector<16xf32>,
            %add3A_420 = arith.addf %gather3A_418, %gather3A_419 : vector<16xf32>
            %mul3A_421 = arith.mulf %gather3A_417, %add3A_420 : vector<16xf32>
            %add3A_422 = arith.addf %add3A_408, %mul3A_421 : vector<16xf32>
            %add3A_423 = arith.constant 17 : i32
            %add3A_424 = vector.broadcast %add3A_423 : i32 to vector<16xi32>
            %add3A_425 = arith.addi %iota3A, %add3A_424 : vector<16xi32>
            %and3A_426 = arith.constant 31 : i32
            %and3A_427 = vector.broadcast %and3A_426 : i32 to vector<16xi32>
            %and3A_428 = arith.andi %add3A_425, %and3A_427 : vector<16xi32>
            %add3A_429 = vector.broadcast %mul3A_185 : i32 to vector<16xi32>
            %add3A_430 = arith.addi %and3A_428, %add3A_429 : vector<16xi32>
            %gather3A_431 = tpu.vector_load_idx %arg9[%add3A_170, %add3A_430] : memref<32x128xf32, #tpu.memory_space<vmem>>[vector<16xi32>, vector<16xi32>], vector<16xf32>,
            %gather3A_432 = tpu.vector_load_idx %arg11[%add3A_170, %add3A_430] : memref<32x256xf32, #tpu.memory_space<vmem>>[vector<16xi32>, vector<16xi32>], vector<16xf32>,
            %gather3A_433 = tpu.vector_load_idx %arg13[%get3A_176, %add3A_430] : memref<27x128xf32, #tpu.memory_space<vmem>>[vector<16xi32>, vector<16xi32>], vector<16xf32>,
            %add3A_434 = arith.addf %gather3A_432, %gather3A_433 : vector<16xf32>
            %mul3A_435 = arith.mulf %gather3A_431, %add3A_434 : vector<16xf32>
            %add3A_436 = arith.addf %add3A_422, %mul3A_435 : vector<16xf32>
            %add3A_437 = arith.constant 18 : i32
            %add3A_438 = vector.broadcast %add3A_437 : i32 to vector<16xi32>
            %add3A_439 = arith.addi %iota3A, %add3A_438 : vector<16xi32>
            %and3A_440 = arith.constant 31 : i32
            %and3A_441 = vector.broadcast %and3A_440 : i32 to vector<16xi32>
            %and3A_442 = arith.andi %add3A_439, %and3A_441 : vector<16xi32>
            %add3A_443 = vector.broadcast %mul3A_185 : i32 to vector<16xi32>
            %add3A_444 = arith.addi %and3A_442, %add3A_443 : vector<16xi32>
            %gather3A_445 = tpu.vector_load_idx %arg9[%add3A_170, %add3A_444] : memref<32x128xf32, #tpu.memory_space<vmem>>[vector<16xi32>, vector<16xi32>], vector<16xf32>,
            %gather3A_446 = tpu.vector_load_idx %arg11[%add3A_170, %add3A_444] : memref<32x256xf32, #tpu.memory_space<vmem>>[vector<16xi32>, vector<16xi32>], vector<16xf32>,
            %gather3A_447 = tpu.vector_load_idx %arg13[%get3A_176, %add3A_444] : memref<27x128xf32, #tpu.memory_space<vmem>>[vector<16xi32>, vector<16xi32>], vector<16xf32>,
            %add3A_448 = arith.addf %gather3A_446, %gather3A_447 : vector<16xf32>
            %mul3A_449 = arith.mulf %gather3A_445, %add3A_448 : vector<16xf32>
            %add3A_450 = arith.addf %add3A_436, %mul3A_449 : vector<16xf32>
            %add3A_451 = arith.constant 19 : i32
            %add3A_452 = vector.broadcast %add3A_451 : i32 to vector<16xi32>
            %add3A_453 = arith.addi %iota3A, %add3A_452 : vector<16xi32>
            %and3A_454 = arith.constant 31 : i32
            %and3A_455 = vector.broadcast %and3A_454 : i32 to vector<16xi32>
            %and3A_456 = arith.andi %add3A_453, %and3A_455 : vector<16xi32>
            %add3A_457 = vector.broadcast %mul3A_185 : i32 to vector<16xi32>
            %add3A_458 = arith.addi %and3A_456, %add3A_457 : vector<16xi32>
            %gather3A_459 = tpu.vector_load_idx %arg9[%add3A_170, %add3A_458] : memref<32x128xf32, #tpu.memory_space<vmem>>[vector<16xi32>, vector<16xi32>], vector<16xf32>,
            %gather3A_460 = tpu.vector_load_idx %arg11[%add3A_170, %add3A_458] : memref<32x256xf32, #tpu.memory_space<vmem>>[vector<16xi32>, vector<16xi32>], vector<16xf32>,
            %gather3A_461 = tpu.vector_load_idx %arg13[%get3A_176, %add3A_458] : memref<27x128xf32, #tpu.memory_space<vmem>>[vector<16xi32>, vector<16xi32>], vector<16xf32>,
            %add3A_462 = arith.addf %gather3A_460, %gather3A_461 : vector<16xf32>
            %mul3A_463 = arith.mulf %gather3A_459, %add3A_462 : vector<16xf32>
            %add3A_464 = arith.addf %add3A_450, %mul3A_463 : vector<16xf32>
            %add3A_465 = arith.constant 20 : i32
            %add3A_466 = vector.broadcast %add3A_465 : i32 to vector<16xi32>
            %add3A_467 = arith.addi %iota3A, %add3A_466 : vector<16xi32>
            %and3A_468 = arith.constant 31 : i32
            %and3A_469 = vector.broadcast %and3A_468 : i32 to vector<16xi32>
            %and3A_470 = arith.andi %add3A_467, %and3A_469 : vector<16xi32>
            %add3A_471 = vector.broadcast %mul3A_185 : i32 to vector<16xi32>
            %add3A_472 = arith.addi %and3A_470, %add3A_471 : vector<16xi32>
            %gather3A_473 = tpu.vector_load_idx %arg9[%add3A_170, %add3A_472] : memref<32x128xf32, #tpu.memory_space<vmem>>[vector<16xi32>, vector<16xi32>], vector<16xf32>,
            %gather3A_474 = tpu.vector_load_idx %arg11[%add3A_170, %add3A_472] : memref<32x256xf32, #tpu.memory_space<vmem>>[vector<16xi32>, vector<16xi32>], vector<16xf32>,
            %gather3A_475 = tpu.vector_load_idx %arg13[%get3A_176, %add3A_472] : memref<27x128xf32, #tpu.memory_space<vmem>>[vector<16xi32>, vector<16xi32>], vector<16xf32>,
            %add3A_476 = arith.addf %gather3A_474, %gather3A_475 : vector<16xf32>
            %mul3A_477 = arith.mulf %gather3A_473, %add3A_476 : vector<16xf32>
            %add3A_478 = arith.addf %add3A_464, %mul3A_477 : vector<16xf32>
            %add3A_479 = arith.constant 21 : i32
            %add3A_480 = vector.broadcast %add3A_479 : i32 to vector<16xi32>
            %add3A_481 = arith.addi %iota3A, %add3A_480 : vector<16xi32>
            %and3A_482 = arith.constant 31 : i32
            %and3A_483 = vector.broadcast %and3A_482 : i32 to vector<16xi32>
            %and3A_484 = arith.andi %add3A_481, %and3A_483 : vector<16xi32>
            %add3A_485 = vector.broadcast %mul3A_185 : i32 to vector<16xi32>
            %add3A_486 = arith.addi %and3A_484, %add3A_485 : vector<16xi32>
            %gather3A_487 = tpu.vector_load_idx %arg9[%add3A_170, %add3A_486] : memref<32x128xf32, #tpu.memory_space<vmem>>[vector<16xi32>, vector<16xi32>], vector<16xf32>,
            %gather3A_488 = tpu.vector_load_idx %arg11[%add3A_170, %add3A_486] : memref<32x256xf32, #tpu.memory_space<vmem>>[vector<16xi32>, vector<16xi32>], vector<16xf32>,
            %gather3A_489 = tpu.vector_load_idx %arg13[%get3A_176, %add3A_486] : memref<27x128xf32, #tpu.memory_space<vmem>>[vector<16xi32>, vector<16xi32>], vector<16xf32>,
            %add3A_490 = arith.addf %gather3A_488, %gather3A_489 : vector<16xf32>
            %mul3A_491 = arith.mulf %gather3A_487, %add3A_490 : vector<16xf32>
            %add3A_492 = arith.addf %add3A_478, %mul3A_491 : vector<16xf32>
            %add3A_493 = arith.constant 22 : i32
            %add3A_494 = vector.broadcast %add3A_493 : i32 to vector<16xi32>
            %add3A_495 = arith.addi %iota3A, %add3A_494 : vector<16xi32>
            %and3A_496 = arith.constant 31 : i32
            %and3A_497 = vector.broadcast %and3A_496 : i32 to vector<16xi32>
            %and3A_498 = arith.andi %add3A_495, %and3A_497 : vector<16xi32>
            %add3A_499 = vector.broadcast %mul3A_185 : i32 to vector<16xi32>
            %add3A_500 = arith.addi %and3A_498, %add3A_499 : vector<16xi32>
            %gather3A_501 = tpu.vector_load_idx %arg9[%add3A_170, %add3A_500] : memref<32x128xf32, #tpu.memory_space<vmem>>[vector<16xi32>, vector<16xi32>], vector<16xf32>,
            %gather3A_502 = tpu.vector_load_idx %arg11[%add3A_170, %add3A_500] : memref<32x256xf32, #tpu.memory_space<vmem>>[vector<16xi32>, vector<16xi32>], vector<16xf32>,
            %gather3A_503 = tpu.vector_load_idx %arg13[%get3A_176, %add3A_500] : memref<27x128xf32, #tpu.memory_space<vmem>>[vector<16xi32>, vector<16xi32>], vector<16xf32>,
            %add3A_504 = arith.addf %gather3A_502, %gather3A_503 : vector<16xf32>
            %mul3A_505 = arith.mulf %gather3A_501, %add3A_504 : vector<16xf32>
            %add3A_506 = arith.addf %add3A_492, %mul3A_505 : vector<16xf32>
            %add3A_507 = arith.constant 23 : i32
            %add3A_508 = vector.broadcast %add3A_507 : i32 to vector<16xi32>
            %add3A_509 = arith.addi %iota3A, %add3A_508 : vector<16xi32>
            %and3A_510 = arith.constant 31 : i32
            %and3A_511 = vector.broadcast %and3A_510 : i32 to vector<16xi32>
            %and3A_512 = arith.andi %add3A_509, %and3A_511 : vector<16xi32>
            %add3A_513 = vector.broadcast %mul3A_185 : i32 to vector<16xi32>
            %add3A_514 = arith.addi %and3A_512, %add3A_513 : vector<16xi32>
            %gather3A_515 = tpu.vector_load_idx %arg9[%add3A_170, %add3A_514] : memref<32x128xf32, #tpu.memory_space<vmem>>[vector<16xi32>, vector<16xi32>], vector<16xf32>,
            %gather3A_516 = tpu.vector_load_idx %arg11[%add3A_170, %add3A_514] : memref<32x256xf32, #tpu.memory_space<vmem>>[vector<16xi32>, vector<16xi32>], vector<16xf32>,
            %gather3A_517 = tpu.vector_load_idx %arg13[%get3A_176, %add3A_514] : memref<27x128xf32, #tpu.memory_space<vmem>>[vector<16xi32>, vector<16xi32>], vector<16xf32>,
            %add3A_518 = arith.addf %gather3A_516, %gather3A_517 : vector<16xf32>
            %mul3A_519 = arith.mulf %gather3A_515, %add3A_518 : vector<16xf32>
            %add3A_520 = arith.addf %add3A_506, %mul3A_519 : vector<16xf32>
            %add3A_521 = arith.constant 24 : i32
            %add3A_522 = vector.broadcast %add3A_521 : i32 to vector<16xi32>
            %add3A_523 = arith.addi %iota3A, %add3A_522 : vector<16xi32>
            %and3A_524 = arith.constant 31 : i32
            %and3A_525 = vector.broadcast %and3A_524 : i32 to vector<16xi32>
            %and3A_526 = arith.andi %add3A_523, %and3A_525 : vector<16xi32>
            %add3A_527 = vector.broadcast %mul3A_185 : i32 to vector<16xi32>
            %add3A_528 = arith.addi %and3A_526, %add3A_527 : vector<16xi32>
            %gather3A_529 = tpu.vector_load_idx %arg9[%add3A_170, %add3A_528] : memref<32x128xf32, #tpu.memory_space<vmem>>[vector<16xi32>, vector<16xi32>], vector<16xf32>,
            %gather3A_530 = tpu.vector_load_idx %arg11[%add3A_170, %add3A_528] : memref<32x256xf32, #tpu.memory_space<vmem>>[vector<16xi32>, vector<16xi32>], vector<16xf32>,
            %gather3A_531 = tpu.vector_load_idx %arg13[%get3A_176, %add3A_528] : memref<27x128xf32, #tpu.memory_space<vmem>>[vector<16xi32>, vector<16xi32>], vector<16xf32>,
            %add3A_532 = arith.addf %gather3A_530, %gather3A_531 : vector<16xf32>
            %mul3A_533 = arith.mulf %gather3A_529, %add3A_532 : vector<16xf32>
            %add3A_534 = arith.addf %add3A_520, %mul3A_533 : vector<16xf32>
            %add3A_535 = arith.constant 25 : i32
            %add3A_536 = vector.broadcast %add3A_535 : i32 to vector<16xi32>
            %add3A_537 = arith.addi %iota3A, %add3A_536 : vector<16xi32>
            %and3A_538 = arith.constant 31 : i32
            %and3A_539 = vector.broadcast %and3A_538 : i32 to vector<16xi32>
            %and3A_540 = arith.andi %add3A_537, %and3A_539 : vector<16xi32>
            %add3A_541 = vector.broadcast %mul3A_185 : i32 to vector<16xi32>
            %add3A_542 = arith.addi %and3A_540, %add3A_541 : vector<16xi32>
            %gather3A_543 = tpu.vector_load_idx %arg9[%add3A_170, %add3A_542] : memref<32x128xf32, #tpu.memory_space<vmem>>[vector<16xi32>, vector<16xi32>], vector<16xf32>,
            %gather3A_544 = tpu.vector_load_idx %arg11[%add3A_170, %add3A_542] : memref<32x256xf32, #tpu.memory_space<vmem>>[vector<16xi32>, vector<16xi32>], vector<16xf32>,
            %gather3A_545 = tpu.vector_load_idx %arg13[%get3A_176, %add3A_542] : memref<27x128xf32, #tpu.memory_space<vmem>>[vector<16xi32>, vector<16xi32>], vector<16xf32>,
            %add3A_546 = arith.addf %gather3A_544, %gather3A_545 : vector<16xf32>
            %mul3A_547 = arith.mulf %gather3A_543, %add3A_546 : vector<16xf32>
            %add3A_548 = arith.addf %add3A_534, %mul3A_547 : vector<16xf32>
            %add3A_549 = arith.constant 26 : i32
            %add3A_550 = vector.broadcast %add3A_549 : i32 to vector<16xi32>
            %add3A_551 = arith.addi %iota3A, %add3A_550 : vector<16xi32>
            %and3A_552 = arith.constant 31 : i32
            %and3A_553 = vector.broadcast %and3A_552 : i32 to vector<16xi32>
            %and3A_554 = arith.andi %add3A_551, %and3A_553 : vector<16xi32>
            %add3A_555 = vector.broadcast %mul3A_185 : i32 to vector<16xi32>
            %add3A_556 = arith.addi %and3A_554, %add3A_555 : vector<16xi32>
            %gather3A_557 = tpu.vector_load_idx %arg9[%add3A_170, %add3A_556] : memref<32x128xf32, #tpu.memory_space<vmem>>[vector<16xi32>, vector<16xi32>], vector<16xf32>,
            %gather3A_558 = tpu.vector_load_idx %arg11[%add3A_170, %add3A_556] : memref<32x256xf32, #tpu.memory_space<vmem>>[vector<16xi32>, vector<16xi32>], vector<16xf32>,
            %gather3A_559 = tpu.vector_load_idx %arg13[%get3A_176, %add3A_556] : memref<27x128xf32, #tpu.memory_space<vmem>>[vector<16xi32>, vector<16xi32>], vector<16xf32>,
            %add3A_560 = arith.addf %gather3A_558, %gather3A_559 : vector<16xf32>
            %mul3A_561 = arith.mulf %gather3A_557, %add3A_560 : vector<16xf32>
            %add3A_562 = arith.addf %add3A_548, %mul3A_561 : vector<16xf32>
            %add3A_563 = arith.constant 27 : i32
            %add3A_564 = vector.broadcast %add3A_563 : i32 to vector<16xi32>
            %add3A_565 = arith.addi %iota3A, %add3A_564 : vector<16xi32>
            %and3A_566 = arith.constant 31 : i32
            %and3A_567 = vector.broadcast %and3A_566 : i32 to vector<16xi32>
            %and3A_568 = arith.andi %add3A_565, %and3A_567 : vector<16xi32>
            %add3A_569 = vector.broadcast %mul3A_185 : i32 to vector<16xi32>
            %add3A_570 = arith.addi %and3A_568, %add3A_569 : vector<16xi32>
            %gather3A_571 = tpu.vector_load_idx %arg9[%add3A_170, %add3A_570] : memref<32x128xf32, #tpu.memory_space<vmem>>[vector<16xi32>, vector<16xi32>], vector<16xf32>,
            %gather3A_572 = tpu.vector_load_idx %arg11[%add3A_170, %add3A_570] : memref<32x256xf32, #tpu.memory_space<vmem>>[vector<16xi32>, vector<16xi32>], vector<16xf32>,
            %gather3A_573 = tpu.vector_load_idx %arg13[%get3A_176, %add3A_570] : memref<27x128xf32, #tpu.memory_space<vmem>>[vector<16xi32>, vector<16xi32>], vector<16xf32>,
            %add3A_574 = arith.addf %gather3A_572, %gather3A_573 : vector<16xf32>
            %mul3A_575 = arith.mulf %gather3A_571, %add3A_574 : vector<16xf32>
            %add3A_576 = arith.addf %add3A_562, %mul3A_575 : vector<16xf32>
            %add3A_577 = arith.constant 28 : i32
            %add3A_578 = vector.broadcast %add3A_577 : i32 to vector<16xi32>
            %add3A_579 = arith.addi %iota3A, %add3A_578 : vector<16xi32>
            %and3A_580 = arith.constant 31 : i32
            %and3A_581 = vector.broadcast %and3A_580 : i32 to vector<16xi32>
            %and3A_582 = arith.andi %add3A_579, %and3A_581 : vector<16xi32>
            %add3A_583 = vector.broadcast %mul3A_185 : i32 to vector<16xi32>
            %add3A_584 = arith.addi %and3A_582, %add3A_583 : vector<16xi32>
            %gather3A_585 = tpu.vector_load_idx %arg9[%add3A_170, %add3A_584] : memref<32x128xf32, #tpu.memory_space<vmem>>[vector<16xi32>, vector<16xi32>], vector<16xf32>,
            %gather3A_586 = tpu.vector_load_idx %arg11[%add3A_170, %add3A_584] : memref<32x256xf32, #tpu.memory_space<vmem>>[vector<16xi32>, vector<16xi32>], vector<16xf32>,
            %gather3A_587 = tpu.vector_load_idx %arg13[%get3A_176, %add3A_584] : memref<27x128xf32, #tpu.memory_space<vmem>>[vector<16xi32>, vector<16xi32>], vector<16xf32>,
            %add3A_588 = arith.addf %gather3A_586, %gather3A_587 : vector<16xf32>
            %mul3A_589 = arith.mulf %gather3A_585, %add3A_588 : vector<16xf32>
            %add3A_590 = arith.addf %add3A_576, %mul3A_589 : vector<16xf32>
            %add3A_591 = arith.constant 29 : i32
            %add3A_592 = vector.broadcast %add3A_591 : i32 to vector<16xi32>
            %add3A_593 = arith.addi %iota3A, %add3A_592 : vector<16xi32>
            %and3A_594 = arith.constant 31 : i32
            %and3A_595 = vector.broadcast %and3A_594 : i32 to vector<16xi32>
            %and3A_596 = arith.andi %add3A_593, %and3A_595 : vector<16xi32>
            %add3A_597 = vector.broadcast %mul3A_185 : i32 to vector<16xi32>
            %add3A_598 = arith.addi %and3A_596, %add3A_597 : vector<16xi32>
            %gather3A_599 = tpu.vector_load_idx %arg9[%add3A_170, %add3A_598] : memref<32x128xf32, #tpu.memory_space<vmem>>[vector<16xi32>, vector<16xi32>], vector<16xf32>,
            %gather3A_600 = tpu.vector_load_idx %arg11[%add3A_170, %add3A_598] : memref<32x256xf32, #tpu.memory_space<vmem>>[vector<16xi32>, vector<16xi32>], vector<16xf32>,
            %gather3A_601 = tpu.vector_load_idx %arg13[%get3A_176, %add3A_598] : memref<27x128xf32, #tpu.memory_space<vmem>>[vector<16xi32>, vector<16xi32>], vector<16xf32>,
            %add3A_602 = arith.addf %gather3A_600, %gather3A_601 : vector<16xf32>
            %mul3A_603 = arith.mulf %gather3A_599, %add3A_602 : vector<16xf32>
            %add3A_604 = arith.addf %add3A_590, %mul3A_603 : vector<16xf32>
            %add3A_605 = arith.constant 30 : i32
            %add3A_606 = vector.broadcast %add3A_605 : i32 to vector<16xi32>
            %add3A_607 = arith.addi %iota3A, %add3A_606 : vector<16xi32>
            %and3A_608 = arith.constant 31 : i32
            %and3A_609 = vector.broadcast %and3A_608 : i32 to vector<16xi32>
            %and3A_610 = arith.andi %add3A_607, %and3A_609 : vector<16xi32>
            %add3A_611 = vector.broadcast %mul3A_185 : i32 to vector<16xi32>
            %add3A_612 = arith.addi %and3A_610, %add3A_611 : vector<16xi32>
            %gather3A_613 = tpu.vector_load_idx %arg9[%add3A_170, %add3A_612] : memref<32x128xf32, #tpu.memory_space<vmem>>[vector<16xi32>, vector<16xi32>], vector<16xf32>,
            %gather3A_614 = tpu.vector_load_idx %arg11[%add3A_170, %add3A_612] : memref<32x256xf32, #tpu.memory_space<vmem>>[vector<16xi32>, vector<16xi32>], vector<16xf32>,
            %gather3A_615 = tpu.vector_load_idx %arg13[%get3A_176, %add3A_612] : memref<27x128xf32, #tpu.memory_space<vmem>>[vector<16xi32>, vector<16xi32>], vector<16xf32>,
            %add3A_616 = arith.addf %gather3A_614, %gather3A_615 : vector<16xf32>
            %mul3A_617 = arith.mulf %gather3A_613, %add3A_616 : vector<16xf32>
            %add3A_618 = arith.addf %add3A_604, %mul3A_617 : vector<16xf32>
            %add3A_619 = arith.constant 31 : i32
            %add3A_620 = vector.broadcast %add3A_619 : i32 to vector<16xi32>
            %add3A_621 = arith.addi %iota3A, %add3A_620 : vector<16xi32>
            %and3A_622 = arith.constant 31 : i32
            %and3A_623 = vector.broadcast %and3A_622 : i32 to vector<16xi32>
            %and3A_624 = arith.andi %add3A_621, %and3A_623 : vector<16xi32>
            %add3A_625 = vector.broadcast %mul3A_185 : i32 to vector<16xi32>
            %add3A_626 = arith.addi %and3A_624, %add3A_625 : vector<16xi32>
            %gather3A_627 = tpu.vector_load_idx %arg9[%add3A_170, %add3A_626] : memref<32x128xf32, #tpu.memory_space<vmem>>[vector<16xi32>, vector<16xi32>], vector<16xf32>,
            %gather3A_628 = tpu.vector_load_idx %arg11[%add3A_170, %add3A_626] : memref<32x256xf32, #tpu.memory_space<vmem>>[vector<16xi32>, vector<16xi32>], vector<16xf32>,
            %gather3A_629 = tpu.vector_load_idx %arg13[%get3A_176, %add3A_626] : memref<27x128xf32, #tpu.memory_space<vmem>>[vector<16xi32>, vector<16xi32>], vector<16xf32>,
            %add3A_630 = arith.addf %gather3A_628, %gather3A_629 : vector<16xf32>
            %mul3A_631 = arith.mulf %gather3A_627, %add3A_630 : vector<16xf32>
            %add3A_632 = arith.addf %add3A_618, %mul3A_631 : vector<16xf32>
            %add3A_633 = arith.constant 0 : i32
            %add3A_634 = vector.broadcast %add3A_633 : i32 to vector<16xi32>
            %add3A_635 = arith.addi %iota3A, %add3A_634 : vector<16xi32>
            %and3A_636 = arith.constant 31 : i32
            %and3A_637 = vector.broadcast %and3A_636 : i32 to vector<16xi32>
            %and3A_638 = arith.andi %add3A_635, %and3A_637 : vector<16xi32>
            %add3A_639 = vector.broadcast %mul3A_185 : i32 to vector<16xi32>
            %add3A_640 = arith.addi %and3A_638, %add3A_639 : vector<16xi32>
            %add3A_641 = arith.constant 128 : i32
            %add3A_642 = vector.broadcast %add3A_641 : i32 to vector<16xi32>
            %add3A_643 = arith.addi %add3A_640, %add3A_642 : vector<16xi32>
            %gather3A_644 = tpu.vector_load_idx %arg11[%add3A_170, %add3A_643] : memref<32x256xf32, #tpu.memory_space<vmem>>[vector<16xi32>, vector<16xi32>], vector<16xf32>,
            %mul3A_645 = arith.mulf %add3A_632, %gather3A_644 : vector<16xf32>
            tpu.vector_store_idx %arg12[%add3A_170, %add3A_640], %mul3A_645 : memref<32x128xf32, #tpu.memory_space<vmem>>[vector<16xi32>, vector<16xi32>], vector<16xf32>,
            %add3A_646 = arith.constant 1 : i32
            %add3A_647 = vector.broadcast %add3A_646 : i32 to vector<16xi32>
            %add3A_648 = arith.addi %iota3A, %add3A_647 : vector<16xi32>
            %and3A_649 = arith.constant 31 : i32
            %and3A_650 = vector.broadcast %and3A_649 : i32 to vector<16xi32>
            %and3A_651 = arith.andi %add3A_648, %and3A_650 : vector<16xi32>
            %add3A_652 = vector.broadcast %mul3A_185 : i32 to vector<16xi32>
            %add3A_653 = arith.addi %and3A_651, %add3A_652 : vector<16xi32>
            %add3A_654 = arith.constant 128 : i32
            %add3A_655 = vector.broadcast %add3A_654 : i32 to vector<16xi32>
            %add3A_656 = arith.addi %add3A_653, %add3A_655 : vector<16xi32>
            %gather3A_657 = tpu.vector_load_idx %arg11[%add3A_170, %add3A_656] : memref<32x256xf32, #tpu.memory_space<vmem>>[vector<16xi32>, vector<16xi32>], vector<16xf32>,
            %mul3A_658 = arith.mulf %add3A_632, %gather3A_657 : vector<16xf32>
            tpu.vector_store_idx %arg12[%add3A_170, %add3A_653], %mul3A_658 : memref<32x128xf32, #tpu.memory_space<vmem>>[vector<16xi32>, vector<16xi32>], vector<16xf32>,
            %add3A_659 = arith.constant 2 : i32
            %add3A_660 = vector.broadcast %add3A_659 : i32 to vector<16xi32>
            %add3A_661 = arith.addi %iota3A, %add3A_660 : vector<16xi32>
            %and3A_662 = arith.constant 31 : i32
            %and3A_663 = vector.broadcast %and3A_662 : i32 to vector<16xi32>
            %and3A_664 = arith.andi %add3A_661, %and3A_663 : vector<16xi32>
            %add3A_665 = vector.broadcast %mul3A_185 : i32 to vector<16xi32>
            %add3A_666 = arith.addi %and3A_664, %add3A_665 : vector<16xi32>
            %add3A_667 = arith.constant 128 : i32
            %add3A_668 = vector.broadcast %add3A_667 : i32 to vector<16xi32>
            %add3A_669 = arith.addi %add3A_666, %add3A_668 : vector<16xi32>
            %gather3A_670 = tpu.vector_load_idx %arg11[%add3A_170, %add3A_669] : memref<32x256xf32, #tpu.memory_space<vmem>>[vector<16xi32>, vector<16xi32>], vector<16xf32>,
            %mul3A_671 = arith.mulf %add3A_632, %gather3A_670 : vector<16xf32>
            tpu.vector_store_idx %arg12[%add3A_170, %add3A_666], %mul3A_671 : memref<32x128xf32, #tpu.memory_space<vmem>>[vector<16xi32>, vector<16xi32>], vector<16xf32>,
            %add3A_672 = arith.constant 3 : i32
            %add3A_673 = vector.broadcast %add3A_672 : i32 to vector<16xi32>
            %add3A_674 = arith.addi %iota3A, %add3A_673 : vector<16xi32>
            %and3A_675 = arith.constant 31 : i32
            %and3A_676 = vector.broadcast %and3A_675 : i32 to vector<16xi32>
            %and3A_677 = arith.andi %add3A_674, %and3A_676 : vector<16xi32>
            %add3A_678 = vector.broadcast %mul3A_185 : i32 to vector<16xi32>
            %add3A_679 = arith.addi %and3A_677, %add3A_678 : vector<16xi32>
            %add3A_680 = arith.constant 128 : i32
            %add3A_681 = vector.broadcast %add3A_680 : i32 to vector<16xi32>
            %add3A_682 = arith.addi %add3A_679, %add3A_681 : vector<16xi32>
            %gather3A_683 = tpu.vector_load_idx %arg11[%add3A_170, %add3A_682] : memref<32x256xf32, #tpu.memory_space<vmem>>[vector<16xi32>, vector<16xi32>], vector<16xf32>,
            %mul3A_684 = arith.mulf %add3A_632, %gather3A_683 : vector<16xf32>
            tpu.vector_store_idx %arg12[%add3A_170, %add3A_679], %mul3A_684 : memref<32x128xf32, #tpu.memory_space<vmem>>[vector<16xi32>, vector<16xi32>], vector<16xf32>,
            %add3A_685 = arith.constant 4 : i32
            %add3A_686 = vector.broadcast %add3A_685 : i32 to vector<16xi32>
            %add3A_687 = arith.addi %iota3A, %add3A_686 : vector<16xi32>
            %and3A_688 = arith.constant 31 : i32
            %and3A_689 = vector.broadcast %and3A_688 : i32 to vector<16xi32>
            %and3A_690 = arith.andi %add3A_687, %and3A_689 : vector<16xi32>
            %add3A_691 = vector.broadcast %mul3A_185 : i32 to vector<16xi32>
            %add3A_692 = arith.addi %and3A_690, %add3A_691 : vector<16xi32>
            %add3A_693 = arith.constant 128 : i32
            %add3A_694 = vector.broadcast %add3A_693 : i32 to vector<16xi32>
            %add3A_695 = arith.addi %add3A_692, %add3A_694 : vector<16xi32>
            %gather3A_696 = tpu.vector_load_idx %arg11[%add3A_170, %add3A_695] : memref<32x256xf32, #tpu.memory_space<vmem>>[vector<16xi32>, vector<16xi32>], vector<16xf32>,
            %mul3A_697 = arith.mulf %add3A_632, %gather3A_696 : vector<16xf32>
            tpu.vector_store_idx %arg12[%add3A_170, %add3A_692], %mul3A_697 : memref<32x128xf32, #tpu.memory_space<vmem>>[vector<16xi32>, vector<16xi32>], vector<16xf32>,
            %add3A_698 = arith.constant 5 : i32
            %add3A_699 = vector.broadcast %add3A_698 : i32 to vector<16xi32>
            %add3A_700 = arith.addi %iota3A, %add3A_699 : vector<16xi32>
            %and3A_701 = arith.constant 31 : i32
            %and3A_702 = vector.broadcast %and3A_701 : i32 to vector<16xi32>
            %and3A_703 = arith.andi %add3A_700, %and3A_702 : vector<16xi32>
            %add3A_704 = vector.broadcast %mul3A_185 : i32 to vector<16xi32>
            %add3A_705 = arith.addi %and3A_703, %add3A_704 : vector<16xi32>
            %add3A_706 = arith.constant 128 : i32
            %add3A_707 = vector.broadcast %add3A_706 : i32 to vector<16xi32>
            %add3A_708 = arith.addi %add3A_705, %add3A_707 : vector<16xi32>
            %gather3A_709 = tpu.vector_load_idx %arg11[%add3A_170, %add3A_708] : memref<32x256xf32, #tpu.memory_space<vmem>>[vector<16xi32>, vector<16xi32>], vector<16xf32>,
            %mul3A_710 = arith.mulf %add3A_632, %gather3A_709 : vector<16xf32>
            tpu.vector_store_idx %arg12[%add3A_170, %add3A_705], %mul3A_710 : memref<32x128xf32, #tpu.memory_space<vmem>>[vector<16xi32>, vector<16xi32>], vector<16xf32>,
            %add3A_711 = arith.constant 6 : i32
            %add3A_712 = vector.broadcast %add3A_711 : i32 to vector<16xi32>
            %add3A_713 = arith.addi %iota3A, %add3A_712 : vector<16xi32>
            %and3A_714 = arith.constant 31 : i32
            %and3A_715 = vector.broadcast %and3A_714 : i32 to vector<16xi32>
            %and3A_716 = arith.andi %add3A_713, %and3A_715 : vector<16xi32>
            %add3A_717 = vector.broadcast %mul3A_185 : i32 to vector<16xi32>
            %add3A_718 = arith.addi %and3A_716, %add3A_717 : vector<16xi32>
            %add3A_719 = arith.constant 128 : i32
            %add3A_720 = vector.broadcast %add3A_719 : i32 to vector<16xi32>
            %add3A_721 = arith.addi %add3A_718, %add3A_720 : vector<16xi32>
            %gather3A_722 = tpu.vector_load_idx %arg11[%add3A_170, %add3A_721] : memref<32x256xf32, #tpu.memory_space<vmem>>[vector<16xi32>, vector<16xi32>], vector<16xf32>,
            %mul3A_723 = arith.mulf %add3A_632, %gather3A_722 : vector<16xf32>
            tpu.vector_store_idx %arg12[%add3A_170, %add3A_718], %mul3A_723 : memref<32x128xf32, #tpu.memory_space<vmem>>[vector<16xi32>, vector<16xi32>], vector<16xf32>,
            %add3A_724 = arith.constant 7 : i32
            %add3A_725 = vector.broadcast %add3A_724 : i32 to vector<16xi32>
            %add3A_726 = arith.addi %iota3A, %add3A_725 : vector<16xi32>
            %and3A_727 = arith.constant 31 : i32
            %and3A_728 = vector.broadcast %and3A_727 : i32 to vector<16xi32>
            %and3A_729 = arith.andi %add3A_726, %and3A_728 : vector<16xi32>
            %add3A_730 = vector.broadcast %mul3A_185 : i32 to vector<16xi32>
            %add3A_731 = arith.addi %and3A_729, %add3A_730 : vector<16xi32>
            %add3A_732 = arith.constant 128 : i32
            %add3A_733 = vector.broadcast %add3A_732 : i32 to vector<16xi32>
            %add3A_734 = arith.addi %add3A_731, %add3A_733 : vector<16xi32>
            %gather3A_735 = tpu.vector_load_idx %arg11[%add3A_170, %add3A_734] : memref<32x256xf32, #tpu.memory_space<vmem>>[vector<16xi32>, vector<16xi32>], vector<16xf32>,
            %mul3A_736 = arith.mulf %add3A_632, %gather3A_735 : vector<16xf32>
            tpu.vector_store_idx %arg12[%add3A_170, %add3A_731], %mul3A_736 : memref<32x128xf32, #tpu.memory_space<vmem>>[vector<16xi32>, vector<16xi32>], vector<16xf32>,
            %add3A_737 = arith.constant 8 : i32
            %add3A_738 = vector.broadcast %add3A_737 : i32 to vector<16xi32>
            %add3A_739 = arith.addi %iota3A, %add3A_738 : vector<16xi32>
            %and3A_740 = arith.constant 31 : i32
            %and3A_741 = vector.broadcast %and3A_740 : i32 to vector<16xi32>
            %and3A_742 = arith.andi %add3A_739, %and3A_741 : vector<16xi32>
            %add3A_743 = vector.broadcast %mul3A_185 : i32 to vector<16xi32>
            %add3A_744 = arith.addi %and3A_742, %add3A_743 : vector<16xi32>
            %add3A_745 = arith.constant 128 : i32
            %add3A_746 = vector.broadcast %add3A_745 : i32 to vector<16xi32>
            %add3A_747 = arith.addi %add3A_744, %add3A_746 : vector<16xi32>
            %gather3A_748 = tpu.vector_load_idx %arg11[%add3A_170, %add3A_747] : memref<32x256xf32, #tpu.memory_space<vmem>>[vector<16xi32>, vector<16xi32>], vector<16xf32>,
            %mul3A_749 = arith.mulf %add3A_632, %gather3A_748 : vector<16xf32>
            tpu.vector_store_idx %arg12[%add3A_170, %add3A_744], %mul3A_749 : memref<32x128xf32, #tpu.memory_space<vmem>>[vector<16xi32>, vector<16xi32>], vector<16xf32>,
            %add3A_750 = arith.constant 9 : i32
            %add3A_751 = vector.broadcast %add3A_750 : i32 to vector<16xi32>
            %add3A_752 = arith.addi %iota3A, %add3A_751 : vector<16xi32>
            %and3A_753 = arith.constant 31 : i32
            %and3A_754 = vector.broadcast %and3A_753 : i32 to vector<16xi32>
            %and3A_755 = arith.andi %add3A_752, %and3A_754 : vector<16xi32>
            %add3A_756 = vector.broadcast %mul3A_185 : i32 to vector<16xi32>
            %add3A_757 = arith.addi %and3A_755, %add3A_756 : vector<16xi32>
            %add3A_758 = arith.constant 128 : i32
            %add3A_759 = vector.broadcast %add3A_758 : i32 to vector<16xi32>
            %add3A_760 = arith.addi %add3A_757, %add3A_759 : vector<16xi32>
            %gather3A_761 = tpu.vector_load_idx %arg11[%add3A_170, %add3A_760] : memref<32x256xf32, #tpu.memory_space<vmem>>[vector<16xi32>, vector<16xi32>], vector<16xf32>,
            %mul3A_762 = arith.mulf %add3A_632, %gather3A_761 : vector<16xf32>
            tpu.vector_store_idx %arg12[%add3A_170, %add3A_757], %mul3A_762 : memref<32x128xf32, #tpu.memory_space<vmem>>[vector<16xi32>, vector<16xi32>], vector<16xf32>,
            %add3A_763 = arith.constant 10 : i32
            %add3A_764 = vector.broadcast %add3A_763 : i32 to vector<16xi32>
            %add3A_765 = arith.addi %iota3A, %add3A_764 : vector<16xi32>
            %and3A_766 = arith.constant 31 : i32
            %and3A_767 = vector.broadcast %and3A_766 : i32 to vector<16xi32>
            %and3A_768 = arith.andi %add3A_765, %and3A_767 : vector<16xi32>
            %add3A_769 = vector.broadcast %mul3A_185 : i32 to vector<16xi32>
            %add3A_770 = arith.addi %and3A_768, %add3A_769 : vector<16xi32>
            %add3A_771 = arith.constant 128 : i32
            %add3A_772 = vector.broadcast %add3A_771 : i32 to vector<16xi32>
            %add3A_773 = arith.addi %add3A_770, %add3A_772 : vector<16xi32>
            %gather3A_774 = tpu.vector_load_idx %arg11[%add3A_170, %add3A_773] : memref<32x256xf32, #tpu.memory_space<vmem>>[vector<16xi32>, vector<16xi32>], vector<16xf32>,
            %mul3A_775 = arith.mulf %add3A_632, %gather3A_774 : vector<16xf32>
            tpu.vector_store_idx %arg12[%add3A_170, %add3A_770], %mul3A_775 : memref<32x128xf32, #tpu.memory_space<vmem>>[vector<16xi32>, vector<16xi32>], vector<16xf32>,
            %add3A_776 = arith.constant 11 : i32
            %add3A_777 = vector.broadcast %add3A_776 : i32 to vector<16xi32>
            %add3A_778 = arith.addi %iota3A, %add3A_777 : vector<16xi32>
            %and3A_779 = arith.constant 31 : i32
            %and3A_780 = vector.broadcast %and3A_779 : i32 to vector<16xi32>
            %and3A_781 = arith.andi %add3A_778, %and3A_780 : vector<16xi32>
            %add3A_782 = vector.broadcast %mul3A_185 : i32 to vector<16xi32>
            %add3A_783 = arith.addi %and3A_781, %add3A_782 : vector<16xi32>
            %add3A_784 = arith.constant 128 : i32
            %add3A_785 = vector.broadcast %add3A_784 : i32 to vector<16xi32>
            %add3A_786 = arith.addi %add3A_783, %add3A_785 : vector<16xi32>
            %gather3A_787 = tpu.vector_load_idx %arg11[%add3A_170, %add3A_786] : memref<32x256xf32, #tpu.memory_space<vmem>>[vector<16xi32>, vector<16xi32>], vector<16xf32>,
            %mul3A_788 = arith.mulf %add3A_632, %gather3A_787 : vector<16xf32>
            tpu.vector_store_idx %arg12[%add3A_170, %add3A_783], %mul3A_788 : memref<32x128xf32, #tpu.memory_space<vmem>>[vector<16xi32>, vector<16xi32>], vector<16xf32>,
            %add3A_789 = arith.constant 12 : i32
            %add3A_790 = vector.broadcast %add3A_789 : i32 to vector<16xi32>
            %add3A_791 = arith.addi %iota3A, %add3A_790 : vector<16xi32>
            %and3A_792 = arith.constant 31 : i32
            %and3A_793 = vector.broadcast %and3A_792 : i32 to vector<16xi32>
            %and3A_794 = arith.andi %add3A_791, %and3A_793 : vector<16xi32>
            %add3A_795 = vector.broadcast %mul3A_185 : i32 to vector<16xi32>
            %add3A_796 = arith.addi %and3A_794, %add3A_795 : vector<16xi32>
            %add3A_797 = arith.constant 128 : i32
            %add3A_798 = vector.broadcast %add3A_797 : i32 to vector<16xi32>
            %add3A_799 = arith.addi %add3A_796, %add3A_798 : vector<16xi32>
            %gather3A_800 = tpu.vector_load_idx %arg11[%add3A_170, %add3A_799] : memref<32x256xf32, #tpu.memory_space<vmem>>[vector<16xi32>, vector<16xi32>], vector<16xf32>,
            %mul3A_801 = arith.mulf %add3A_632, %gather3A_800 : vector<16xf32>
            tpu.vector_store_idx %arg12[%add3A_170, %add3A_796], %mul3A_801 : memref<32x128xf32, #tpu.memory_space<vmem>>[vector<16xi32>, vector<16xi32>], vector<16xf32>,
            %add3A_802 = arith.constant 13 : i32
            %add3A_803 = vector.broadcast %add3A_802 : i32 to vector<16xi32>
            %add3A_804 = arith.addi %iota3A, %add3A_803 : vector<16xi32>
            %and3A_805 = arith.constant 31 : i32
            %and3A_806 = vector.broadcast %and3A_805 : i32 to vector<16xi32>
            %and3A_807 = arith.andi %add3A_804, %and3A_806 : vector<16xi32>
            %add3A_808 = vector.broadcast %mul3A_185 : i32 to vector<16xi32>
            %add3A_809 = arith.addi %and3A_807, %add3A_808 : vector<16xi32>
            %add3A_810 = arith.constant 128 : i32
            %add3A_811 = vector.broadcast %add3A_810 : i32 to vector<16xi32>
            %add3A_812 = arith.addi %add3A_809, %add3A_811 : vector<16xi32>
            %gather3A_813 = tpu.vector_load_idx %arg11[%add3A_170, %add3A_812] : memref<32x256xf32, #tpu.memory_space<vmem>>[vector<16xi32>, vector<16xi32>], vector<16xf32>,
            %mul3A_814 = arith.mulf %add3A_632, %gather3A_813 : vector<16xf32>
            tpu.vector_store_idx %arg12[%add3A_170, %add3A_809], %mul3A_814 : memref<32x128xf32, #tpu.memory_space<vmem>>[vector<16xi32>, vector<16xi32>], vector<16xf32>,
            %add3A_815 = arith.constant 14 : i32
            %add3A_816 = vector.broadcast %add3A_815 : i32 to vector<16xi32>
            %add3A_817 = arith.addi %iota3A, %add3A_816 : vector<16xi32>
            %and3A_818 = arith.constant 31 : i32
            %and3A_819 = vector.broadcast %and3A_818 : i32 to vector<16xi32>
            %and3A_820 = arith.andi %add3A_817, %and3A_819 : vector<16xi32>
            %add3A_821 = vector.broadcast %mul3A_185 : i32 to vector<16xi32>
            %add3A_822 = arith.addi %and3A_820, %add3A_821 : vector<16xi32>
            %add3A_823 = arith.constant 128 : i32
            %add3A_824 = vector.broadcast %add3A_823 : i32 to vector<16xi32>
            %add3A_825 = arith.addi %add3A_822, %add3A_824 : vector<16xi32>
            %gather3A_826 = tpu.vector_load_idx %arg11[%add3A_170, %add3A_825] : memref<32x256xf32, #tpu.memory_space<vmem>>[vector<16xi32>, vector<16xi32>], vector<16xf32>,
            %mul3A_827 = arith.mulf %add3A_632, %gather3A_826 : vector<16xf32>
            tpu.vector_store_idx %arg12[%add3A_170, %add3A_822], %mul3A_827 : memref<32x128xf32, #tpu.memory_space<vmem>>[vector<16xi32>, vector<16xi32>], vector<16xf32>,
            %add3A_828 = arith.constant 15 : i32
            %add3A_829 = vector.broadcast %add3A_828 : i32 to vector<16xi32>
            %add3A_830 = arith.addi %iota3A, %add3A_829 : vector<16xi32>
            %and3A_831 = arith.constant 31 : i32
            %and3A_832 = vector.broadcast %and3A_831 : i32 to vector<16xi32>
            %and3A_833 = arith.andi %add3A_830, %and3A_832 : vector<16xi32>
            %add3A_834 = vector.broadcast %mul3A_185 : i32 to vector<16xi32>
            %add3A_835 = arith.addi %and3A_833, %add3A_834 : vector<16xi32>
            %add3A_836 = arith.constant 128 : i32
            %add3A_837 = vector.broadcast %add3A_836 : i32 to vector<16xi32>
            %add3A_838 = arith.addi %add3A_835, %add3A_837 : vector<16xi32>
            %gather3A_839 = tpu.vector_load_idx %arg11[%add3A_170, %add3A_838] : memref<32x256xf32, #tpu.memory_space<vmem>>[vector<16xi32>, vector<16xi32>], vector<16xf32>,
            %mul3A_840 = arith.mulf %add3A_632, %gather3A_839 : vector<16xf32>
            tpu.vector_store_idx %arg12[%add3A_170, %add3A_835], %mul3A_840 : memref<32x128xf32, #tpu.memory_space<vmem>>[vector<16xi32>, vector<16xi32>], vector<16xf32>,
            %add3A_841 = arith.constant 16 : i32
            %add3A_842 = vector.broadcast %add3A_841 : i32 to vector<16xi32>
            %add3A_843 = arith.addi %iota3A, %add3A_842 : vector<16xi32>
            %and3A_844 = arith.constant 31 : i32
            %and3A_845 = vector.broadcast %and3A_844 : i32 to vector<16xi32>
            %and3A_846 = arith.andi %add3A_843, %and3A_845 : vector<16xi32>
            %add3A_847 = vector.broadcast %mul3A_185 : i32 to vector<16xi32>
            %add3A_848 = arith.addi %and3A_846, %add3A_847 : vector<16xi32>
            %add3A_849 = arith.constant 128 : i32
            %add3A_850 = vector.broadcast %add3A_849 : i32 to vector<16xi32>
            %add3A_851 = arith.addi %add3A_848, %add3A_850 : vector<16xi32>
            %gather3A_852 = tpu.vector_load_idx %arg11[%add3A_170, %add3A_851] : memref<32x256xf32, #tpu.memory_space<vmem>>[vector<16xi32>, vector<16xi32>], vector<16xf32>,
            %mul3A_853 = arith.mulf %add3A_632, %gather3A_852 : vector<16xf32>
            tpu.vector_store_idx %arg12[%add3A_170, %add3A_848], %mul3A_853 : memref<32x128xf32, #tpu.memory_space<vmem>>[vector<16xi32>, vector<16xi32>], vector<16xf32>,
            %add3A_854 = arith.constant 17 : i32
            %add3A_855 = vector.broadcast %add3A_854 : i32 to vector<16xi32>
            %add3A_856 = arith.addi %iota3A, %add3A_855 : vector<16xi32>
            %and3A_857 = arith.constant 31 : i32
            %and3A_858 = vector.broadcast %and3A_857 : i32 to vector<16xi32>
            %and3A_859 = arith.andi %add3A_856, %and3A_858 : vector<16xi32>
            %add3A_860 = vector.broadcast %mul3A_185 : i32 to vector<16xi32>
            %add3A_861 = arith.addi %and3A_859, %add3A_860 : vector<16xi32>
            %add3A_862 = arith.constant 128 : i32
            %add3A_863 = vector.broadcast %add3A_862 : i32 to vector<16xi32>
            %add3A_864 = arith.addi %add3A_861, %add3A_863 : vector<16xi32>
            %gather3A_865 = tpu.vector_load_idx %arg11[%add3A_170, %add3A_864] : memref<32x256xf32, #tpu.memory_space<vmem>>[vector<16xi32>, vector<16xi32>], vector<16xf32>,
            %mul3A_866 = arith.mulf %add3A_632, %gather3A_865 : vector<16xf32>
            tpu.vector_store_idx %arg12[%add3A_170, %add3A_861], %mul3A_866 : memref<32x128xf32, #tpu.memory_space<vmem>>[vector<16xi32>, vector<16xi32>], vector<16xf32>,
            %add3A_867 = arith.constant 18 : i32
            %add3A_868 = vector.broadcast %add3A_867 : i32 to vector<16xi32>
            %add3A_869 = arith.addi %iota3A, %add3A_868 : vector<16xi32>
            %and3A_870 = arith.constant 31 : i32
            %and3A_871 = vector.broadcast %and3A_870 : i32 to vector<16xi32>
            %and3A_872 = arith.andi %add3A_869, %and3A_871 : vector<16xi32>
            %add3A_873 = vector.broadcast %mul3A_185 : i32 to vector<16xi32>
            %add3A_874 = arith.addi %and3A_872, %add3A_873 : vector<16xi32>
            %add3A_875 = arith.constant 128 : i32
            %add3A_876 = vector.broadcast %add3A_875 : i32 to vector<16xi32>
            %add3A_877 = arith.addi %add3A_874, %add3A_876 : vector<16xi32>
            %gather3A_878 = tpu.vector_load_idx %arg11[%add3A_170, %add3A_877] : memref<32x256xf32, #tpu.memory_space<vmem>>[vector<16xi32>, vector<16xi32>], vector<16xf32>,
            %mul3A_879 = arith.mulf %add3A_632, %gather3A_878 : vector<16xf32>
            tpu.vector_store_idx %arg12[%add3A_170, %add3A_874], %mul3A_879 : memref<32x128xf32, #tpu.memory_space<vmem>>[vector<16xi32>, vector<16xi32>], vector<16xf32>,
            %add3A_880 = arith.constant 19 : i32
            %add3A_881 = vector.broadcast %add3A_880 : i32 to vector<16xi32>
            %add3A_882 = arith.addi %iota3A, %add3A_881 : vector<16xi32>
            %and3A_883 = arith.constant 31 : i32
            %and3A_884 = vector.broadcast %and3A_883 : i32 to vector<16xi32>
            %and3A_885 = arith.andi %add3A_882, %and3A_884 : vector<16xi32>
            %add3A_886 = vector.broadcast %mul3A_185 : i32 to vector<16xi32>
            %add3A_887 = arith.addi %and3A_885, %add3A_886 : vector<16xi32>
            %add3A_888 = arith.constant 128 : i32
            %add3A_889 = vector.broadcast %add3A_888 : i32 to vector<16xi32>
            %add3A_890 = arith.addi %add3A_887, %add3A_889 : vector<16xi32>
            %gather3A_891 = tpu.vector_load_idx %arg11[%add3A_170, %add3A_890] : memref<32x256xf32, #tpu.memory_space<vmem>>[vector<16xi32>, vector<16xi32>], vector<16xf32>,
            %mul3A_892 = arith.mulf %add3A_632, %gather3A_891 : vector<16xf32>
            tpu.vector_store_idx %arg12[%add3A_170, %add3A_887], %mul3A_892 : memref<32x128xf32, #tpu.memory_space<vmem>>[vector<16xi32>, vector<16xi32>], vector<16xf32>,
            %add3A_893 = arith.constant 20 : i32
            %add3A_894 = vector.broadcast %add3A_893 : i32 to vector<16xi32>
            %add3A_895 = arith.addi %iota3A, %add3A_894 : vector<16xi32>
            %and3A_896 = arith.constant 31 : i32
            %and3A_897 = vector.broadcast %and3A_896 : i32 to vector<16xi32>
            %and3A_898 = arith.andi %add3A_895, %and3A_897 : vector<16xi32>
            %add3A_899 = vector.broadcast %mul3A_185 : i32 to vector<16xi32>
            %add3A_900 = arith.addi %and3A_898, %add3A_899 : vector<16xi32>
            %add3A_901 = arith.constant 128 : i32
            %add3A_902 = vector.broadcast %add3A_901 : i32 to vector<16xi32>
            %add3A_903 = arith.addi %add3A_900, %add3A_902 : vector<16xi32>
            %gather3A_904 = tpu.vector_load_idx %arg11[%add3A_170, %add3A_903] : memref<32x256xf32, #tpu.memory_space<vmem>>[vector<16xi32>, vector<16xi32>], vector<16xf32>,
            %mul3A_905 = arith.mulf %add3A_632, %gather3A_904 : vector<16xf32>
            tpu.vector_store_idx %arg12[%add3A_170, %add3A_900], %mul3A_905 : memref<32x128xf32, #tpu.memory_space<vmem>>[vector<16xi32>, vector<16xi32>], vector<16xf32>,
            %add3A_906 = arith.constant 21 : i32
            %add3A_907 = vector.broadcast %add3A_906 : i32 to vector<16xi32>
            %add3A_908 = arith.addi %iota3A, %add3A_907 : vector<16xi32>
            %and3A_909 = arith.constant 31 : i32
            %and3A_910 = vector.broadcast %and3A_909 : i32 to vector<16xi32>
            %and3A_911 = arith.andi %add3A_908, %and3A_910 : vector<16xi32>
            %add3A_912 = vector.broadcast %mul3A_185 : i32 to vector<16xi32>
            %add3A_913 = arith.addi %and3A_911, %add3A_912 : vector<16xi32>
            %add3A_914 = arith.constant 128 : i32
            %add3A_915 = vector.broadcast %add3A_914 : i32 to vector<16xi32>
            %add3A_916 = arith.addi %add3A_913, %add3A_915 : vector<16xi32>
            %gather3A_917 = tpu.vector_load_idx %arg11[%add3A_170, %add3A_916] : memref<32x256xf32, #tpu.memory_space<vmem>>[vector<16xi32>, vector<16xi32>], vector<16xf32>,
            %mul3A_918 = arith.mulf %add3A_632, %gather3A_917 : vector<16xf32>
            tpu.vector_store_idx %arg12[%add3A_170, %add3A_913], %mul3A_918 : memref<32x128xf32, #tpu.memory_space<vmem>>[vector<16xi32>, vector<16xi32>], vector<16xf32>,
            %add3A_919 = arith.constant 22 : i32
            %add3A_920 = vector.broadcast %add3A_919 : i32 to vector<16xi32>
            %add3A_921 = arith.addi %iota3A, %add3A_920 : vector<16xi32>
            %and3A_922 = arith.constant 31 : i32
            %and3A_923 = vector.broadcast %and3A_922 : i32 to vector<16xi32>
            %and3A_924 = arith.andi %add3A_921, %and3A_923 : vector<16xi32>
            %add3A_925 = vector.broadcast %mul3A_185 : i32 to vector<16xi32>
            %add3A_926 = arith.addi %and3A_924, %add3A_925 : vector<16xi32>
            %add3A_927 = arith.constant 128 : i32
            %add3A_928 = vector.broadcast %add3A_927 : i32 to vector<16xi32>
            %add3A_929 = arith.addi %add3A_926, %add3A_928 : vector<16xi32>
            %gather3A_930 = tpu.vector_load_idx %arg11[%add3A_170, %add3A_929] : memref<32x256xf32, #tpu.memory_space<vmem>>[vector<16xi32>, vector<16xi32>], vector<16xf32>,
            %mul3A_931 = arith.mulf %add3A_632, %gather3A_930 : vector<16xf32>
            tpu.vector_store_idx %arg12[%add3A_170, %add3A_926], %mul3A_931 : memref<32x128xf32, #tpu.memory_space<vmem>>[vector<16xi32>, vector<16xi32>], vector<16xf32>,
            %add3A_932 = arith.constant 23 : i32
            %add3A_933 = vector.broadcast %add3A_932 : i32 to vector<16xi32>
            %add3A_934 = arith.addi %iota3A, %add3A_933 : vector<16xi32>
            %and3A_935 = arith.constant 31 : i32
            %and3A_936 = vector.broadcast %and3A_935 : i32 to vector<16xi32>
            %and3A_937 = arith.andi %add3A_934, %and3A_936 : vector<16xi32>
            %add3A_938 = vector.broadcast %mul3A_185 : i32 to vector<16xi32>
            %add3A_939 = arith.addi %and3A_937, %add3A_938 : vector<16xi32>
            %add3A_940 = arith.constant 128 : i32
            %add3A_941 = vector.broadcast %add3A_940 : i32 to vector<16xi32>
            %add3A_942 = arith.addi %add3A_939, %add3A_941 : vector<16xi32>
            %gather3A_943 = tpu.vector_load_idx %arg11[%add3A_170, %add3A_942] : memref<32x256xf32, #tpu.memory_space<vmem>>[vector<16xi32>, vector<16xi32>], vector<16xf32>,
            %mul3A_944 = arith.mulf %add3A_632, %gather3A_943 : vector<16xf32>
            tpu.vector_store_idx %arg12[%add3A_170, %add3A_939], %mul3A_944 : memref<32x128xf32, #tpu.memory_space<vmem>>[vector<16xi32>, vector<16xi32>], vector<16xf32>,
            %add3A_945 = arith.constant 24 : i32
            %add3A_946 = vector.broadcast %add3A_945 : i32 to vector<16xi32>
            %add3A_947 = arith.addi %iota3A, %add3A_946 : vector<16xi32>
            %and3A_948 = arith.constant 31 : i32
            %and3A_949 = vector.broadcast %and3A_948 : i32 to vector<16xi32>
            %and3A_950 = arith.andi %add3A_947, %and3A_949 : vector<16xi32>
            %add3A_951 = vector.broadcast %mul3A_185 : i32 to vector<16xi32>
            %add3A_952 = arith.addi %and3A_950, %add3A_951 : vector<16xi32>
            %add3A_953 = arith.constant 128 : i32
            %add3A_954 = vector.broadcast %add3A_953 : i32 to vector<16xi32>
            %add3A_955 = arith.addi %add3A_952, %add3A_954 : vector<16xi32>
            %gather3A_956 = tpu.vector_load_idx %arg11[%add3A_170, %add3A_955] : memref<32x256xf32, #tpu.memory_space<vmem>>[vector<16xi32>, vector<16xi32>], vector<16xf32>,
            %mul3A_957 = arith.mulf %add3A_632, %gather3A_956 : vector<16xf32>
            tpu.vector_store_idx %arg12[%add3A_170, %add3A_952], %mul3A_957 : memref<32x128xf32, #tpu.memory_space<vmem>>[vector<16xi32>, vector<16xi32>], vector<16xf32>,
            %add3A_958 = arith.constant 25 : i32
            %add3A_959 = vector.broadcast %add3A_958 : i32 to vector<16xi32>
            %add3A_960 = arith.addi %iota3A, %add3A_959 : vector<16xi32>
            %and3A_961 = arith.constant 31 : i32
            %and3A_962 = vector.broadcast %and3A_961 : i32 to vector<16xi32>
            %and3A_963 = arith.andi %add3A_960, %and3A_962 : vector<16xi32>
            %add3A_964 = vector.broadcast %mul3A_185 : i32 to vector<16xi32>
            %add3A_965 = arith.addi %and3A_963, %add3A_964 : vector<16xi32>
            %add3A_966 = arith.constant 128 : i32
            %add3A_967 = vector.broadcast %add3A_966 : i32 to vector<16xi32>
            %add3A_968 = arith.addi %add3A_965, %add3A_967 : vector<16xi32>
            %gather3A_969 = tpu.vector_load_idx %arg11[%add3A_170, %add3A_968] : memref<32x256xf32, #tpu.memory_space<vmem>>[vector<16xi32>, vector<16xi32>], vector<16xf32>,
            %mul3A_970 = arith.mulf %add3A_632, %gather3A_969 : vector<16xf32>
            tpu.vector_store_idx %arg12[%add3A_170, %add3A_965], %mul3A_970 : memref<32x128xf32, #tpu.memory_space<vmem>>[vector<16xi32>, vector<16xi32>], vector<16xf32>,
            %add3A_971 = arith.constant 26 : i32
            %add3A_972 = vector.broadcast %add3A_971 : i32 to vector<16xi32>
            %add3A_973 = arith.addi %iota3A, %add3A_972 : vector<16xi32>
            %and3A_974 = arith.constant 31 : i32
            %and3A_975 = vector.broadcast %and3A_974 : i32 to vector<16xi32>
            %and3A_976 = arith.andi %add3A_973, %and3A_975 : vector<16xi32>
            %add3A_977 = vector.broadcast %mul3A_185 : i32 to vector<16xi32>
            %add3A_978 = arith.addi %and3A_976, %add3A_977 : vector<16xi32>
            %add3A_979 = arith.constant 128 : i32
            %add3A_980 = vector.broadcast %add3A_979 : i32 to vector<16xi32>
            %add3A_981 = arith.addi %add3A_978, %add3A_980 : vector<16xi32>
            %gather3A_982 = tpu.vector_load_idx %arg11[%add3A_170, %add3A_981] : memref<32x256xf32, #tpu.memory_space<vmem>>[vector<16xi32>, vector<16xi32>], vector<16xf32>,
            %mul3A_983 = arith.mulf %add3A_632, %gather3A_982 : vector<16xf32>
            tpu.vector_store_idx %arg12[%add3A_170, %add3A_978], %mul3A_983 : memref<32x128xf32, #tpu.memory_space<vmem>>[vector<16xi32>, vector<16xi32>], vector<16xf32>,
            %add3A_984 = arith.constant 27 : i32
            %add3A_985 = vector.broadcast %add3A_984 : i32 to vector<16xi32>
            %add3A_986 = arith.addi %iota3A, %add3A_985 : vector<16xi32>
            %and3A_987 = arith.constant 31 : i32
            %and3A_988 = vector.broadcast %and3A_987 : i32 to vector<16xi32>
            %and3A_989 = arith.andi %add3A_986, %and3A_988 : vector<16xi32>
            %add3A_990 = vector.broadcast %mul3A_185 : i32 to vector<16xi32>
            %add3A_991 = arith.addi %and3A_989, %add3A_990 : vector<16xi32>
            %add3A_992 = arith.constant 128 : i32
            %add3A_993 = vector.broadcast %add3A_992 : i32 to vector<16xi32>
            %add3A_994 = arith.addi %add3A_991, %add3A_993 : vector<16xi32>
            %gather3A_995 = tpu.vector_load_idx %arg11[%add3A_170, %add3A_994] : memref<32x256xf32, #tpu.memory_space<vmem>>[vector<16xi32>, vector<16xi32>], vector<16xf32>,
            %mul3A_996 = arith.mulf %add3A_632, %gather3A_995 : vector<16xf32>
            tpu.vector_store_idx %arg12[%add3A_170, %add3A_991], %mul3A_996 : memref<32x128xf32, #tpu.memory_space<vmem>>[vector<16xi32>, vector<16xi32>], vector<16xf32>,
            %add3A_997 = arith.constant 28 : i32
            %add3A_998 = vector.broadcast %add3A_997 : i32 to vector<16xi32>
            %add3A_999 = arith.addi %iota3A, %add3A_998 : vector<16xi32>
            %and3A_1000 = arith.constant 31 : i32
            %and3A_1001 = vector.broadcast %and3A_1000 : i32 to vector<16xi32>
            %and3A_1002 = arith.andi %add3A_999, %and3A_1001 : vector<16xi32>
            %add3A_1003 = vector.broadcast %mul3A_185 : i32 to vector<16xi32>
            %add3A_1004 = arith.addi %and3A_1002, %add3A_1003 : vector<16xi32>
            %add3A_1005 = arith.constant 128 : i32
            %add3A_1006 = vector.broadcast %add3A_1005 : i32 to vector<16xi32>
            %add3A_1007 = arith.addi %add3A_1004, %add3A_1006 : vector<16xi32>
            %gather3A_1008 = tpu.vector_load_idx %arg11[%add3A_170, %add3A_1007] : memref<32x256xf32, #tpu.memory_space<vmem>>[vector<16xi32>, vector<16xi32>], vector<16xf32>,
            %mul3A_1009 = arith.mulf %add3A_632, %gather3A_1008 : vector<16xf32>
            tpu.vector_store_idx %arg12[%add3A_170, %add3A_1004], %mul3A_1009 : memref<32x128xf32, #tpu.memory_space<vmem>>[vector<16xi32>, vector<16xi32>], vector<16xf32>,
            %add3A_1010 = arith.constant 29 : i32
            %add3A_1011 = vector.broadcast %add3A_1010 : i32 to vector<16xi32>
            %add3A_1012 = arith.addi %iota3A, %add3A_1011 : vector<16xi32>
            %and3A_1013 = arith.constant 31 : i32
            %and3A_1014 = vector.broadcast %and3A_1013 : i32 to vector<16xi32>
            %and3A_1015 = arith.andi %add3A_1012, %and3A_1014 : vector<16xi32>
            %add3A_1016 = vector.broadcast %mul3A_185 : i32 to vector<16xi32>
            %add3A_1017 = arith.addi %and3A_1015, %add3A_1016 : vector<16xi32>
            %add3A_1018 = arith.constant 128 : i32
            %add3A_1019 = vector.broadcast %add3A_1018 : i32 to vector<16xi32>
            %add3A_1020 = arith.addi %add3A_1017, %add3A_1019 : vector<16xi32>
            %gather3A_1021 = tpu.vector_load_idx %arg11[%add3A_170, %add3A_1020] : memref<32x256xf32, #tpu.memory_space<vmem>>[vector<16xi32>, vector<16xi32>], vector<16xf32>,
            %mul3A_1022 = arith.mulf %add3A_632, %gather3A_1021 : vector<16xf32>
            tpu.vector_store_idx %arg12[%add3A_170, %add3A_1017], %mul3A_1022 : memref<32x128xf32, #tpu.memory_space<vmem>>[vector<16xi32>, vector<16xi32>], vector<16xf32>,
            %add3A_1023 = arith.constant 30 : i32
            %add3A_1024 = vector.broadcast %add3A_1023 : i32 to vector<16xi32>
            %add3A_1025 = arith.addi %iota3A, %add3A_1024 : vector<16xi32>
            %and3A_1026 = arith.constant 31 : i32
            %and3A_1027 = vector.broadcast %and3A_1026 : i32 to vector<16xi32>
            %and3A_1028 = arith.andi %add3A_1025, %and3A_1027 : vector<16xi32>
            %add3A_1029 = vector.broadcast %mul3A_185 : i32 to vector<16xi32>
            %add3A_1030 = arith.addi %and3A_1028, %add3A_1029 : vector<16xi32>
            %add3A_1031 = arith.constant 128 : i32
            %add3A_1032 = vector.broadcast %add3A_1031 : i32 to vector<16xi32>
            %add3A_1033 = arith.addi %add3A_1030, %add3A_1032 : vector<16xi32>
            %gather3A_1034 = tpu.vector_load_idx %arg11[%add3A_170, %add3A_1033] : memref<32x256xf32, #tpu.memory_space<vmem>>[vector<16xi32>, vector<16xi32>], vector<16xf32>,
            %mul3A_1035 = arith.mulf %add3A_632, %gather3A_1034 : vector<16xf32>
            tpu.vector_store_idx %arg12[%add3A_170, %add3A_1030], %mul3A_1035 : memref<32x128xf32, #tpu.memory_space<vmem>>[vector<16xi32>, vector<16xi32>], vector<16xf32>,
            %add3A_1036 = arith.constant 31 : i32
            %add3A_1037 = vector.broadcast %add3A_1036 : i32 to vector<16xi32>
            %add3A_1038 = arith.addi %iota3A, %add3A_1037 : vector<16xi32>
            %and3A_1039 = arith.constant 31 : i32
            %and3A_1040 = vector.broadcast %and3A_1039 : i32 to vector<16xi32>
            %and3A_1041 = arith.andi %add3A_1038, %and3A_1040 : vector<16xi32>
            %add3A_1042 = vector.broadcast %mul3A_185 : i32 to vector<16xi32>
            %add3A_1043 = arith.addi %and3A_1041, %add3A_1042 : vector<16xi32>
            %add3A_1044 = arith.constant 128 : i32
            %add3A_1045 = vector.broadcast %add3A_1044 : i32 to vector<16xi32>
            %add3A_1046 = arith.addi %add3A_1043, %add3A_1045 : vector<16xi32>
            %gather3A_1047 = tpu.vector_load_idx %arg11[%add3A_170, %add3A_1046] : memref<32x256xf32, #tpu.memory_space<vmem>>[vector<16xi32>, vector<16xi32>], vector<16xf32>,
            %mul3A_1048 = arith.mulf %add3A_632, %gather3A_1047 : vector<16xf32>
            tpu.vector_store_idx %arg12[%add3A_170, %add3A_1043], %mul3A_1048 : memref<32x128xf32, #tpu.memory_space<vmem>>[vector<16xi32>, vector<16xi32>], vector<16xf32>,
          }
          %scan3A_182 = arith.constant 4 : i32
        }
        %scan3A_158 = arith.constant 2 : i32
        %dma_start3A_159 = arith.constant 2 : i32
        %dma_start3A_160 = arith.constant 0 : i32
        %dma_start3A_161 = tpu.memref_slice %arg14[%dma_start3A_159, %add3A_120, %dma_start3A_160] : memref<4x16x32xi32, #tpu.memory_space<vmem>> -> memref<1x1x32xi32, #tpu.memory_space<vmem>>
        %dma_start3A_162 = tpu.memref_squeeze %dma_start3A_161 : memref<1x1x32xi32, #tpu.memory_space<vmem>> -> memref<32xi32, #tpu.memory_space<vmem>>
        %dma_start3A_163 = arith.constant 0 : i32
        %dma_start3A_164 = arith.constant 0 : i32
        %dma_start3A_165 = tpu.memref_slice %arg15[%dma_start3A_163, %dma_start3A_164] : memref<10112x128xf32, #tpu.memory_space<vmem_shared>> -> memref<10112x128xf32, #tpu.memory_space<vmem_shared>>
        tpu.enqueue_indirect_dma source(%arg12 : memref<32x128xf32, #tpu.memory_space<vmem>>) target(%dma_start3A_165 : memref<10112x128xf32, #tpu.memory_space<vmem_shared>>) offsets(%dma_start3A_162 : memref<32xi32, #tpu.memory_space<vmem>>) semaphore(%arg18 : memref<!tpu.dma_semaphore, #tpu.memory_space<semaphore_mem>>) {add = true}
      }
      %scan3A_49 = arith.constant 8 : i32
    }
    %scan3A_7 = arith.constant 20 : i32
    %dma_wait3A = arith.constant 0 : i32
    %dma_wait3A_8 = arith.constant 0 : i32
    %dma_wait3A_9 = tpu.memref_slice %arg6[%dma_wait3A, %dma_wait3A_8] : memref<10112x128xf32, #tpu.memory_space<hbm>> -> memref<32x128xf32, #tpu.memory_space<hbm>>
    %dma_wait3A_10 = arith.constant 0 : i32
    %dma_wait3A_11 = arith.constant 0 : i32
    %dma_wait3A_12 = tpu.memref_slice %arg6[%dma_wait3A_10, %dma_wait3A_11] : memref<10112x128xf32, #tpu.memory_space<hbm>> -> memref<32x128xf32, #tpu.memory_space<hbm>>
    tpu.wait_dma2 semaphore(%arg18 : memref<!tpu.dma_semaphore, #tpu.memory_space<semaphore_mem>>) src(%dma_wait3A_12 : memref<32x128xf32, #tpu.memory_space<hbm>>) dst(%arg12 : memref<32x128xf32, #tpu.memory_space<vmem>>)
    %barrier3A_13 = arith.constant 0 : index
    tpu.barrier barrier_id(%barrier3A_13)
    %mul3A_14 = arith.constant 632 : i32
    %mul3A_15 = arith.muli %arg1, %mul3A_14 : i32
    %mul3A_16 = arith.constant 632 : i32
    %mul3A_17 = arith.muli %arg1, %mul3A_16 : i32
    "tpu.region"() ({
      %run_scoped3A = tpu.sem_alloc : memref<!tpu.dma_semaphore, #tpu.memory_space<semaphore_mem>>
      %dma_start3A = arith.constant 0 : i32
      %dma_start3A_18 = tpu.memref_slice %arg7[%arg0, %mul3A_17, %dma_start3A] : memref<2x10112x128xf32, #tpu.memory_space<hbm>> -> memref<1x632x128xf32, #tpu.memory_space<hbm>>
      %dma_start3A_19 = tpu.memref_squeeze %dma_start3A_18 : memref<1x632x128xf32, #tpu.memory_space<hbm>> -> memref<632x128xf32, #tpu.memory_space<hbm>>
      %dma_start3A_20 = arith.constant 0 : i32
      %dma_start3A_21 = tpu.memref_slice %arg15[%mul3A_15, %dma_start3A_20] : memref<10112x128xf32, #tpu.memory_space<vmem_shared>> -> memref<632x128xf32, #tpu.memory_space<vmem_shared>>
      tpu.enqueue_dma source(%dma_start3A_21 : memref<632x128xf32, #tpu.memory_space<vmem_shared>>) target(%dma_start3A_19 : memref<632x128xf32, #tpu.memory_space<hbm>>) target_semaphore(%run_scoped3A : memref<!tpu.dma_semaphore, #tpu.memory_space<semaphore_mem>>)
      %dma_wait3A_22 = arith.constant 0 : i32
      %dma_wait3A_23 = tpu.memref_slice %arg7[%arg0, %mul3A_17, %dma_wait3A_22] : memref<2x10112x128xf32, #tpu.memory_space<hbm>> -> memref<1x632x128xf32, #tpu.memory_space<hbm>>
      %dma_wait3A_24 = tpu.memref_squeeze %dma_wait3A_23 : memref<1x632x128xf32, #tpu.memory_space<hbm>> -> memref<632x128xf32, #tpu.memory_space<hbm>>
      %dma_wait3A_25 = arith.constant 0 : i32
      %dma_wait3A_26 = tpu.memref_slice %arg15[%mul3A_15, %dma_wait3A_25] : memref<10112x128xf32, #tpu.memory_space<vmem_shared>> -> memref<632x128xf32, #tpu.memory_space<vmem_shared>>
      tpu.wait_dma2 semaphore(%run_scoped3A : memref<!tpu.dma_semaphore, #tpu.memory_space<semaphore_mem>>) src(%dma_wait3A_26 : memref<632x128xf32, #tpu.memory_space<vmem_shared>>) dst(%dma_wait3A_24 : memref<632x128xf32, #tpu.memory_space<hbm>>)
      tpu.yield
    }) : () -> ()
    return
  }
}

module attributes {stable_mosaic.version = 14 : i64} {
  func.func @_proj_body(%arg0: i32, %arg1: i32, %arg2: memref<1000x256xf32, #tpu.memory_space<vmem>>, %arg3: memref<256x128xf32, #tpu.memory_space<vmem>>, %arg4: memref<1x1x128xf32, #tpu.memory_space<vmem>>, %arg5: memref<256x128xf32, #tpu.memory_space<vmem>>, %arg6: memref<1x1x128xf32, #tpu.memory_space<vmem>>, %arg7: memref<256x128xf32, #tpu.memory_space<vmem>>, %arg8: memref<1x1x128xf32, #tpu.memory_space<vmem>>, %arg9: memref<27x128xf32, #tpu.memory_space<vmem>>, %arg10: memref<128x128xf32, #tpu.memory_space<vmem>>, %arg11: memref<1x1000x128xf32, #tpu.memory_space<vmem>>, %arg12: memref<1x1000x256xf32, #tpu.memory_space<vmem>>, %arg13: memref<1x27x128xf32, #tpu.memory_space<vmem>>) attributes {dimension_semantics = [#tpu.dimension_semantics<arbitrary>, #tpu.dimension_semantics<arbitrary>], iteration_bounds = array<i64: 2, 10>, scalar_prefetch = 0 : i64, scratch_operands = 0 : i64, tpu.core_type = #tpu.core_type<tc>, window_params = [{transform_indices = @transform_0, window_bounds = array<i64: 1000, 256>}, {transform_indices = @transform_1, window_bounds = array<i64: 256, 128>}, {transform_indices = @transform_2, window_bounds = array<i64: 1, 1, 128>}, {transform_indices = @transform_3, window_bounds = array<i64: 256, 128>}, {transform_indices = @transform_4, window_bounds = array<i64: 1, 1, 128>}, {transform_indices = @transform_5, window_bounds = array<i64: 256, 128>}, {transform_indices = @transform_6, window_bounds = array<i64: 1, 1, 128>}, {transform_indices = @transform_7, window_bounds = array<i64: 27, 128>}, {pipeline_mode = #tpu.pipeline_mode<synchronous>, transform_indices = @transform_8, window_bounds = array<i64: 128, 128>}, {transform_indices = @transform_9, window_bounds = array<i64: 1, 1000, 128>}, {transform_indices = @transform_10, window_bounds = array<i64: 1, 1000, 256>}, {transform_indices = @transform_11, window_bounds = array<i64: 1, 27, 128>}]} {
    %get3A = arith.constant 0 : index
    %get3A_0 = arith.constant 0 : index
    %get3A_1 = vector.load %arg2[%get3A, %get3A_0] : memref<1000x256xf32, #tpu.memory_space<vmem>>, vector<1000x256xf32>
    %get3A_2 = arith.constant 0 : index
    %get3A_3 = arith.constant 0 : index
    %get3A_4 = vector.load %arg10[%get3A_2, %get3A_3] : memref<128x128xf32, #tpu.memory_space<vmem>>, vector<128x128xf32>
    %get3A_5 = arith.constant 0 : index
    %get3A_6 = arith.constant 0 : index
    %get3A_7 = arith.constant 0 : index
    %get3A_8 = vector.load %arg4[%get3A_5, %get3A_6, %get3A_7] : memref<1x1x128xf32, #tpu.memory_space<vmem>>, vector<1x1x128xf32>
    %reshape3A = vector.shape_cast %get3A_8 : vector<1x1x128xf32> to vector<1x128xf32>
    %get3A_9 = arith.constant 0 : index
    %get3A_10 = arith.constant 0 : index
    %get3A_11 = arith.constant 0 : index
    %get3A_12 = vector.load %arg6[%get3A_9, %get3A_10, %get3A_11] : memref<1x1x128xf32, #tpu.memory_space<vmem>>, vector<1x1x128xf32>
    %reshape3A_13 = vector.shape_cast %get3A_12 : vector<1x1x128xf32> to vector<1x128xf32>
    %get3A_14 = arith.constant 0 : index
    %get3A_15 = arith.constant 0 : index
    %get3A_16 = arith.constant 0 : index
    %get3A_17 = vector.load %arg8[%get3A_14, %get3A_15, %get3A_16] : memref<1x1x128xf32, #tpu.memory_space<vmem>>, vector<1x1x128xf32>
    %reshape3A_18 = vector.shape_cast %get3A_17 : vector<1x1x128xf32> to vector<1x128xf32>
    %get3A_19 = arith.constant 0 : index
    %get3A_20 = arith.constant 0 : index
    %get3A_21 = vector.load %arg3[%get3A_19, %get3A_20] : memref<256x128xf32, #tpu.memory_space<vmem>>, vector<256x128xf32>
    %dot_general3A = arith.constant dense<0.000000e+00> : vector<1000x128xf32>
    %dot_general3A_22 = tpu.matmul %get3A_1, %get3A_21, %dot_general3A {dimension_numbers = #tpu.dot_dimension_numbers<[1], [0], [0], [1], [0, 0, 1, 1], [], []>, transpose_lhs_hint = false} : vector<1000x256xf32>, vector<256x128xf32>, vector<1000x128xf32> -> vector<1000x128xf32>
    %add3A = vector.broadcast %reshape3A : vector<1x128xf32> to vector<1000x128xf32>
    %add3A_23 = arith.addf %dot_general3A_22, %add3A : vector<1000x128xf32>
    %get3A_24 = arith.constant 0 : index
    %get3A_25 = arith.constant 0 : index
    %get3A_26 = vector.load %arg5[%get3A_24, %get3A_25] : memref<256x128xf32, #tpu.memory_space<vmem>>, vector<256x128xf32>
    %dot_general3A_27 = arith.constant dense<0.000000e+00> : vector<1000x128xf32>
    %dot_general3A_28 = tpu.matmul %get3A_1, %get3A_26, %dot_general3A_27 {dimension_numbers = #tpu.dot_dimension_numbers<[1], [0], [0], [1], [0, 0, 1, 1], [], []>, transpose_lhs_hint = false} : vector<1000x256xf32>, vector<256x128xf32>, vector<1000x128xf32> -> vector<1000x128xf32>
    %add3A_29 = vector.broadcast %reshape3A_13 : vector<1x128xf32> to vector<1000x128xf32>
    %add3A_30 = arith.addf %dot_general3A_28, %add3A_29 : vector<1000x128xf32>
    %get3A_31 = arith.constant 0 : index
    %get3A_32 = arith.constant 0 : index
    %get3A_33 = vector.load %arg7[%get3A_31, %get3A_32] : memref<256x128xf32, #tpu.memory_space<vmem>>, vector<256x128xf32>
    %dot_general3A_34 = arith.constant dense<0.000000e+00> : vector<1000x128xf32>
    %dot_general3A_35 = tpu.matmul %get3A_1, %get3A_33, %dot_general3A_34 {dimension_numbers = #tpu.dot_dimension_numbers<[1], [0], [0], [1], [0, 0, 1, 1], [], []>, transpose_lhs_hint = false} : vector<1000x256xf32>, vector<256x128xf32>, vector<1000x128xf32> -> vector<1000x128xf32>
    %add3A_36 = vector.broadcast %reshape3A_18 : vector<1x128xf32> to vector<1000x128xf32>
    %add3A_37 = arith.addf %dot_general3A_35, %add3A_36 : vector<1000x128xf32>
    %mul3A = arith.mulf %add3A_23, %add3A_23 : vector<1000x128xf32>
    %dot_general3A_38 = arith.constant dense<0.000000e+00> : vector<1000x128xf32>
    %dot_general3A_39 = tpu.matmul %mul3A, %get3A_4, %dot_general3A_38 {dimension_numbers = #tpu.dot_dimension_numbers<[1], [0], [0], [1], [0, 0, 1, 1], [], []>, transpose_lhs_hint = false} : vector<1000x128xf32>, vector<128x128xf32>, vector<1000x128xf32> -> vector<1000x128xf32>
    %sqrt3A = math.sqrt %dot_general3A_39 : vector<1000x128xf32>
    %max3A = arith.constant 9.99999996E-13 : f32
    %max3A_40 = vector.broadcast %max3A : f32 to vector<1000x128xf32>
    %max3A_41 = arith.maximumf %sqrt3A, %max3A_40 : vector<1000x128xf32>
    %div3A = arith.divf %add3A_23, %max3A_41 : vector<1000x128xf32>
    %reshape3A_42 = vector.shape_cast %div3A : vector<1000x128xf32> to vector<1x1000x128xf32>
    %swap3A = arith.constant 0 : index
    %swap3A_43 = arith.constant 0 : index
    %swap3A_44 = arith.constant 0 : index
    %swap3A_45 = vector.load %arg11[%swap3A, %swap3A_43, %swap3A_44] : memref<1x1000x128xf32, #tpu.memory_space<vmem>>, vector<1x1000x128xf32>
    tpu.vector_store %arg11[%swap3A, %swap3A_43, %swap3A_44], %reshape3A_42 {strides = array<i32>} : memref<1x1000x128xf32, #tpu.memory_space<vmem>>, vector<1x1000x128xf32>,
    %mul3A_46 = arith.mulf %add3A_30, %add3A_30 : vector<1000x128xf32>
    %dot_general3A_47 = arith.constant dense<0.000000e+00> : vector<1000x128xf32>
    %dot_general3A_48 = tpu.matmul %mul3A_46, %get3A_4, %dot_general3A_47 {dimension_numbers = #tpu.dot_dimension_numbers<[1], [0], [0], [1], [0, 0, 1, 1], [], []>, transpose_lhs_hint = false} : vector<1000x128xf32>, vector<128x128xf32>, vector<1000x128xf32> -> vector<1000x128xf32>
    %sqrt3A_49 = math.sqrt %dot_general3A_48 : vector<1000x128xf32>
    %max3A_50 = arith.constant 9.99999996E-13 : f32
    %max3A_51 = vector.broadcast %max3A_50 : f32 to vector<1000x128xf32>
    %max3A_52 = arith.maximumf %sqrt3A_49, %max3A_51 : vector<1000x128xf32>
    %div3A_53 = arith.divf %add3A_30, %max3A_52 : vector<1000x128xf32>
    %swap3A_54 = arith.constant 0 : index
    %swap3A_55 = arith.constant 0 : index
    %swap3A_56 = arith.constant 0 : index
    %swap3A_57 = vector.load %arg12[%swap3A_54, %swap3A_55, %swap3A_56] : memref<1x1000x256xf32, #tpu.memory_space<vmem>>, vector<1x1000x128xf32>
    %swap3A_58 = vector.shape_cast %swap3A_57 : vector<1x1000x128xf32> to vector<1000x128xf32>
    %swap3A_59 = vector.shape_cast %div3A_53 : vector<1000x128xf32> to vector<1x1000x128xf32>
    tpu.vector_store %arg12[%swap3A_54, %swap3A_55, %swap3A_56], %swap3A_59 {strides = array<i32>} : memref<1x1000x256xf32, #tpu.memory_space<vmem>>, vector<1x1000x128xf32>,
    %swap3A_60 = arith.constant 0 : index
    %swap3A_61 = arith.constant 0 : index
    %swap3A_62 = arith.constant 128 : index
    %swap3A_63 = vector.load %arg12[%swap3A_60, %swap3A_61, %swap3A_62] : memref<1x1000x256xf32, #tpu.memory_space<vmem>>, vector<1x1000x128xf32>
    %swap3A_64 = vector.shape_cast %swap3A_63 : vector<1x1000x128xf32> to vector<1000x128xf32>
    %swap3A_65 = vector.shape_cast %add3A_37 : vector<1000x128xf32> to vector<1x1000x128xf32>
    tpu.vector_store %arg12[%swap3A_60, %swap3A_61, %swap3A_62], %swap3A_65 {strides = array<i32>} : memref<1x1000x256xf32, #tpu.memory_space<vmem>>, vector<1x1000x128xf32>,
    %eq3A = arith.constant 0 : i32
    %eq3A_66 = arith.cmpi eq, %arg1, %eq3A : i32
    %convert_element_type3A = arith.extui %eq3A_66 : i1 to i32
    %cond3A = arith.constant 0 : i32
    %cond3A_67 = arith.cmpi ne, %convert_element_type3A, %cond3A : i32
    scf.if %cond3A_67 {
      %get3A_68 = arith.constant 0 : index
      %get3A_69 = arith.constant 0 : index
      %get3A_70 = vector.load %arg9[%get3A_68, %get3A_69] : memref<27x128xf32, #tpu.memory_space<vmem>>, vector<27x128xf32>
      %mul3A_71 = arith.mulf %get3A_70, %get3A_70 : vector<27x128xf32>
      %dot_general3A_72 = arith.constant dense<0.000000e+00> : vector<27x128xf32>
      %dot_general3A_73 = tpu.matmul %mul3A_71, %get3A_4, %dot_general3A_72 {dimension_numbers = #tpu.dot_dimension_numbers<[1], [0], [0], [1], [0, 0, 1, 1], [], []>, transpose_lhs_hint = false} : vector<27x128xf32>, vector<128x128xf32>, vector<27x128xf32> -> vector<27x128xf32>
      %sqrt3A_74 = math.sqrt %dot_general3A_73 : vector<27x128xf32>
      %max3A_75 = arith.constant 9.99999996E-13 : f32
      %max3A_76 = vector.broadcast %max3A_75 : f32 to vector<27x128xf32>
      %max3A_77 = arith.maximumf %sqrt3A_74, %max3A_76 : vector<27x128xf32>
      %div3A_78 = arith.divf %get3A_70, %max3A_77 : vector<27x128xf32>
      %reshape3A_79 = vector.shape_cast %div3A_78 : vector<27x128xf32> to vector<1x27x128xf32>
      %swap3A_80 = arith.constant 0 : index
      %swap3A_81 = arith.constant 0 : index
      %swap3A_82 = arith.constant 0 : index
      %swap3A_83 = vector.load %arg13[%swap3A_80, %swap3A_81, %swap3A_82] : memref<1x27x128xf32, #tpu.memory_space<vmem>>, vector<1x27x128xf32>
      tpu.vector_store %arg13[%swap3A_80, %swap3A_81, %swap3A_82], %reshape3A_79 {strides = array<i32>} : memref<1x27x128xf32, #tpu.memory_space<vmem>>, vector<1x27x128xf32>,
    } else {
    }
    return
  }
  func.func @transform_0(%arg0: i32, %arg1: i32) -> (i32, i32) {
    %c0_i32 = arith.constant 0 : i32
    %c0_i32_0 = arith.constant 0 : i32
    return %arg1, %c0_i32 : i32, i32
  }
  func.func @transform_1(%arg0: i32, %arg1: i32) -> (i32, i32) {
    %c0_i32 = arith.constant 0 : i32
    %c0_i32_0 = arith.constant 0 : i32
    return %c0_i32, %arg0 : i32, i32
  }
  func.func @transform_2(%arg0: i32, %arg1: i32) -> (i32, i32, i32) {
    %c0_i32 = arith.constant 0 : i32
    %c0_i32_0 = arith.constant 0 : i32
    %c0_i32_1 = arith.constant 0 : i32
    return %arg0, %c0_i32, %c0_i32_0 : i32, i32, i32
  }
  func.func @transform_3(%arg0: i32, %arg1: i32) -> (i32, i32) {
    %c0_i32 = arith.constant 0 : i32
    %c0_i32_0 = arith.constant 0 : i32
    return %c0_i32, %arg0 : i32, i32
  }
  func.func @transform_4(%arg0: i32, %arg1: i32) -> (i32, i32, i32) {
    %c0_i32 = arith.constant 0 : i32
    %c0_i32_0 = arith.constant 0 : i32
    %c0_i32_1 = arith.constant 0 : i32
    return %arg0, %c0_i32, %c0_i32_0 : i32, i32, i32
  }
  func.func @transform_5(%arg0: i32, %arg1: i32) -> (i32, i32) {
    %c0_i32 = arith.constant 0 : i32
    %c0_i32_0 = arith.constant 0 : i32
    return %c0_i32, %arg0 : i32, i32
  }
  func.func @transform_6(%arg0: i32, %arg1: i32) -> (i32, i32, i32) {
    %c0_i32 = arith.constant 0 : i32
    %c0_i32_0 = arith.constant 0 : i32
    %c0_i32_1 = arith.constant 0 : i32
    return %arg0, %c0_i32, %c0_i32_0 : i32, i32, i32
  }
  func.func @transform_7(%arg0: i32, %arg1: i32) -> (i32, i32) {
    %c0_i32 = arith.constant 0 : i32
    %c0_i32_0 = arith.constant 0 : i32
    return %c0_i32, %arg0 : i32, i32
  }
  func.func @transform_8(%arg0: i32, %arg1: i32) -> (i32, i32) {
    %c0_i32 = arith.constant 0 : i32
    %c0_i32_0 = arith.constant 0 : i32
    %c0_i32_1 = arith.constant 0 : i32
    return %c0_i32, %c0_i32_0 : i32, i32
  }
  func.func @transform_9(%arg0: i32, %arg1: i32) -> (i32, i32, i32) {
    %c0_i32 = arith.constant 0 : i32
    %c0_i32_0 = arith.constant 0 : i32
    return %arg0, %arg1, %c0_i32 : i32, i32, i32
  }
  func.func @transform_10(%arg0: i32, %arg1: i32) -> (i32, i32, i32) {
    %c0_i32 = arith.constant 0 : i32
    %c0_i32_0 = arith.constant 0 : i32
    return %arg0, %arg1, %c0_i32 : i32, i32, i32
  }
  func.func @transform_11(%arg0: i32, %arg1: i32) -> (i32, i32, i32) {
    %c0_i32 = arith.constant 0 : i32
    %c0_i32_0 = arith.constant 0 : i32
    %c0_i32_1 = arith.constant 0 : i32
    return %arg0, %c0_i32, %c0_i32_0 : i32, i32, i32
  }
}

module attributes {stable_mosaic.version = 14 : i64} {
  func.func @_out_body(%arg0: i32, %arg1: memref<1x1000x128xf32, #tpu.memory_space<vmem>>, %arg2: memref<1x1000x128xf32, #tpu.memory_space<vmem>>, %arg3: memref<256x256xf32, #tpu.memory_space<vmem>>, %arg4: memref<1x256xf32, #tpu.memory_space<vmem>>, %arg5: memref<1000x256xf32, #tpu.memory_space<vmem>>, %arg6: memref<1000x256xf32, #tpu.memory_space<vmem>>) attributes {dimension_semantics = [#tpu.dimension_semantics<arbitrary>], iteration_bounds = array<i64: 10>, scalar_prefetch = 0 : i64, scratch_operands = 0 : i64, tpu.core_type = #tpu.core_type<tc>, window_params = [{transform_indices = @transform_0, window_bounds = array<i64: 1, 1000, 128>}, {transform_indices = @transform_1, window_bounds = array<i64: 1, 1000, 128>}, {pipeline_mode = #tpu.pipeline_mode<synchronous>, transform_indices = @transform_2, window_bounds = array<i64: 256, 256>}, {pipeline_mode = #tpu.pipeline_mode<synchronous>, transform_indices = @transform_3, window_bounds = array<i64: 1, 256>}, {transform_indices = @transform_4, window_bounds = array<i64: 1000, 256>}, {transform_indices = @transform_5, window_bounds = array<i64: 1000, 256>}]} {
    %get3A = arith.constant 0 : index
    %get3A_0 = arith.constant 0 : index
    %get3A_1 = arith.constant 0 : index
    %get3A_2 = vector.load %arg1[%get3A, %get3A_0, %get3A_1] : memref<1x1000x128xf32, #tpu.memory_space<vmem>>, vector<1x1000x128xf32>
    %reshape3A = vector.shape_cast %get3A_2 : vector<1x1000x128xf32> to vector<1000x128xf32>
    %get3A_3 = arith.constant 0 : index
    %get3A_4 = arith.constant 0 : index
    %get3A_5 = arith.constant 0 : index
    %get3A_6 = vector.load %arg2[%get3A_3, %get3A_4, %get3A_5] : memref<1x1000x128xf32, #tpu.memory_space<vmem>>, vector<1x1000x128xf32>
    %reshape3A_7 = vector.shape_cast %get3A_6 : vector<1x1000x128xf32> to vector<1000x128xf32>
    %concatenate3A = tpu.concatenate %reshape3A, %reshape3A_7 in 1 : vector<1000x128xf32>, vector<1000x128xf32> -> vector<1000x256xf32>
    %get3A_8 = arith.constant 0 : index
    %get3A_9 = arith.constant 0 : index
    %get3A_10 = vector.load %arg3[%get3A_8, %get3A_9] : memref<256x256xf32, #tpu.memory_space<vmem>>, vector<256x256xf32>
    %dot_general3A = arith.constant dense<0.000000e+00> : vector<1000x256xf32>
    %dot_general3A_11 = tpu.matmul %concatenate3A, %get3A_10, %dot_general3A {dimension_numbers = #tpu.dot_dimension_numbers<[1], [0], [0], [1], [0, 0, 1, 1], [], []>, transpose_lhs_hint = false} : vector<1000x256xf32>, vector<256x256xf32>, vector<1000x256xf32> -> vector<1000x256xf32>
    %get3A_12 = arith.constant 0 : index
    %get3A_13 = arith.constant 0 : index
    %get3A_14 = vector.load %arg4[%get3A_12, %get3A_13] : memref<1x256xf32, #tpu.memory_space<vmem>>, vector<1x256xf32>
    %add3A = vector.broadcast %get3A_14 : vector<1x256xf32> to vector<1000x256xf32>
    %add3A_15 = arith.addf %dot_general3A_11, %add3A : vector<1000x256xf32>
    %get3A_16 = arith.constant 0 : index
    %get3A_17 = arith.constant 0 : index
    %get3A_18 = vector.load %arg5[%get3A_16, %get3A_17] : memref<1000x256xf32, #tpu.memory_space<vmem>>, vector<1000x256xf32>
    %add3A_19 = arith.addf %add3A_15, %get3A_18 : vector<1000x256xf32>
    %swap3A = arith.constant 0 : index
    %swap3A_20 = arith.constant 0 : index
    %swap3A_21 = vector.load %arg6[%swap3A, %swap3A_20] : memref<1000x256xf32, #tpu.memory_space<vmem>>, vector<1000x256xf32>
    tpu.vector_store %arg6[%swap3A, %swap3A_20], %add3A_19 {strides = array<i32>} : memref<1000x256xf32, #tpu.memory_space<vmem>>, vector<1000x256xf32>,
    return
  }
  func.func @transform_0(%arg0: i32) -> (i32, i32, i32) {
    %c0_i32 = arith.constant 0 : i32
    %c0_i32_0 = arith.constant 0 : i32
    %c0_i32_1 = arith.constant 0 : i32
    return %c0_i32, %arg0, %c0_i32_0 : i32, i32, i32
  }
  func.func @transform_1(%arg0: i32) -> (i32, i32, i32) {
    %c1_i32 = arith.constant 1 : i32
    %c0_i32 = arith.constant 0 : i32
    %c0_i32_0 = arith.constant 0 : i32
    return %c1_i32, %arg0, %c0_i32 : i32, i32, i32
  }
  func.func @transform_2(%arg0: i32) -> (i32, i32) {
    %c0_i32 = arith.constant 0 : i32
    %c0_i32_0 = arith.constant 0 : i32
    %c0_i32_1 = arith.constant 0 : i32
    return %c0_i32, %c0_i32_0 : i32, i32
  }
  func.func @transform_3(%arg0: i32) -> (i32, i32) {
    %c0_i32 = arith.constant 0 : i32
    %c0_i32_0 = arith.constant 0 : i32
    %c0_i32_1 = arith.constant 0 : i32
    return %c0_i32, %c0_i32_0 : i32, i32
  }
  func.func @transform_4(%arg0: i32) -> (i32, i32) {
    %c0_i32 = arith.constant 0 : i32
    %c0_i32_0 = arith.constant 0 : i32
    return %arg0, %c0_i32 : i32, i32
  }
  func.func @transform_5(%arg0: i32) -> (i32, i32) {
    %c0_i32 = arith.constant 0 : i32
    %c0_i32_0 = arith.constant 0 : i32
    return %arg0, %c0_i32 : i32, i32
  }
}

</mosaic_0001>

<sc_bundles>
// kernel: kernel.5.cloned.1.call-start
scs
__scs_entry_jumppad:
0x0: {  	(pc) =	sbr.rel $0x88, $3  }
0x1: {  	(tag) =	ssettag $0x0;
	lr =	simm.s32 $0x1  }
0x2: {  	[smem:$0x3F95] =	sst lr;
	_ =	strace $0xD0000000  }
0x3: {  	_ = 	snop  }
0x4: {  	_ = 	snop  }
0x5: {  	_ = 	snop  }
0x6: {  	_ = 	snop  }
0x7: {  	_ = 	snop  }
__scs_overlays_trampoline_lowered:
0x8: {  	[smem:$0x3FA4] =	sst s0  }
0x9: {  	[smem:$0x3FA5] =	sst s1  }
0xa: {  	[smem:$0x3FA6] =	sst s2  }
0xb: {  	[smem:$0x3FA7] =	sst s3  }
0xc: {  	[smem:$0x3FA8] =	sst s4  }
0xd: {  	[smem:$0x3FA9] =	sst s5  }
0xe: {  	[smem:$0x3FAA] =	sst s6  }
0xf: {  	[smem:$0x3FAB] =	sst s7  }
0x10: {  	[smem:$0x3FAC] =	sst s8  }
0x11: {  	[smem:$0x3FAD] =	sst s9;
	s0 =	simm.s32 @!p0 $0x0  }
0x12: {  	s1 =	sld [smem:$0x3F93];
	s0 =	simm.s32 @p0 $0x1  }
0x13: {  	[smem:$0x3FAE] =	sst s0;
	s0 =	simm.s32 @!p1 $0x0  }
0x14: {  	s2 =	sld [smem:$0x3F92];
	s0 =	simm.s32 @p1 $0x1  }
0x15: {  	[smem:$0x3FAF] =	sst s0;
	s0 =	simm.s32 @!p2 $0x0  }
0x16: {  	s3 =	sld [smem:$0x3FDB];
	s0 =	simm.s32 @p2 $0x1  }
0x17: {  	s4 =	simm.s32 $0x1BF5;
	[smem:$0x3FB1] =	sst s0  }
0x18: {  	s0 =	sld [smem:$0x3F94];
	_ =	swait.ge [sflag:s4], $0x0  }
0x19: {  	s7 =	sld [smem:$0x3F95]  }
0x1a: {  	s8 =	sadd.s32 $0xFFFFE003, lr  }
0x1b: {  	s9 =	sadd.s32 $0xFFFFFEF7, lr;
	s5 =	simm.s32 $0xFFFFFFFF;
	p2 =	slt.u32 s8, $0xFFFFF086  }
0x1c: {  	p1 =	slt.u32 s9, $0xF7A;
	s5 =	simm.s32 @!p2 $0x0  }
0x1d: {  	s5 =	simm.s32 @p1 $0x1;
	p0 =	seq.s32 s7, s2  }
0x1e: {  	s7 =	smul.u32 @!p0 $0xF7A, s2;
	p2 =	seq.s32 @!p0 s5, $0x0  }
0x1f: {  	s9 =	smul.u32 $0xF7A, s1;
	s8 =	simm.s32 @!p0 $0x1BF5;
	p2 =	por !p2, p0  }
0x20: {  	[sflag:s8] =	ssyncset.s32 @!p0 $0xFFFFF086;
	s6 =	sadd.s32 @!p0 s3, s7;
	s7 =	simm.s32 @!p0 $0x108  }
0x21: {  	s3 =	sadd.s32 s3, s9;
	s6 =	sadd.s32 @!p0 $0x88, s6;
	s7 =	simm.s32 @p2 $0x1082  }
0x22: {  	[simem:s7], [sflag:s8] =	dma.local @!p0 [hbm:s6], $0xF7A  }
0x23: {  	s9 =	sor.u32 $0xD0000000, s2;
	s6 =	simm.s32 $0x108;
	_ =	swait.ge @!p0 [sflag:s8], $0x0  }
0x24: {  	s3 =	sadd.s32 $0x88, s3;
	s6 =	simm.s32 @!p1 $0x1082;
	[sflag:s4] =	ssyncset.s32 $0xFFFFF086  }
0x25: {  	[simem:s6], [sflag:s4] =	dma.local [hbm:s3], $0xF7A  }
0x26: {  	[smem:$0x3F95] =	sst s1;
	(tag) =	ssettag s2;
	_ =	strace s9  }
0x27: {  	s1 =	sld [smem:$0x3FA5]  }
0x28: {  	s2 =	sld [smem:$0x3FA6]  }
0x29: {  	s4 =	sld [smem:$0x3FA8]  }
0x2a: {  	p0 =	seq.s32 s5, $0x0;
	s5 =	sld [smem:$0x3FA9]  }
0x2b: {  	s6 =	sld [smem:$0x3FAA]  }
0x2c: {  	s7 =	sld [smem:$0x3FAB]  }
0x2d: {  	s3 =	simm.s32 $0x108;
	s8 =	sld [smem:$0x3FAC]  }
0x2e: {  	s3 =	simm.s32 @!p0 $0x1082;
	s9 =	sld [smem:$0x3FAD]  }
0x2f: {  	lr =	sadd.s32 s0, s3;
	s0 =	sld [smem:$0x3FA4]  }
0x30: {  	s3 =	sld [smem:$0x3FA7]  }
0x31: {  	[smem:$0x3FB0] =	sst s10  }
0x32: {  	s10 =	sld [smem:$0x3FAE];
	_ =	sdelay $0x3  }
0x33: {  	p0 =	seq.s32 s10, $0x1;
	s10 =	sld [smem:$0x3FB0];
	_ =	sdelay $0x3  }
0x34: {  	[smem:$0x3FB0] =	sst s10  }
0x35: {  	s10 =	sld [smem:$0x3FAF];
	_ =	sdelay $0x3  }
0x36: {  	p1 =	seq.s32 s10, $0x1;
	s10 =	sld [smem:$0x3FB0];
	_ =	sdelay $0x3  }
0x37: {  	[smem:$0x3FB0] =	sst s10  }
0x38: {  	s10 =	sld [smem:$0x3FB1]  }
0x39: {  	_ = 	snop;
	(pc) =	sbr.ind lr, $3  }
0x3a: {  	_ = 	snop  }
0x3b: {  	_ = 	snop  }
0x3c: {  	p2 =	seq.s32 s10, $0x1;
	s10 =	sld [smem:$0x3FB0]  }
0x3d: {  	_ =	shalt  }
0x3e: {  	_ =	shalt  }
0x3f: {  	_ =	shalt  }
0x40: {  	_ =	shalt  }
0x41: {  	_ =	shalt  }
0x42: {  	_ =	shalt  }
0x43: {  	_ =	shalt  }
0x44: {  	_ =	shalt  }
0x45: {  	_ =	shalt  }
0x46: {  	_ =	shalt  }
0x47: {  	_ =	shalt  }
0x48: {  	_ =	shalt  }
0x49: {  	_ =	shalt  }
0x4a: {  	_ =	shalt  }
0x4b: {  	_ =	shalt  }
0x4c: {  	_ =	shalt  }
0x4d: {  	_ =	shalt  }
0x4e: {  	_ =	shalt  }
0x4f: {  	_ =	shalt  }
0x50: {  	_ =	shalt  }
0x51: {  	_ =	shalt  }
0x52: {  	_ =	shalt  }
0x53: {  	_ =	shalt  }
0x54: {  	_ =	shalt  }
0x55: {  	_ =	shalt  }
0x56: {  	_ =	shalt  }
0x57: {  	_ =	shalt  }
0x58: {  	_ =	shalt  }
0x59: {  	_ =	shalt  }
0x5a: {  	_ =	shalt  }
0x5b: {  	_ =	shalt  }
0x5c: {  	_ =	shalt  }
0x5d: {  	_ =	shalt  }
0x5e: {  	_ =	shalt  }
0x5f: {  	_ =	shalt  }
0x60: {  	_ =	shalt  }
0x61: {  	_ =	shalt  }
0x62: {  	_ =	shalt  }
0x63: {  	_ =	shalt  }
0x64: {  	_ =	shalt  }
0x65: {  	_ =	shalt  }
0x66: {  	_ =	shalt  }
0x67: {  	_ =	shalt  }
0x68: {  	_ =	shalt  }
0x69: {  	_ =	shalt  }
0x6a: {  	_ =	shalt  }
0x6b: {  	_ =	shalt  }
0x6c: {  	_ =	shalt  }
0x6d: {  	_ =	shalt  }
0x6e: {  	_ =	shalt  }
0x6f: {  	_ =	shalt  }
0x70: {  	_ =	shalt  }
0x71: {  	_ =	shalt  }
0x72: {  	_ =	shalt  }
0x73: {  	_ =	shalt  }
0x74: {  	_ =	shalt  }
0x75: {  	_ =	shalt  }
0x76: {  	_ =	shalt  }
0x77: {  	_ =	shalt  }
0x78: {  	_ =	shalt  }
0x79: {  	_ =	shalt  }
0x7a: {  	_ =	shalt  }
0x7b: {  	_ =	shalt  }
0x7c: {  	_ =	shalt  }
0x7d: {  	_ =	shalt  }
0x7e: {  	_ =	shalt  }
0x7f: {  	_ =	shalt  }
0x80: {  	_ =	shalt  }
0x81: {  	_ =	shalt  }
0x82: {  	_ =	shalt  }
0x83: {  	_ =	shalt  }
0x84: {  	_ =	shalt  }
0x85: {  	_ =	shalt  }
0x86: {  	_ =	shalt  }
0x87: {  	_ =	shalt  }
.Lfunc_end0:
.L_simem_size_0:
called_computation_lowered:
.L_overlay_start_0:
0x88: {  	s2 =	sld [smem:$0x3FD9]  }
0x89: {  	s3 =	sld [smem:$0x3FFE];
	_ =	sdelay $0x1  }
0x8a: {  	s1 =	srdreg.scid  }
0x8b: {  	s0 =	sand.u32 $0x1, s1  }
0x8c: {  	s17 =	sshll.u32 s0, $0xA;
	s2 =	sadd.s32 s3, s2  }
0x8d: {  	s2 =	sadd.s32 s2, s17  }
0x8e: {  	[smem:$0x3FBC] =	sst s2  }
0x8f: {  	_ = 	snop  }
0x90: {  	s2 =	sld [smem:$0x3FD0];
	(tm) =	ssettm $0x1  }
0x91: {  	s18 =	sld [smem:$0x3FFB];
	_ =	sdelay $0x3  }
0x92: {  	_ =	strace s18  }
0x93: {  	s3 =	sld [smem:$0x3FFC];
	_ =	sdelay $0x3  }
0x94: {  	_ =	strace s3  }
0x95: {  	s3 =	sld [smem:$0x3FFD];
	_ =	sdelay $0x3  }
0x96: {  	_ =	strace s3  }
0x97: {  	_ =	strace $0x8FFFFFFF  }
0x98: {  	s19 =	sld [smem:$0x3FDB];
	_ =	sdelay $0x1  }
0x99: {  	s4 =	simm.s32 $_scs_section_size  }
0x9a: {  	s5 =	simm.s32 $_size__tile_overlayer_lowered;
	s6 =	simm.s32 $_tile_overlayer_lowered  }
0x9b: {  	s22 =	simm.s32 $0x1BFF;
	s21 =	sshll.u32 s6, $0x1;
	s3 =	sadd.s32 s4, s19  }
0x9c: {  	s7 =	simm.s32 $0x0;
	s20 =	sshll.u32 s5, $0x1;
	s5 =	sadd.s32 s21, s3  }
0x9d: {  	[timem:s7], [sflag:s22] =	dma.local [hbm:s5], s20  }
0x9e: {  	_ =	swait.ge [sflag:s22], s20  }
0x9f: {  	s4 =	ssub.s32 $0x0, s20;
	[sflag:s22] =	ssyncset.done $0x0  }
0xa0: {  	[sflag:s22] =	ssyncadd.s32 s4;
	_ =	sdelay $0x1  }
0xa1: {  	s23 =	simm.s32 $0x1B8B  }
0xa2: {  	_ =	swait.ge [sflag:s23], $0x1  }
0xa3: {  	[sflag:s23] =	ssyncset.done $0x0  }
0xa4: {  	s25 =	simm.s32 $0x1B8E;
	s24 =	sld [smem:$0x3FFE];
	[sflag:s23] =	ssyncadd.s32 $0xFFFFFFFF  }
0xa5: {  	s26 =	simm.s32 $execute0_lowered;
	[smem:$0x3FD2] =	sst s25  }
0xa6: {  	s5 =	sshll.u32 s26, $0x1;
	_ =	strace $0x80000046;
	[dreg:$0x1] =	wrdreg $0xFFFFFFFF  }
0xa7: {  	s28 =	simm.s32 $_size_execute0_lowered;
	s3 =	sadd.s32 s3, s5;
	[dreg:$0x0] =	wrdreg $0x0  }
0xa8: {  	s5 =	sshll.u32 s28, $0x1;
	[dreg:$0x2] =	wrdreg s3  }
0xa9: {  	[dreg:$0x3] =	wrdreg s5  }
0xaa: {  	[dreg:$0x4] =	wrdreg $0xC0  }
0xab: {  	_ =	task [dreg:s7], $0x5FFFF  }
0xac: {  	[dreg:$0x1] =	wrdreg $0xFFFFFFFF  }
0xad: {  	[dreg:$0x0] =	wrdreg $0x60  }
0xae: {  	[dreg:$0x2] =	wrdreg s2  }
0xaf: {  	[dreg:$0x3] =	wrdreg s24  }
0xb0: {  	[dreg:$0x4] =	wrdreg $0xA0000  }
0xb1: {  	[dreg:$0x5] =	wrdreg $0x9  }
0xb2: {  	_ =	task.clear_ibuf [dreg:s7], $0x6FFFF;
	_ =	strace $0x90000046  }
0xb3: {  	s29 =	simm.s32 $0x9;
	_ =	strace $0x80000048  }
0xb4: {  	_ =	swait.ge [sflag:s29], $0x1  }
0xb5: {  	[sflag:s29] =	ssyncadd.s32 $0xFFFFFFFF  }
0xb6: {  	_ =	strace $0x90000048  }
0xb7: {  	_ =	sfence  }
0xb8: {  	s30 =	sld [smem:$0x0];
	_ =	sdelay $0x2  }
0xb9: {  	s31 =	sshll.u32 s1, $0xD;
	s1 =	sshrl.u32 s1, $0x2  }
0xba: {  	s3 =	sand.u32 $0x4000, s31;
	s1 =	sadd.s32 s1, s30  }
0xbb: {  	s0 =	sor.u32 s3, s0;
	s1 =	sshll.u32 s1, $0x11  }
0xbc: {  	s0 =	sor.u32 s1, s0  }
0xbd: {  	s0 =	sadd.s32 $0x8F2B, s0  }
0xbe: {  	[sflag:s0] =	ssyncadd.remote.s32 $0x1  }
0xbf: {  	_ =	sfence.sel $0xFFFF  }
0xc0: {  	[dreg:$0x0] =	wrdreg $0xFFFFFFFF;
	(pc) =	sbr.abs _section_cstart, $3  }
0xc1: {  	[dreg:$0x1] =	wrdreg $0xFFFFFFFF  }
0xc2: {  	_ =	task.clear_ibuf [dreg:s7], $0x2FFFF;
	_ =	strace $0x9FFFFFFF  }
0xc3: {  	(tm) =	ssettm $0x7FFFFFFF  }
tec
execute0_lowered:
.L_overlay_start_1:
0x0: {  	(tag) =	ssettag $0x1  }
0x1: {  	v19 =	vlaneseq.u32;
	v40 =	vimm.s32 $0x14131211;
	v41 =	vimm.s32 $0x18171615  }
0x2: {  	vm1 =	vcmask $0x1F10;
	v2 =	vimm.s32 $0x1C1B1A19;
	v3 =	vimm.s32 $0x1F1E1D  }
0x3: {  	v4 =	vimm.s32 $0x15141312;
	v5 =	vimm.s32 $0x19181716;
	v6 =	vimm.s32 $0x1D1C1B1A  }
0x4: {  	v7 =	vimm.s32 $0x1001F1E;
	v56 =	vimm.s32 $0x16151413;
	v9 =	vimm.s32 $0x1A191817  }
0x5: {  	v10 =	vimm.s32 $0x1E1D1C1B;
	v11 =	vimm.s32 $0x201001F;
	v12 =	vimm.s32 $0x3020100  }
0x6: {  	v13 =	vimm.s32 $0x1F1E1D1C;
	v14 =	vimm.s32 $0x17161514;
	v15 =	vimm.s32 $0x1B1A1918  }
0x7: {  	v17 =	vimm.s32 $0x4030201;
	v18 =	vimm.s32 $0x5040302;
	v59 =	vimm.s32 $0x6050403  }
0x8: {  	v60 =	vimm.s32 $0x76543210;
	v62 =	vimm.s32 $0x87654321;
	v32 =	vimm.s32 $0x98765432  }
0x9: {  	v34 =	vimm.s32 $0xA9876543;
	v35 =	vimm.s32 $0x32107654;
	v55 =	vimm.s32 $0x43218765  }
0xa: {  	vm2 =	vcmask $0x3F30;
	vm15 =	vcmask $0x300;
	vm14 =	vcmask $0x704  }
0xb: {  	vm13 =	vcmask $0xB08;
	vm12 =	vcmask $0xF0C;
	vm11 =	vcmask $0x1310  }
0xc: {  	vm10 =	vcmask $0x1714;
	vm9 =	vcmask $0x1B18;
	vm8 =	vcmask $0x1F1C  }
0xd: {  	vm7 =	vcmask $0x2320;
	vm6 =	vcmask $0x2724;
	vm5 =	vcmask $0x2B28  }
0xe: {  	vm4 =	vcmask $0x2F2C;
	vm3 =	vcmask $0x3330;
	v0 =	vshrl.u32 v19, $0x3  }
0xf: {  	v1 =	vand.u32 $0x7, v19;
	v38 =	vor.u32 $0x8, v19;
	v20 =	vadd.s32 $0x1, v19  }
0x10: {  	v21 =	vadd.s32 $0x2, v19;
	v22 =	vadd.s32 $0x3, v19;
	v23 =	vadd.s32 $0x4, v19  }
0x11: {  	v24 =	vadd.s32 $0x5, v19;
	v31 =	vadd.s32 $0x6, v19;
	v25 =	vadd.s32 $0x7, v19  }
0x12: {  	v26 =	vadd.s32 $0x8, v19;
	v36 =	vadd.s32 $0x9, v19;
	v27 =	vadd.s32 $0xA, v19  }
0x13: {  	v2 =	vunpack.c.0.s8.s32 v2;
	v3 =	vunpack.c.0.s8.s32 v3;
	v4 =	vunpack.c.0.s8.s32 v4  }
0x14: {  	v5 =	vunpack.c.0.s8.s32 v5;
	v6 =	vunpack.c.0.s8.s32 v6;
	v7 =	vunpack.c.0.s8.s32 v7  }
0x15: {  	v28 =	vadd.s32 $0xB, v19;
	v9 =	vunpack.c.0.s8.s32 v9;
	v10 =	vunpack.c.0.s8.s32 v10  }
0x16: {  	v11 =	vunpack.c.0.s8.s32 v11;
	v12 =	vunpack.c.0.s8.s32 v12;
	v13 =	vunpack.c.0.s8.s32 v13  }
0x17: {  	v14 =	vunpack.c.0.s8.s32 v14;
	v15 =	vunpack.c.0.s8.s32 v15;
	v17 =	vunpack.c.0.s8.s32 v17  }
0x18: {  	v57 =	vunpack.c.0.s8.s32 v18;
	v0 =	vmul.u32 $0x8, v0;
	v39 =	vmul.u32 $0x80, v1  }
0x19: {  	[tilespmem:$0x1FCA0] =	vst v1;
	v1 =	vunpack.c.0.s8.s32 v41;
	v8 =	vsel vm1, v3, v2;
	v42 =	vsel vm1, v5, v4  }
0x1a: {  	v43 =	vsel vm1, v7, v6;
	v16 =	vsel vm1, v11, v10;
	v12 =	vsel vm1, v12, v13  }
0x1b: {  	v14 =	vsel vm1, v15, v14;
	v58 =	vsel vm1, v17, v3;
	v5 =	vsel vm1, v6, v5  }
0x1c: {  	v63 =	vsel vm1, v10, v9;
	v33 =	vsel vm1, v13, v15;
	v6 =	vunpack.c.l.s4.s8 v32  }
0x1d: {  	v10 =	vunpack.c.l.s4.s8 v34;
	v32 =	vimm.s32 $0x791;
	v34 =	vimm.s32 $0x793  }
0x1e: {  	[tilespmem:$0x1FC80] =	vst v0;
	v0 =	vunpack.c.0.s8.s32 v40;
	v45 =	vcombine.low v42, v43;
	v47 =	vcombine.low v14, v12  }
0x1f: {  	v12 =	vunpack.c.l.s4.s8 v35;
	v14 =	vimm.s32 $0x790;
	v6 =	vunpack.c.0.s8.s32 v6  }
0x20: {  	[tilespmem:$0x1FCB0] =	vst v39;
	v39 =	vunpack.c.0.s8.s32 v10;
	v0 =	vsel vm1, v1, v0;
	v1 =	vsel vm1, v2, v1  }
0x21: {  	v2 =	vunpack.c.0.s8.s32 v59;
	v40 =	vunpack.c.0.s8.s32 v12;
	v59 =	vimm.s32 $0xC0B0A09  }
0x22: {  	v44 =	vcombine.low v0, v8;
	v0 =	vunpack.c.0.s8.s32 v56;
	v48 =	vcombine.low v1, v58  }
0x23: {  	[tilespmem:$0x1FC90] =	vst v38;
	v38 =	vand.u32 $0xF, v6;
	v41 =	vand.u32 $0xF, v39;
	v56 =	vimm.s32 $0xB0A0908  }
0x24: {  	v1 =	vunpack.c.l.s4.s8 v55;
	v58 =	vimm.s32 $0x6543A987;
	v39 =	vimm.s32 $0x795  }
0x25: {  	v61 =	vsel vm1, v2, v11;
	v2 =	vunpack.c.l.s4.s8 v62;
	v53 =	vcombine.low v43, v38  }
0x26: {  	v42 =	vand.u32 $0xF, v40;
	v54 =	vcombine.low v16, v41;
	v62 =	vimm.s32 $0xD0C0B0A  }
0x27: {  	v38 =	vimm.s32 $0x794;
	v40 =	vimm.s32 $0x796;
	v0 =	vsel vm1, v9, v0  }
0x28: {  	v50 =	vcombine.low v63, v61;
	v9 =	vadd.s32 $0xC, v19;
	v1 =	vunpack.c.0.s8.s32 v1  }
0x29: {  	v63 =	vimm.s32 $0xE0D0C0B;
	v46 =	vcombine.low v0, v16;
	v0 =	vsel vm1, v57, v7  }
0x2a: {  	v2 =	vunpack.c.0.s8.s32 v2;
	vm1 =	vcmask $0x2F10;
	v57 =	vimm.s32 $0x54329876  }
0x2b: {  	v6 =	vunpack.c.0.s8.s32 v63;
	v63 =	vimm.s32 $0x79A;
	v49 =	vcombine.low v5, v0  }
0x2c: {  	v0 =	vunpack.c.l.s4.s8 v60;
	v43 =	vsel vm1, v42, v13;
	v4 =	vunpack.c.l.s4.s8 v57  }
0x2d: {  	v5 =	vunpack.c.l.s4.s8 v58;
	v1 =	vand.u32 $0xF, v1;
	v13 =	vimm.s32 $0x78F  }
0x2e: {  	v58 =	vimm.s32 $0x797;
	v37 =	vand.u32 $0xF, v2;
	v2 =	vunpack.c.0.s8.s32 v56  }
0x2f: {  	v1 =	vsel vm1, v1, v3;
	v0 =	vunpack.c.0.s8.s32 v0;
	v52 =	vcombine.low v8, v37  }
0x30: {  	v60 =	vunpack.c.0.s8.s32 v4;
	v61 =	vunpack.c.0.s8.s32 v5;
	v5 =	vunpack.c.0.s8.s32 v62  }
0x31: {  	v55 =	vsel vm2, v2, v43;
	v51 =	vcombine.low v33, v0;
	v0 =	vunpack.c.0.s8.s32 v59  }
0x32: {  	v2 =	vand.u32 $0xF, v60;
	v4 =	vand.u32 $0xF, v61;
	v33 =	vimm.s32 $0x792  }
0x33: {  	v59 =	vimm.s32 $0x798;
	v60 =	vimm.s32 $0x799;
	v2 =	vsel vm1, v2, v7  }
0x34: {  	v10 =	vsel vm1, v4, v11;
	vm1 =	vcmask $0x3734;
	v4 =	vimm.s32 $0x79B  }
0x35: {  	v56 =	vsel vm2, v0, v1;
	v11 =	vsel vm2, v5, v2;
	v12 =	vsel vm2, v6, v10  }
0x36: {  	v0 =	vsel vm15, $0x400, v13;
	v1 =	vsel vm15, $0x401, v14;
	vm2 =	vcmask $0x3B38  }
0x37: {  	v2 =	vsel vm15, $0x404, v34;
	v5 =	vimm.s32 $0x79C;
	v34 =	vimm.s32 $0x79F  }
0x38: {  	v0 =	vsel vm14, $0x481, v0;
	v1 =	vsel vm14, $0x482, v1;
	v2 =	vsel vm14, $0x485, v2  }
0x39: {  	v0 =	vsel vm13, $0x502, v0;
	v1 =	vsel vm13, $0x503, v1;
	v2 =	vsel vm13, $0x506, v2  }
0x3a: {  	v0 =	vsel vm12, $0x583, v0;
	v1 =	vsel vm12, $0x584, v1;
	v2 =	vsel vm12, $0x587, v2  }
0x3b: {  	v0 =	vsel vm11, $0x604, v0;
	v1 =	vsel vm11, $0x605, v1;
	v2 =	vsel vm11, $0x608, v2  }
0x3c: {  	v0 =	vsel vm10, $0x685, v0;
	v1 =	vsel vm10, $0x686, v1;
	v2 =	vsel vm10, $0x689, v2  }
0x3d: {  	v0 =	vsel vm9, $0x706, v0;
	v1 =	vsel vm9, $0x707, v1;
	v2 =	vsel vm9, $0x70A, v2  }
0x3e: {  	v0 =	vsel vm8, $0x787, v0;
	v1 =	vsel vm8, $0x788, v1;
	v2 =	vsel vm8, $0x78B, v2  }
0x3f: {  	v0 =	vsel vm7, $0x408, v0;
	v1 =	vsel vm7, $0x409, v1;
	v2 =	vsel vm7, $0x40C, v2  }
0x40: {  	v0 =	vsel vm6, $0x489, v0;
	v1 =	vsel vm6, $0x48A, v1;
	v2 =	vsel vm6, $0x48D, v2  }
0x41: {  	v0 =	vsel vm5, $0x50A, v0;
	v1 =	vsel vm5, $0x50B, v1;
	v2 =	vsel vm5, $0x50E, v2  }
0x42: {  	v0 =	vsel vm4, $0x58B, v0;
	v1 =	vsel vm4, $0x58C, v1;
	v2 =	vsel vm4, $0x58F, v2  }
0x43: {  	v0 =	vsel vm3, $0x60C, v0;
	v1 =	vsel vm3, $0x60D, v1;
	v2 =	vsel vm3, $0x610, v2  }
0x44: {  	v0 =	vsel vm1, $0x68D, v0;
	v1 =	vsel vm1, $0x68E, v1;
	v37 =	vsel vm1, $0x691, v2  }
0x45: {  	v2 =	vsel vm15, $0x407, v40;
	v40 =	vimm.s32 $0x781;
	v0 =	vsel vm2, $0x70E, v0  }
0x46: {  	v15 =	vsel vm2, $0x70F, v1;
	v1 =	vsel vm15, $0x403, v33;
	v10 =	vsel vm2, $0x712, v37  }
0x47: {  	v2 =	vsel vm14, $0x488, v2;
	v33 =	vimm.s32 $0x79E;
	[tilespmem:$0x1FCE0] =	vst v0;
	v0 =	vsel vm15, $0x402, v32  }
0x48: {  	v1 =	vsel vm14, $0x484, v1;
	v2 =	vsel vm13, $0x509, v2;
	v32 =	vimm.s32 $0x79D  }
0x49: {  	v0 =	vsel vm14, $0x483, v0;
	v1 =	vsel vm13, $0x505, v1;
	v2 =	vsel vm12, $0x58A, v2  }
0x4a: {  	v0 =	vsel vm13, $0x504, v0;
	v1 =	vsel vm12, $0x586, v1;
	v2 =	vsel vm11, $0x60B, v2  }
0x4b: {  	v0 =	vsel vm12, $0x585, v0;
	v1 =	vsel vm11, $0x607, v1;
	v2 =	vsel vm10, $0x68C, v2  }
0x4c: {  	v0 =	vsel vm11, $0x606, v0;
	v1 =	vsel vm10, $0x688, v1;
	v2 =	vsel vm9, $0x70D, v2  }
0x4d: {  	v0 =	vsel vm10, $0x687, v0;
	v1 =	vsel vm9, $0x709, v1;
	v2 =	vsel vm8, $0x78E, v2  }
0x4e: {  	v0 =	vsel vm9, $0x708, v0;
	v1 =	vsel vm8, $0x78A, v1;
	v2 =	vsel vm7, $0x40F, v2  }
0x4f: {  	v0 =	vsel vm8, $0x789, v0;
	v1 =	vsel vm7, $0x40B, v1;
	v2 =	vsel vm6, $0x490, v2  }
0x50: {  	v0 =	vsel vm7, $0x40A, v0;
	v1 =	vsel vm6, $0x48C, v1;
	v2 =	vsel vm5, $0x511, v2  }
0x51: {  	v0 =	vsel vm6, $0x48B, v0;
	v1 =	vsel vm5, $0x50D, v1;
	v2 =	vsel vm4, $0x592, v2  }
0x52: {  	v0 =	vsel vm5, $0x50C, v0;
	v1 =	vsel vm4, $0x58E, v1;
	v2 =	vsel vm3, $0x613, v2  }
0x53: {  	v0 =	vsel vm4, $0x58D, v0;
	v1 =	vsel vm3, $0x60F, v1;
	v57 =	vsel vm1, $0x694, v2  }
0x54: {  	v2 =	vsel vm15, $0x40A, v60;
	v60 =	vimm.s32 $0x783;
	v0 =	vsel vm3, $0x60E, v0  }
0x55: {  	v35 =	vsel vm1, $0x690, v1;
	v1 =	vsel vm15, $0x406, v39;
	v13 =	vsel vm2, $0x715, v57  }
0x56: {  	v2 =	vsel vm14, $0x48B, v2;
	v39 =	vimm.s32 $0x780;
	v0 =	vsel vm1, $0x68F, v0  }
0x57: {  	v42 =	vsel vm2, $0x711, v35;
	v1 =	vsel vm14, $0x487, v1;
	v2 =	vsel vm13, $0x50C, v2  }
0x58: {  	v43 =	vsel vm2, $0x710, v0;
	v0 =	vsel vm15, $0x405, v38;
	v1 =	vsel vm13, $0x508, v1  }
0x59: {  	v2 =	vsel vm12, $0x58D, v2;
	v0 =	vsel vm14, $0x486, v0;
	v1 =	vsel vm12, $0x589, v1  }
0x5a: {  	v2 =	vsel vm11, $0x60E, v2;
	v0 =	vsel vm13, $0x507, v0;
	v1 =	vsel vm11, $0x60A, v1  }
0x5b: {  	v2 =	vsel vm10, $0x68F, v2;
	v0 =	vsel vm12, $0x588, v0;
	v1 =	vsel vm10, $0x68B, v1  }
0x5c: {  	v2 =	vsel vm9, $0x710, v2;
	v0 =	vsel vm11, $0x609, v0;
	v1 =	vsel vm9, $0x70C, v1  }
0x5d: {  	v2 =	vsel vm8, $0x791, v2;
	v0 =	vsel vm10, $0x68A, v0;
	v1 =	vsel vm8, $0x78D, v1  }
0x5e: {  	v2 =	vsel vm7, $0x412, v2;
	v0 =	vsel vm9, $0x70B, v0;
	v1 =	vsel vm7, $0x40E, v1  }
0x5f: {  	v2 =	vsel vm6, $0x493, v2;
	v0 =	vsel vm8, $0x78C, v0;
	v1 =	vsel vm6, $0x48F, v1  }
0x60: {  	v2 =	vsel vm5, $0x514, v2;
	v0 =	vsel vm7, $0x40D, v0;
	v1 =	vsel vm5, $0x510, v1  }
0x61: {  	v2 =	vsel vm4, $0x595, v2;
	v0 =	vsel vm6, $0x48E, v0;
	v1 =	vsel vm4, $0x591, v1  }
0x62: {  	v2 =	vsel vm3, $0x616, v2;
	v0 =	vsel vm5, $0x50F, v0;
	v1 =	vsel vm3, $0x612, v1  }
0x63: {  	v62 =	vsel vm1, $0x697, v2;
	v2 =	vsel vm15, $0x40D, v5;
	v0 =	vsel vm4, $0x590, v0  }
0x64: {  	v41 =	vsel vm1, $0x693, v1;
	v1 =	vsel vm15, $0x409, v59;
	v16 =	vsel vm2, $0x718, v62  }
0x65: {  	v2 =	vsel vm14, $0x48E, v2;
	v62 =	vimm.s32 $0x785;
	v0 =	vsel vm3, $0x611, v0  }
0x66: {  	[tilespmem:$0x1FCD0] =	vst v12;
	v12 =	vsel vm2, $0x714, v41;
	v1 =	vsel vm14, $0x48A, v1;
	v2 =	vsel vm13, $0x50F, v2  }
0x67: {  	v41 =	vimm.s32 $0x782;
	v0 =	vsel vm1, $0x692, v0;
	v1 =	vsel vm13, $0x50B, v1  }
0x68: {  	[tilespmem:$0x1FCC0] =	vst v11;
	v2 =	vsel vm12, $0x590, v2;
	v11 =	vsel vm2, $0x713, v0;
	v0 =	vsel vm15, $0x408, v58  }
0x69: {  	v1 =	vsel vm12, $0x58C, v1;
	v2 =	vsel vm11, $0x611, v2;
	v0 =	vsel vm14, $0x489, v0  }
0x6a: {  	v1 =	vsel vm11, $0x60D, v1;
	v2 =	vsel vm10, $0x692, v2;
	v0 =	vsel vm13, $0x50A, v0  }
0x6b: {  	v1 =	vsel vm10, $0x68E, v1;
	v2 =	vsel vm9, $0x713, v2;
	v0 =	vsel vm12, $0x58B, v0  }
0x6c: {  	v1 =	vsel vm9, $0x70F, v1;
	v2 =	vsel vm8, $0x794, v2;
	v0 =	vsel vm11, $0x60C, v0  }
0x6d: {  	v1 =	vsel vm8, $0x790, v1;
	v2 =	vsel vm7, $0x415, v2;
	v0 =	vsel vm10, $0x68D, v0  }
0x6e: {  	v1 =	vsel vm7, $0x411, v1;
	v2 =	vsel vm6, $0x496, v2;
	v0 =	vsel vm9, $0x70E, v0  }
0x6f: {  	v1 =	vsel vm6, $0x492, v1;
	v2 =	vsel vm5, $0x517, v2;
	v0 =	vsel vm8, $0x78F, v0  }
0x70: {  	v1 =	vsel vm5, $0x513, v1;
	v2 =	vsel vm4, $0x598, v2;
	v0 =	vsel vm7, $0x410, v0  }
0x71: {  	v1 =	vsel vm4, $0x594, v1;
	v2 =	vsel vm3, $0x619, v2;
	v0 =	vsel vm6, $0x491, v0  }
0x72: {  	v1 =	vsel vm3, $0x615, v1;
	v7 =	vsel vm1, $0x69A, v2;
	v0 =	vsel vm5, $0x512, v0  }
0x73: {  	v2 =	vsel vm15, $0x410, v34;
	v61 =	vsel vm1, $0x696, v1;
	v0 =	vsel vm4, $0x593, v0  }
0x74: {  	v1 =	vsel vm15, $0x40C, v4;
	v8 =	vsel vm2, $0x71B, v7;
	v0 =	vsel vm3, $0x614, v0  }
0x75: {  	v2 =	vsel vm14, $0x491, v2;
	v7 =	vimm.s32 $0x787;
	v0 =	vsel vm1, $0x695, v0  }
0x76: {  	[tilespmem:$0x1FCF0] =	vst v15;
	v15 =	vsel vm2, $0x717, v61;
	v14 =	vsel vm2, $0x716, v0;
	v0 =	vsel vm15, $0x40B, v63  }
0x77: {  	v1 =	vsel vm14, $0x48D, v1;
	v2 =	vsel vm13, $0x512, v2;
	v0 =	vsel vm14, $0x48C, v0  }
0x78: {  	[tilespmem:$0x1FD00] =	vst v8;
	v61 =	vimm.s32 $0x784;
	v8 =	vimm.s32 $0x788;
	v0 =	vsel vm13, $0x50D, v0  }
0x79: {  	v1 =	vsel vm13, $0x50E, v1;
	v2 =	vsel vm12, $0x593, v2;
	v0 =	vsel vm12, $0x58E, v0  }
0x7a: {  	v1 =	vsel vm12, $0x58F, v1;
	v2 =	vsel vm11, $0x614, v2;
	v0 =	vsel vm11, $0x60F, v0  }
0x7b: {  	v1 =	vsel vm11, $0x610, v1;
	v2 =	vsel vm10, $0x695, v2;
	v0 =	vsel vm10, $0x690, v0  }
0x7c: {  	v1 =	vsel vm10, $0x691, v1;
	v2 =	vsel vm9, $0x716, v2;
	v0 =	vsel vm9, $0x711, v0  }
0x7d: {  	v1 =	vsel vm9, $0x712, v1;
	v2 =	vsel vm8, $0x797, v2;
	v0 =	vsel vm8, $0x792, v0  }
0x7e: {  	v1 =	vsel vm8, $0x793, v1;
	v2 =	vsel vm7, $0x418, v2;
	v0 =	vsel vm7, $0x413, v0  }
0x7f: {  	v1 =	vsel vm7, $0x414, v1;
	v2 =	vsel vm6, $0x499, v2;
	v0 =	vsel vm6, $0x494, v0  }
0x80: {  	v1 =	vsel vm6, $0x495, v1;
	v2 =	vsel vm5, $0x51A, v2;
	v0 =	vsel vm5, $0x515, v0  }
0x81: {  	v1 =	vsel vm5, $0x516, v1;
	v2 =	vsel vm4, $0x59B, v2;
	v0 =	vsel vm4, $0x596, v0  }
0x82: {  	v1 =	vsel vm4, $0x597, v1;
	v2 =	vsel vm3, $0x61C, v2;
	v0 =	vsel vm3, $0x617, v0  }
0x83: {  	v1 =	vsel vm3, $0x618, v1;
	v37 =	vsel vm1, $0x69D, v2;
	v0 =	vsel vm1, $0x698, v0  }
0x84: {  	v2 =	vsel vm15, $0x413, v41;
	v17 =	vsel vm2, $0x719, v0;
	v0 =	vsel vm15, $0x40E, v32  }
0x85: {  	v6 =	vsel vm1, $0x699, v1;
	v1 =	vsel vm15, $0x40F, v33;
	v0 =	vsel vm14, $0x48F, v0  }
0x86: {  	v41 =	vimm.s32 $0x78C;
	v1 =	vsel vm14, $0x490, v1;
	v0 =	vsel vm13, $0x510, v0  }
0x87: {  	v38 =	vsel vm2, $0x71E, v37;
	v1 =	vsel vm13, $0x511, v1;
	v0 =	vsel vm12, $0x591, v0  }
0x88: {  	v2 =	vsel vm14, $0x494, v2;
	v1 =	vsel vm12, $0x592, v1;
	v0 =	vsel vm11, $0x612, v0  }
0x89: {  	v37 =	vimm.s32 $0x78A;
	v1 =	vsel vm11, $0x613, v1;
	v0 =	vsel vm10, $0x693, v0  }
0x8a: {  	v18 =	vsel vm2, $0x71A, v6;
	v1 =	vsel vm10, $0x694, v1;
	v0 =	vsel vm9, $0x714, v0  }
0x8b: {  	v2 =	vsel vm13, $0x515, v2;
	v1 =	vsel vm9, $0x715, v1;
	v0 =	vsel vm8, $0x795, v0  }
0x8c: {  	v2 =	vsel vm12, $0x596, v2;
	v1 =	vsel vm8, $0x796, v1;
	v0 =	vsel vm7, $0x416, v0  }
0x8d: {  	v2 =	vsel vm11, $0x617, v2;
	v1 =	vsel vm7, $0x417, v1;
	v0 =	vsel vm6, $0x497, v0  }
0x8e: {  	v2 =	vsel vm10, $0x698, v2;
	v1 =	vsel vm6, $0x498, v1;
	v0 =	vsel vm5, $0x518, v0  }
0x8f: {  	v2 =	vsel vm9, $0x719, v2;
	v1 =	vsel vm5, $0x519, v1;
	v0 =	vsel vm4, $0x599, v0  }
0x90: {  	v2 =	vsel vm8, $0x79A, v2;
	v1 =	vsel vm4, $0x59A, v1;
	v0 =	vsel vm3, $0x61A, v0  }
0x91: {  	v2 =	vsel vm7, $0x41B, v2;
	v1 =	vsel vm3, $0x61B, v1;
	v0 =	vsel vm1, $0x69B, v0  }
0x92: {  	[tilespmem:$0x1FD30] =	vst v38;
	v2 =	vsel vm6, $0x49C, v2;
	v35 =	vsel vm1, $0x69C, v1;
	v0 =	vsel vm2, $0x71C, v0  }
0x93: {  	v6 =	vimm.s32 $0x786;
	v2 =	vsel vm5, $0x51D, v2;
	[tilespmem:$0x1FD10] =	vst v0;
	v0 =	vsel vm2, $0x71D, v35  }
0x94: {  	v38 =	vimm.s32 $0x78B;
	v2 =	vsel vm4, $0x59E, v2;
	[tilespmem:$0x1FD20] =	vst v0;
	v0 =	vsel vm15, $0x411, v39  }
0x95: {  	v2 =	vsel vm3, $0x61F, v2;
	v1 =	vsel vm15, $0x412, v40;
	v0 =	vsel vm14, $0x492, v0  }
0x96: {  	v58 =	vsel vm1, $0x680, v2;
	v1 =	vsel vm14, $0x493, v1;
	v0 =	vsel vm13, $0x513, v0  }
0x97: {  	v2 =	vsel vm15, $0x416, v62;
	v1 =	vsel vm13, $0x514, v1;
	v0 =	vsel vm12, $0x594, v0  }
0x98: {  	v62 =	vadd.s32 $0xF, v19;
	v1 =	vsel vm12, $0x595, v1;
	v0 =	vsel vm11, $0x615, v0  }
0x99: {  	v59 =	vsel vm2, $0x701, v58;
	v1 =	vsel vm11, $0x616, v1;
	v0 =	vsel vm10, $0x696, v0  }
0x9a: {  	v2 =	vsel vm14, $0x497, v2;
	v1 =	vsel vm10, $0x697, v1;
	v0 =	vsel vm9, $0x717, v0  }
0x9b: {  	v2 =	vsel vm13, $0x518, v2;
	v1 =	vsel vm9, $0x718, v1;
	v0 =	vsel vm8, $0x798, v0  }
0x9c: {  	v2 =	vsel vm12, $0x599, v2;
	v1 =	vsel vm8, $0x799, v1;
	v0 =	vsel vm7, $0x419, v0  }
0x9d: {  	v2 =	vsel vm11, $0x61A, v2;
	v1 =	vsel vm7, $0x41A, v1;
	v0 =	vsel vm6, $0x49A, v0  }
0x9e: {  	v2 =	vsel vm10, $0x69B, v2;
	v1 =	vsel vm6, $0x49B, v1;
	v0 =	vsel vm5, $0x51B, v0  }
0x9f: {  	v2 =	vsel vm9, $0x71C, v2;
	v1 =	vsel vm5, $0x51C, v1;
	v0 =	vsel vm4, $0x59C, v0  }
0xa0: {  	v2 =	vsel vm8, $0x79D, v2;
	v1 =	vsel vm4, $0x59D, v1;
	v0 =	vsel vm3, $0x61D, v0  }
0xa1: {  	v2 =	vsel vm7, $0x41E, v2;
	v1 =	vsel vm3, $0x61E, v1;
	v0 =	vsel vm1, $0x69E, v0  }
0xa2: {  	v2 =	vsel vm6, $0x49F, v2;
	v57 =	vsel vm1, $0x69F, v1;
	v0 =	vsel vm2, $0x71F, v0  }
0xa3: {  	v58 =	vimm.s32 $0x78E;
	v2 =	vsel vm5, $0x500, v2;
	[tilespmem:$0x1FD40] =	vst v0;
	v0 =	vsel vm2, $0x700, v57  }
0xa4: {  	v35 =	vimm.s32 $0x789;
	v2 =	vsel vm4, $0x581, v2;
	[tilespmem:$0x1FD50] =	vst v0;
	v0 =	vsel vm15, $0x414, v60  }
0xa5: {  	v2 =	vsel vm3, $0x602, v2;
	v1 =	vsel vm15, $0x415, v61;
	v0 =	vsel vm14, $0x495, v0  }
0xa6: {  	v4 =	vsel vm1, $0x683, v2;
	v1 =	vsel vm14, $0x496, v1;
	v0 =	vsel vm13, $0x516, v0  }
0xa7: {  	v2 =	vsel vm15, $0x419, v8;
	v1 =	vsel vm13, $0x517, v1;
	v0 =	vsel vm12, $0x597, v0  }
0xa8: {  	v5 =	vsel vm2, $0x704, v4;
	v1 =	vsel vm12, $0x598, v1;
	v0 =	vsel vm11, $0x618, v0  }
0xa9: {  	v2 =	vsel vm14, $0x49A, v2;
	v1 =	vsel vm11, $0x619, v1;
	v0 =	vsel vm10, $0x699, v0  }
0xaa: {  	v2 =	vsel vm13, $0x51B, v2;
	v1 =	vsel vm10, $0x69A, v1;
	v0 =	vsel vm9, $0x71A, v0  }
0xab: {  	v2 =	vsel vm12, $0x59C, v2;
	v1 =	vsel vm9, $0x71B, v1;
	v0 =	vsel vm8, $0x79B, v0  }
0xac: {  	v2 =	vsel vm11, $0x61D, v2;
	v1 =	vsel vm8, $0x79C, v1;
	v0 =	vsel vm7, $0x41C, v0  }
0xad: {  	v2 =	vsel vm10, $0x69E, v2;
	v1 =	vsel vm7, $0x41D, v1;
	v0 =	vsel vm6, $0x49D, v0  }
0xae: {  	v2 =	vsel vm9, $0x71F, v2;
	v1 =	vsel vm6, $0x49E, v1;
	v0 =	vsel vm5, $0x51E, v0  }
0xaf: {  	v2 =	vsel vm8, $0x780, v2;
	v1 =	vsel vm5, $0x51F, v1;
	v0 =	vsel vm4, $0x59F, v0  }
0xb0: {  	v2 =	vsel vm7, $0x401, v2;
	v1 =	vsel vm4, $0x580, v1;
	v0 =	vsel vm3, $0x600, v0  }
0xb1: {  	v2 =	vsel vm6, $0x482, v2;
	v1 =	vsel vm3, $0x601, v1;
	v0 =	vsel vm1, $0x681, v0  }
0xb2: {  	v2 =	vsel vm5, $0x503, v2;
	v63 =	vsel vm1, $0x682, v1;
	v0 =	vsel vm2, $0x702, v0  }
0xb3: {  	v61 =	vadd.s32 $0xE, v19;
	v2 =	vsel vm4, $0x584, v2;
	[tilespmem:$0x1FD70] =	vst v0;
	v0 =	vsel vm2, $0x703, v63  }
0xb4: {  	v57 =	vimm.s32 $0x78D;
	v1 =	vsel vm15, $0x418, v7;
	[tilespmem:$0x1FD80] =	vst v0;
	v0 =	vsel vm15, $0x417, v6  }
0xb5: {  	v2 =	vsel vm3, $0x605, v2;
	v1 =	vsel vm14, $0x499, v1;
	v0 =	vsel vm14, $0x498, v0  }
0xb6: {  	v33 =	vsel vm1, $0x686, v2;
	v1 =	vsel vm13, $0x51A, v1;
	v0 =	vsel vm13, $0x519, v0  }
0xb7: {  	v2 =	vsel vm15, $0x41C, v38;
	v1 =	vsel vm12, $0x59B, v1;
	v0 =	vsel vm12, $0x59A, v0  }
0xb8: {  	v34 =	vsel vm2, $0x707, v33;
	v1 =	vsel vm11, $0x61C, v1;
	v0 =	vsel vm11, $0x61B, v0  }
0xb9: {  	s1 =	rddreg [dreg:$0x0];
	s3 =	srdreg.scid;
	[tilespmem:$0x1FD60] =	vst v59;
	v2 =	vsel vm14, $0x49D, v2;
	v1 =	vsel vm10, $0x69D, v1;
	v0 =	vsel vm10, $0x69C, v0  }
0xba: {  	s2 =	rddreg [dreg:$0x1];
	s5 =	sand.u32 $0x1, s3;
	s3 =	simm.s32 $0x0;
	[tilespmem:$0x1FD90] =	vst v5;
	v2 =	vsel vm13, $0x51E, v2;
	v1 =	vsel vm9, $0x71E, v1;
	v0 =	vsel vm9, $0x71D, v0  }
0xbb: {  	[smem:$0x7FF] =	sst s3;
	[tilespmem:$0x1FDA0] =	vst v34;
	v2 =	vsel vm12, $0x59F, v2;
	v1 =	vsel vm8, $0x79F, v1;
	v0 =	vsel vm8, $0x79E, v0  }
0xbc: {  	s0 =	rddreg [dreg:$0x2];
	v2 =	vsel vm11, $0x600, v2;
	v1 =	vsel vm7, $0x400, v1;
	_ =	strace $0x80000047;
	[tilespmem:$0x1FDC0] =	vst v61;
	v0 =	vsel vm7, $0x41F, v0  }
0xbd: {  	v1 =	vsel vm6, $0x481, v1;
	v63 =	vor.u32 $0x10, v19;
	[tilespmem:$0x1FDD0] =	vst v62;
	v0 =	vsel vm6, $0x480, v0  }
0xbe: {  	v2 =	vsel vm10, $0x681, v2;
	v1 =	vsel vm5, $0x502, v1;
	[tilespmem:$0x1FDE0] =	vst v63;
	v0 =	vsel vm5, $0x501, v0  }
0xbf: {  	v2 =	vsel vm9, $0x702, v2;
	v1 =	vsel vm4, $0x583, v1;
	[tilespmem:$0x1FDF0] =	vst v20;
	v0 =	vsel vm4, $0x582, v0  }
0xc0: {  	v2 =	vsel vm8, $0x783, v2;
	v1 =	vsel vm3, $0x604, v1;
	[tilespmem:$0x1FE00] =	vst v21;
	v0 =	vsel vm3, $0x603, v0  }
0xc1: {  	v2 =	vsel vm7, $0x404, v2;
	v32 =	vsel vm1, $0x685, v1;
	[tilespmem:$0x1FE10] =	vst v22;
	v0 =	vsel vm1, $0x684, v0  }
0xc2: {  	v1 =	vsel vm15, $0x41B, v37;
	[tilespmem:$0x1FE20] =	vst v31;
	v29 =	vsel vm2, $0x705, v0;
	v0 =	vsel vm15, $0x41A, v35  }
0xc3: {  	v2 =	vsel vm6, $0x485, v2;
	v1 =	vsel vm14, $0x49C, v1;
	[tilespmem:$0x1FE30] =	vst v36;
	v0 =	vsel vm14, $0x49B, v0  }
0xc4: {  	v2 =	vsel vm5, $0x506, v2;
	v1 =	vsel vm13, $0x51D, v1;
	[tilespmem:$0x1FE40] =	vst v23;
	v0 =	vsel vm13, $0x51C, v0  }
0xc5: {  	v2 =	vsel vm4, $0x587, v2;
	[tilespmem:$0x1FE50] =	vst v24;
	v1 =	vsel vm12, $0x59E, v1;
	v0 =	vsel vm12, $0x59D, v0  }
0xc6: {  	v2 =	vsel vm3, $0x608, v2;
	[tilespmem:$0x1FE60] =	vst v25;
	v1 =	vsel vm11, $0x61F, v1;
	v0 =	vsel vm11, $0x61E, v0  }
0xc7: {  	v40 =	vsel vm1, $0x689, v2;
	[tilespmem:$0x1FE70] =	vst v26;
	v1 =	vsel vm10, $0x680, v1;
	v0 =	vsel vm10, $0x69F, v0  }
0xc8: {  	v2 =	vsel vm15, $0x41F, v58;
	[tilespmem:$0x1FE80] =	vst v27;
	v1 =	vsel vm9, $0x701, v1;
	v0 =	vsel vm9, $0x700, v0  }
0xc9: {  	v34 =	vsel vm2, $0x70A, v40;
	[tilespmem:$0x1FE90] =	vst v28;
	v1 =	vsel vm8, $0x782, v1;
	v0 =	vsel vm8, $0x781, v0  }
0xca: {  	v2 =	vsel vm14, $0x480, v2;
	[tilespmem:$0x1FEA0] =	vst v9;
	v1 =	vsel vm7, $0x403, v1;
	v0 =	vsel vm7, $0x402, v0  }
0xcb: {  	v40 =	vadd.s32 $0xD, v19;
	[tilespmem:$0x1FEB0] =	vst v44;
	v1 =	vsel vm6, $0x484, v1;
	v0 =	vsel vm6, $0x483, v0  }
0xcc: {  	v30 =	vsel vm2, $0x706, v32;
	[tilespmem:$0x1FEC0] =	vst v56;
	v1 =	vsel vm5, $0x505, v1;
	v0 =	vsel vm5, $0x504, v0  }
0xcd: {  	v2 =	vsel vm13, $0x501, v2;
	[tilespmem:$0x1FED0] =	vst v43;
	v1 =	vsel vm4, $0x586, v1;
	v0 =	vsel vm4, $0x585, v0  }
0xce: {  	s16 =	simm.s32 $0x8000;
	v2 =	vsel vm12, $0x582, v2;
	[tilespmem:$0x1FEE0] =	vst v42;
	v1 =	vsel vm3, $0x607, v1;
	v0 =	vsel vm3, $0x606, v0  }
0xcf: {  	s12 =	stileid.u32;
	s18 =	simm.s32 $0x8800;
	s19 =	simm.s32 $0x2000;
	[tilespmem:$0x1FEF0] =	vst v10;
	v2 =	vsel vm11, $0x603, v2;
	v39 =	vsel vm1, $0x688, v1;
	v0 =	vsel vm1, $0x687, v0  }
0xd0: {  	s13 =	simm.s32 $0x4;
	s28 =	simm.s32 $0x5000;
	s6 =	smul.u32 $0x13C00, s12;
	[tilespmem:$0x1FF00] =	vst v11;
	v1 =	vsel vm15, $0x41E, v57;
	v32 =	vsel vm2, $0x708, v0;
	v0 =	vsel vm15, $0x41D, v41  }
0xd1: {  	s17 =	simm.s32 $0x20;
	s29 =	simm.s32 $0x5800;
	s11 =	smul.u32 $0x4F000, s12;
	[tilespmem:$0x1FF10] =	vst v12;
	v2 =	vsel vm10, $0x684, v2;
	v1 =	vsel vm14, $0x49F, v1;
	v0 =	vsel vm14, $0x49E, v0  }
0xd2: {  	s30 =	simm.s32 $0x6000;
	s31 =	simm.s32 $0x2;
	s4 =	smul.u32 $0x4E200, s5;
	[tilespmem:$0x1FF20] =	vst v13;
	v2 =	vsel vm9, $0x705, v2;
	v1 =	vsel vm13, $0x500, v1;
	v0 =	vsel vm13, $0x51F, v0  }
0xd3: {  	s26 =	sshll.u32 s12, $0x6;
	s7 =	sshll.u32 s5, $0x9;
	s8 =	smul.u32 $0x13C000, s5;
	[tilespmem:$0x1FF30] =	vst v14;
	v2 =	vsel vm8, $0x786, v2;
	v1 =	vsel vm12, $0x581, v1;
	v0 =	vsel vm12, $0x580, v0  }
0xd4: {  	s20 =	ssub.s32 $0x2, s5;
	s5 =	smul.u32 $0x27100, s5;
	s7 =	sadd.s32 s7, s2;
	[tilespmem:$0x1FF40] =	vst v15;
	v2 =	vsel vm7, $0x407, v2;
	v1 =	vsel vm11, $0x602, v1;
	v0 =	vsel vm11, $0x601, v0  }
0xd5: {  	s10 =	sshrl.u32 s6, $0x3;
	s21 =	sshrl.u32 s20, $0x1;
	s22 =	sshrl.u32 s11, $0x2;
	[tilespmem:$0x1FF50] =	vst v16;
	v2 =	vsel vm6, $0x488, v2;
	v1 =	vsel vm10, $0x683, v1;
	v0 =	vsel vm10, $0x682, v0  }
0xd6: {  	s9 =	sadd.s32 s4, s2;
	s4 =	sadd.s32 $0x2200, s2;
	s6 =	sadd.s32 s6, s8;
	[tilespmem:$0x1FF60] =	vst v17;
	v2 =	vsel vm5, $0x509, v2;
	v1 =	vsel vm9, $0x704, v1;
	v0 =	vsel vm9, $0x703, v0  }
0xd7: {  	s10 =	sadd.s32 s10, s2;
	s7 =	sadd.s32 $0xEE600, s7;
	s11 =	sadd.s32 s22, s0;
	[tilespmem:$0x1FF70] =	vst v18;
	v2 =	vsel vm4, $0x58A, v2;
	v1 =	vsel vm8, $0x785, v1;
	v0 =	vsel vm8, $0x784, v0  }
0xd8: {  	s8 =	sadd.s32 s1, s5;
	s22 =	simm.s32 $0x3800;
	s1 =	simm.s32 $0x0;
	[tilespmem:$0x1FF90] =	vst v30;
	v2 =	vsel vm3, $0x60B, v2;
	v1 =	vsel vm7, $0x406, v1;
	v0 =	vsel vm7, $0x405, v0  }
0xd9: {  	s6 =	sshrl.u32 s6, $0x3;
	s23 =	sadd.s32 $0xEEA00, s10;
	s9 =	sadd.s32 $0x52200, s9;
	[tilespmem:$0x1FFC0] =	vst v34;
	v60 =	vsel vm1, $0x68C, v2;
	v1 =	vsel vm6, $0x487, v1;
	v0 =	vsel vm6, $0x486, v0  }
0xda: {  	s10 =	sshrl.u32 s11, $0x3;
	s2 =	sadd.s32 s6, s2;
	s6 =	ssub.s32 s20, s21;
	[tilespmem:$0x1FFF0] =	vst v40;
	v37 =	vsel vm2, $0x70D, v60;
	v1 =	vsel vm5, $0x508, v1;
	v0 =	vsel vm5, $0x507, v0  }
0xdb: {  	s20 =	simm.s32 $0x2800;
	s21 =	simm.s32 $0x3000;
	[dreg:$0x4] =	wrdreg s7;
	v33 =	vsel vm2, $0x709, v39;
	[tilespmem:$0x1FFE0] =	vst v37;
	v1 =	vsel vm4, $0x589, v1;
	v0 =	vsel vm4, $0x588, v0  }
0xdc: {  	s24 =	sadd.s32 $0x116200, s2;
	s25 =	smax.u32 s6, $0x1;
	[dreg:$0x5] =	wrdreg s23;
	[tilespmem:$0x1FFB0] =	vst v33;
	v1 =	vsel vm3, $0x60A, v1;
	v0 =	vsel vm3, $0x609, v0  }
0xdd: {  	s6 =	sor.u32 $0x1C04, s26;
	s26 =	simm.s32 $0x4800;
	[dreg:$0x6] =	wrdreg s24;
	[tilespmem:$0x1FF80] =	vst v29;
	v59 =	vsel vm1, $0x68B, v1;
	v0 =	vsel vm1, $0x68A, v0  }
0xde: {  	s2 =	simm.s32 $0x3;
	s7 =	smul.u32 $0x28000, s12;
	[dreg:$0x7] =	wrdreg s25;
	[tilespmem:$0x1FFA0] =	vst v32;
	v35 =	vsel vm2, $0x70B, v0;
	v0 =	vsel vm2, $0x70C, v59  }
0xdf: {  	s12 =	simm.s32 $0x7000;
	s23 =	simm.s32 $0x1;
	[dreg:$0x8] =	wrdreg s6;
	[tilespmem:$0x1FDB0] =	vst v0  }
0xe0: {  	vm0 =	vmmov $0xffff;
	s24 =	simm.s32 $0x1000;
	s25 =	simm.s32 $0x4000;
	[dreg:$0x9] =	wrdreg s10;
	[tilespmem:$0x1FFD0] =	vst v35  }
.LBB2_1:
0xe1: {  	s5 =	rddreg [dreg:$0x4]  }
0xe2: {  	[tilespmem:s12], [sflag:$0x4] =	stream.linear.gather [hbm4b:s5+s3], $0xD80, $0x38;
	[tilespmem:$0x1DC00] =	vst v63  }
0xe3: {  	_ =	swait.ge [sflag:s13], $0xD80  }
0xe4: {  	[sflag:s13] =	ssyncset.done $0x0  }
0xe5: {  	s15 =	rddreg [dreg:$0x5];
	[sflag:s13] =	ssyncadd.s32 $0xFFFFF280  }
0xe6: {  	[spmem:s10], [sflag:s6] =	dma.local [hbm:s15], $0x2780  }
0xe7: {  	_ =	swait.ge [sflag:s13], $0x2780  }
0xe8: {  	[sflag:s13] =	ssyncset.done $0x0  }
0xe9: {  	[sflag:s13] =	ssyncadd.s32 $0xFFFFD880  }
0xea: {  	s5 =	simm.s32 $0x0;
	[bflag:$0x0] =	sbarrier.arrive $0xFFFF  }
.LBB2_2:
0xeb: {  	s6 =	sshll.u32 s5, $0xD  }
0xec: {  	s6 =	sadd.s32 s7, s6  }
0xed: {  	s6 =	sshrl.u32 s6, $0x3  }
0xee: {  	s6 =	sadd.s32 s4, s6  }
0xef: {  	[tilespmem:s16], [sflag:$0x4] =	stream.linear.gather [hbm4b:s6+s3], $0x2000, $0x38;
	[tilespmem:$0x1DC00] =	vst v63  }
0xf0: {  	_ =	swait.ge [sflag:s13], $0x2000  }
0xf1: {  	p0 =	seq.s32 s5, $0x0;
	[sflag:s13] =	ssyncset.done $0x0  }
0xf2: {  	s6 =	simm.s32 @!p0 $0x3;
	[sflag:s13] =	ssyncadd.s32 $0xFFFFE000  }
0xf3: {  	_ =	swait.ge @!p0 [sflag:s6], $0x1000  }
0xf4: {  	[sflag:s6] =	ssyncset.done @!p0 $0x0  }
0xf5: {  	[sflag:s6] =	ssyncadd.s32 @!p0 $0xFFFFF000;
	s6 =	simm.s32 $0x0  }
0xf6: {  	[tilespmem:s6], [sflag:$0x1] =	stream.indirect.gather [hbm4b:s8+s17], $0x80, s18, s17, $0xb8;
	[tilespmem:$0x1DC00] =	vst v63  }
0xf7: {  	v0 =	vld [tilespmem:$0x8000];
	_ =	sdelay $0x2  }
0xf8: {  	v6 =	vld [tilespmem:$0x1FCA0]  }
0xf9: {  	v7 =	vld [tilespmem:$0x1FC80]  }
0xfa: {  	v8 =	vld [tilespmem:$0x1FC90];
	v5 =	vshll.u32 v0, $0x1  }
0xfb: {  	v0 =	vand.u32 $0x7, v0;
	v5 =	vand.u32 $0xFFFFFFF0, v5  }
0xfc: {  	v0 =	vor.u32 v0, v5  }
0xfd: {  	v5 =	vperm.xlane v0, v6;
	_ =	sdelay $0x1  }
0xfe: {  	v0 =	vperm.xlane v0, v8;
	v5 =	vadd.s32 v7, v5;
	_ =	sdelay $0x1  }
0xff: {  	v0 =	vadd.s32 v7, v0;
	_ =	sdelay $0x2  }
0x100: {  	[tilespmem:s19], [sflag:$0x1] =	stream.indirect_vreg.gather [hbm4b:s9+s6], $0x80, v5, vm0, $0xb8;
	[tilespmem:$0x1DC00] =	vst v63  }
0x101: {  	_ = 	snop  }
0x102: {  	[tilespmem:s20], [sflag:$0x1] =	stream.indirect_vreg.gather [hbm4b:s9+s6], $0x80, v0, vm0, $0xb8;
	[tilespmem:$0x1DC00] =	vst v63  }
0x103: {  	v0 =	vld [tilespmem:$0x8010];
	_ =	sdelay $0x4  }
0x104: {  	v63 =	vshll.u32 v0, $0x1  }
0x105: {  	v0 =	vand.u32 $0x7, v0;
	v5 =	vand.u32 $0xFFFFFFF0, v63  }
0x106: {  	v0 =	vor.u32 v0, v5  }
0x107: {  	v5 =	vperm.xlane v0, v6;
	_ =	sdelay $0x1  }
0x108: {  	v0 =	vperm.xlane v0, v8;
	v5 =	vadd.s32 v7, v5;
	_ =	sdelay $0x1  }
0x109: {  	v0 =	vadd.s32 v7, v0;
	_ =	sdelay $0x2  }
0x10a: {  	[tilespmem:s21], [sflag:$0x1] =	stream.indirect_vreg.gather [hbm4b:s9+s6], $0x80, v5, vm0, $0xb8;
	[tilespmem:$0x1DC00] =	vst v63  }
0x10b: {  	_ = 	snop  }
0x10c: {  	[tilespmem:s22], [sflag:$0x1] =	stream.indirect_vreg.gather [hbm4b:s9+s6], $0x80, v0, vm0, $0xb8;
	[tilespmem:$0x1DC00] =	vst v63  }
.LBB2_3:
0x10d: {  	_ =	swait.ge [sflag:s23], $0x1000  }
0x10e: {  	[sflag:s23] =	ssyncset.done $0x0  }
0x10f: {  	[sflag:s23] =	ssyncadd.s32 $0xFFFFF000  }
0x110: {  	s10 =	sshll.u32 s6, $0x8;
	_ =	swait.ge [sflag:s23], $0x2000  }
0x111: {  	s10 =	sand.u32 $0x3FFFFF00, s10;
	[sflag:s23] =	ssyncset.done $0x0  }
0x112: {  	s11 =	sadd.s32 $0x8880, s10;
	[sflag:s23] =	ssyncadd.s32 $0xFFFFE000  }
0x113: {  	[tilespmem:s24], [sflag:$0x2] =	stream.indirect.gather [hbm4b:s8+s17], $0x80, s11, s17, $0xb8;
	[tilespmem:$0x1DC00] =	vst v63  }
0x114: {  	v0 =	vld [tilespmem:s10+$0x8080];
	_ =	sdelay $0x2  }
0x115: {  	v6 =	vld [tilespmem:$0x1FCA0]  }
0x116: {  	v7 =	vld [tilespmem:$0x1FC80]  }
0x117: {  	v8 =	vld [tilespmem:$0x1FC90];
	v5 =	vshll.u32 v0, $0x1  }
0x118: {  	v0 =	vand.u32 $0x7, v0;
	v5 =	vand.u32 $0xFFFFFFF0, v5  }
0x119: {  	v0 =	vor.u32 v0, v5  }
0x11a: {  	v5 =	vperm.xlane v0, v6;
	_ =	sdelay $0x1  }
0x11b: {  	v0 =	vperm.xlane v0, v8;
	v5 =	vadd.s32 v7, v5;
	_ =	sdelay $0x1  }
0x11c: {  	v0 =	vadd.s32 v7, v0;
	_ =	sdelay $0x2  }
0x11d: {  	[tilespmem:s25], [sflag:$0x2] =	stream.indirect_vreg.gather [hbm4b:s9+s3], $0x80, v5, vm0, $0xb8;
	[tilespmem:$0x1DC00] =	vst v63  }
0x11e: {  	_ = 	snop  }
0x11f: {  	[tilespmem:s26], [sflag:$0x2] =	stream.indirect_vreg.gather [hbm4b:s9+s3], $0x80, v0, vm0, $0xb8;
	[tilespmem:$0x1DC00] =	vst v63  }
0x120: {  	v0 =	vld [tilespmem:s10+$0x8090];
	_ =	sdelay $0x4  }
0x121: {  	v62 =	vshll.u32 v0, $0x1  }
0x122: {  	v0 =	vand.u32 $0x7, v0;
	v5 =	vand.u32 $0xFFFFFFF0, v62  }
0x123: {  	v0 =	vor.u32 v0, v5  }
0x124: {  	v5 =	vperm.xlane v0, v6;
	_ =	sdelay $0x1  }
0x125: {  	v0 =	vperm.xlane v0, v8;
	v5 =	vadd.s32 v7, v5;
	_ =	sdelay $0x1  }
0x126: {  	v0 =	vadd.s32 v7, v0;
	_ =	sdelay $0x1  }
0x127: {  	p0 =	seq.s32 s6, $0x0  }
0x128: {  	[tilespmem:s28], [sflag:$0x2] =	stream.indirect_vreg.gather [hbm4b:s9+s3], $0x80, v5, vm0, $0xb8;
	[tilespmem:$0x1DC00] =	vst v63  }
0x129: {  	s11 =	simm.s32 @!p0 $0x3  }
0x12a: {  	[tilespmem:s29], [sflag:$0x2] =	stream.indirect_vreg.gather [hbm4b:s9+s3], $0x80, v0, vm0, $0xb8;
	[tilespmem:$0x1DC00] =	vst v63  }
0x12b: {  	s14 =	sadd.s32 $0x9800, s10;
	_ =	swait.ge @!p0 [sflag:s11], $0x1000  }
0x12c: {  	v63 =	vmov s14;
	[sflag:s11] =	ssyncset.done @!p0 $0x0  }
0x12d: {  	p1 =	por $0x1, $0x1;
	[tilespmem:$0x1FC70] =	vst v63;
	[sflag:s11] =	ssyncadd.s32 @!p0 $0xFFFFF000;
	s11 =	simm.s32 $0x0  }
.LBB2_4:
0x12e: {  	v0 =	vld [tilespmem:$0x1FC70];
	_ =	sdelay $0x6  }
0x12f: {  	v6 =	vld [tilespmem:$0x1FCB0]  }
0x130: {  	v7 =	vld.idx.msk [tilespmem:v0+s11+$0x0 ss:$0x1], $0xffff;
	_ =	sdelay $0x1  }
0x131: {  	v5 =	vor.u32 s11, v19  }
0x132: {  	v0 =	vshll.u32 v5, $0x8  }
0x133: {  	v0 =	vand.u32 $0x1800, v0  }
0x134: {  	p0 =	por p1, p1;
	v5 =	vshll.u32 v5, $0x7;
	s11 =	simm.s32 $0x0;
	[tilespmem:$0x1FC60] =	vst v0;
	v6 =	vor.u32 v6, v0;
	v0 =	vld [tilespmem:$0x1FDE0];
	v7 =	vshll.u32 v7, $0x7  }
.LBB2_5:
0x135: {  	v9 =	vor.u32 s11, v19;
	v1 =	vld [tilespmem:$0x1FE40]  }
0x136: {  	v8 =	vor.u32 v5, v9  }
0x137: {  	v10 =	vor.u32 v6, v9  }
0x138: {  	v11 =	vor.u32 v7, v9;
	v12 =	vor.u32 s11, v20  }
0x139: {  	v9 =	vor.u32 v5, v12  }
0x13a: {  	v13 =	vor.u32 v6, v12;
	v24 =	vor.u32 s11, v1;
	v1 =	vld [tilespmem:$0x1FE50]  }
0x13b: {  	v14 =	vor.u32 s11, v21;
	v12 =	vor.u32 v7, v12;
	v15 =	vld.idx.msk [tilespmem:v8+s3+$0x0], $0xffff  }
0x13c: {  	v20 =	vor.u32 s11, v22;
	v18 =	vor.u32 v6, v14;
	v16 =	vld.idx.msk [tilespmem:v10+s19+$0x0], $0xffff  }
0x13d: {  	v40 =	vor.u32 v6, v20;
	v17 =	vld.idx.msk [tilespmem:v11+s12+$0x0], $0xffff  }
0x13e: {  	v42 =	vor.u32 s11, v31;
	v19 =	vld.idx.msk [tilespmem:v9+s3+$0x0], $0xffff  }
0x13f: {  	v32 =	vor.u32 v6, v42;
	v21 =	vld.idx.msk [tilespmem:v13+s19+$0x0], $0xffff  }
0x140: {  	v10 =	vor.u32 v5, v14;
	v22 =	vld.idx.msk [tilespmem:v12+s12+$0x0], $0xffff  }
0x141: {  	v14 =	vor.u32 v7, v14;
	v18 =	vld.idx.msk [tilespmem:v18+s19+$0x0], $0xffff  }
0x142: {  	v11 =	vor.u32 v5, v20;
	v28 =	vld.idx.msk [tilespmem:v40+s19+$0x0], $0xffff  }
0x143: {  	v20 =	vor.u32 v7, v20;
	v27 =	vor.u32 s11, v1;
	v1 =	vld [tilespmem:$0x1FE60]  }
0x144: {  	v41 =	vor.u32 v6, v24;
	v32 =	vld.idx.msk [tilespmem:v32+s19+$0x0], $0xffff  }
0x145: {  	v12 =	vor.u32 v5, v24;
	v23 =	vld.idx.msk [tilespmem:v10+s3+$0x0], $0xffff  }
0x146: {  	v25 =	vld.idx.msk [tilespmem:v14+s12+$0x0], $0xffff  }
0x147: {  	v24 =	vor.u32 v7, v24;
	v26 =	vld.idx.msk [tilespmem:v11+s3+$0x0], $0xffff  }
0x148: {  	v13 =	vor.u32 v5, v27;
	v20 =	vld.idx.msk [tilespmem:v20+s12+$0x0], $0xffff  }
0x149: {  	v29 =	vor.u32 v6, v27;
	v31 =	vld.idx.msk [tilespmem:v41+s19+$0x0], $0xffff  }
0x14a: {  	v16 =	vadd.f32 v17, v16;
	v17 =	vor.u32 v7, v27;
	v30 =	vld.idx.msk [tilespmem:v12+s3+$0x0], $0xffff  }
0x14b: {  	v33 =	vor.u32 s11, v1;
	v1 =	vld [tilespmem:$0x1FE70]  }
0x14c: {  	v14 =	vor.u32 v5, v42;
	v24 =	vld.idx.msk [tilespmem:v24+s12+$0x0], $0xffff  }
0x14d: {  	v27 =	vor.u32 v7, v42;
	v21 =	vadd.f32 v22, v21;
	v22 =	vld.idx.msk [tilespmem:v13+s3+$0x0], $0xffff  }
0x14e: {  	v16 =	vmul.f32 v16, v15;
	v29 =	vld.idx.msk [tilespmem:v29+s19+$0x0], $0xffff;
	v15 =	vor.u32 v5, v33  }
0x14f: {  	v19 =	vmul.f32 v21, v19;
	v21 =	vld.idx.msk [tilespmem:v17+s12+$0x0], $0xffff;
	v17 =	vor.u32 v6, v33  }
0x150: {  	v18 =	vadd.f32 v25, v18;
	v35 =	vor.u32 s11, v1;
	v1 =	vld [tilespmem:$0x1FE80]  }
0x151: {  	v58 =	vor.u32 s11, v36;
	v43 =	vld.idx.msk [tilespmem:v14+s3+$0x0], $0xffff;
	v33 =	vor.u32 v7, v33  }
0x152: {  	v61 =	vor.u32 v6, v58;
	v18 =	vmul.f32 v18, v23;
	v23 =	vld.idx.msk [tilespmem:v27+s12+$0x0], $0xffff  }
0x153: {  	v34 =	vadd.f32 $0.0e+00, v16;
	v20 =	vadd.f32 v20, v28;
	v16 =	vor.u32 v5, v35;
	v28 =	vld.idx.msk [tilespmem:v15+s3+$0x0], $0xffff  }
0x154: {  	v44 =	vor.u32 v6, v35;
	v59 =	vld.idx.msk [tilespmem:v17+s19+$0x0], $0xffff  }
0x155: {  	v37 =	vor.u32 s11, v1;
	v1 =	vld [tilespmem:$0x1FE90]  }
0x156: {  	v57 =	vor.u32 v7, v35;
	v60 =	vld.idx.msk [tilespmem:v33+s12+$0x0], $0xffff  }
0x157: {  	v19 =	vadd.f32 v19, v34;
	v35 =	vor.u32 v7, v58;
	v33 =	vld.idx.msk [tilespmem:v61+s19+$0x0], $0xffff  }
0x158: {  	v24 =	vadd.f32 v24, v31;
	v17 =	vor.u32 v5, v58;
	v31 =	vld.idx.msk [tilespmem:v16+s3+$0x0], $0xffff  }
0x159: {  	v19 =	vadd.f32 v18, v19;
	v27 =	vld.idx.msk [tilespmem:v44+s19+$0x0], $0xffff;
	v18 =	vor.u32 v5, v37  }
0x15a: {  	v38 =	vor.u32 s11, v1;
	v1 =	vld [tilespmem:$0x1FEA0]  }
0x15b: {  	v20 =	vmul.f32 v20, v26;
	v24 =	vmul.f32 v24, v30;
	v30 =	vld.idx.msk [tilespmem:v57+s12+$0x0], $0xffff;
	v62 =	vor.u32 v6, v37  }
0x15c: {  	v21 =	vadd.f32 v21, v29;
	v37 =	vor.u32 v7, v37;
	v35 =	vld.idx.msk [tilespmem:v35+s12+$0x0], $0xffff  }
0x15d: {  	v20 =	vadd.f32 v20, v19;
	v29 =	vld.idx.msk [tilespmem:v17+s3+$0x0], $0xffff;
	v19 =	vor.u32 v5, v38  }
0x15e: {  	v23 =	vadd.f32 v23, v32;
	v21 =	vmul.f32 v21, v22;
	v22 =	vor.u32 v6, v38;
	v32 =	vld.idx.msk [tilespmem:v18+s3+$0x0], $0xffff  }
0x15f: {  	v24 =	vadd.f32 v24, v20;
	v39 =	vor.u32 s11, v1;
	v1 =	vld [tilespmem:$0x1FFF0]  }
0x160: {  	v38 =	vor.u32 v7, v38;
	v34 =	vld.idx.msk [tilespmem:v62+s19+$0x0], $0xffff  }
0x161: {  	v23 =	vmul.f32 v23, v43;
	v24 =	vadd.f32 v21, v24;
	v63 =	vld.idx.msk [tilespmem:v37+s12+$0x0], $0xffff;
	v44 =	vor.u32 v6, v39  }
0x162: {  	v26 =	vadd.f32 v60, v59;
	v20 =	vor.u32 v5, v39;
	v36 =	vld.idx.msk [tilespmem:v19+s3+$0x0], $0xffff;
	v39 =	vor.u32 v7, v39  }
0x163: {  	v23 =	vadd.f32 v23, v24;
	v41 =	vld.idx.msk [tilespmem:v22+s19+$0x0], $0xffff  }
0x164: {  	v57 =	vmul.f32 v26, v28;
	v27 =	vadd.f32 v30, v27;
	v40 =	vor.u32 s11, v1;
	v1 =	vld [tilespmem:$0x1FDC0]  }
0x165: {  	v58 =	vld.idx.msk [tilespmem:v38+s12+$0x0], $0xffff;
	v21 =	vor.u32 v5, v40  }
0x166: {  	v24 =	vadd.f32 v57, v23;
	v27 =	vmul.f32 v27, v31;
	v28 =	vor.u32 v6, v40;
	v37 =	vld.idx.msk [tilespmem:v44+s19+$0x0], $0xffff  }
0x167: {  	v43 =	vor.u32 s11, v0;
	v33 =	vadd.f32 v35, v33;
	v59 =	vor.u32 v7, v40;
	v31 =	vld.idx.msk [tilespmem:v39+s12+$0x0], $0xffff  }
0x168: {  	v27 =	vadd.f32 v27, v24;
	v24 =	vor.u32 v5, v43;
	v25 =	vadd.f32 v63, v34;
	v30 =	vld.idx.msk [tilespmem:v20+s3+$0x0], $0xffff  }
0x169: {  	v63 =	vor.u32 v6, v43;
	v43 =	vor.u32 v7, v43;
	v60 =	vor.u32 s11, v1;
	v1 =	vld [tilespmem:$0x1FDD0]  }
0x16a: {  	v35 =	vld.idx.msk [tilespmem:v21+s3+$0x0], $0xffff  }
0x16b: {  	v29 =	vmul.f32 v33, v29;
	v22 =	vor.u32 v5, v60;
	v28 =	vld.idx.msk [tilespmem:v28+s19+$0x0], $0xffff  }
0x16c: {  	v61 =	vor.u32 v6, v60;
	v33 =	vld.idx.msk [tilespmem:v59+s12+$0x0], $0xffff;
	v31 =	vadd.f32 v31, v37  }
0x16d: {  	v27 =	vadd.f32 v29, v27;
	v29 =	vmul.f32 v25, v32;
	v40 =	vor.u32 v7, v60;
	v37 =	vld.idx.msk [tilespmem:v24+s3+$0x0], $0xffff  }
0x16e: {  	v26 =	vadd.f32 v58, v41;
	v30 =	vmul.f32 v31, v30;
	v31 =	vld.idx.msk [tilespmem:v43+s12+$0x0], $0xffff;
	v42 =	vor.u32 s11, v1  }
0x16f: {  	v1 =	vld [tilespmem:$0x1FEB0];
	v23 =	vor.u32 v5, v42  }
0x170: {  	v27 =	vadd.f32 v29, v27;
	v29 =	vmul.f32 v26, v36;
	v62 =	vor.u32 v6, v42;
	v34 =	vld.idx.msk [tilespmem:v22+s3+$0x0], $0xffff  }
0x171: {  	v42 =	vor.u32 v7, v42;
	v39 =	vld.idx.msk [tilespmem:v61+s19+$0x0], $0xffff;
	v61 =	vor.u32 s11, v45  }
0x172: {  	v29 =	vadd.f32 v29, v27;
	v32 =	vld.idx.msk [tilespmem:v40+s12+$0x0], $0xffff;
	v26 =	vor.u32 v5, v61  }
0x173: {  	v40 =	vld.idx.msk [tilespmem:v63+s19+$0x0], $0xffff;
	v28 =	vadd.f32 v33, v28;
	v43 =	vor.u32 v6, v61  }
0x174: {  	v58 =	vmovc v45;
	v29 =	vadd.f32 v30, v29;
	v63 =	vor.u32 s11, v47;
	v45 =	vor.u32 v7, v61;
	v41 =	vld.idx.msk [tilespmem:v23+s3+$0x0], $0xffff  }
0x175: {  	v30 =	vmul.f32 v28, v35;
	v28 =	vor.u32 v5, v63;
	v44 =	vor.u32 s11, v1;
	v38 =	vld.idx.msk [tilespmem:v62+s19+$0x0], $0xffff  }
0x176: {  	v57 =	vor.u32 v6, v63;
	v25 =	vor.u32 v5, v44;
	v36 =	vld.idx.msk [tilespmem:v42+s12+$0x0], $0xffff  }
0x177: {  	v60 =	vor.u32 v6, v44;
	v44 =	vor.u32 v7, v44;
	v32 =	vadd.f32 v32, v39;
	v39 =	vld.idx.msk [tilespmem:v26+s3+$0x0], $0xffff  }
0x178: {  	v43 =	vld.idx.msk [tilespmem:v43+s19+$0x0], $0xffff  }
0x179: {  	v62 =	vor.u32 s11, v46;
	v32 =	vmul.f32 v32, v34;
	v34 =	vld.idx.msk [tilespmem:v45+s12+$0x0], $0xffff  }
0x17a: {  	v31 =	vadd.f32 v31, v40;
	v27 =	vor.u32 v5, v62;
	v40 =	vld.idx.msk [tilespmem:v28+s3+$0x0], $0xffff  }
0x17b: {  	v59 =	vmov v46;
	v46 =	vor.u32 v7, v62;
	v45 =	vld.idx.msk [tilespmem:v57+s19+$0x0], $0xffff  }
0x17c: {  	v35 =	vld.idx.msk [tilespmem:v44+s12+$0x0], $0xffff;
	v44 =	vor.u32 v6, v62  }
0x17d: {  	v61 =	vor.u32 s11, v48;
	v30 =	vadd.f32 v30, v29;
	v33 =	vld.idx.msk [tilespmem:v25+s3+$0x0], $0xffff;
	v62 =	vmovc v47;
	v47 =	vor.u32 v7, v63  }
0x17e: {  	v29 =	vor.u32 v5, v61;
	v42 =	vld.idx.msk [tilespmem:v60+s19+$0x0], $0xffff;
	v36 =	vadd.f32 v36, v38;
	v63 =	vor.u32 s11, v49  }
0x17f: {  	v60 =	vmov v49;
	v38 =	vld.idx.msk [tilespmem:v27+s3+$0x0], $0xffff;
	v49 =	vor.u32 v7, v63  }
0x180: {  	v32 =	vadd.f32 v32, v30;
	v36 =	vmul.f32 v36, v41;
	v41 =	vld.idx.msk [tilespmem:v46+s12+$0x0], $0xffff;
	v46 =	vor.u32 v6, v61  }
0x181: {  	v3 =	vmov v48;
	v48 =	vor.u32 v7, v61;
	v57 =	vmul.f32 v31, v37;
	v44 =	vld.idx.msk [tilespmem:v44+s19+$0x0], $0xffff  }
0x182: {  	v30 =	vor.u32 v5, v63;
	v34 =	vadd.f32 v34, v43;
	v32 =	vadd.f32 v36, v32;
	v37 =	vld.idx.msk [tilespmem:v47+s12+$0x0], $0xffff  }
0x183: {  	v47 =	vor.u32 v6, v63;
	v35 =	vadd.f32 v35, v42;
	v42 =	vld.idx.msk [tilespmem:v29+s3+$0x0], $0xffff;
	v63 =	vor.u32 s11, v50  }
0x184: {  	v34 =	vmul.f32 v34, v39;
	v31 =	vor.u32 v5, v63;
	v36 =	vadd.f32 v57, v32;
	v39 =	vld.idx.msk [tilespmem:v49+s12+$0x0], $0xffff  }
0x185: {  	v61 =	vmovc v50;
	v50 =	vor.u32 v7, v63;
	v57 =	vor.u32 s11, v51;
	v46 =	vld.idx.msk [tilespmem:v46+s19+$0x0], $0xffff;
	v33 =	vmul.f32 v35, v33  }
0x186: {  	v35 =	vld.idx.msk [tilespmem:v48+s12+$0x0], $0xffff;
	v48 =	vor.u32 v6, v63;
	v32 =	vor.u32 v5, v57;
	v49 =	vor.u32 v6, v57  }
0x187: {  	v43 =	vld.idx.msk [tilespmem:v30+s3+$0x0], $0xffff;
	v63 =	vmovc v51;
	v51 =	vor.u32 v7, v57;
	v57 =	vor.u32 s11, v52;
	v36 =	vadd.f32 v33, v36  }
0x188: {  	v2 =	vmov v52;
	v33 =	vor.u32 v5, v57;
	v47 =	vld.idx.msk [tilespmem:v47+s19+$0x0], $0xffff;
	v41 =	vadd.f32 v41, v44  }
0x189: {  	v52 =	vor.u32 v7, v57;
	v37 =	vadd.f32 v37, v45;
	v44 =	vld.idx.msk [tilespmem:v31+s3+$0x0], $0xffff;
	v36 =	vadd.f32 v34, v36  }
0x18a: {  	v38 =	vmul.f32 v41, v38;
	v41 =	vld.idx.msk [tilespmem:v50+s12+$0x0], $0xffff;
	v50 =	vor.u32 v6, v57;
	v57 =	vor.u32 s11, v53  }
0x18b: {  	v48 =	vld.idx.msk [tilespmem:v48+s19+$0x0], $0xffff;
	v37 =	vmul.f32 v37, v40;
	v46 =	vadd.f32 v35, v46;
	v34 =	vor.u32 v5, v57  }
0x18c: {  	v4 =	vmovc v53;
	v45 =	vld.idx.msk [tilespmem:v32+s3+$0x0], $0xffff;
	v40 =	vor.u32 v6, v57;
	v53 =	vor.u32 v7, v57;
	v57 =	vor.u32 s11, v54  }
0x18d: {  	v1 =	vmov v54;
	v49 =	vld.idx.msk [tilespmem:v49+s19+$0x0], $0xffff;
	v36 =	vadd.f32 v38, v36;
	v35 =	vor.u32 v5, v57  }
0x18e: {  	v42 =	vmul.f32 v46, v42;
	v46 =	vld.idx.msk [tilespmem:v52+s12+$0x0], $0xffff;
	v52 =	vor.u32 v6, v57;
	v54 =	vor.u32 v7, v57  }
0x18f: {  	v38 =	vld.idx.msk [tilespmem:v51+s12+$0x0], $0xffff;
	v39 =	vadd.f32 v39, v47;
	v37 =	vadd.f32 v37, v36;
	v57 =	vmovc v55;
	v55 =	vor.u32 s11, v55  }
0x190: {  	v50 =	vld.idx.msk [tilespmem:v50+s19+$0x0], $0xffff;
	v36 =	vor.u32 v5, v55  }
0x191: {  	v39 =	vmul.f32 v39, v43;
	v43 =	vor.u32 v6, v55;
	v37 =	vadd.f32 v42, v37;
	v42 =	vld.idx.msk [tilespmem:v53+s12+$0x0], $0xffff  }
0x192: {  	v41 =	vadd.f32 v41, v48;
	v53 =	vor.u32 v7, v55;
	v55 =	vor.u32 s11, v56;
	v56 =	vld [tilespmem:$0x1FCC0];
	_ =	sdelay $0x1  }
0x193: {  	v41 =	vmul.f32 v41, v44;
	v39 =	vadd.f32 v39, v37  }
0x194: {  	v38 =	vadd.f32 v38, v49  }
0x195: {  	v51 =	vld.idx.msk [tilespmem:v33+s3+$0x0], $0xffff;
	v39 =	vadd.f32 v41, v39  }
0x196: {  	v41 =	vmul.f32 v38, v45;
	v45 =	vadd.f32 v46, v50;
	v56 =	vor.u32 s11, v56;
	v46 =	vld.idx.msk [tilespmem:v53+s12+$0x0], $0xffff  }
0x197: {  	v38 =	vor.u32 v5, v56;
	v50 =	vor.u32 v6, v56;
	v53 =	vor.u32 v7, v56;
	v56 =	vld [tilespmem:$0x1FCD0]  }
0x198: {  	v40 =	vld.idx.msk [tilespmem:v40+s19+$0x0], $0xffff;
	v49 =	vor.u32 v6, v55  }
0x199: {  	v47 =	vld.idx.msk [tilespmem:v34+s3+$0x0], $0xffff  }
0x19a: {  	v48 =	vld.idx.msk [tilespmem:v35+s3+$0x0], $0xffff  }
0x19b: {  	v52 =	vld.idx.msk [tilespmem:v52+s19+$0x0], $0xffff;
	v37 =	vor.u32 v5, v55  }
0x19c: {  	v55 =	vor.u32 v7, v55;
	v43 =	vld.idx.msk [tilespmem:v43+s19+$0x0], $0xffff;
	v56 =	vor.u32 s11, v56  }
0x19d: {  	v40 =	vadd.f32 v42, v40;
	v42 =	vld.idx.msk [tilespmem:v49+s19+$0x0], $0xffff;
	v49 =	vor.u32 v6, v56  }
0x19e: {  	v44 =	vld.idx.msk [tilespmem:v54+s12+$0x0], $0xffff  }
0x19f: {  	v54 =	vld.idx.msk [tilespmem:v36+s3+$0x0], $0xffff  }
0x1a0: {  	v39 =	vadd.f32 v41, v39;
	v41 =	vld.idx.msk [tilespmem:v37+s3+$0x0], $0xffff  }
0x1a1: {  	v45 =	vmul.f32 v45, v51;
	v51 =	vld.idx.msk [tilespmem:v55+s12+$0x0], $0xffff  }
0x1a2: {  	v43 =	vadd.f32 v46, v43;
	v55 =	vor.u32 v7, v56;
	v46 =	vld.idx.msk [tilespmem:v49+s19+$0x0], $0xffff  }
0x1a3: {  	v44 =	vadd.f32 v44, v52;
	v40 =	vmul.f32 v40, v47;
	v45 =	vadd.f32 v45, v39;
	v49 =	vld [tilespmem:$0x1FC60]  }
0x1a4: {  	v50 =	vld.idx.msk [tilespmem:v50+s19+$0x0], $0xffff;
	v39 =	vor.u32 v5, v56  }
0x1a5: {  	v44 =	vmul.f32 v44, v48;
	v40 =	vadd.f32 v40, v45;
	v45 =	vld.idx.msk [tilespmem:v53+s12+$0x0], $0xffff  }
0x1a6: {  	v47 =	vld.idx.msk [tilespmem:v38+s3+$0x0], $0xffff  }
0x1a7: {  	v44 =	vadd.f32 v44, v40;
	v48 =	vld.idx.msk [tilespmem:v55+s12+$0x0], $0xffff  }
0x1a8: {  	v43 =	vmul.f32 v43, v54;
	v42 =	vadd.f32 v51, v42;
	v40 =	vor.u32 s11, v49;
	v49 =	vld [tilespmem:$0x1FCE0]  }
0x1a9: {  	v51 =	vld.idx.msk [tilespmem:v39+s3+$0x0], $0xffff  }
0x1aa: {  	v43 =	vadd.f32 v43, v44;
	v41 =	vmul.f32 v42, v41;
	v42 =	vadd.f32 v45, v50;
	_ =	sdelay $0x1  }
0x1ab: {  	v41 =	vadd.f32 v41, v43;
	v42 =	vmul.f32 v42, v47;
	v43 =	vadd.f32 v48, v46  }
0x1ac: {  	v49 =	vor.u32 v49, v40  }
0x1ad: {  	v41 =	vadd.f32 v42, v41;
	v42 =	vmul.f32 v43, v51;
	_ =	sdelay $0x1  }
0x1ae: {  	v41 =	vadd.f32 v42, v41;
	v42 =	vld [tilespmem:$0x1FCF0];
	_ =	sdelay $0x1  }
0x1af: {  	v44 =	vld.idx.msk [tilespmem:v49+s19+$0x0], $0xffff;
	_ =	sdelay $0x2  }
0x1b0: {  	v42 =	vor.u32 v42, v40;
	_ =	sdelay $0x1  }
0x1b1: {  	v43 =	vmul.f32 v41, v44;
	_ =	sdelay $0x1  }
0x1b2: {  	[tilespmem:v8+s30+$0x0] =	vst.idx.msk $0xffff, v43;
	v43 =	vld [tilespmem:$0x1FED0]  }
0x1b3: {  	v8 =	vld.idx.msk [tilespmem:v42+s19+$0x0], $0xffff;
	_ =	sdelay $0x3  }
0x1b4: {  	v42 =	vor.u32 v43, v40  }
0x1b5: {  	v8 =	vmul.f32 v8, v41;
	_ =	sdelay $0x1  }
0x1b6: {  	[tilespmem:v9+s30+$0x0] =	vst.idx.msk $0xffff, v8;
	v9 =	vld [tilespmem:$0x1FEE0];
	_ =	sdelay $0x1  }
0x1b7: {  	v8 =	vld.idx.msk [tilespmem:v42+s19+$0x0], $0xffff;
	_ =	sdelay $0x2  }
0x1b8: {  	v42 =	vor.u32 v9, v40;
	_ =	sdelay $0x1  }
0x1b9: {  	v8 =	vmul.f32 v8, v41  }
0x1ba: {  	v43 =	vld [tilespmem:$0x1FEF0]  }
0x1bb: {  	[tilespmem:v10+s30+$0x0] =	vst.idx.msk $0xffff, v8  }
0x1bc: {  	v8 =	vld.idx.msk [tilespmem:v42+s19+$0x0], $0xffff;
	_ =	sdelay $0x2  }
0x1bd: {  	v44 =	vor.u32 v43, v40;
	_ =	sdelay $0x1  }
0x1be: {  	v8 =	vmul.f32 v8, v41  }
0x1bf: {  	v42 =	vld [tilespmem:$0x1FF00]  }
0x1c0: {  	[tilespmem:v11+s30+$0x0] =	vst.idx.msk $0xffff, v8  }
0x1c1: {  	v8 =	vld.idx.msk [tilespmem:v44+s19+$0x0], $0xffff;
	_ =	sdelay $0x2  }
0x1c2: {  	v43 =	vor.u32 v42, v40;
	_ =	sdelay $0x1  }
0x1c3: {  	v8 =	vmul.f32 v8, v41  }
0x1c4: {  	v44 =	vld [tilespmem:$0x1FF10]  }
0x1c5: {  	[tilespmem:v12+s30+$0x0] =	vst.idx.msk $0xffff, v8  }
0x1c6: {  	v8 =	vld.idx.msk [tilespmem:v43+s19+$0x0], $0xffff;
	_ =	sdelay $0x2  }
0x1c7: {  	v42 =	vor.u32 v44, v40;
	_ =	sdelay $0x1  }
0x1c8: {  	v8 =	vmul.f32 v8, v41  }
0x1c9: {  	v43 =	vld [tilespmem:$0x1FF20]  }
0x1ca: {  	[tilespmem:v13+s30+$0x0] =	vst.idx.msk $0xffff, v8  }
0x1cb: {  	v8 =	vld.idx.msk [tilespmem:v42+s19+$0x0], $0xffff;
	_ =	sdelay $0x2  }
0x1cc: {  	v44 =	vor.u32 v43, v40;
	_ =	sdelay $0x1  }
0x1cd: {  	v8 =	vmul.f32 v8, v41  }
0x1ce: {  	v42 =	vld [tilespmem:$0x1FF30]  }
0x1cf: {  	[tilespmem:v14+s30+$0x0] =	vst.idx.msk $0xffff, v8  }
0x1d0: {  	v8 =	vld.idx.msk [tilespmem:v44+s19+$0x0], $0xffff;
	_ =	sdelay $0x2  }
0x1d1: {  	v43 =	vor.u32 v42, v40;
	_ =	sdelay $0x1  }
0x1d2: {  	v8 =	vmul.f32 v8, v41;
	_ =	sdelay $0x1  }
0x1d3: {  	v44 =	vld [tilespmem:$0x1FF40];
	[tilespmem:v15+s30+$0x0] =	vst.idx.msk $0xffff, v8  }
0x1d4: {  	v8 =	vld.idx.msk [tilespmem:v43+s19+$0x0], $0xffff;
	_ =	sdelay $0x3  }
0x1d5: {  	v13 =	vor.u32 v44, v40  }
0x1d6: {  	v8 =	vmul.f32 v8, v41;
	_ =	sdelay $0x1  }
0x1d7: {  	[tilespmem:v16+s30+$0x0] =	vst.idx.msk $0xffff, v8;
	v16 =	vld [tilespmem:$0x1FF50];
	_ =	sdelay $0x1  }
0x1d8: {  	v8 =	vld.idx.msk [tilespmem:v13+s19+$0x0], $0xffff;
	_ =	sdelay $0x2  }
0x1d9: {  	v14 =	vor.u32 v16, v40;
	_ =	sdelay $0x1  }
0x1da: {  	v8 =	vmul.f32 v8, v41;
	_ =	sdelay $0x1  }
0x1db: {  	[tilespmem:v17+s30+$0x0] =	vst.idx.msk $0xffff, v8;
	v17 =	vld [tilespmem:$0x1FF60]  }
0x1dc: {  	v8 =	vld.idx.msk [tilespmem:v14+s19+$0x0], $0xffff;
	_ =	sdelay $0x3  }
0x1dd: {  	v42 =	vor.u32 v17, v40  }
0x1de: {  	v8 =	vmul.f32 v8, v41;
	_ =	sdelay $0x1  }
0x1df: {  	[tilespmem:v18+s30+$0x0] =	vst.idx.msk $0xffff, v8;
	v18 =	vld [tilespmem:$0x1FF70];
	_ =	sdelay $0x1  }
0x1e0: {  	v8 =	vld.idx.msk [tilespmem:v42+s19+$0x0], $0xffff;
	_ =	sdelay $0x2  }
0x1e1: {  	v43 =	vor.u32 v18, v40;
	_ =	sdelay $0x1  }
0x1e2: {  	v8 =	vmul.f32 v8, v41  }
0x1e3: {  	v44 =	vld [tilespmem:$0x1FD00]  }
0x1e4: {  	[tilespmem:v19+s30+$0x0] =	vst.idx.msk $0xffff, v8  }
0x1e5: {  	v8 =	vld.idx.msk [tilespmem:v43+s19+$0x0], $0xffff;
	_ =	sdelay $0x2  }
0x1e6: {  	v9 =	vor.u32 v44, v40;
	_ =	sdelay $0x1  }
0x1e7: {  	v8 =	vmul.f32 v8, v41  }
0x1e8: {  	v12 =	vld [tilespmem:$0x1FD10]  }
0x1e9: {  	[tilespmem:v20+s30+$0x0] =	vst.idx.msk $0xffff, v8  }
0x1ea: {  	v8 =	vld.idx.msk [tilespmem:v9+s19+$0x0], $0xffff;
	_ =	sdelay $0x2  }
0x1eb: {  	v9 =	vor.u32 v12, v40;
	_ =	sdelay $0x1  }
0x1ec: {  	v8 =	vmul.f32 v8, v41  }
0x1ed: {  	v13 =	vld [tilespmem:$0x1FD20]  }
0x1ee: {  	[tilespmem:v21+s30+$0x0] =	vst.idx.msk $0xffff, v8  }
0x1ef: {  	v8 =	vld.idx.msk [tilespmem:v9+s19+$0x0], $0xffff;
	_ =	sdelay $0x2  }
0x1f0: {  	v9 =	vor.u32 v13, v40;
	_ =	sdelay $0x1  }
0x1f1: {  	v8 =	vmul.f32 v8, v41  }
0x1f2: {  	v14 =	vld [tilespmem:$0x1FD30]  }
0x1f3: {  	[tilespmem:v22+s30+$0x0] =	vst.idx.msk $0xffff, v8  }
0x1f4: {  	v8 =	vld.idx.msk [tilespmem:v9+s19+$0x0], $0xffff;
	_ =	sdelay $0x2  }
0x1f5: {  	v9 =	vor.u32 v14, v40;
	_ =	sdelay $0x1  }
0x1f6: {  	v8 =	vmul.f32 v8, v41  }
0x1f7: {  	v15 =	vld [tilespmem:$0x1FD40]  }
0x1f8: {  	[tilespmem:v23+s30+$0x0] =	vst.idx.msk $0xffff, v8  }
0x1f9: {  	v8 =	vld.idx.msk [tilespmem:v9+s19+$0x0], $0xffff;
	_ =	sdelay $0x2  }
0x1fa: {  	v9 =	vor.u32 v15, v40;
	_ =	sdelay $0x1  }
0x1fb: {  	v8 =	vmul.f32 v8, v41;
	_ =	sdelay $0x1  }
0x1fc: {  	[tilespmem:v24+s30+$0x0] =	vst.idx.msk $0xffff, v8;
	v24 =	vld [tilespmem:$0x1FD50]  }
0x1fd: {  	v8 =	vld.idx.msk [tilespmem:v9+s19+$0x0], $0xffff;
	_ =	sdelay $0x3  }
0x1fe: {  	v9 =	vor.u32 v24, v40  }
0x1ff: {  	v8 =	vmul.f32 v8, v41;
	_ =	sdelay $0x1  }
0x200: {  	[tilespmem:v25+s30+$0x0] =	vst.idx.msk $0xffff, v8;
	v25 =	vld [tilespmem:$0x1FD60];
	_ =	sdelay $0x1  }
0x201: {  	v8 =	vld.idx.msk [tilespmem:v9+s19+$0x0], $0xffff;
	_ =	sdelay $0x2  }
0x202: {  	v9 =	vor.u32 v25, v40;
	_ =	sdelay $0x1  }
0x203: {  	v8 =	vmul.f32 v8, v41;
	_ =	sdelay $0x1  }
0x204: {  	[tilespmem:v26+s30+$0x0] =	vst.idx.msk $0xffff, v8;
	v26 =	vld [tilespmem:$0x1FD70]  }
0x205: {  	v8 =	vld.idx.msk [tilespmem:v9+s19+$0x0], $0xffff;
	_ =	sdelay $0x3  }
0x206: {  	v9 =	vor.u32 v26, v40  }
0x207: {  	v8 =	vmul.f32 v8, v41;
	_ =	sdelay $0x1  }
0x208: {  	[tilespmem:v27+s30+$0x0] =	vst.idx.msk $0xffff, v8;
	v27 =	vld [tilespmem:$0x1FD80];
	_ =	sdelay $0x1  }
0x209: {  	v8 =	vld.idx.msk [tilespmem:v9+s19+$0x0], $0xffff;
	_ =	sdelay $0x2  }
0x20a: {  	v9 =	vor.u32 v27, v40;
	_ =	sdelay $0x1  }
0x20b: {  	v8 =	vmul.f32 v8, v41  }
0x20c: {  	v42 =	vld [tilespmem:$0x1FD90]  }
0x20d: {  	[tilespmem:v28+s30+$0x0] =	vst.idx.msk $0xffff, v8  }
0x20e: {  	v8 =	vld.idx.msk [tilespmem:v9+s19+$0x0], $0xffff;
	_ =	sdelay $0x2  }
0x20f: {  	v9 =	vor.u32 v42, v40;
	_ =	sdelay $0x1  }
0x210: {  	v8 =	vmul.f32 v8, v41;
	_ =	sdelay $0x1  }
0x211: {  	[tilespmem:v29+s30+$0x0] =	vst.idx.msk $0xffff, v8;
	v29 =	vld [tilespmem:$0x1FF80]  }
0x212: {  	v8 =	vld.idx.msk [tilespmem:v9+s19+$0x0], $0xffff;
	_ =	sdelay $0x3  }
0x213: {  	v43 =	vor.u32 v29, v40  }
0x214: {  	v8 =	vmul.f32 v8, v41;
	_ =	sdelay $0x1  }
0x215: {  	[tilespmem:v30+s30+$0x0] =	vst.idx.msk $0xffff, v8;
	v30 =	vld [tilespmem:$0x1FF90];
	_ =	sdelay $0x1  }
0x216: {  	v8 =	vld.idx.msk [tilespmem:v43+s19+$0x0], $0xffff;
	_ =	sdelay $0x2  }
0x217: {  	v44 =	vor.u32 v30, v40;
	_ =	sdelay $0x1  }
0x218: {  	v8 =	vmul.f32 v8, v41  }
0x219: {  	v12 =	vld [tilespmem:$0x1FDA0]  }
0x21a: {  	[tilespmem:v31+s30+$0x0] =	vst.idx.msk $0xffff, v8  }
0x21b: {  	v8 =	vld.idx.msk [tilespmem:v44+s19+$0x0], $0xffff;
	_ =	sdelay $0x2  }
0x21c: {  	v9 =	vor.u32 v12, v40;
	_ =	sdelay $0x1  }
0x21d: {  	v8 =	vmul.f32 v8, v41  }
0x21e: {  	v13 =	vld [tilespmem:$0x1FFA0]  }
0x21f: {  	[tilespmem:v32+s30+$0x0] =	vst.idx.msk $0xffff, v8  }
0x220: {  	v8 =	vld.idx.msk [tilespmem:v9+s19+$0x0], $0xffff;
	_ =	sdelay $0x2  }
0x221: {  	v14 =	vor.u32 v13, v40;
	_ =	sdelay $0x1  }
0x222: {  	v8 =	vmul.f32 v8, v41  }
0x223: {  	v15 =	vld [tilespmem:$0x1FFB0]  }
0x224: {  	[tilespmem:v33+s30+$0x0] =	vst.idx.msk $0xffff, v8  }
0x225: {  	v8 =	vld.idx.msk [tilespmem:v14+s19+$0x0], $0xffff;
	_ =	sdelay $0x2  }
0x226: {  	v24 =	vor.u32 v15, v40;
	_ =	sdelay $0x1  }
0x227: {  	v8 =	vmul.f32 v8, v41  }
0x228: {  	v25 =	vld [tilespmem:$0x1FFC0]  }
0x229: {  	[tilespmem:v34+s30+$0x0] =	vst.idx.msk $0xffff, v8  }
0x22a: {  	v8 =	vld.idx.msk [tilespmem:v24+s19+$0x0], $0xffff;
	_ =	sdelay $0x2  }
0x22b: {  	v26 =	vor.u32 v25, v40;
	_ =	sdelay $0x1  }
0x22c: {  	v8 =	vmul.f32 v8, v41  }
0x22d: {  	v27 =	vld [tilespmem:$0x1FFD0]  }
0x22e: {  	[tilespmem:v35+s30+$0x0] =	vst.idx.msk $0xffff, v8  }
0x22f: {  	v8 =	vld.idx.msk [tilespmem:v26+s19+$0x0], $0xffff;
	_ =	sdelay $0x2  }
0x230: {  	v35 =	vor.u32 v27, v40;
	_ =	sdelay $0x1  }
0x231: {  	v8 =	vmul.f32 v8, v41  }
0x232: {  	v42 =	vld [tilespmem:$0x1FDB0]  }
0x233: {  	[tilespmem:v36+s30+$0x0] =	vst.idx.msk $0xffff, v8  }
0x234: {  	v8 =	vld.idx.msk [tilespmem:v35+s19+$0x0], $0xffff;
	_ =	sdelay $0x2  }
0x235: {  	v9 =	vor.u32 v42, v40;
	_ =	sdelay $0x1  }
0x236: {  	v8 =	vmul.f32 v8, v41  }
0x237: {  	v43 =	vld [tilespmem:$0x1FFE0]  }
0x238: {  	[tilespmem:v37+s30+$0x0] =	vst.idx.msk $0xffff, v8  }
0x239: {  	v8 =	vld.idx.msk [tilespmem:v9+s19+$0x0], $0xffff;
	_ =	sdelay $0x2  }
0x23a: {  	v44 =	vor.u32 v43, v40;
	_ =	sdelay $0x1  }
0x23b: {  	v8 =	vmul.f32 v8, v41;
	_ =	sdelay $0x1  }
0x23c: {  	[tilespmem:v38+s30+$0x0] =	vst.idx.msk $0xffff, v8  }
0x23d: {  	v8 =	vld.idx.msk [tilespmem:v44+s19+$0x0], $0xffff;
	_ =	sdelay $0x1  }
0x23e: {  	p1 =	sne.s32 s11, $0x60;
	v56 =	vld [tilespmem:$0x1FEC0]  }
.Ltmp0:
0x23f: {  	v20 =	vld [tilespmem:$0x1FDF0];
	(pc) =	sbr.rel @p1 .LBB2_5-.Ltmp0, $4  }
0x240: {  	v21 =	vld [tilespmem:$0x1FE00]  }
0x241: {  	v52 =	vmov v2;
	v53 =	vmov v4;
	v22 =	vld [tilespmem:$0x1FE10];
	v8 =	vmul.f32 v8, v41  }
0x242: {  	v54 =	vmovc v1;
	v50 =	vmovc v61;
	v45 =	vmov v58;
	v55 =	vmov v57;
	v47 =	vmov v62;
	v31 =	vld [tilespmem:$0x1FE20]  }
0x243: {  	v48 =	vmovc v3;
	v46 =	vmovc v59;
	s11 =	sadd.s32 $0x20, s11;
	v51 =	vmov v63;
	v49 =	vmov v60;
	v19 =	vlaneseq.u32;
	v36 =	vld [tilespmem:$0x1FE30];
	[tilespmem:v39+s30+$0x0] =	vst.idx.msk $0xffff, v8  }
.Ltmp1:
0x244: {  	(pc) =	sbr.rel @p0 .LBB2_4-.Ltmp1, $2  }
0x245: {  	_ =	sdelay $0x2  }
0x246: {  	s11 =	simm.s32 $0x10;
	p1 =	por $0x0, $0x0  }
0x247: {  	s11 =	sadd.s32 $0x9000, s10  }
0x248: {  	[spmem:s0] =	stream.indirect.scatter.add.f32 [tilespmem:s30], [sflag:$0x3], $0x80, s11, s17, $0xb8;
	[tilespmem:$0x1DC00] =	vst v63  }
0x249: {  	_ =	swait.ge [sflag:s31], $0x1000  }
0x24a: {  	[sflag:s31] =	ssyncset.done $0x0  }
0x24b: {  	[sflag:s31] =	ssyncadd.s32 $0xFFFFF000  }
0x24c: {  	p0 =	seq.s32 s6, $0x7;
	_ =	swait.ge [sflag:s31], $0x2000  }
0x24d: {  	s11 =	sadd.s32 @!p0 $0x8900, s10;
	[sflag:s31] =	ssyncset.done $0x0  }
0x24e: {  	s14 =	simm.s32 @!p0 $0x20;
	s15 =	simm.s32 @!p0 $0x0;
	[sflag:s31] =	ssyncadd.s32 $0xFFFFE000  }
0x24f: {  	[tilespmem:s15], [sflag:$0x1] =	stream.indirect.gather @!p0 [hbm4b:s8+s14], $0x80, s11, s14, $0xb8;
	[tilespmem:$0x1DC00] =	vst v63  }
0x250: {  	v0 =	vld @!p0 [tilespmem:s10+$0x8100];
	_ =	sdelay $0x4  }
0x251: {  	v5 =	vshll.u32 @!p0 v0, $0x1  }
0x252: {  	v6 =	vlaneseq.u32 @!p0;
	v0 =	vand.u32 @!p0 $0x7, v0;
	v5 =	vand.u32 @!p0 $0xFFFFFFF0, v5  }
0x253: {  	v7 =	vshrl.u32 @!p0 v6, $0x3;
	v0 =	vor.u32 @!p0 v0, v5;
	v5 =	vand.u32 @!p0 $0x7, v6  }
0x254: {  	v7 =	vmul.u32 @!p0 $0x8, v7;
	v8 =	vperm.xlane @!p0 v0, v5  }
0x255: {  	v6 =	vor.u32 @!p0 $0x8, v6  }
0x256: {  	v0 =	vperm.xlane @!p0 v0, v6;
	v8 =	vadd.s32 @!p0 v7, v8;
	_ =	sdelay $0x1  }
0x257: {  	v0 =	vadd.s32 @!p0 v7, v0;
	_ =	sdelay $0x1  }
0x258: {  	vm1 =	vmmov @!p0 $0xffff;
	s11 =	simm.s32 @!p0 $0x2000  }
0x259: {  	[tilespmem:s11], [sflag:$0x1] =	stream.indirect_vreg.gather @!p0 [hbm4b:s9+s15], $0x80, v8, vm1, $0xb8;
	[tilespmem:$0x1DC00] =	vst v63  }
0x25a: {  	s11 =	simm.s32 @!p0 $0x2800  }
0x25b: {  	[tilespmem:s11], [sflag:$0x1] =	stream.indirect_vreg.gather @!p0 [hbm4b:s9+s15], $0x80, v0, vm1, $0xb8;
	[tilespmem:$0x1DC00] =	vst v63  }
0x25c: {  	v0 =	vld @!p0 [tilespmem:s10+$0x8110];
	_ =	sdelay $0x4  }
0x25d: {  	v8 =	vshll.u32 @!p0 v0, $0x1  }
0x25e: {  	v0 =	vand.u32 @!p0 $0x7, v0;
	v8 =	vand.u32 @!p0 $0xFFFFFFF0, v8  }
0x25f: {  	v0 =	vor.u32 @!p0 v0, v8  }
0x260: {  	v5 =	vperm.xlane @!p0 v0, v5;
	_ =	sdelay $0x1  }
0x261: {  	v0 =	vperm.xlane @!p0 v0, v6;
	v5 =	vadd.s32 @!p0 v7, v5;
	_ =	sdelay $0x1  }
0x262: {  	v0 =	vadd.s32 @!p0 v7, v0;
	_ =	sdelay $0x1  }
0x263: {  	s11 =	simm.s32 @!p0 $0x3000  }
0x264: {  	[tilespmem:s11], [sflag:$0x1] =	stream.indirect_vreg.gather @!p0 [hbm4b:s9+s15], $0x80, v5, vm1, $0xb8;
	[tilespmem:$0x1DC00] =	vst v63  }
0x265: {  	s11 =	simm.s32 @!p0 $0x3800  }
0x266: {  	[tilespmem:s11], [sflag:$0x1] =	stream.indirect_vreg.gather @!p0 [hbm4b:s9+s15], $0x80, v0, vm1, $0xb8;
	[tilespmem:$0x1DC00] =	vst v63  }
0x267: {  	s15 =	sadd.s32 $0x9880, s10;
	_ =	swait.ge [sflag:s2], $0x1000  }
0x268: {  	v0 =	vmov s15;
	[sflag:s2] =	ssyncset.done $0x0  }
0x269: {  	p1 =	por $0x1, $0x1;
	s11 =	simm.s32 $0x0;
	[tilespmem:$0x1FC50] =	vst v0;
	[sflag:s2] =	ssyncadd.s32 $0xFFFFF000  }
.LBB2_8:
0x26a: {  	v0 =	vld [tilespmem:$0x1FC50];
	_ =	sdelay $0x6  }
0x26b: {  	v6 =	vld [tilespmem:$0x1FCB0]  }
0x26c: {  	v7 =	vld.idx.msk [tilespmem:v0+s11+$0x0 ss:$0x1], $0xffff;
	_ =	sdelay $0x1  }
0x26d: {  	v5 =	vor.u32 s11, v19  }
0x26e: {  	v0 =	vshll.u32 v5, $0x8  }
0x26f: {  	v0 =	vand.u32 $0x1800, v0  }
0x270: {  	p0 =	por p1, p1;
	v5 =	vshll.u32 v5, $0x7;
	s11 =	simm.s32 $0x0;
	[tilespmem:$0x1FC40] =	vst v0;
	v6 =	vor.u32 v6, v0;
	v0 =	vld [tilespmem:$0x1FDE0];
	v7 =	vshll.u32 v7, $0x7  }
.LBB2_9:
0x271: {  	v9 =	vor.u32 s11, v19  }
0x272: {  	v8 =	vor.u32 v5, v9  }
0x273: {  	v10 =	vor.u32 v6, v9  }
0x274: {  	v47 =	vld [tilespmem:$0x1FE40];
	v11 =	vor.u32 v7, v9;
	v12 =	vor.u32 s11, v20  }
0x275: {  	v27 =	vld [tilespmem:$0x1FE50];
	v9 =	vor.u32 v5, v12  }
0x276: {  	v50 =	vld [tilespmem:$0x1FE60];
	v13 =	vor.u32 v6, v12  }
0x277: {  	v14 =	vor.u32 s11, v21;
	v12 =	vor.u32 v7, v12;
	v15 =	vld.idx.msk [tilespmem:v8+s24+$0x0], $0xffff  }
0x278: {  	v20 =	vor.u32 s11, v22;
	v18 =	vor.u32 v6, v14;
	v16 =	vld.idx.msk [tilespmem:v10+s25+$0x0], $0xffff  }
0x279: {  	v49 =	vor.u32 s11, v31;
	v46 =	vor.u32 v6, v20;
	v17 =	vld.idx.msk [tilespmem:v11+s12+$0x0], $0xffff  }
0x27a: {  	v32 =	vor.u32 v6, v49;
	v19 =	vld.idx.msk [tilespmem:v9+s24+$0x0], $0xffff  }
0x27b: {  	v10 =	vor.u32 v5, v14;
	v21 =	vld.idx.msk [tilespmem:v13+s25+$0x0], $0xffff  }
0x27c: {  	v14 =	vor.u32 v7, v14;
	v22 =	vld.idx.msk [tilespmem:v12+s12+$0x0], $0xffff  }
0x27d: {  	v11 =	vor.u32 v5, v20;
	v18 =	vld.idx.msk [tilespmem:v18+s25+$0x0], $0xffff  }
0x27e: {  	v24 =	vor.u32 s11, v47;
	v20 =	vor.u32 v7, v20;
	v28 =	vld.idx.msk [tilespmem:v46+s25+$0x0], $0xffff  }
0x27f: {  	v27 =	vor.u32 s11, v27;
	v48 =	vor.u32 v6, v24;
	v32 =	vld.idx.msk [tilespmem:v32+s25+$0x0], $0xffff  }
0x280: {  	v29 =	vor.u32 v6, v27;
	v23 =	vld.idx.msk [tilespmem:v10+s24+$0x0], $0xffff  }
0x281: {  	v12 =	vor.u32 v5, v24;
	v25 =	vld.idx.msk [tilespmem:v14+s12+$0x0], $0xffff  }
0x282: {  	v24 =	vor.u32 v7, v24;
	v26 =	vld.idx.msk [tilespmem:v11+s24+$0x0], $0xffff  }
0x283: {  	v13 =	vor.u32 v5, v27;
	v20 =	vld.idx.msk [tilespmem:v20+s12+$0x0], $0xffff  }
0x284: {  	v31 =	vld.idx.msk [tilespmem:v48+s25+$0x0], $0xffff  }
0x285: {  	v16 =	vadd.f32 v17, v16;
	v17 =	vor.u32 v7, v27;
	v29 =	vld.idx.msk [tilespmem:v29+s25+$0x0], $0xffff  }
0x286: {  	v14 =	vor.u32 v5, v49;
	v30 =	vld.idx.msk [tilespmem:v12+s24+$0x0], $0xffff  }
0x287: {  	v33 =	vor.u32 s11, v50;
	v27 =	vor.u32 v7, v49;
	v16 =	vmul.f32 v16, v15;
	v24 =	vld.idx.msk [tilespmem:v24+s12+$0x0], $0xffff  }
0x288: {  	v15 =	vor.u32 v5, v33;
	v21 =	vadd.f32 v22, v21;
	v22 =	vld.idx.msk [tilespmem:v13+s24+$0x0], $0xffff  }
0x289: {  	v34 =	vadd.f32 $0.0e+00, v16;
	v16 =	vld [tilespmem:$0x1FE70]  }
0x28a: {  	v18 =	vadd.f32 v25, v18;
	v19 =	vmul.f32 v21, v19;
	v21 =	vld.idx.msk [tilespmem:v17+s12+$0x0], $0xffff;
	v17 =	vor.u32 v6, v33  }
0x28b: {  	v54 =	vor.u32 s11, v36;
	v51 =	vld.idx.msk [tilespmem:v14+s24+$0x0], $0xffff;
	v33 =	vor.u32 v7, v33  }
0x28c: {  	v43 =	vor.u32 v6, v54;
	v18 =	vmul.f32 v18, v23;
	v23 =	vld.idx.msk [tilespmem:v27+s12+$0x0], $0xffff;
	v19 =	vadd.f32 v19, v34  }
0x28d: {  	v20 =	vadd.f32 v20, v28;
	v28 =	vld.idx.msk [tilespmem:v15+s24+$0x0], $0xffff  }
0x28e: {  	v35 =	vor.u32 s11, v16;
	v19 =	vadd.f32 v18, v19;
	v18 =	vld [tilespmem:$0x1FE80]  }
0x28f: {  	v20 =	vmul.f32 v20, v26;
	v24 =	vadd.f32 v24, v31;
	v16 =	vor.u32 v5, v35;
	v55 =	vld.idx.msk [tilespmem:v17+s25+$0x0], $0xffff  }
0x290: {  	v52 =	vor.u32 v6, v35;
	v42 =	vld.idx.msk [tilespmem:v33+s12+$0x0], $0xffff  }
0x291: {  	v53 =	vor.u32 v7, v35;
	v24 =	vmul.f32 v24, v30;
	v33 =	vld.idx.msk [tilespmem:v43+s25+$0x0], $0xffff;
	v20 =	vadd.f32 v20, v19  }
0x292: {  	v35 =	vor.u32 v7, v54;
	v21 =	vadd.f32 v21, v29;
	v19 =	vld [tilespmem:$0x1FE90]  }
0x293: {  	v17 =	vor.u32 v5, v54;
	v23 =	vadd.f32 v23, v32;
	v24 =	vadd.f32 v24, v20;
	v20 =	vld [tilespmem:$0x1FEA0]  }
0x294: {  	v21 =	vmul.f32 v21, v22;
	v31 =	vld.idx.msk [tilespmem:v16+s24+$0x0], $0xffff  }
0x295: {  	v23 =	vmul.f32 v23, v51;
	v37 =	vor.u32 s11, v18;
	v27 =	vld.idx.msk [tilespmem:v52+s25+$0x0], $0xffff  }
0x296: {  	v30 =	vld.idx.msk [tilespmem:v53+s12+$0x0], $0xffff;
	v18 =	vor.u32 v5, v37;
	v24 =	vadd.f32 v21, v24;
	v26 =	vadd.f32 v42, v55  }
0x297: {  	v35 =	vld.idx.msk [tilespmem:v35+s12+$0x0], $0xffff;
	v44 =	vor.u32 v6, v37;
	v37 =	vor.u32 v7, v37  }
0x298: {  	v29 =	vld.idx.msk [tilespmem:v17+s24+$0x0], $0xffff;
	v38 =	vor.u32 s11, v19;
	v23 =	vadd.f32 v23, v24;
	v48 =	vmul.f32 v26, v28  }
0x299: {  	v21 =	vld [tilespmem:$0x1FFF0];
	v19 =	vor.u32 v5, v38  }
0x29a: {  	v22 =	vor.u32 v6, v38;
	v24 =	vadd.f32 v48, v23;
	v23 =	vld [tilespmem:$0x1FDD0]  }
0x29b: {  	v38 =	vor.u32 v7, v38;
	v45 =	vld.idx.msk [tilespmem:v18+s24+$0x0], $0xffff  }
0x29c: {  	v39 =	vor.u32 s11, v20;
	v34 =	vld.idx.msk [tilespmem:v44+s25+$0x0], $0xffff  }
0x29d: {  	v20 =	vor.u32 v5, v39;
	v46 =	vld.idx.msk [tilespmem:v37+s12+$0x0], $0xffff  }
0x29e: {  	v47 =	vor.u32 v6, v39;
	v36 =	vld.idx.msk [tilespmem:v19+s24+$0x0], $0xffff  }
0x29f: {  	v39 =	vor.u32 v7, v39;
	v40 =	vor.u32 s11, v21;
	v41 =	vld.idx.msk [tilespmem:v22+s25+$0x0], $0xffff  }
0x2a0: {  	v27 =	vadd.f32 v30, v27;
	v21 =	vor.u32 v5, v40;
	v49 =	vld.idx.msk [tilespmem:v38+s12+$0x0], $0xffff  }
0x2a1: {  	v28 =	vor.u32 v6, v40;
	v22 =	vld [tilespmem:$0x1FDC0]  }
0x2a2: {  	v50 =	vor.u32 v7, v40;
	v27 =	vmul.f32 v27, v31;
	v30 =	vld.idx.msk [tilespmem:v20+s24+$0x0], $0xffff  }
0x2a3: {  	v43 =	vor.u32 s11, v0;
	v33 =	vadd.f32 v35, v33;
	v37 =	vld.idx.msk [tilespmem:v47+s25+$0x0], $0xffff  }
0x2a4: {  	v27 =	vadd.f32 v27, v24;
	v24 =	vor.u32 v5, v43;
	v31 =	vld.idx.msk [tilespmem:v39+s12+$0x0], $0xffff;
	v42 =	vor.u32 s11, v23  }
0x2a5: {  	v23 =	vor.u32 v5, v42;
	v35 =	vld.idx.msk [tilespmem:v21+s24+$0x0], $0xffff  }
0x2a6: {  	v54 =	vor.u32 v6, v43;
	v29 =	vmul.f32 v33, v29;
	v53 =	vor.u32 v6, v42;
	v28 =	vld.idx.msk [tilespmem:v28+s25+$0x0], $0xffff  }
0x2a7: {  	v43 =	vor.u32 v7, v43;
	v25 =	vadd.f32 v46, v34;
	v42 =	vor.u32 v7, v42;
	v33 =	vld.idx.msk [tilespmem:v50+s12+$0x0], $0xffff  }
0x2a8: {  	v27 =	vadd.f32 v29, v27;
	v51 =	vor.u32 s11, v22;
	v26 =	vadd.f32 v49, v41;
	v49 =	vld [tilespmem:$0x1FEB0]  }
0x2a9: {  	v29 =	vmul.f32 v25, v45;
	v22 =	vor.u32 v5, v51;
	v31 =	vadd.f32 v31, v37;
	v37 =	vld.idx.msk [tilespmem:v24+s24+$0x0], $0xffff  }
0x2aa: {  	v52 =	vor.u32 v6, v51;
	v55 =	vld.idx.msk [tilespmem:v23+s24+$0x0], $0xffff  }
0x2ab: {  	v40 =	vor.u32 v7, v51;
	v27 =	vadd.f32 v29, v27;
	v29 =	vmul.f32 v26, v36;
	v38 =	vld.idx.msk [tilespmem:v53+s25+$0x0], $0xffff  }
0x2ac: {  	v46 =	vor.u32 s11, v59;
	v50 =	vld.idx.msk [tilespmem:v42+s12+$0x0], $0xffff  }
0x2ad: {  	v29 =	vadd.f32 v29, v27;
	v30 =	vmul.f32 v31, v30;
	v31 =	vld.idx.msk [tilespmem:v43+s12+$0x0], $0xffff;
	v27 =	vor.u32 v5, v46  }
0x2ae: {  	v53 =	vor.u32 v6, v46;
	v46 =	vor.u32 v7, v46;
	v44 =	vor.u32 s11, v49;
	v34 =	vld.idx.msk [tilespmem:v22+s24+$0x0], $0xffff  }
0x2af: {  	v39 =	vld.idx.msk [tilespmem:v52+s25+$0x0], $0xffff;
	v25 =	vor.u32 v5, v44  }
0x2b0: {  	v48 =	vld.idx.msk [tilespmem:v40+s12+$0x0], $0xffff;
	v51 =	vor.u32 v6, v44  }
0x2b1: {  	v45 =	vor.u32 s11, v58;
	v44 =	vor.u32 v7, v44;
	v40 =	vld.idx.msk [tilespmem:v54+s25+$0x0], $0xffff;
	v36 =	vadd.f32 v50, v38  }
0x2b2: {  	v26 =	vor.u32 v5, v45;
	v38 =	vld.idx.msk [tilespmem:v27+s24+$0x0], $0xffff  }
0x2b3: {  	v28 =	vadd.f32 v33, v28;
	v52 =	vor.u32 v6, v45;
	v36 =	vmul.f32 v36, v55;
	v55 =	vld.idx.msk [tilespmem:v46+s12+$0x0], $0xffff  }
0x2b4: {  	v47 =	vor.u32 s11, v62;
	v33 =	vld.idx.msk [tilespmem:v25+s24+$0x0], $0xffff  }
0x2b5: {  	v29 =	vadd.f32 v30, v29;
	v30 =	vmul.f32 v28, v35;
	v28 =	vor.u32 v5, v47;
	v42 =	vld.idx.msk [tilespmem:v51+s25+$0x0], $0xffff  }
0x2b6: {  	v45 =	vor.u32 v7, v45;
	v35 =	vld.idx.msk [tilespmem:v44+s12+$0x0], $0xffff  }
0x2b7: {  	v54 =	vor.u32 v6, v47;
	v32 =	vadd.f32 v48, v39;
	v39 =	vld.idx.msk [tilespmem:v26+s24+$0x0], $0xffff  }
0x2b8: {  	v47 =	vor.u32 v7, v47;
	v43 =	vld.idx.msk [tilespmem:v52+s25+$0x0], $0xffff;
	v48 =	vor.u32 s11, v3  }
0x2b9: {  	v30 =	vadd.f32 v30, v29;
	v44 =	vld.idx.msk [tilespmem:v53+s25+$0x0], $0xffff;
	v29 =	vor.u32 v5, v48  }
0x2ba: {  	v31 =	vadd.f32 v31, v40;
	v40 =	vld.idx.msk [tilespmem:v28+s24+$0x0], $0xffff;
	v52 =	vor.u32 v6, v48  }
0x2bb: {  	v49 =	vor.u32 s11, v60;
	v48 =	vor.u32 v7, v48;
	v32 =	vmul.f32 v32, v34;
	v34 =	vld.idx.msk [tilespmem:v45+s12+$0x0], $0xffff  }
0x2bc: {  	v50 =	vor.u32 s11, v61;
	v45 =	vld.idx.msk [tilespmem:v54+s25+$0x0], $0xffff;
	v54 =	vor.u32 v6, v49  }
0x2bd: {  	v53 =	vmul.f32 v31, v37;
	v37 =	vld.idx.msk [tilespmem:v47+s12+$0x0], $0xffff;
	v31 =	vor.u32 v5, v50;
	v32 =	vadd.f32 v32, v30  }
0x2be: {  	v30 =	vor.u32 v5, v49;
	v49 =	vor.u32 v7, v49;
	v35 =	vadd.f32 v35, v42;
	v42 =	vld.idx.msk [tilespmem:v29+s24+$0x0], $0xffff  }
0x2bf: {  	v32 =	vadd.f32 v36, v32;
	v46 =	vld.idx.msk [tilespmem:v52+s25+$0x0], $0xffff  }
0x2c0: {  	v33 =	vmul.f32 v35, v33;
	v35 =	vld.idx.msk [tilespmem:v48+s12+$0x0], $0xffff;
	v48 =	vor.u32 v6, v50;
	v50 =	vor.u32 v7, v50  }
0x2c1: {  	v51 =	vor.u32 s11, v63;
	v41 =	vadd.f32 v55, v44;
	v34 =	vadd.f32 v34, v43;
	v47 =	vld.idx.msk [tilespmem:v54+s25+$0x0], $0xffff  }
0x2c2: {  	v52 =	vor.u32 s11, v2;
	v44 =	vld.idx.msk [tilespmem:v31+s24+$0x0], $0xffff;
	v36 =	vadd.f32 v53, v32;
	v32 =	vor.u32 v5, v51  }
0x2c3: {  	v37 =	vadd.f32 v37, v45;
	v34 =	vmul.f32 v34, v39;
	v39 =	vld.idx.msk [tilespmem:v49+s12+$0x0], $0xffff;
	v49 =	vor.u32 v6, v51  }
0x2c4: {  	v38 =	vmul.f32 v41, v38;
	v43 =	vld.idx.msk [tilespmem:v30+s24+$0x0], $0xffff;
	v51 =	vor.u32 v7, v51;
	v36 =	vadd.f32 v33, v36  }
0x2c5: {  	v53 =	vor.u32 s11, v4;
	v37 =	vmul.f32 v37, v40;
	v41 =	vld.idx.msk [tilespmem:v50+s12+$0x0], $0xffff;
	v50 =	vor.u32 v6, v52  }
0x2c6: {  	v33 =	vor.u32 v5, v52;
	v48 =	vld.idx.msk [tilespmem:v48+s25+$0x0], $0xffff;
	v36 =	vadd.f32 v34, v36;
	v52 =	vor.u32 v7, v52  }
0x2c7: {  	v40 =	vor.u32 v6, v53;
	v34 =	vor.u32 v5, v53;
	v53 =	vor.u32 v7, v53;
	v45 =	vld.idx.msk [tilespmem:v32+s24+$0x0], $0xffff  }
0x2c8: {  	v46 =	vadd.f32 v35, v46;
	v49 =	vld.idx.msk [tilespmem:v49+s25+$0x0], $0xffff;
	v36 =	vadd.f32 v38, v36  }
0x2c9: {  	v55 =	vor.u32 s11, v57;
	v38 =	vld.idx.msk [tilespmem:v51+s12+$0x0], $0xffff  }
0x2ca: {  	v42 =	vmul.f32 v46, v42;
	v39 =	vadd.f32 v39, v47;
	v37 =	vadd.f32 v37, v36;
	v50 =	vld.idx.msk [tilespmem:v50+s25+$0x0], $0xffff  }
0x2cb: {  	v36 =	vor.u32 v5, v55;
	v46 =	vld.idx.msk [tilespmem:v52+s12+$0x0], $0xffff  }
0x2cc: {  	v39 =	vmul.f32 v39, v43;
	v43 =	vor.u32 v6, v55;
	v37 =	vadd.f32 v42, v37;
	v42 =	vld.idx.msk [tilespmem:v53+s12+$0x0], $0xffff  }
0x2cd: {  	v41 =	vadd.f32 v41, v48;
	v53 =	vor.u32 v7, v55;
	v55 =	vor.u32 s11, v56;
	v56 =	vld [tilespmem:$0x1FCC0];
	_ =	sdelay $0x1  }
0x2ce: {  	v54 =	vor.u32 s11, v1;
	v41 =	vmul.f32 v41, v44;
	v39 =	vadd.f32 v39, v37  }
0x2cf: {  	v35 =	vor.u32 v5, v54;
	v38 =	vadd.f32 v38, v49  }
0x2d0: {  	v40 =	vld.idx.msk [tilespmem:v40+s25+$0x0], $0xffff;
	v52 =	vor.u32 v6, v54;
	v54 =	vor.u32 v7, v54;
	v39 =	vadd.f32 v41, v39  }
0x2d1: {  	v41 =	vmul.f32 v38, v45;
	v45 =	vadd.f32 v46, v50;
	v56 =	vor.u32 s11, v56;
	v46 =	vld.idx.msk [tilespmem:v53+s12+$0x0], $0xffff  }
0x2d2: {  	v38 =	vor.u32 v5, v56;
	v50 =	vor.u32 v6, v56;
	v53 =	vor.u32 v7, v56;
	v56 =	vld [tilespmem:$0x1FCD0]  }
0x2d3: {  	v51 =	vld.idx.msk [tilespmem:v33+s24+$0x0], $0xffff;
	v49 =	vor.u32 v6, v55  }
0x2d4: {  	v47 =	vld.idx.msk [tilespmem:v34+s24+$0x0], $0xffff  }
0x2d5: {  	v43 =	vld.idx.msk [tilespmem:v43+s25+$0x0], $0xffff  }
0x2d6: {  	v37 =	vor.u32 v5, v55;
	v55 =	vor.u32 v7, v55;
	v52 =	vld.idx.msk [tilespmem:v52+s25+$0x0], $0xffff  }
0x2d7: {  	v44 =	vld.idx.msk [tilespmem:v54+s12+$0x0], $0xffff;
	v56 =	vor.u32 s11, v56  }
0x2d8: {  	v40 =	vadd.f32 v42, v40;
	v42 =	vld.idx.msk [tilespmem:v49+s25+$0x0], $0xffff;
	v49 =	vor.u32 v6, v56  }
0x2d9: {  	v48 =	vld.idx.msk [tilespmem:v35+s24+$0x0], $0xffff  }
0x2da: {  	v54 =	vld.idx.msk [tilespmem:v36+s24+$0x0], $0xffff  }
0x2db: {  	v45 =	vmul.f32 v45, v51;
	v51 =	vld.idx.msk [tilespmem:v55+s12+$0x0], $0xffff  }
0x2dc: {  	v39 =	vadd.f32 v41, v39;
	v44 =	vadd.f32 v44, v52;
	v52 =	vld [tilespmem:$0x1FCE0]  }
0x2dd: {  	v43 =	vadd.f32 v46, v43;
	v46 =	vld.idx.msk [tilespmem:v49+s25+$0x0], $0xffff  }
0x2de: {  	v40 =	vmul.f32 v40, v47;
	v45 =	vadd.f32 v45, v39;
	v55 =	vor.u32 v7, v56;
	v49 =	vld [tilespmem:$0x1FC40]  }
0x2df: {  	v50 =	vld.idx.msk [tilespmem:v50+s25+$0x0], $0xffff  }
0x2e0: {  	v40 =	vadd.f32 v40, v45;
	v45 =	vld.idx.msk [tilespmem:v53+s12+$0x0], $0xffff;
	v39 =	vor.u32 v5, v56  }
0x2e1: {  	v41 =	vld.idx.msk [tilespmem:v37+s24+$0x0], $0xffff;
	v44 =	vmul.f32 v44, v48  }
0x2e2: {  	v47 =	vld.idx.msk [tilespmem:v38+s24+$0x0], $0xffff  }
0x2e3: {  	v44 =	vadd.f32 v44, v40;
	v55 =	vld.idx.msk [tilespmem:v55+s12+$0x0], $0xffff;
	v40 =	vor.u32 s11, v49  }
0x2e4: {  	v43 =	vmul.f32 v43, v54;
	v42 =	vadd.f32 v51, v42;
	v49 =	vor.u32 v52, v40  }
0x2e5: {  	v53 =	vadd.f32 v45, v50;
	v51 =	vld.idx.msk [tilespmem:v39+s24+$0x0], $0xffff  }
0x2e6: {  	v41 =	vmul.f32 v42, v41;
	v43 =	vadd.f32 v43, v44  }
0x2e7: {  	v42 =	vmul.f32 v53, v47;
	v47 =	vld [tilespmem:$0x1FCF0]  }
0x2e8: {  	v41 =	vadd.f32 v41, v43;
	v54 =	vadd.f32 v55, v46  }
0x2e9: {  	v55 =	vld.idx.msk [tilespmem:v49+s25+$0x0], $0xffff  }
0x2ea: {  	v41 =	vadd.f32 v42, v41;
	v46 =	vmul.f32 v54, v51;
	_ =	sdelay $0x1  }
0x2eb: {  	v42 =	vor.u32 v47, v40;
	v41 =	vadd.f32 v46, v41;
	_ =	sdelay $0x1  }
0x2ec: {  	v48 =	vmul.f32 v41, v55  }
0x2ed: {  	v49 =	vld [tilespmem:$0x1FED0]  }
0x2ee: {  	[tilespmem:v8+s30+$0x0] =	vst.idx.msk $0xffff, v48  }
0x2ef: {  	v8 =	vld.idx.msk [tilespmem:v42+s25+$0x0], $0xffff;
	_ =	sdelay $0x2  }
0x2f0: {  	v50 =	vor.u32 v49, v40;
	_ =	sdelay $0x1  }
0x2f1: {  	v8 =	vmul.f32 v8, v41  }
0x2f2: {  	v51 =	vld [tilespmem:$0x1FEE0]  }
0x2f3: {  	[tilespmem:v9+s30+$0x0] =	vst.idx.msk $0xffff, v8  }
0x2f4: {  	v8 =	vld.idx.msk [tilespmem:v50+s25+$0x0], $0xffff;
	_ =	sdelay $0x2  }
0x2f5: {  	v52 =	vor.u32 v51, v40;
	_ =	sdelay $0x1  }
0x2f6: {  	v8 =	vmul.f32 v8, v41  }
0x2f7: {  	v53 =	vld [tilespmem:$0x1FEF0]  }
0x2f8: {  	[tilespmem:v10+s30+$0x0] =	vst.idx.msk $0xffff, v8  }
0x2f9: {  	v8 =	vld.idx.msk [tilespmem:v52+s25+$0x0], $0xffff;
	_ =	sdelay $0x2  }
0x2fa: {  	v54 =	vor.u32 v53, v40;
	_ =	sdelay $0x1  }
0x2fb: {  	v8 =	vmul.f32 v8, v41  }
0x2fc: {  	v55 =	vld [tilespmem:$0x1FF00]  }
0x2fd: {  	[tilespmem:v11+s30+$0x0] =	vst.idx.msk $0xffff, v8  }
0x2fe: {  	v8 =	vld.idx.msk [tilespmem:v54+s25+$0x0], $0xffff;
	_ =	sdelay $0x2  }
0x2ff: {  	v42 =	vor.u32 v55, v40;
	_ =	sdelay $0x1  }
0x300: {  	v8 =	vmul.f32 v8, v41  }
0x301: {  	v43 =	vld [tilespmem:$0x1FF10]  }
0x302: {  	[tilespmem:v12+s30+$0x0] =	vst.idx.msk $0xffff, v8  }
0x303: {  	v8 =	vld.idx.msk [tilespmem:v42+s25+$0x0], $0xffff;
	_ =	sdelay $0x2  }
0x304: {  	v44 =	vor.u32 v43, v40;
	_ =	sdelay $0x1  }
0x305: {  	v8 =	vmul.f32 v8, v41  }
0x306: {  	v45 =	vld [tilespmem:$0x1FF20]  }
0x307: {  	[tilespmem:v13+s30+$0x0] =	vst.idx.msk $0xffff, v8  }
0x308: {  	v8 =	vld.idx.msk [tilespmem:v44+s25+$0x0], $0xffff;
	_ =	sdelay $0x2  }
0x309: {  	v46 =	vor.u32 v45, v40;
	_ =	sdelay $0x1  }
0x30a: {  	v8 =	vmul.f32 v8, v41  }
0x30b: {  	v47 =	vld [tilespmem:$0x1FF30]  }
0x30c: {  	[tilespmem:v14+s30+$0x0] =	vst.idx.msk $0xffff, v8  }
0x30d: {  	v8 =	vld.idx.msk [tilespmem:v46+s25+$0x0], $0xffff;
	_ =	sdelay $0x2  }
0x30e: {  	v48 =	vor.u32 v47, v40;
	_ =	sdelay $0x1  }
0x30f: {  	v8 =	vmul.f32 v8, v41;
	_ =	sdelay $0x1  }
0x310: {  	v49 =	vld [tilespmem:$0x1FF40];
	[tilespmem:v15+s30+$0x0] =	vst.idx.msk $0xffff, v8  }
0x311: {  	v8 =	vld.idx.msk [tilespmem:v48+s25+$0x0], $0xffff;
	_ =	sdelay $0x3  }
0x312: {  	v50 =	vor.u32 v49, v40  }
0x313: {  	v8 =	vmul.f32 v8, v41;
	_ =	sdelay $0x1  }
0x314: {  	[tilespmem:v16+s30+$0x0] =	vst.idx.msk $0xffff, v8;
	v16 =	vld [tilespmem:$0x1FF50];
	_ =	sdelay $0x1  }
0x315: {  	v8 =	vld.idx.msk [tilespmem:v50+s25+$0x0], $0xffff;
	_ =	sdelay $0x2  }
0x316: {  	v51 =	vor.u32 v16, v40;
	_ =	sdelay $0x1  }
0x317: {  	v8 =	vmul.f32 v8, v41;
	_ =	sdelay $0x1  }
0x318: {  	[tilespmem:v17+s30+$0x0] =	vst.idx.msk $0xffff, v8;
	v17 =	vld [tilespmem:$0x1FF60]  }
0x319: {  	v8 =	vld.idx.msk [tilespmem:v51+s25+$0x0], $0xffff;
	_ =	sdelay $0x3  }
0x31a: {  	v52 =	vor.u32 v17, v40  }
0x31b: {  	v8 =	vmul.f32 v8, v41;
	_ =	sdelay $0x1  }
0x31c: {  	[tilespmem:v18+s30+$0x0] =	vst.idx.msk $0xffff, v8;
	v18 =	vld [tilespmem:$0x1FF70];
	_ =	sdelay $0x1  }
0x31d: {  	v8 =	vld.idx.msk [tilespmem:v52+s25+$0x0], $0xffff;
	_ =	sdelay $0x2  }
0x31e: {  	v53 =	vor.u32 v18, v40;
	_ =	sdelay $0x1  }
0x31f: {  	v8 =	vmul.f32 v8, v41  }
0x320: {  	v54 =	vld [tilespmem:$0x1FD00]  }
0x321: {  	[tilespmem:v19+s30+$0x0] =	vst.idx.msk $0xffff, v8  }
0x322: {  	v8 =	vld.idx.msk [tilespmem:v53+s25+$0x0], $0xffff;
	_ =	sdelay $0x2  }
0x323: {  	v9 =	vor.u32 v54, v40;
	_ =	sdelay $0x1  }
0x324: {  	v8 =	vmul.f32 v8, v41  }
0x325: {  	v55 =	vld [tilespmem:$0x1FD10]  }
0x326: {  	[tilespmem:v20+s30+$0x0] =	vst.idx.msk $0xffff, v8  }
0x327: {  	v8 =	vld.idx.msk [tilespmem:v9+s25+$0x0], $0xffff;
	_ =	sdelay $0x2  }
0x328: {  	v9 =	vor.u32 v55, v40;
	_ =	sdelay $0x1  }
0x329: {  	v8 =	vmul.f32 v8, v41  }
0x32a: {  	v12 =	vld [tilespmem:$0x1FD20]  }
0x32b: {  	[tilespmem:v21+s30+$0x0] =	vst.idx.msk $0xffff, v8  }
0x32c: {  	v8 =	vld.idx.msk [tilespmem:v9+s25+$0x0], $0xffff;
	_ =	sdelay $0x2  }
0x32d: {  	v9 =	vor.u32 v12, v40;
	_ =	sdelay $0x1  }
0x32e: {  	v8 =	vmul.f32 v8, v41  }
0x32f: {  	v13 =	vld [tilespmem:$0x1FD30]  }
0x330: {  	[tilespmem:v22+s30+$0x0] =	vst.idx.msk $0xffff, v8  }
0x331: {  	v8 =	vld.idx.msk [tilespmem:v9+s25+$0x0], $0xffff;
	_ =	sdelay $0x2  }
0x332: {  	v9 =	vor.u32 v13, v40;
	_ =	sdelay $0x1  }
0x333: {  	v8 =	vmul.f32 v8, v41  }
0x334: {  	v14 =	vld [tilespmem:$0x1FD40]  }
0x335: {  	[tilespmem:v23+s30+$0x0] =	vst.idx.msk $0xffff, v8  }
0x336: {  	v8 =	vld.idx.msk [tilespmem:v9+s25+$0x0], $0xffff;
	_ =	sdelay $0x2  }
0x337: {  	v9 =	vor.u32 v14, v40;
	_ =	sdelay $0x1  }
0x338: {  	v8 =	vmul.f32 v8, v41  }
0x339: {  	v15 =	vld [tilespmem:$0x1FD50]  }
0x33a: {  	[tilespmem:v24+s30+$0x0] =	vst.idx.msk $0xffff, v8  }
0x33b: {  	v8 =	vld.idx.msk [tilespmem:v9+s25+$0x0], $0xffff;
	_ =	sdelay $0x2  }
0x33c: {  	v9 =	vor.u32 v15, v40;
	_ =	sdelay $0x1  }
0x33d: {  	v8 =	vmul.f32 v8, v41  }
0x33e: {  	v24 =	vld [tilespmem:$0x1FD60]  }
0x33f: {  	[tilespmem:v25+s30+$0x0] =	vst.idx.msk $0xffff, v8  }
0x340: {  	v8 =	vld.idx.msk [tilespmem:v9+s25+$0x0], $0xffff;
	_ =	sdelay $0x2  }
0x341: {  	v9 =	vor.u32 v24, v40;
	_ =	sdelay $0x1  }
0x342: {  	v8 =	vmul.f32 v8, v41  }
0x343: {  	v25 =	vld [tilespmem:$0x1FD70]  }
0x344: {  	[tilespmem:v26+s30+$0x0] =	vst.idx.msk $0xffff, v8  }
0x345: {  	v8 =	vld.idx.msk [tilespmem:v9+s25+$0x0], $0xffff;
	_ =	sdelay $0x2  }
0x346: {  	v9 =	vor.u32 v25, v40;
	_ =	sdelay $0x1  }
0x347: {  	v8 =	vmul.f32 v8, v41  }
0x348: {  	v26 =	vld [tilespmem:$0x1FD80]  }
0x349: {  	[tilespmem:v27+s30+$0x0] =	vst.idx.msk $0xffff, v8  }
0x34a: {  	v8 =	vld.idx.msk [tilespmem:v9+s25+$0x0], $0xffff;
	_ =	sdelay $0x2  }
0x34b: {  	v9 =	vor.u32 v26, v40;
	_ =	sdelay $0x1  }
0x34c: {  	v8 =	vmul.f32 v8, v41  }
0x34d: {  	v27 =	vld [tilespmem:$0x1FD90]  }
0x34e: {  	[tilespmem:v28+s30+$0x0] =	vst.idx.msk $0xffff, v8  }
0x34f: {  	v8 =	vld.idx.msk [tilespmem:v9+s25+$0x0], $0xffff;
	_ =	sdelay $0x2  }
0x350: {  	v9 =	vor.u32 v27, v40;
	_ =	sdelay $0x1  }
0x351: {  	v8 =	vmul.f32 v8, v41;
	_ =	sdelay $0x1  }
0x352: {  	[tilespmem:v29+s30+$0x0] =	vst.idx.msk $0xffff, v8;
	v29 =	vld [tilespmem:$0x1FF80]  }
0x353: {  	v8 =	vld.idx.msk [tilespmem:v9+s25+$0x0], $0xffff;
	_ =	sdelay $0x3  }
0x354: {  	v42 =	vor.u32 v29, v40  }
0x355: {  	v8 =	vmul.f32 v8, v41;
	_ =	sdelay $0x1  }
0x356: {  	[tilespmem:v30+s30+$0x0] =	vst.idx.msk $0xffff, v8;
	v30 =	vld [tilespmem:$0x1FF90];
	_ =	sdelay $0x1  }
0x357: {  	v8 =	vld.idx.msk [tilespmem:v42+s25+$0x0], $0xffff;
	_ =	sdelay $0x2  }
0x358: {  	v43 =	vor.u32 v30, v40;
	_ =	sdelay $0x1  }
0x359: {  	v8 =	vmul.f32 v8, v41  }
0x35a: {  	v44 =	vld [tilespmem:$0x1FDA0]  }
0x35b: {  	[tilespmem:v31+s30+$0x0] =	vst.idx.msk $0xffff, v8  }
0x35c: {  	v8 =	vld.idx.msk [tilespmem:v43+s25+$0x0], $0xffff;
	_ =	sdelay $0x2  }
0x35d: {  	v9 =	vor.u32 v44, v40;
	_ =	sdelay $0x1  }
0x35e: {  	v8 =	vmul.f32 v8, v41  }
0x35f: {  	v45 =	vld [tilespmem:$0x1FFA0]  }
0x360: {  	[tilespmem:v32+s30+$0x0] =	vst.idx.msk $0xffff, v8  }
0x361: {  	v8 =	vld.idx.msk [tilespmem:v9+s25+$0x0], $0xffff;
	_ =	sdelay $0x2  }
0x362: {  	v46 =	vor.u32 v45, v40;
	_ =	sdelay $0x1  }
0x363: {  	v8 =	vmul.f32 v8, v41  }
0x364: {  	v47 =	vld [tilespmem:$0x1FFB0]  }
0x365: {  	[tilespmem:v33+s30+$0x0] =	vst.idx.msk $0xffff, v8  }
0x366: {  	v8 =	vld.idx.msk [tilespmem:v46+s25+$0x0], $0xffff;
	_ =	sdelay $0x2  }
0x367: {  	v48 =	vor.u32 v47, v40;
	_ =	sdelay $0x1  }
0x368: {  	v8 =	vmul.f32 v8, v41  }
0x369: {  	v49 =	vld [tilespmem:$0x1FFC0]  }
0x36a: {  	[tilespmem:v34+s30+$0x0] =	vst.idx.msk $0xffff, v8  }
0x36b: {  	v8 =	vld.idx.msk [tilespmem:v48+s25+$0x0], $0xffff;
	_ =	sdelay $0x2  }
0x36c: {  	v50 =	vor.u32 v49, v40;
	_ =	sdelay $0x1  }
0x36d: {  	v8 =	vmul.f32 v8, v41  }
0x36e: {  	v51 =	vld [tilespmem:$0x1FFD0]  }
0x36f: {  	[tilespmem:v35+s30+$0x0] =	vst.idx.msk $0xffff, v8  }
0x370: {  	v8 =	vld.idx.msk [tilespmem:v50+s25+$0x0], $0xffff;
	_ =	sdelay $0x2  }
0x371: {  	v52 =	vor.u32 v51, v40;
	_ =	sdelay $0x1  }
0x372: {  	v8 =	vmul.f32 v8, v41  }
0x373: {  	v53 =	vld [tilespmem:$0x1FDB0]  }
0x374: {  	[tilespmem:v36+s30+$0x0] =	vst.idx.msk $0xffff, v8  }
0x375: {  	v8 =	vld.idx.msk [tilespmem:v52+s25+$0x0], $0xffff;
	_ =	sdelay $0x2  }
0x376: {  	v9 =	vor.u32 v53, v40;
	_ =	sdelay $0x1  }
0x377: {  	v8 =	vmul.f32 v8, v41  }
0x378: {  	v54 =	vld [tilespmem:$0x1FFE0]  }
0x379: {  	[tilespmem:v37+s30+$0x0] =	vst.idx.msk $0xffff, v8  }
0x37a: {  	v8 =	vld.idx.msk [tilespmem:v9+s25+$0x0], $0xffff;
	_ =	sdelay $0x2  }
0x37b: {  	v55 =	vor.u32 v54, v40;
	_ =	sdelay $0x1  }
0x37c: {  	v8 =	vmul.f32 v8, v41;
	_ =	sdelay $0x1  }
0x37d: {  	[tilespmem:v38+s30+$0x0] =	vst.idx.msk $0xffff, v8  }
0x37e: {  	v8 =	vld.idx.msk [tilespmem:v55+s25+$0x0], $0xffff;
	_ =	sdelay $0x1  }
0x37f: {  	p1 =	sne.s32 s11, $0x60;
	v56 =	vld [tilespmem:$0x1FEC0]  }
.Ltmp2:
0x380: {  	v20 =	vld [tilespmem:$0x1FDF0];
	(pc) =	sbr.rel @p1 .LBB2_9-.Ltmp2, $4  }
0x381: {  	v21 =	vld [tilespmem:$0x1FE00]  }
0x382: {  	v22 =	vld [tilespmem:$0x1FE10];
	v8 =	vmul.f32 v8, v41  }
0x383: {  	v31 =	vld [tilespmem:$0x1FE20]  }
0x384: {  	s11 =	sadd.s32 $0x20, s11;
	v19 =	vlaneseq.u32;
	v36 =	vld [tilespmem:$0x1FE30];
	[tilespmem:v39+s30+$0x0] =	vst.idx.msk $0xffff, v8  }
.Ltmp3:
0x385: {  	(pc) =	sbr.rel @p0 .LBB2_8-.Ltmp3, $2  }
0x386: {  	_ =	sdelay $0x2  }
0x387: {  	s11 =	simm.s32 $0x10;
	p1 =	por $0x0, $0x0  }
0x388: {  	s6 =	sadd.s32 $0x1, s6  }
0x389: {  	p0 =	sne.s32 s6, $0x8  }
.Ltmp4:
0x38a: {  	_ = 	snop;
	(pc) =	sbr.rel @p0 .LBB2_3-.Ltmp4, $4  }
0x38b: {  	_ = 	snop  }
0x38c: {  	v52 =	vmov v2  }
0x38d: {  	v53 =	vmovc v4;
	v55 =	vmovc v57;
	v54 =	vmov v1;
	v50 =	vmov v61;
	v45 =	vmov v58;
	s10 =	sadd.s32 $0x9080, s10  }
0x38e: {  	v47 =	vmovc v62;
	v48 =	vmovc v3;
	v46 =	vmov v59;
	v49 =	vmov v60;
	v51 =	vmov v63;
	[spmem:s0] =	stream.indirect.scatter.add.f32 [tilespmem:s30], [sflag:$0x3], $0x80, s10, s17, $0xb8;
	[tilespmem:$0x1DC00] =	vst v63  }
0x38f: {  	s5 =	sadd.s32 $0x1, s5  }
0x390: {  	p0 =	sne.s32 s5, $0x14  }
.Ltmp5:
0x391: {  	_ = 	snop;
	(pc) =	sbr.rel @p0 .LBB2_2-.Ltmp5, $1  }
0x392: {  	_ =	sdelay $0x3  }
0x393: {  	_ =	swait.ge [sflag:s2], $0x1000  }
0x394: {  	[sflag:s2] =	ssyncset.done $0x0  }
0x395: {  	[sflag:s2] =	ssyncadd.s32 $0xFFFFF000  }
0x396: {  	[bflag:$0x0] =	sbarrier.arrive $0xFFFF  }
0x397: {  	s5 =	rddreg [dreg:$0x6]  }
0x398: {  	s6 =	rddreg [dreg:$0x8]  }
0x399: {  	s10 =	rddreg [dreg:$0x9]  }
0x39a: {  	[hbm:s5], [sflag:s6] =	dma.local [spmem:s10], $0x2780  }
0x39b: {  	_ =	swait.ge [sflag:s13], $0x2780  }
0x39c: {  	s1 =	sadd.s32 $0x1, s1;
	s15 =	rddreg [dreg:$0x7]  }
0x39d: {  	p0 =	sne.s32 s1, s15  }
.Ltmp6:
0x39e: {  	_ = 	snop;
	(pc) =	sbr.rel @p0 .LBB2_1-.Ltmp6, $3  }
0x39f: {  	_ =	sdelay $0x1  }
0x3a0: {  	[sflag:s13] =	ssyncset.done $0x0  }
0x3a1: {  	[sflag:s13] =	ssyncadd.s32 $0xFFFFD880  }
0x3a2: {  	_ =	sfence.sel $0x180000  }
0x3a3: {  	[bflag:$0x0] =	sbarrier.arrive $0xFFFF  }
0x3a4: {  	_ =	strace $0x90000047  }
0x3a5: {  	s0 =	stileid.u32;
	[bflag:$0x2] =	sbarrier.arrive $0xFFFF  }
0x3a6: {  	p0 =	sne.s32 s0, $0x0;
	s0 =	rddreg [dreg:$0x3]  }
0x3a7: {  	s0 =	sadd.s32 @!p0 $0x100000, s0  }
0x3a8: {  	[sflag:s0] =	ssyncadd.tile.s32 @!p0 $0x1;
	_ =	shalt  }
.Lfunc_end2:
_tile_overlayer_lowered:
.L_overlay_start_2:
0x3a9: {  	(tag) =	ssettag $0x2  }
0x3aa: {  	s0 =	rddreg [dreg:$0x0];
	s2 =	stileid.u32  }
0x3ab: {  	s1 =	rddreg [dreg:$0x1];
	p0 =	sne.s32 s2, $0x0  }
0x3ac: {  	s3 =	rddreg [dreg:$0x2];
	[bflag:$0x3] =	sbarrier.arrive $0xFFFF;
	s2 =	simm.s32 @!p0 $0x1C04  }
0x3ad: {  	[timem:s3], [sflag:s2] =	dma.local @!p0 [hbm:s0], s1  }
0x3ae: {  	s0 =	simm.s32 @!p0 $0x4  }
0x3af: {  	_ =	swait.ge @!p0 [sflag:s0], s1  }
0x3b0: {  	s1 =	ssub.s32 @!p0 $0x0, s1;
	[sflag:s0] =	ssyncset.done @!p0 $0x0  }
0x3b1: {  	[sflag:s0] =	ssyncadd.s32 @!p0 s1  }
0x3b2: {  	[bflag:$0x3] =	sbarrier.arrive $0xFFFF  }
0x3b3: {  	_ =	shalt  }

</sc_bundles>
